<compile_context>
chip_gen: v7x
topology: tpu7x:2x2x1
jax: 0.10.2.dev20260603
libtpu: 0.0.44.dev20260713+nightly
codegen_flags: <defaults>
</compile_context>

<pallas_src>
import dataclasses
import functools

import jax
import jax.numpy as jnp
from jax import lax
from jax.experimental import pallas as pl
from jax.experimental.pallas import tpu as pltpu
from jax.experimental.pallas import tpu_sc as plsc

D_MODEL = 128
D_HIDDEN = 128
HEADS = 8
N_NODES = 10000
N_TRG = 256
N_EDGES = 320000

NW = 32
EP = 331776
NE_REAL = N_EDGES + N_NODES
TPW = EP // NW
C1 = 96
C2 = 32
NP = 10240
ROWS_PT = NP // 16
SH_ROWS = 10112
SPT = SH_ROWS // 16
DH = HEADS * D_HIDDEN
DEXT = DH + 128

VOCAB_PAD = 50176
VBLK = 3584

_mesh = plsc.VectorSubcoreMesh(core_axis_name="c", subcore_axis_name="s")

_sc_params = pltpu.CompilerParams()
if "needs_layout_passes" in pltpu.CompilerParams.__dataclass_fields__:
    _sc_params = dataclasses.replace(_sc_params, needs_layout_passes=False)


_HI = jax.lax.Precision.HIGHEST


def _dot(a, b):
    return jnp.dot(a.astype(jnp.bfloat16), b.astype(jnp.bfloat16),
                   preferred_element_type=jnp.float32)


def _dot_hi(a, b):
    return jnp.dot(a, b, preferred_element_type=jnp.float32, precision=_HI)


def _gelu_exact(x):
    return 0.5 * x * (1.0 + jax.lax.erf(x * (2.0 ** -0.5)))



def _sc_gather(table, idx, D):
    B = idx.shape[0]
    b_per_w = B // NW

    @functools.partial(
        pl.kernel, mesh=_mesh,
        out_type=jax.ShapeDtypeStruct((B, D), jnp.float32),
        scratch_types=[
            pltpu.VMEM((b_per_w,), jnp.int32),
            pltpu.VMEM((b_per_w, D), jnp.float32),
            pltpu.SemaphoreType.DMA,
        ],
    )
    def k(table_hbm, idx_hbm, out_hbm, idx_v, rows_v, sem):
        wid = lax.axis_index("s") * 2 + lax.axis_index("c")
        base = wid * b_per_w
        pltpu.sync_copy(idx_hbm.at[pl.ds(base, b_per_w)], idx_v)
        pltpu.async_copy(table_hbm.at[idx_v], rows_v, sem).wait()
        pltpu.sync_copy(rows_v, out_hbm.at[pl.ds(base, b_per_w)])

    return k(table, idx)



def _sc_edge_logits(srcx, dstx, asrcp, adstp):

    @functools.partial(
        pl.kernel, mesh=_mesh,
        out_type=jax.ShapeDtypeStruct((2 * NP, 128), jnp.float32),
        scratch_types=[
            pltpu.VMEM((C1,), jnp.int32),
            pltpu.VMEM((C1,), jnp.int32),
            pltpu.VMEM((C1, 128), jnp.float32),
            pltpu.VMEM((C1, 128), jnp.float32),
            pltpu.VMEM((C1, 128), jnp.float32),
            pltpu.VMEM_SHARED((SH_ROWS, 128), jnp.float32),
            pltpu.SemaphoreType.DMA,
        ],
    )
    def k(src_hbm, dst_hbm, asrc_hbm, adst_hbm, spart_hbm,
          sidx, didx, asb, adb, exb, s_sh, sem):
        cid = lax.axis_index("c")
        sid = lax.axis_index("s")
        wid = sid * 2 + cid

        @pl.loop(0, C1)
        def _(i):
            for j in range(8):
                exb[i, pl.ds(j * 16, 16)] = jnp.zeros((16,), jnp.float32)

        @pl.loop(0, SPT // 8)
        def _(j):
            pltpu.sync_copy(exb.at[pl.ds(0, 8)],
                            s_sh.at[pl.ds(sid * SPT + j * 8, 8)])

        plsc.subcore_barrier()

        base = wid * TPW

        @pl.loop(0, TPW // C1)
        def _(c):
            off = base + c * C1
            pltpu.sync_copy(src_hbm.at[pl.ds(off, C1)], sidx)
            pltpu.sync_copy(dst_hbm.at[pl.ds(off, C1)], didx)
            pltpu.async_copy(asrc_hbm.at[sidx], asb, sem).wait()
            pltpu.async_copy(adst_hbm.at[didx], adb, sem).wait()

            @pl.loop(0, C1)
            def _(e):
                z = asb[e, pl.ds(0, 16)] + adb[e, pl.ds(0, 16)]
                z = jnp.maximum(z, 0.2 * z)
                ex = jnp.exp(z)
                lim = jnp.full((16,), NE_REAL - (off + e), jnp.int32)
                mask = jnp.clip(lim, 0, 1).astype(jnp.float32)
                exb[e, pl.ds(0, 16)] = ex * mask

            pltpu.sync_copy(exb, s_sh.at[didx], add=True)

        plsc.subcore_barrier()
        pltpu.sync_copy(
            s_sh.at[pl.ds(sid * SPT, SPT)],
            spart_hbm.at[pl.ds(cid * NP + sid * SPT, SPT)],
        )

    return k(srcx, dstx, asrcp, adstp)



def _sc_edge_aggregate(srcx, dstx, hext, dstpack):

    @functools.partial(
        pl.kernel, mesh=_mesh, compiler_params=_sc_params,
        out_type=jax.ShapeDtypeStruct((2 * NP, 128), jnp.float32),
        scratch_types=[
            pltpu.VMEM((C2,), jnp.int32),
            pltpu.VMEM((C2,), jnp.int32),
            pltpu.VMEM((C2, DEXT), jnp.float32),
            pltpu.VMEM((C2, 128), jnp.float32),
            pltpu.VMEM((C2, 128), jnp.float32),
            pltpu.VMEM((8, 128), jnp.float32),
            pltpu.VMEM((16,), jnp.float32),
            pltpu.VMEM_SHARED((SH_ROWS, 128), jnp.float32),
            pltpu.SemaphoreType.DMA,
        ],
    )
    def k(src_hbm, dst_hbm, hext_hbm, dpk_hbm, opart_hbm,
          sidx, didx, hb, dpb, cb, zb, wv, o_sh, sem):
        cid = lax.axis_index("c")
        sid = lax.axis_index("s")
        wid = sid * 2 + cid

        @pl.loop(0, 8)
        def _(i):
            for j in range(8):
                zb[i, pl.ds(j * 16, 16)] = jnp.zeros((16,), jnp.float32)

        @pl.loop(0, SPT // 8)
        def _(j):
            pltpu.sync_copy(zb, o_sh.at[pl.ds(sid * SPT + j * 8, 8)])

        plsc.subcore_barrier()

        base = wid * TPW

        @pl.loop(0, TPW // C2)
        def _(c):
            off = base + c * C2
            pltpu.sync_copy(src_hbm.at[pl.ds(off, C2)], sidx)
            pltpu.sync_copy(dst_hbm.at[pl.ds(off, C2)], didx)
            pltpu.async_copy(hext_hbm.at[sidx], hb, sem).wait()
            pltpu.async_copy(dpk_hbm.at[didx], dpb, sem).wait()

            @pl.loop(0, C2)
            def _(e):
                z = hb[e, pl.ds(DH, 16)] + dpb[e, pl.ds(0, 16)]
                z = jnp.maximum(z, 0.2 * z)
                ex = jnp.exp(z)
                lim = jnp.full((16,), NE_REAL - (off + e), jnp.int32)
                mask = jnp.clip(lim, 0, 1).astype(jnp.float32)
                wv[...] = ex * mask * dpb[e, pl.ds(16, 16)]
                for hh in range(HEADS):
                    wb = plsc.load_gather(
                        wv, [jnp.full((16,), 8 + hh, jnp.int32)])
                    for j in range(8):
                        hs = hb[e, pl.ds(hh * 128 + j * 16, 16)]
                        if hh == 0:
                            cb[e, pl.ds(j * 16, 16)] = wb * hs
                        else:
                            cb[e, pl.ds(j * 16, 16)] += wb * hs

            pltpu.sync_copy(cb, o_sh.at[didx], add=True)

        plsc.subcore_barrier()
        pltpu.sync_copy(
            o_sh.at[pl.ds(sid * SPT, SPT)],
            opart_hbm.at[pl.ds(cid * NP + sid * SPT, SPT)],
        )

    return k(srcx, dstx, hext, dstpack)



def _d1_body(xg_ref, w1_ref, as_ref, ad_ref, hext_ref, asp_ref, adp_ref):
    x = xg_ref[...]
    mu = jnp.mean(x, axis=-1, keepdims=True)
    var = jnp.mean((x - mu) ** 2, axis=-1, keepdims=True)
    x = (x - mu) / jnp.sqrt(var + 1e-5)
    h = _dot(x, w1_ref[...])
    a_s = _dot_hi(h, as_ref[...])
    a_d = _dot_hi(h, ad_ref[...])
    hext_ref[:, :DH] = h
    hext_ref[:, DH:] = a_s
    asp_ref[...] = a_s
    adp_ref[...] = a_d


def _d1(xg, W1, Asrc, Adst):
    R = 512
    return pl.pallas_call(
        _d1_body,
        grid=(NP // R,),
        in_specs=[
            pl.BlockSpec((R, D_MODEL), lambda i: (i, 0)),
            pl.BlockSpec((D_MODEL, DH), lambda i: (0, 0)),
            pl.BlockSpec((DH, 128), lambda i: (0, 0)),
            pl.BlockSpec((DH, 128), lambda i: (0, 0)),
        ],
        out_specs=[
            pl.BlockSpec((R, DEXT), lambda i: (i, 0)),
            pl.BlockSpec((R, 128), lambda i: (i, 0)),
            pl.BlockSpec((R, 128), lambda i: (i, 0)),
        ],
        out_shape=[
            jax.ShapeDtypeStruct((NP, DEXT), jnp.float32),
            jax.ShapeDtypeStruct((NP, 128), jnp.float32),
            jax.ShapeDtypeStruct((NP, 128), jnp.float32),
        ],
    )(xg, W1, Asrc, Adst)



def _pack_body(adp_ref, s0_ref, s1_ref, out_ref):
    s = s0_ref[...] + s1_ref[...]
    r = 1.0 / (8.0 * (s + 1e-16))
    out_ref[:, :16] = adp_ref[:, :16]
    out_ref[:, 16:32] = r[:, :16]
    out_ref[:, 32:] = jnp.zeros_like(out_ref[:, 32:])


def _pack_dst(adp, s0, s1):
    R = 512
    return pl.pallas_call(
        _pack_body,
        grid=(NP // R,),
        in_specs=[
            pl.BlockSpec((R, 128), lambda i: (i, 0)),
            pl.BlockSpec((R, 128), lambda i: (i, 0)),
            pl.BlockSpec((R, 128), lambda i: (i, 0)),
        ],
        out_specs=pl.BlockSpec((R, 128), lambda i: (i, 0)),
        out_shape=jax.ShapeDtypeStruct((NP, 128), jnp.float32),
    )(adp, s0, s1)



def _d2_body(o0_ref, o1_ref, b1_ref, wm_ref, bm_ref, w2_ref, as_ref, ad_ref,
             hext_ref, asp_ref, adp_ref):
    g = o0_ref[...] + o1_ref[...] + b1_ref[...]
    g = jnp.where(g > 0, g, 0.15 * g)
    t = _dot(g, wm_ref[...]) + bm_ref[...]
    t = _gelu_exact(t)
    h = _dot(t, w2_ref[...])
    a_s = _dot_hi(h, as_ref[...])
    a_d = _dot_hi(h, ad_ref[...])
    hext_ref[:, :DH] = h
    hext_ref[:, DH:] = a_s
    asp_ref[...] = a_s
    adp_ref[...] = a_d


def _d2(o0, o1, b1, Wm, bm, W2, Asrc, Adst):
    R = 512
    return pl.pallas_call(
        _d2_body,
        grid=(NP // R,),
        in_specs=[
            pl.BlockSpec((R, D_HIDDEN), lambda i: (i, 0)),
            pl.BlockSpec((R, D_HIDDEN), lambda i: (i, 0)),
            pl.BlockSpec((1, D_HIDDEN), lambda i: (0, 0)),
            pl.BlockSpec((D_HIDDEN, D_HIDDEN), lambda i: (0, 0)),
            pl.BlockSpec((1, D_HIDDEN), lambda i: (0, 0)),
            pl.BlockSpec((D_HIDDEN, DH), lambda i: (0, 0)),
            pl.BlockSpec((DH, 128), lambda i: (0, 0)),
            pl.BlockSpec((DH, 128), lambda i: (0, 0)),
        ],
        out_specs=[
            pl.BlockSpec((R, DEXT), lambda i: (i, 0)),
            pl.BlockSpec((R, 128), lambda i: (i, 0)),
            pl.BlockSpec((R, 128), lambda i: (i, 0)),
        ],
        out_shape=[
            jax.ShapeDtypeStruct((NP, DEXT), jnp.float32),
            jax.ShapeDtypeStruct((NP, 128), jnp.float32),
            jax.ShapeDtypeStruct((NP, 128), jnp.float32),
        ],
    )(o0, o1, b1.reshape(1, -1), Wm, bm.reshape(1, -1), W2, Asrc, Adst)



def _comb_body(o0_ref, o1_ref, b2_ref, y_ref):
    y_ref[...] = o0_ref[...] + o1_ref[...] + b2_ref[...]


def _combine2(o0, o1, b2):
    R = 512
    return pl.pallas_call(
        _comb_body,
        grid=(NP // R,),
        in_specs=[
            pl.BlockSpec((R, D_HIDDEN), lambda i: (i, 0)),
            pl.BlockSpec((R, D_HIDDEN), lambda i: (i, 0)),
            pl.BlockSpec((1, D_HIDDEN), lambda i: (0, 0)),
        ],
        out_specs=pl.BlockSpec((R, D_HIDDEN), lambda i: (i, 0)),
        out_shape=jax.ShapeDtypeStruct((NP, D_HIDDEN), jnp.float32),
    )(o0, o1, b2.reshape(1, -1))



def _final_proj_body(trg_ref, wm1_ref, bm1_ref, wout_ref, bout_ref, out_ref):
    t = _dot(trg_ref[...], wm1_ref[...]) + bm1_ref[...]
    t = _gelu_exact(t)
    out_ref[...] = _dot(t, wout_ref[...]) + bout_ref[...]


def _final_proj(trg, Wm1, bm1, Wout, bout):
    wout_p = jnp.zeros((D_HIDDEN, VOCAB_PAD), jnp.float32).at[:, :50000].set(Wout)
    bout_p = jnp.zeros((1, VOCAB_PAD), jnp.float32).at[0, :50000].set(bout)
    out = pl.pallas_call(
        _final_proj_body,
        grid=(VOCAB_PAD // VBLK,),
        in_specs=[
            pl.BlockSpec((N_TRG, D_HIDDEN), lambda j: (0, 0)),
            pl.BlockSpec((D_HIDDEN, D_HIDDEN), lambda j: (0, 0)),
            pl.BlockSpec((1, D_HIDDEN), lambda j: (0, 0)),
            pl.BlockSpec((D_HIDDEN, VBLK), lambda j: (0, j)),
            pl.BlockSpec((1, VBLK), lambda j: (0, j)),
        ],
        out_specs=pl.BlockSpec((N_TRG, VBLK), lambda j: (0, j)),
        out_shape=jax.ShapeDtypeStruct((N_TRG, VOCAB_PAD), jnp.float32),
    )(trg, Wm1, bm1.reshape(1, -1), wout_p, bout_p)
    return out[:, :50000]



def _att_proj(att):
    a = jnp.einsum("hc,hk->hck", att, jnp.eye(HEADS, dtype=att.dtype))
    a = a.reshape(DH, HEADS)
    a = jnp.concatenate([a, a], axis=-1)
    return jnp.pad(a, ((0, 0), (0, 128 - 2 * HEADS)))


@jax.jit
def kernel(edge_index, N, y, emb, W1, att_src1, att_dst1, b1, Wm, bm,
           W2, att_src2, att_dst2, b2, Wm1, bm1, Wout, bout):
    loop = jnp.arange(N_NODES, dtype=jnp.int32)
    padz = jnp.zeros((EP - NE_REAL,), jnp.int32)
    srcx = jnp.concatenate([edge_index[0], loop, padz])
    dstx = jnp.concatenate([edge_index[1], loop, padz])

    y_pad = jnp.concatenate([y, jnp.zeros((NP - N_NODES,), jnp.int32)])
    xg = _sc_gather(emb, y_pad, D_MODEL)

    hext1, asp1, adp1 = _d1(xg, W1, _att_proj(att_src1), _att_proj(att_dst1))
    spart1 = _sc_edge_logits(srcx, dstx, asp1, adp1)
    dpk1 = _pack_dst(adp1, spart1[:NP], spart1[NP:])
    opart1 = _sc_edge_aggregate(srcx, dstx, hext1, dpk1)

    hext2, asp2, adp2 = _d2(opart1[:NP], opart1[NP:], b1, Wm, bm,
                            W2, _att_proj(att_src2), _att_proj(att_dst2))
    spart2 = _sc_edge_logits(srcx, dstx, asp2, adp2)
    dpk2 = _pack_dst(adp2, spart2[:NP], spart2[NP:])
    opart2 = _sc_edge_aggregate(srcx, dstx, hext2, dpk2)

    y2 = _combine2(opart2[:NP], opart2[NP:], b2)

    trg = _sc_gather(y2, N, D_HIDDEN)
    return _final_proj(trg, Wm1, bm1, Wout, bout)

# --- scband reference (transcript-rebuilt; emitter-appended) ---
"""Pipeline reference for scband-gnnlayer-85529978732561 (READ-ONLY COPY).

The authoritative reference and input builder live on the scoring server;
editing this copy changes nothing except your own understanding.
"""

import jax, jax.numpy as jnp
import numpy as np

D_MODEL = 128
D_HIDDEN = 128
HEADS = 8
D_VOCAB = 50000
N_NODES = 10000
N_EDGES = 320000
N_TRG = 256


def _layernorm(x, eps=1e-5):
    mu = jnp.mean(x, axis=-1, keepdims=True)
    var = jnp.mean((x - mu) ** 2, axis=-1, keepdims=True)
    return (x - mu) / jnp.sqrt(var + eps)


def _gat_conv(x, edge_index, W, att_src, att_dst, bias):
    # Faithful PyG GATConv (concat=False -> mean over heads), add_self_loops=True,
    # negative_slope=0.2, dropout=0.0 (eval).
    n = x.shape[0]
    loop = jnp.arange(n, dtype=edge_index.dtype)
    src = jnp.concatenate([edge_index[0], loop])
    dst = jnp.concatenate([edge_index[1], loop])
    h = (x @ W).reshape(n, HEADS, -1)
    a_src = jnp.sum(h * att_src[None], axis=-1)
    a_dst = jnp.sum(h * att_dst[None], axis=-1)
    e = a_src[src] + a_dst[dst]
    e = jnp.where(e > 0, e, 0.2 * e)
    m = jax.ops.segment_max(e, dst, num_segments=n)
    m = jnp.where(jnp.isfinite(m), m, 0.0)
    ex = jnp.exp(e - m[dst])
    s = jax.ops.segment_sum(ex, dst, num_segments=n)
    alpha = ex / (s[dst] + 1e-16)
    out = jax.ops.segment_sum(h[src] * alpha[:, :, None], dst, num_segments=n)
    return jnp.mean(out, axis=1) + bias


def setup_inputs(seed: int = 0):
    key = jax.random.key(seed)
    ks = jax.random.split(key, 16)
    sd = 0.05
    inp = {}
    inp["edge_index"] = jax.random.randint(ks[0], (2, N_EDGES), 0, N_NODES, dtype=jnp.int32)
    inp["N"] = jax.random.randint(ks[1], (N_TRG,), 0, N_NODES, dtype=jnp.int32)
    inp["y"] = jax.random.randint(ks[2], (N_NODES,), 0, D_VOCAB, dtype=jnp.int32)
    inp["emb"] = jax.random.normal(ks[3], (D_VOCAB, D_MODEL), dtype=jnp.float32) * sd
    inp["W1"] = jax.random.normal(ks[4], (D_MODEL, HEADS * D_HIDDEN), dtype=jnp.float32) * sd
    inp["att_src1"] = jax.random.normal(ks[5], (HEADS, D_HIDDEN), dtype=jnp.float32) * sd
    inp["att_dst1"] = jax.random.normal(ks[6], (HEADS, D_HIDDEN), dtype=jnp.float32) * sd
    inp["b1"] = jnp.zeros((D_HIDDEN,), dtype=jnp.float32)
    inp["Wm"] = jax.random.normal(ks[7], (D_HIDDEN, D_HIDDEN), dtype=jnp.float32) * sd
    inp["bm"] = jnp.zeros((D_HIDDEN,), dtype=jnp.float32)
    inp["W2"] = jax.random.normal(ks[8], (D_HIDDEN, HEADS * D_HIDDEN), dtype=jnp.float32) * sd
    inp["att_src2"] = jax.random.normal(ks[9], (HEADS, D_HIDDEN), dtype=jnp.float32) * sd
    inp["att_dst2"] = jax.random.normal(ks[10], (HEADS, D_HIDDEN), dtype=jnp.float32) * sd
    inp["b2"] = jnp.zeros((D_HIDDEN,), dtype=jnp.float32)
    inp["Wm1"] = jax.random.normal(ks[11], (D_HIDDEN, D_HIDDEN), dtype=jnp.float32) * sd
    inp["bm1"] = jnp.zeros((D_HIDDEN,), dtype=jnp.float32)
    inp["Wout"] = jax.random.normal(ks[12], (D_HIDDEN, D_VOCAB), dtype=jnp.float32) * sd
    inp["bout"] = jnp.zeros((D_VOCAB,), dtype=jnp.float32)
    return inp


def reference(edge_index, N, y, emb, W1, att_src1, att_dst1, b1, Wm, bm, W2, att_src2, att_dst2, b2, Wm1, bm1, Wout, bout):
    x = _layernorm(emb[y])                      # embedding + LayerNorm(no affine)
    x = _gat_conv(x, edge_index, W1, att_src1, att_dst1, b1)
    x = jnp.where(x > 0, x, 0.15 * x)           # LeakyReLU(0.15)
    x = jax.nn.gelu(x @ Wm + bm, approximate=False)
    x = _gat_conv(x, edge_index, W2, att_src2, att_dst2, b2)
    x = jax.nn.gelu(x @ Wm1 + bm1, approximate=False)
    trg = x[N]                                  # y2[:, N, :]
    out = trg @ Wout + bout                     # mlp_out -> [-1, d_vocab]
    return out

if __name__ == "__main__":
    import jax
    _d = setup_inputs()
    print(jax.jit(kernel)(*tuple(_d.values())))

</pallas_src>

<mosaic_0001>
#map = affine_map<(d0, d1) -> (0)>
#map1 = affine_map<(d0, d1) -> (0, 0)>
module attributes {stable_mosaic.version = 14 : i64} {
  func.func @k(%arg0: i32, %arg1: i32, %arg2: memref<331776xi32, #tpu.memory_space<hbm>>, %arg3: memref<331776xi32, #tpu.memory_space<hbm>>, %arg4: memref<10240x128xf32, #tpu.memory_space<hbm>>, %arg5: memref<10240x128xf32, #tpu.memory_space<hbm>>, %arg6: memref<20480x128xf32, #tpu.memory_space<hbm>>, %arg7: memref<96xi32, #tpu.memory_space<vmem>>, %arg8: memref<96xi32, #tpu.memory_space<vmem>>, %arg9: memref<96x128xf32, #tpu.memory_space<vmem>>, %arg10: memref<96x128xf32, #tpu.memory_space<vmem>>, %arg11: memref<96x128xf32, #tpu.memory_space<vmem>>, %arg12: memref<10112x128xf32, #tpu.memory_space<vmem_shared>>, %arg13: memref<!tpu.dma_semaphore, #tpu.memory_space<semaphore_mem>>) attributes {dimension_semantics = [#tpu.dimension_semantics<core_parallel>, #tpu.dimension_semantics<subcore_parallel>], iteration_bounds = array<i64: 2, 16>, scalar_prefetch = 0 : i64, scratch_operands = 7 : i64, tpu.core_type = #tpu.core_type<sc_vector_subcore>, window_params = [{transform_indices = #map}, {transform_indices = #map}, {transform_indices = #map1}, {transform_indices = #map1}, {transform_indices = #map1}]} {
    %mul3A = arith.constant 2 : i32
    %mul3A_0 = arith.muli %arg1, %mul3A : i32
    %add3A = arith.addi %mul3A_0, %arg0 : i32
    %scan3A = arith.constant 0 : i32
    %scan3A_1 = arith.constant 96 : i32
    %scan3A_2 = arith.addi %scan3A, %scan3A_1 : i32
    %scan3A_3 = arith.constant 1 : i32
    scf.for %scan3A_25 = %scan3A to %scan3A_2 step %scan3A_3  : i32 {
      %mul3A_26 = arith.constant 1 : i32
      %mul3A_27 = arith.muli %scan3A_25, %mul3A_26 : i32
      %add3A_28 = arith.constant 0 : i32
      %add3A_29 = arith.addi %add3A_28, %mul3A_27 : i32
      %broadcast_in_dim3A = arith.constant 0.000000e+00 : f32
      %broadcast_in_dim3A_30 = vector.broadcast %broadcast_in_dim3A : f32 to vector<16xf32>
      %swap3A = arith.index_cast %add3A_29 : i32 to index
      %swap3A_31 = arith.constant 0 : index
      %swap3A_32 = tpu.vector_load %arg11[%swap3A, %swap3A_31] {strides = array<i32>} : memref<96x128xf32, #tpu.memory_space<vmem>>, vector<1x16xf32>,
      %swap3A_33 = vector.shape_cast %swap3A_32 : vector<1x16xf32> to vector<16xf32>
      %swap3A_34 = vector.shape_cast %broadcast_in_dim3A_30 : vector<16xf32> to vector<1x16xf32>
      tpu.vector_store %arg11[%swap3A, %swap3A_31], %swap3A_34 {strides = array<i32>} : memref<96x128xf32, #tpu.memory_space<vmem>>, vector<1x16xf32>,
      %broadcast_in_dim3A_35 = arith.constant 0.000000e+00 : f32
      %broadcast_in_dim3A_36 = vector.broadcast %broadcast_in_dim3A_35 : f32 to vector<16xf32>
      %swap3A_37 = arith.index_cast %add3A_29 : i32 to index
      %swap3A_38 = arith.constant 16 : index
      %swap3A_39 = tpu.vector_load %arg11[%swap3A_37, %swap3A_38] {strides = array<i32>} : memref<96x128xf32, #tpu.memory_space<vmem>>, vector<1x16xf32>,
      %swap3A_40 = vector.shape_cast %swap3A_39 : vector<1x16xf32> to vector<16xf32>
      %swap3A_41 = vector.shape_cast %broadcast_in_dim3A_36 : vector<16xf32> to vector<1x16xf32>
      tpu.vector_store %arg11[%swap3A_37, %swap3A_38], %swap3A_41 {strides = array<i32>} : memref<96x128xf32, #tpu.memory_space<vmem>>, vector<1x16xf32>,
      %broadcast_in_dim3A_42 = arith.constant 0.000000e+00 : f32
      %broadcast_in_dim3A_43 = vector.broadcast %broadcast_in_dim3A_42 : f32 to vector<16xf32>
      %swap3A_44 = arith.index_cast %add3A_29 : i32 to index
      %swap3A_45 = arith.constant 32 : index
      %swap3A_46 = tpu.vector_load %arg11[%swap3A_44, %swap3A_45] {strides = array<i32>} : memref<96x128xf32, #tpu.memory_space<vmem>>, vector<1x16xf32>,
      %swap3A_47 = vector.shape_cast %swap3A_46 : vector<1x16xf32> to vector<16xf32>
      %swap3A_48 = vector.shape_cast %broadcast_in_dim3A_43 : vector<16xf32> to vector<1x16xf32>
      tpu.vector_store %arg11[%swap3A_44, %swap3A_45], %swap3A_48 {strides = array<i32>} : memref<96x128xf32, #tpu.memory_space<vmem>>, vector<1x16xf32>,
      %broadcast_in_dim3A_49 = arith.constant 0.000000e+00 : f32
      %broadcast_in_dim3A_50 = vector.broadcast %broadcast_in_dim3A_49 : f32 to vector<16xf32>
      %swap3A_51 = arith.index_cast %add3A_29 : i32 to index
      %swap3A_52 = arith.constant 48 : index
      %swap3A_53 = tpu.vector_load %arg11[%swap3A_51, %swap3A_52] {strides = array<i32>} : memref<96x128xf32, #tpu.memory_space<vmem>>, vector<1x16xf32>,
      %swap3A_54 = vector.shape_cast %swap3A_53 : vector<1x16xf32> to vector<16xf32>
      %swap3A_55 = vector.shape_cast %broadcast_in_dim3A_50 : vector<16xf32> to vector<1x16xf32>
      tpu.vector_store %arg11[%swap3A_51, %swap3A_52], %swap3A_55 {strides = array<i32>} : memref<96x128xf32, #tpu.memory_space<vmem>>, vector<1x16xf32>,
      %broadcast_in_dim3A_56 = arith.constant 0.000000e+00 : f32
      %broadcast_in_dim3A_57 = vector.broadcast %broadcast_in_dim3A_56 : f32 to vector<16xf32>
      %swap3A_58 = arith.index_cast %add3A_29 : i32 to index
      %swap3A_59 = arith.constant 64 : index
      %swap3A_60 = tpu.vector_load %arg11[%swap3A_58, %swap3A_59] {strides = array<i32>} : memref<96x128xf32, #tpu.memory_space<vmem>>, vector<1x16xf32>,
      %swap3A_61 = vector.shape_cast %swap3A_60 : vector<1x16xf32> to vector<16xf32>
      %swap3A_62 = vector.shape_cast %broadcast_in_dim3A_57 : vector<16xf32> to vector<1x16xf32>
      tpu.vector_store %arg11[%swap3A_58, %swap3A_59], %swap3A_62 {strides = array<i32>} : memref<96x128xf32, #tpu.memory_space<vmem>>, vector<1x16xf32>,
      %broadcast_in_dim3A_63 = arith.constant 0.000000e+00 : f32
      %broadcast_in_dim3A_64 = vector.broadcast %broadcast_in_dim3A_63 : f32 to vector<16xf32>
      %swap3A_65 = arith.index_cast %add3A_29 : i32 to index
      %swap3A_66 = arith.constant 80 : index
      %swap3A_67 = tpu.vector_load %arg11[%swap3A_65, %swap3A_66] {strides = array<i32>} : memref<96x128xf32, #tpu.memory_space<vmem>>, vector<1x16xf32>,
      %swap3A_68 = vector.shape_cast %swap3A_67 : vector<1x16xf32> to vector<16xf32>
      %swap3A_69 = vector.shape_cast %broadcast_in_dim3A_64 : vector<16xf32> to vector<1x16xf32>
      tpu.vector_store %arg11[%swap3A_65, %swap3A_66], %swap3A_69 {strides = array<i32>} : memref<96x128xf32, #tpu.memory_space<vmem>>, vector<1x16xf32>,
      %broadcast_in_dim3A_70 = arith.constant 0.000000e+00 : f32
      %broadcast_in_dim3A_71 = vector.broadcast %broadcast_in_dim3A_70 : f32 to vector<16xf32>
      %swap3A_72 = arith.index_cast %add3A_29 : i32 to index
      %swap3A_73 = arith.constant 96 : index
      %swap3A_74 = tpu.vector_load %arg11[%swap3A_72, %swap3A_73] {strides = array<i32>} : memref<96x128xf32, #tpu.memory_space<vmem>>, vector<1x16xf32>,
      %swap3A_75 = vector.shape_cast %swap3A_74 : vector<1x16xf32> to vector<16xf32>
      %swap3A_76 = vector.shape_cast %broadcast_in_dim3A_71 : vector<16xf32> to vector<1x16xf32>
      tpu.vector_store %arg11[%swap3A_72, %swap3A_73], %swap3A_76 {strides = array<i32>} : memref<96x128xf32, #tpu.memory_space<vmem>>, vector<1x16xf32>,
      %broadcast_in_dim3A_77 = arith.constant 0.000000e+00 : f32
      %broadcast_in_dim3A_78 = vector.broadcast %broadcast_in_dim3A_77 : f32 to vector<16xf32>
      %swap3A_79 = arith.index_cast %add3A_29 : i32 to index
      %swap3A_80 = arith.constant 112 : index
      %swap3A_81 = tpu.vector_load %arg11[%swap3A_79, %swap3A_80] {strides = array<i32>} : memref<96x128xf32, #tpu.memory_space<vmem>>, vector<1x16xf32>,
      %swap3A_82 = vector.shape_cast %swap3A_81 : vector<1x16xf32> to vector<16xf32>
      %swap3A_83 = vector.shape_cast %broadcast_in_dim3A_78 : vector<16xf32> to vector<1x16xf32>
      tpu.vector_store %arg11[%swap3A_79, %swap3A_80], %swap3A_83 {strides = array<i32>} : memref<96x128xf32, #tpu.memory_space<vmem>>, vector<1x16xf32>,
    }
    %scan3A_4 = arith.constant 96 : i32
    %scan3A_5 = arith.constant 0 : i32
    %scan3A_6 = arith.constant 79 : i32
    %scan3A_7 = arith.addi %scan3A_5, %scan3A_6 : i32
    %scan3A_8 = arith.constant 1 : i32
    scf.for %scan3A_25 = %scan3A_5 to %scan3A_7 step %scan3A_8  : i32 {
      %mul3A_26 = arith.constant 1 : i32
      %mul3A_27 = arith.muli %scan3A_25, %mul3A_26 : i32
      %add3A_28 = arith.constant 0 : i32
      %add3A_29 = arith.addi %add3A_28, %mul3A_27 : i32
      %mul3A_30 = arith.constant 632 : i32
      %mul3A_31 = arith.muli %arg1, %mul3A_30 : i32
      %mul3A_32 = arith.constant 8 : i32
      %mul3A_33 = arith.muli %add3A_29, %mul3A_32 : i32
      %add3A_34 = arith.addi %mul3A_31, %mul3A_33 : i32
      "tpu.region"() ({
        %run_scoped3A = tpu.sem_alloc : memref<!tpu.dma_semaphore, #tpu.memory_space<semaphore_mem>>
        %dma_start3A = arith.constant 0 : i32
        %dma_start3A_35 = arith.constant 0 : i32
        %dma_start3A_36 = tpu.memref_slice %arg11[%dma_start3A, %dma_start3A_35] : memref<96x128xf32, #tpu.memory_space<vmem>> -> memref<8x128xf32, #tpu.memory_space<vmem>>
        %dma_start3A_37 = arith.constant 0 : i32
        %dma_start3A_38 = tpu.memref_slice %arg12[%add3A_34, %dma_start3A_37] : memref<10112x128xf32, #tpu.memory_space<vmem_shared>> -> memref<8x128xf32, #tpu.memory_space<vmem_shared>>
        %dma_start3A_39 = arith.constant 0 : i32
        %dma_start3A_40 = tpu.memref_slice %arg12[%add3A_34, %dma_start3A_39] : memref<10112x128xf32, #tpu.memory_space<vmem_shared>> -> memref<8x128xf32, #tpu.memory_space<vmem_shared>>
        %dma_start3A_41 = arith.constant 0 : i32
        %dma_start3A_42 = arith.constant 0 : i32
        %dma_start3A_43 = tpu.memref_slice %arg11[%dma_start3A_41, %dma_start3A_42] : memref<96x128xf32, #tpu.memory_space<vmem>> -> memref<8x128xf32, #tpu.memory_space<vmem>>
        tpu.enqueue_dma source(%dma_start3A_43 : memref<8x128xf32, #tpu.memory_space<vmem>>) target(%dma_start3A_40 : memref<8x128xf32, #tpu.memory_space<vmem_shared>>) target_semaphore(%run_scoped3A : memref<!tpu.dma_semaphore, #tpu.memory_space<semaphore_mem>>)
        %dma_wait3A = arith.constant 0 : i32
        %dma_wait3A_44 = arith.constant 0 : i32
        %dma_wait3A_45 = tpu.memref_slice %arg11[%dma_wait3A, %dma_wait3A_44] : memref<96x128xf32, #tpu.memory_space<vmem>> -> memref<8x128xf32, #tpu.memory_space<vmem>>
        %dma_wait3A_46 = arith.constant 0 : i32
        %dma_wait3A_47 = tpu.memref_slice %arg12[%add3A_34, %dma_wait3A_46] : memref<10112x128xf32, #tpu.memory_space<vmem_shared>> -> memref<8x128xf32, #tpu.memory_space<vmem_shared>>
        %dma_wait3A_48 = arith.constant 0 : i32
        %dma_wait3A_49 = tpu.memref_slice %arg12[%add3A_34, %dma_wait3A_48] : memref<10112x128xf32, #tpu.memory_space<vmem_shared>> -> memref<8x128xf32, #tpu.memory_space<vmem_shared>>
        %dma_wait3A_50 = arith.constant 0 : i32
        %dma_wait3A_51 = arith.constant 0 : i32
        %dma_wait3A_52 = tpu.memref_slice %arg11[%dma_wait3A_50, %dma_wait3A_51] : memref<96x128xf32, #tpu.memory_space<vmem>> -> memref<8x128xf32, #tpu.memory_space<vmem>>
        tpu.wait_dma2 semaphore(%run_scoped3A : memref<!tpu.dma_semaphore, #tpu.memory_space<semaphore_mem>>) src(%dma_wait3A_52 : memref<8x128xf32, #tpu.memory_space<vmem>>) dst(%dma_wait3A_49 : memref<8x128xf32, #tpu.memory_space<vmem_shared>>)
        tpu.yield
      }) : () -> ()
    }
    %scan3A_9 = arith.constant 79 : i32
    %barrier3A = arith.constant 0 : index
    tpu.barrier barrier_id(%barrier3A)
    %mul3A_10 = arith.constant 10368 : i32
    %mul3A_11 = arith.muli %add3A, %mul3A_10 : i32
    %scan3A_12 = arith.constant 0 : i32
    %scan3A_13 = arith.constant 108 : i32
    %scan3A_14 = arith.addi %scan3A_12, %scan3A_13 : i32
    %scan3A_15 = arith.constant 1 : i32
    scf.for %scan3A_25 = %scan3A_12 to %scan3A_14 step %scan3A_15  : i32 {
      %mul3A_26 = arith.constant 1 : i32
      %mul3A_27 = arith.muli %scan3A_25, %mul3A_26 : i32
      %add3A_28 = arith.constant 0 : i32
      %add3A_29 = arith.addi %add3A_28, %mul3A_27 : i32
      %mul3A_30 = arith.constant 96 : i32
      %mul3A_31 = arith.muli %add3A_29, %mul3A_30 : i32
      %add3A_32 = arith.addi %mul3A_11, %mul3A_31 : i32
      "tpu.region"() ({
        %run_scoped3A = tpu.sem_alloc : memref<!tpu.dma_semaphore, #tpu.memory_space<semaphore_mem>>
        %dma_start3A_48 = tpu.memref_slice %arg2[%add3A_32] : memref<331776xi32, #tpu.memory_space<hbm>> -> memref<96xi32, #tpu.memory_space<hbm>>
        %dma_start3A_49 = tpu.memref_slice %arg2[%add3A_32] : memref<331776xi32, #tpu.memory_space<hbm>> -> memref<96xi32, #tpu.memory_space<hbm>>
        tpu.enqueue_dma source(%dma_start3A_49 : memref<96xi32, #tpu.memory_space<hbm>>) target(%arg7 : memref<96xi32, #tpu.memory_space<vmem>>) target_semaphore(%run_scoped3A : memref<!tpu.dma_semaphore, #tpu.memory_space<semaphore_mem>>)
        %dma_wait3A_50 = tpu.memref_slice %arg2[%add3A_32] : memref<331776xi32, #tpu.memory_space<hbm>> -> memref<96xi32, #tpu.memory_space<hbm>>
        %dma_wait3A_51 = tpu.memref_slice %arg2[%add3A_32] : memref<331776xi32, #tpu.memory_space<hbm>> -> memref<96xi32, #tpu.memory_space<hbm>>
        tpu.wait_dma2 semaphore(%run_scoped3A : memref<!tpu.dma_semaphore, #tpu.memory_space<semaphore_mem>>) src(%dma_wait3A_51 : memref<96xi32, #tpu.memory_space<hbm>>) dst(%arg7 : memref<96xi32, #tpu.memory_space<vmem>>)
        tpu.yield
      }) : () -> ()
      "tpu.region"() ({
        %run_scoped3A = tpu.sem_alloc : memref<!tpu.dma_semaphore, #tpu.memory_space<semaphore_mem>>
        %dma_start3A_48 = tpu.memref_slice %arg3[%add3A_32] : memref<331776xi32, #tpu.memory_space<hbm>> -> memref<96xi32, #tpu.memory_space<hbm>>
        %dma_start3A_49 = tpu.memref_slice %arg3[%add3A_32] : memref<331776xi32, #tpu.memory_space<hbm>> -> memref<96xi32, #tpu.memory_space<hbm>>
        tpu.enqueue_dma source(%dma_start3A_49 : memref<96xi32, #tpu.memory_space<hbm>>) target(%arg8 : memref<96xi32, #tpu.memory_space<vmem>>) target_semaphore(%run_scoped3A : memref<!tpu.dma_semaphore, #tpu.memory_space<semaphore_mem>>)
        %dma_wait3A_50 = tpu.memref_slice %arg3[%add3A_32] : memref<331776xi32, #tpu.memory_space<hbm>> -> memref<96xi32, #tpu.memory_space<hbm>>
        %dma_wait3A_51 = tpu.memref_slice %arg3[%add3A_32] : memref<331776xi32, #tpu.memory_space<hbm>> -> memref<96xi32, #tpu.memory_space<hbm>>
        tpu.wait_dma2 semaphore(%run_scoped3A : memref<!tpu.dma_semaphore, #tpu.memory_space<semaphore_mem>>) src(%dma_wait3A_51 : memref<96xi32, #tpu.memory_space<hbm>>) dst(%arg8 : memref<96xi32, #tpu.memory_space<vmem>>)
        tpu.yield
      }) : () -> ()
      %dma_start3A = arith.constant 0 : i32
      %dma_start3A_33 = arith.constant 0 : i32
      %dma_start3A_34 = tpu.memref_slice %arg4[%dma_start3A, %dma_start3A_33] : memref<10240x128xf32, #tpu.memory_space<hbm>> -> memref<10240x128xf32, #tpu.memory_space<hbm>>
      tpu.enqueue_indirect_dma source(%dma_start3A_34 : memref<10240x128xf32, #tpu.memory_space<hbm>>) target(%arg9 : memref<96x128xf32, #tpu.memory_space<vmem>>) offsets(%arg7 : memref<96xi32, #tpu.memory_space<vmem>>) semaphore(%arg13 : memref<!tpu.dma_semaphore, #tpu.memory_space<semaphore_mem>>)
      %dma_wait3A = arith.constant 0 : i32
      %dma_wait3A_35 = arith.constant 0 : i32
      %dma_wait3A_36 = tpu.memref_slice %arg4[%dma_wait3A, %dma_wait3A_35] : memref<10240x128xf32, #tpu.memory_space<hbm>> -> memref<10240x128xf32, #tpu.memory_space<hbm>>
      tpu.wait_indirect_dma semaphore(%arg13 : memref<!tpu.dma_semaphore, #tpu.memory_space<semaphore_mem>>) src(%dma_wait3A_36 : memref<10240x128xf32, #tpu.memory_space<hbm>>) dst(%arg9 : memref<96x128xf32, #tpu.memory_space<vmem>>)
      %dma_start3A_37 = arith.constant 0 : i32
      %dma_start3A_38 = arith.constant 0 : i32
      %dma_start3A_39 = tpu.memref_slice %arg5[%dma_start3A_37, %dma_start3A_38] : memref<10240x128xf32, #tpu.memory_space<hbm>> -> memref<10240x128xf32, #tpu.memory_space<hbm>>
      tpu.enqueue_indirect_dma source(%dma_start3A_39 : memref<10240x128xf32, #tpu.memory_space<hbm>>) target(%arg10 : memref<96x128xf32, #tpu.memory_space<vmem>>) offsets(%arg8 : memref<96xi32, #tpu.memory_space<vmem>>) semaphore(%arg13 : memref<!tpu.dma_semaphore, #tpu.memory_space<semaphore_mem>>)
      %dma_wait3A_40 = arith.constant 0 : i32
      %dma_wait3A_41 = arith.constant 0 : i32
      %dma_wait3A_42 = tpu.memref_slice %arg5[%dma_wait3A_40, %dma_wait3A_41] : memref<10240x128xf32, #tpu.memory_space<hbm>> -> memref<10240x128xf32, #tpu.memory_space<hbm>>
      tpu.wait_indirect_dma semaphore(%arg13 : memref<!tpu.dma_semaphore, #tpu.memory_space<semaphore_mem>>) src(%dma_wait3A_42 : memref<10240x128xf32, #tpu.memory_space<hbm>>) dst(%arg10 : memref<96x128xf32, #tpu.memory_space<vmem>>)
      %scan3A_43 = arith.constant 0 : i32
      %scan3A_44 = arith.constant 96 : i32
      %scan3A_45 = arith.addi %scan3A_43, %scan3A_44 : i32
      %scan3A_46 = arith.constant 1 : i32
      scf.for %scan3A_48 = %scan3A_43 to %scan3A_45 step %scan3A_46  : i32 {
        %mul3A_49 = arith.constant 1 : i32
        %mul3A_50 = arith.muli %scan3A_48, %mul3A_49 : i32
        %add3A_51 = arith.constant 0 : i32
        %add3A_52 = arith.addi %add3A_51, %mul3A_50 : i32
        %get3A = arith.index_cast %add3A_52 : i32 to index
        %get3A_53 = arith.constant 0 : index
        %get3A_54 = tpu.vector_load %arg9[%get3A, %get3A_53] {strides = array<i32>} : memref<96x128xf32, #tpu.memory_space<vmem>>, vector<1x16xf32>,
        %get3A_55 = vector.shape_cast %get3A_54 : vector<1x16xf32> to vector<16xf32>
        %get3A_56 = arith.index_cast %add3A_52 : i32 to index
        %get3A_57 = arith.constant 0 : index
        %get3A_58 = tpu.vector_load %arg10[%get3A_56, %get3A_57] {strides = array<i32>} : memref<96x128xf32, #tpu.memory_space<vmem>>, vector<1x16xf32>,
        %get3A_59 = vector.shape_cast %get3A_58 : vector<1x16xf32> to vector<16xf32>
        %add3A_60 = arith.addf %get3A_55, %get3A_59 : vector<16xf32>
        %mul3A_61 = arith.constant 2.000000e-01 : f32
        %mul3A_62 = vector.broadcast %mul3A_61 : f32 to vector<16xf32>
        %mul3A_63 = arith.mulf %mul3A_62, %add3A_60 : vector<16xf32>
        %max3A = arith.maximumf %add3A_60, %mul3A_63 : vector<16xf32>
        %exp3A = math.exp %max3A : vector<16xf32>
        %add3A_64 = arith.addi %add3A_32, %add3A_52 : i32
        %sub3A = arith.constant 330000 : i32
        %sub3A_65 = arith.subi %sub3A, %add3A_64 : i32
        %broadcast_in_dim3A = vector.broadcast %sub3A_65 : i32 to vector<16xi32>
        %jit3A = arith.constant 0 : i32
        %jit3A_66 = arith.constant 1 : i32
        %max3A_67 = vector.broadcast %jit3A : i32 to vector<16xi32>
        %max3A_68 = arith.maxsi %max3A_67, %broadcast_in_dim3A : vector<16xi32>
        %min3A = vector.broadcast %jit3A_66 : i32 to vector<16xi32>
        %min3A_69 = arith.minsi %min3A, %max3A_68 : vector<16xi32>
        %convert_element_type3A = arith.sitofp %min3A_69 : vector<16xi32> to vector<16xf32>
        %mul3A_70 = arith.mulf %exp3A, %convert_element_type3A : vector<16xf32>
        %swap3A = arith.index_cast %add3A_52 : i32 to index
        %swap3A_71 = arith.constant 0 : index
        %swap3A_72 = tpu.vector_load %arg11[%swap3A, %swap3A_71] {strides = array<i32>} : memref<96x128xf32, #tpu.memory_space<vmem>>, vector<1x16xf32>,
        %swap3A_73 = vector.shape_cast %swap3A_72 : vector<1x16xf32> to vector<16xf32>
        %swap3A_74 = vector.shape_cast %mul3A_70 : vector<16xf32> to vector<1x16xf32>
        tpu.vector_store %arg11[%swap3A, %swap3A_71], %swap3A_74 {strides = array<i32>} : memref<96x128xf32, #tpu.memory_space<vmem>>, vector<1x16xf32>,
      }
      %scan3A_47 = arith.constant 96 : i32
      "tpu.region"() ({
        %run_scoped3A = tpu.sem_alloc : memref<!tpu.dma_semaphore, #tpu.memory_space<semaphore_mem>>
        %dma_start3A_48 = arith.constant 0 : i32
        %dma_start3A_49 = arith.constant 0 : i32
        %dma_start3A_50 = tpu.memref_slice %arg12[%dma_start3A_48, %dma_start3A_49] : memref<10112x128xf32, #tpu.memory_space<vmem_shared>> -> memref<10112x128xf32, #tpu.memory_space<vmem_shared>>
        tpu.enqueue_indirect_dma source(%arg11 : memref<96x128xf32, #tpu.memory_space<vmem>>) target(%dma_start3A_50 : memref<10112x128xf32, #tpu.memory_space<vmem_shared>>) offsets(%arg8 : memref<96xi32, #tpu.memory_space<vmem>>) semaphore(%run_scoped3A : memref<!tpu.dma_semaphore, #tpu.memory_space<semaphore_mem>>) {add = true}
        %dma_wait3A_51 = arith.constant 0 : i32
        %dma_wait3A_52 = arith.constant 0 : i32
        %dma_wait3A_53 = tpu.memref_slice %arg12[%dma_wait3A_51, %dma_wait3A_52] : memref<10112x128xf32, #tpu.memory_space<vmem_shared>> -> memref<10112x128xf32, #tpu.memory_space<vmem_shared>>
        tpu.wait_indirect_dma semaphore(%run_scoped3A : memref<!tpu.dma_semaphore, #tpu.memory_space<semaphore_mem>>) src(%arg11 : memref<96x128xf32, #tpu.memory_space<vmem>>) dst(%dma_wait3A_53 : memref<10112x128xf32, #tpu.memory_space<vmem_shared>>)
        tpu.yield
      }) : () -> ()
    }
    %scan3A_16 = arith.constant 108 : i32
    %barrier3A_17 = arith.constant 0 : index
    tpu.barrier barrier_id(%barrier3A_17)
    %mul3A_18 = arith.constant 632 : i32
    %mul3A_19 = arith.muli %arg1, %mul3A_18 : i32
    %mul3A_20 = arith.constant 10240 : i32
    %mul3A_21 = arith.muli %arg0, %mul3A_20 : i32
    %mul3A_22 = arith.constant 632 : i32
    %mul3A_23 = arith.muli %arg1, %mul3A_22 : i32
    %add3A_24 = arith.addi %mul3A_21, %mul3A_23 : i32
    "tpu.region"() ({
      %run_scoped3A = tpu.sem_alloc : memref<!tpu.dma_semaphore, #tpu.memory_space<semaphore_mem>>
      %dma_start3A = arith.constant 0 : i32
      %dma_start3A_25 = tpu.memref_slice %arg6[%add3A_24, %dma_start3A] : memref<20480x128xf32, #tpu.memory_space<hbm>> -> memref<632x128xf32, #tpu.memory_space<hbm>>
      %dma_start3A_26 = arith.constant 0 : i32
      %dma_start3A_27 = tpu.memref_slice %arg12[%mul3A_19, %dma_start3A_26] : memref<10112x128xf32, #tpu.memory_space<vmem_shared>> -> memref<632x128xf32, #tpu.memory_space<vmem_shared>>
      tpu.enqueue_dma source(%dma_start3A_27 : memref<632x128xf32, #tpu.memory_space<vmem_shared>>) target(%dma_start3A_25 : memref<632x128xf32, #tpu.memory_space<hbm>>) target_semaphore(%run_scoped3A : memref<!tpu.dma_semaphore, #tpu.memory_space<semaphore_mem>>)
      %dma_wait3A = arith.constant 0 : i32
      %dma_wait3A_28 = tpu.memref_slice %arg6[%add3A_24, %dma_wait3A] : memref<20480x128xf32, #tpu.memory_space<hbm>> -> memref<632x128xf32, #tpu.memory_space<hbm>>
      %dma_wait3A_29 = arith.constant 0 : i32
      %dma_wait3A_30 = tpu.memref_slice %arg12[%mul3A_19, %dma_wait3A_29] : memref<10112x128xf32, #tpu.memory_space<vmem_shared>> -> memref<632x128xf32, #tpu.memory_space<vmem_shared>>
      tpu.wait_dma2 semaphore(%run_scoped3A : memref<!tpu.dma_semaphore, #tpu.memory_space<semaphore_mem>>) src(%dma_wait3A_30 : memref<632x128xf32, #tpu.memory_space<vmem_shared>>) dst(%dma_wait3A_28 : memref<632x128xf32, #tpu.memory_space<hbm>>)
      tpu.yield
    }) : () -> ()
    return
  }
}

#map = affine_map<(d0, d1) -> (0, 0)>
#map1 = affine_map<(d0, d1) -> (0)>
module attributes {stable_mosaic.version = 14 : i64} {
  func.func @k(%arg0: i32, %arg1: i32, %arg2: memref<50000x128xf32, #tpu.memory_space<hbm>>, %arg3: memref<10240xi32, #tpu.memory_space<hbm>>, %arg4: memref<10240x128xf32, #tpu.memory_space<hbm>>, %arg5: memref<320xi32, #tpu.memory_space<vmem>>, %arg6: memref<320x128xf32, #tpu.memory_space<vmem>>, %arg7: memref<!tpu.dma_semaphore, #tpu.memory_space<semaphore_mem>>) attributes {dimension_semantics = [#tpu.dimension_semantics<core_parallel>, #tpu.dimension_semantics<subcore_parallel>], iteration_bounds = array<i64: 2, 16>, scalar_prefetch = 0 : i64, scratch_operands = 3 : i64, tpu.core_type = #tpu.core_type<sc_vector_subcore>, window_params = [{transform_indices = #map}, {transform_indices = #map1}, {transform_indices = #map}]} {
    %mul3A = arith.constant 2 : i32
    %mul3A_0 = arith.muli %arg1, %mul3A : i32
    %add3A = arith.addi %mul3A_0, %arg0 : i32
    %mul3A_1 = arith.constant 320 : i32
    %mul3A_2 = arith.muli %add3A, %mul3A_1 : i32
    "tpu.region"() ({
      %run_scoped3A = tpu.sem_alloc : memref<!tpu.dma_semaphore, #tpu.memory_space<semaphore_mem>>
      %dma_start3A_7 = tpu.memref_slice %arg3[%mul3A_2] : memref<10240xi32, #tpu.memory_space<hbm>> -> memref<320xi32, #tpu.memory_space<hbm>>
      %dma_start3A_8 = tpu.memref_slice %arg3[%mul3A_2] : memref<10240xi32, #tpu.memory_space<hbm>> -> memref<320xi32, #tpu.memory_space<hbm>>
      tpu.enqueue_dma source(%dma_start3A_8 : memref<320xi32, #tpu.memory_space<hbm>>) target(%arg5 : memref<320xi32, #tpu.memory_space<vmem>>) target_semaphore(%run_scoped3A : memref<!tpu.dma_semaphore, #tpu.memory_space<semaphore_mem>>)
      %dma_wait3A_9 = tpu.memref_slice %arg3[%mul3A_2] : memref<10240xi32, #tpu.memory_space<hbm>> -> memref<320xi32, #tpu.memory_space<hbm>>
      %dma_wait3A_10 = tpu.memref_slice %arg3[%mul3A_2] : memref<10240xi32, #tpu.memory_space<hbm>> -> memref<320xi32, #tpu.memory_space<hbm>>
      tpu.wait_dma2 semaphore(%run_scoped3A : memref<!tpu.dma_semaphore, #tpu.memory_space<semaphore_mem>>) src(%dma_wait3A_10 : memref<320xi32, #tpu.memory_space<hbm>>) dst(%arg5 : memref<320xi32, #tpu.memory_space<vmem>>)
      tpu.yield
    }) : () -> ()
    %dma_start3A = arith.constant 0 : i32
    %dma_start3A_3 = arith.constant 0 : i32
    %dma_start3A_4 = tpu.memref_slice %arg2[%dma_start3A, %dma_start3A_3] : memref<50000x128xf32, #tpu.memory_space<hbm>> -> memref<50000x128xf32, #tpu.memory_space<hbm>>
    tpu.enqueue_indirect_dma source(%dma_start3A_4 : memref<50000x128xf32, #tpu.memory_space<hbm>>) target(%arg6 : memref<320x128xf32, #tpu.memory_space<vmem>>) offsets(%arg5 : memref<320xi32, #tpu.memory_space<vmem>>) semaphore(%arg7 : memref<!tpu.dma_semaphore, #tpu.memory_space<semaphore_mem>>)
    %dma_wait3A = arith.constant 0 : i32
    %dma_wait3A_5 = arith.constant 0 : i32
    %dma_wait3A_6 = tpu.memref_slice %arg2[%dma_wait3A, %dma_wait3A_5] : memref<50000x128xf32, #tpu.memory_space<hbm>> -> memref<50000x128xf32, #tpu.memory_space<hbm>>
    tpu.wait_indirect_dma semaphore(%arg7 : memref<!tpu.dma_semaphore, #tpu.memory_space<semaphore_mem>>) src(%dma_wait3A_6 : memref<50000x128xf32, #tpu.memory_space<hbm>>) dst(%arg6 : memref<320x128xf32, #tpu.memory_space<vmem>>)
    "tpu.region"() ({
      %run_scoped3A = tpu.sem_alloc : memref<!tpu.dma_semaphore, #tpu.memory_space<semaphore_mem>>
      %dma_start3A_7 = arith.constant 0 : i32
      %dma_start3A_8 = tpu.memref_slice %arg4[%mul3A_2, %dma_start3A_7] : memref<10240x128xf32, #tpu.memory_space<hbm>> -> memref<320x128xf32, #tpu.memory_space<hbm>>
      %dma_start3A_9 = arith.constant 0 : i32
      %dma_start3A_10 = tpu.memref_slice %arg4[%mul3A_2, %dma_start3A_9] : memref<10240x128xf32, #tpu.memory_space<hbm>> -> memref<320x128xf32, #tpu.memory_space<hbm>>
      tpu.enqueue_dma source(%arg6 : memref<320x128xf32, #tpu.memory_space<vmem>>) target(%dma_start3A_10 : memref<320x128xf32, #tpu.memory_space<hbm>>) target_semaphore(%run_scoped3A : memref<!tpu.dma_semaphore, #tpu.memory_space<semaphore_mem>>)
      %dma_wait3A_11 = arith.constant 0 : i32
      %dma_wait3A_12 = tpu.memref_slice %arg4[%mul3A_2, %dma_wait3A_11] : memref<10240x128xf32, #tpu.memory_space<hbm>> -> memref<320x128xf32, #tpu.memory_space<hbm>>
      %dma_wait3A_13 = arith.constant 0 : i32
      %dma_wait3A_14 = tpu.memref_slice %arg4[%mul3A_2, %dma_wait3A_13] : memref<10240x128xf32, #tpu.memory_space<hbm>> -> memref<320x128xf32, #tpu.memory_space<hbm>>
      tpu.wait_dma2 semaphore(%run_scoped3A : memref<!tpu.dma_semaphore, #tpu.memory_space<semaphore_mem>>) src(%arg6 : memref<320x128xf32, #tpu.memory_space<vmem>>) dst(%dma_wait3A_14 : memref<320x128xf32, #tpu.memory_space<hbm>>)
      tpu.yield
    }) : () -> ()
    return
  }
}

#map = affine_map<(d0, d1) -> (0)>
#map1 = affine_map<(d0, d1) -> (0, 0)>
module attributes {stable_mosaic.version = 14 : i64} {
  func.func @k(%arg0: i32, %arg1: i32, %arg2: memref<331776xi32, #tpu.memory_space<hbm>>, %arg3: memref<331776xi32, #tpu.memory_space<hbm>>, %arg4: memref<10240x1152xf32, #tpu.memory_space<hbm>>, %arg5: memref<10240x128xf32, #tpu.memory_space<hbm>>, %arg6: memref<20480x128xf32, #tpu.memory_space<hbm>>, %arg7: memref<32xi32, #tpu.memory_space<vmem>>, %arg8: memref<32xi32, #tpu.memory_space<vmem>>, %arg9: memref<32x1152xf32, #tpu.memory_space<vmem>>, %arg10: memref<32x128xf32, #tpu.memory_space<vmem>>, %arg11: memref<32x128xf32, #tpu.memory_space<vmem>>, %arg12: memref<8x128xf32, #tpu.memory_space<vmem>>, %arg13: memref<16xf32, #tpu.memory_space<vmem>>, %arg14: memref<10112x128xf32, #tpu.memory_space<vmem_shared>>, %arg15: memref<!tpu.dma_semaphore, #tpu.memory_space<semaphore_mem>>) attributes {dimension_semantics = [#tpu.dimension_semantics<core_parallel>, #tpu.dimension_semantics<subcore_parallel>], iteration_bounds = array<i64: 2, 16>, scalar_prefetch = 0 : i64, scratch_operands = 9 : i64, tpu.core_type = #tpu.core_type<sc_vector_subcore>, window_params = [{transform_indices = #map}, {transform_indices = #map}, {transform_indices = #map1}, {transform_indices = #map1}, {transform_indices = #map1}]} {
    %mul3A = arith.constant 2 : i32
    %mul3A_0 = arith.muli %arg1, %mul3A : i32
    %add3A = arith.addi %mul3A_0, %arg0 : i32
    %scan3A = arith.constant 0 : i32
    %scan3A_1 = arith.constant 8 : i32
    %scan3A_2 = arith.addi %scan3A, %scan3A_1 : i32
    %scan3A_3 = arith.constant 1 : i32
    scf.for %scan3A_25 = %scan3A to %scan3A_2 step %scan3A_3  : i32 {
      %mul3A_26 = arith.constant 1 : i32
      %mul3A_27 = arith.muli %scan3A_25, %mul3A_26 : i32
      %add3A_28 = arith.constant 0 : i32
      %add3A_29 = arith.addi %add3A_28, %mul3A_27 : i32
      %broadcast_in_dim3A = arith.constant 0.000000e+00 : f32
      %broadcast_in_dim3A_30 = vector.broadcast %broadcast_in_dim3A : f32 to vector<16xf32>
      %swap3A = arith.index_cast %add3A_29 : i32 to index
      %swap3A_31 = arith.constant 0 : index
      %swap3A_32 = tpu.vector_load %arg12[%swap3A, %swap3A_31] {strides = array<i32>} : memref<8x128xf32, #tpu.memory_space<vmem>>, vector<16xf32>,
      tpu.vector_store %arg12[%swap3A, %swap3A_31], %broadcast_in_dim3A_30 {strides = array<i32>} : memref<8x128xf32, #tpu.memory_space<vmem>>, vector<16xf32>,
      %broadcast_in_dim3A_33 = arith.constant 0.000000e+00 : f32
      %broadcast_in_dim3A_34 = vector.broadcast %broadcast_in_dim3A_33 : f32 to vector<16xf32>
      %swap3A_35 = arith.index_cast %add3A_29 : i32 to index
      %swap3A_36 = arith.constant 16 : index
      %swap3A_37 = tpu.vector_load %arg12[%swap3A_35, %swap3A_36] {strides = array<i32>} : memref<8x128xf32, #tpu.memory_space<vmem>>, vector<16xf32>,
      tpu.vector_store %arg12[%swap3A_35, %swap3A_36], %broadcast_in_dim3A_34 {strides = array<i32>} : memref<8x128xf32, #tpu.memory_space<vmem>>, vector<16xf32>,
      %broadcast_in_dim3A_38 = arith.constant 0.000000e+00 : f32
      %broadcast_in_dim3A_39 = vector.broadcast %broadcast_in_dim3A_38 : f32 to vector<16xf32>
      %swap3A_40 = arith.index_cast %add3A_29 : i32 to index
      %swap3A_41 = arith.constant 32 : index
      %swap3A_42 = tpu.vector_load %arg12[%swap3A_40, %swap3A_41] {strides = array<i32>} : memref<8x128xf32, #tpu.memory_space<vmem>>, vector<16xf32>,
      tpu.vector_store %arg12[%swap3A_40, %swap3A_41], %broadcast_in_dim3A_39 {strides = array<i32>} : memref<8x128xf32, #tpu.memory_space<vmem>>, vector<16xf32>,
      %broadcast_in_dim3A_43 = arith.constant 0.000000e+00 : f32
      %broadcast_in_dim3A_44 = vector.broadcast %broadcast_in_dim3A_43 : f32 to vector<16xf32>
      %swap3A_45 = arith.index_cast %add3A_29 : i32 to index
      %swap3A_46 = arith.constant 48 : index
      %swap3A_47 = tpu.vector_load %arg12[%swap3A_45, %swap3A_46] {strides = array<i32>} : memref<8x128xf32, #tpu.memory_space<vmem>>, vector<16xf32>,
      tpu.vector_store %arg12[%swap3A_45, %swap3A_46], %broadcast_in_dim3A_44 {strides = array<i32>} : memref<8x128xf32, #tpu.memory_space<vmem>>, vector<16xf32>,
      %broadcast_in_dim3A_48 = arith.constant 0.000000e+00 : f32
      %broadcast_in_dim3A_49 = vector.broadcast %broadcast_in_dim3A_48 : f32 to vector<16xf32>
      %swap3A_50 = arith.index_cast %add3A_29 : i32 to index
      %swap3A_51 = arith.constant 64 : index
      %swap3A_52 = tpu.vector_load %arg12[%swap3A_50, %swap3A_51] {strides = array<i32>} : memref<8x128xf32, #tpu.memory_space<vmem>>, vector<16xf32>,
      tpu.vector_store %arg12[%swap3A_50, %swap3A_51], %broadcast_in_dim3A_49 {strides = array<i32>} : memref<8x128xf32, #tpu.memory_space<vmem>>, vector<16xf32>,
      %broadcast_in_dim3A_53 = arith.constant 0.000000e+00 : f32
      %broadcast_in_dim3A_54 = vector.broadcast %broadcast_in_dim3A_53 : f32 to vector<16xf32>
      %swap3A_55 = arith.index_cast %add3A_29 : i32 to index
      %swap3A_56 = arith.constant 80 : index
      %swap3A_57 = tpu.vector_load %arg12[%swap3A_55, %swap3A_56] {strides = array<i32>} : memref<8x128xf32, #tpu.memory_space<vmem>>, vector<16xf32>,
      tpu.vector_store %arg12[%swap3A_55, %swap3A_56], %broadcast_in_dim3A_54 {strides = array<i32>} : memref<8x128xf32, #tpu.memory_space<vmem>>, vector<16xf32>,
      %broadcast_in_dim3A_58 = arith.constant 0.000000e+00 : f32
      %broadcast_in_dim3A_59 = vector.broadcast %broadcast_in_dim3A_58 : f32 to vector<16xf32>
      %swap3A_60 = arith.index_cast %add3A_29 : i32 to index
      %swap3A_61 = arith.constant 96 : index
      %swap3A_62 = tpu.vector_load %arg12[%swap3A_60, %swap3A_61] {strides = array<i32>} : memref<8x128xf32, #tpu.memory_space<vmem>>, vector<16xf32>,
      tpu.vector_store %arg12[%swap3A_60, %swap3A_61], %broadcast_in_dim3A_59 {strides = array<i32>} : memref<8x128xf32, #tpu.memory_space<vmem>>, vector<16xf32>,
      %broadcast_in_dim3A_63 = arith.constant 0.000000e+00 : f32
      %broadcast_in_dim3A_64 = vector.broadcast %broadcast_in_dim3A_63 : f32 to vector<16xf32>
      %swap3A_65 = arith.index_cast %add3A_29 : i32 to index
      %swap3A_66 = arith.constant 112 : index
      %swap3A_67 = tpu.vector_load %arg12[%swap3A_65, %swap3A_66] {strides = array<i32>} : memref<8x128xf32, #tpu.memory_space<vmem>>, vector<16xf32>,
      tpu.vector_store %arg12[%swap3A_65, %swap3A_66], %broadcast_in_dim3A_64 {strides = array<i32>} : memref<8x128xf32, #tpu.memory_space<vmem>>, vector<16xf32>,
    }
    %scan3A_4 = arith.constant 8 : i32
    %scan3A_5 = arith.constant 0 : i32
    %scan3A_6 = arith.constant 79 : i32
    %scan3A_7 = arith.addi %scan3A_5, %scan3A_6 : i32
    %scan3A_8 = arith.constant 1 : i32
    scf.for %scan3A_25 = %scan3A_5 to %scan3A_7 step %scan3A_8  : i32 {
      %mul3A_26 = arith.constant 1 : i32
      %mul3A_27 = arith.muli %scan3A_25, %mul3A_26 : i32
      %add3A_28 = arith.constant 0 : i32
      %add3A_29 = arith.addi %add3A_28, %mul3A_27 : i32
      %mul3A_30 = arith.constant 632 : i32
      %mul3A_31 = arith.muli %arg1, %mul3A_30 : i32
      %mul3A_32 = arith.constant 8 : i32
      %mul3A_33 = arith.muli %add3A_29, %mul3A_32 : i32
      %add3A_34 = arith.addi %mul3A_31, %mul3A_33 : i32
      "tpu.region"() ({
        %run_scoped3A = tpu.sem_alloc : memref<!tpu.dma_semaphore, #tpu.memory_space<semaphore_mem>>
        %dma_start3A = arith.constant 0 : i32
        %dma_start3A_35 = tpu.memref_slice %arg14[%add3A_34, %dma_start3A] : memref<10112x128xf32, #tpu.memory_space<vmem_shared>> -> memref<8x128xf32, #tpu.memory_space<vmem_shared>>
        %dma_start3A_36 = arith.constant 0 : i32
        %dma_start3A_37 = tpu.memref_slice %arg14[%add3A_34, %dma_start3A_36] : memref<10112x128xf32, #tpu.memory_space<vmem_shared>> -> memref<8x128xf32, #tpu.memory_space<vmem_shared>>
        tpu.enqueue_dma source(%arg12 : memref<8x128xf32, #tpu.memory_space<vmem>>) target(%dma_start3A_37 : memref<8x128xf32, #tpu.memory_space<vmem_shared>>) target_semaphore(%run_scoped3A : memref<!tpu.dma_semaphore, #tpu.memory_space<semaphore_mem>>)
        %dma_wait3A = arith.constant 0 : i32
        %dma_wait3A_38 = tpu.memref_slice %arg14[%add3A_34, %dma_wait3A] : memref<10112x128xf32, #tpu.memory_space<vmem_shared>> -> memref<8x128xf32, #tpu.memory_space<vmem_shared>>
        %dma_wait3A_39 = arith.constant 0 : i32
        %dma_wait3A_40 = tpu.memref_slice %arg14[%add3A_34, %dma_wait3A_39] : memref<10112x128xf32, #tpu.memory_space<vmem_shared>> -> memref<8x128xf32, #tpu.memory_space<vmem_shared>>
        tpu.wait_dma2 semaphore(%run_scoped3A : memref<!tpu.dma_semaphore, #tpu.memory_space<semaphore_mem>>) src(%arg12 : memref<8x128xf32, #tpu.memory_space<vmem>>) dst(%dma_wait3A_40 : memref<8x128xf32, #tpu.memory_space<vmem_shared>>)
        tpu.yield
      }) : () -> ()
    }
    %scan3A_9 = arith.constant 79 : i32
    %barrier3A = arith.constant 0 : index
    tpu.barrier barrier_id(%barrier3A)
    %mul3A_10 = arith.constant 10368 : i32
    %mul3A_11 = arith.muli %add3A, %mul3A_10 : i32
    %scan3A_12 = arith.constant 0 : i32
    %scan3A_13 = arith.constant 324 : i32
    %scan3A_14 = arith.addi %scan3A_12, %scan3A_13 : i32
    %scan3A_15 = arith.constant 1 : i32
    scf.for %scan3A_25 = %scan3A_12 to %scan3A_14 step %scan3A_15  : i32 {
      %mul3A_26 = arith.constant 1 : i32
      %mul3A_27 = arith.muli %scan3A_25, %mul3A_26 : i32
      %add3A_28 = arith.constant 0 : i32
      %add3A_29 = arith.addi %add3A_28, %mul3A_27 : i32
      %mul3A_30 = arith.constant 32 : i32
      %mul3A_31 = arith.muli %add3A_29, %mul3A_30 : i32
      %add3A_32 = arith.addi %mul3A_11, %mul3A_31 : i32
      "tpu.region"() ({
        %run_scoped3A = tpu.sem_alloc : memref<!tpu.dma_semaphore, #tpu.memory_space<semaphore_mem>>
        %dma_start3A_48 = tpu.memref_slice %arg2[%add3A_32] : memref<331776xi32, #tpu.memory_space<hbm>> -> memref<32xi32, #tpu.memory_space<hbm>>
        %dma_start3A_49 = tpu.memref_slice %arg2[%add3A_32] : memref<331776xi32, #tpu.memory_space<hbm>> -> memref<32xi32, #tpu.memory_space<hbm>>
        tpu.enqueue_dma source(%dma_start3A_49 : memref<32xi32, #tpu.memory_space<hbm>>) target(%arg7 : memref<32xi32, #tpu.memory_space<vmem>>) target_semaphore(%run_scoped3A : memref<!tpu.dma_semaphore, #tpu.memory_space<semaphore_mem>>)
        %dma_wait3A_50 = tpu.memref_slice %arg2[%add3A_32] : memref<331776xi32, #tpu.memory_space<hbm>> -> memref<32xi32, #tpu.memory_space<hbm>>
        %dma_wait3A_51 = tpu.memref_slice %arg2[%add3A_32] : memref<331776xi32, #tpu.memory_space<hbm>> -> memref<32xi32, #tpu.memory_space<hbm>>
        tpu.wait_dma2 semaphore(%run_scoped3A : memref<!tpu.dma_semaphore, #tpu.memory_space<semaphore_mem>>) src(%dma_wait3A_51 : memref<32xi32, #tpu.memory_space<hbm>>) dst(%arg7 : memref<32xi32, #tpu.memory_space<vmem>>)
        tpu.yield
      }) : () -> ()
      "tpu.region"() ({
        %run_scoped3A = tpu.sem_alloc : memref<!tpu.dma_semaphore, #tpu.memory_space<semaphore_mem>>
        %dma_start3A_48 = tpu.memref_slice %arg3[%add3A_32] : memref<331776xi32, #tpu.memory_space<hbm>> -> memref<32xi32, #tpu.memory_space<hbm>>
        %dma_start3A_49 = tpu.memref_slice %arg3[%add3A_32] : memref<331776xi32, #tpu.memory_space<hbm>> -> memref<32xi32, #tpu.memory_space<hbm>>
        tpu.enqueue_dma source(%dma_start3A_49 : memref<32xi32, #tpu.memory_space<hbm>>) target(%arg8 : memref<32xi32, #tpu.memory_space<vmem>>) target_semaphore(%run_scoped3A : memref<!tpu.dma_semaphore, #tpu.memory_space<semaphore_mem>>)
        %dma_wait3A_50 = tpu.memref_slice %arg3[%add3A_32] : memref<331776xi32, #tpu.memory_space<hbm>> -> memref<32xi32, #tpu.memory_space<hbm>>
        %dma_wait3A_51 = tpu.memref_slice %arg3[%add3A_32] : memref<331776xi32, #tpu.memory_space<hbm>> -> memref<32xi32, #tpu.memory_space<hbm>>
        tpu.wait_dma2 semaphore(%run_scoped3A : memref<!tpu.dma_semaphore, #tpu.memory_space<semaphore_mem>>) src(%dma_wait3A_51 : memref<32xi32, #tpu.memory_space<hbm>>) dst(%arg8 : memref<32xi32, #tpu.memory_space<vmem>>)
        tpu.yield
      }) : () -> ()
      %dma_start3A = arith.constant 0 : i32
      %dma_start3A_33 = arith.constant 0 : i32
      %dma_start3A_34 = tpu.memref_slice %arg4[%dma_start3A, %dma_start3A_33] : memref<10240x1152xf32, #tpu.memory_space<hbm>> -> memref<10240x1152xf32, #tpu.memory_space<hbm>>
      tpu.enqueue_indirect_dma source(%dma_start3A_34 : memref<10240x1152xf32, #tpu.memory_space<hbm>>) target(%arg9 : memref<32x1152xf32, #tpu.memory_space<vmem>>) offsets(%arg7 : memref<32xi32, #tpu.memory_space<vmem>>) semaphore(%arg15 : memref<!tpu.dma_semaphore, #tpu.memory_space<semaphore_mem>>)
      %dma_wait3A = arith.constant 0 : i32
      %dma_wait3A_35 = arith.constant 0 : i32
      %dma_wait3A_36 = tpu.memref_slice %arg4[%dma_wait3A, %dma_wait3A_35] : memref<10240x1152xf32, #tpu.memory_space<hbm>> -> memref<10240x1152xf32, #tpu.memory_space<hbm>>
      tpu.wait_indirect_dma semaphore(%arg15 : memref<!tpu.dma_semaphore, #tpu.memory_space<semaphore_mem>>) src(%dma_wait3A_36 : memref<10240x1152xf32, #tpu.memory_space<hbm>>) dst(%arg9 : memref<32x1152xf32, #tpu.memory_space<vmem>>)
      %dma_start3A_37 = arith.constant 0 : i32
      %dma_start3A_38 = arith.constant 0 : i32
      %dma_start3A_39 = tpu.memref_slice %arg5[%dma_start3A_37, %dma_start3A_38] : memref<10240x128xf32, #tpu.memory_space<hbm>> -> memref<10240x128xf32, #tpu.memory_space<hbm>>
      tpu.enqueue_indirect_dma source(%dma_start3A_39 : memref<10240x128xf32, #tpu.memory_space<hbm>>) target(%arg10 : memref<32x128xf32, #tpu.memory_space<vmem>>) offsets(%arg8 : memref<32xi32, #tpu.memory_space<vmem>>) semaphore(%arg15 : memref<!tpu.dma_semaphore, #tpu.memory_space<semaphore_mem>>)
      %dma_wait3A_40 = arith.constant 0 : i32
      %dma_wait3A_41 = arith.constant 0 : i32
      %dma_wait3A_42 = tpu.memref_slice %arg5[%dma_wait3A_40, %dma_wait3A_41] : memref<10240x128xf32, #tpu.memory_space<hbm>> -> memref<10240x128xf32, #tpu.memory_space<hbm>>
      tpu.wait_indirect_dma semaphore(%arg15 : memref<!tpu.dma_semaphore, #tpu.memory_space<semaphore_mem>>) src(%dma_wait3A_42 : memref<10240x128xf32, #tpu.memory_space<hbm>>) dst(%arg10 : memref<32x128xf32, #tpu.memory_space<vmem>>)
      %scan3A_43 = arith.constant 0 : i32
      %scan3A_44 = arith.constant 32 : i32
      %scan3A_45 = arith.addi %scan3A_43, %scan3A_44 : i32
      %scan3A_46 = arith.constant 1 : i32
      scf.for %scan3A_48 = %scan3A_43 to %scan3A_45 step %scan3A_46  : i32 {
        %mul3A_49 = arith.constant 1 : i32
        %mul3A_50 = arith.muli %scan3A_48, %mul3A_49 : i32
        %add3A_51 = arith.constant 0 : i32
        %add3A_52 = arith.addi %add3A_51, %mul3A_50 : i32
        %get3A = arith.index_cast %add3A_52 : i32 to index
        %get3A_53 = arith.constant 1024 : index
        %get3A_54 = tpu.vector_load %arg9[%get3A, %get3A_53] {strides = array<i32>} : memref<32x1152xf32, #tpu.memory_space<vmem>>, vector<16xf32>,
        %get3A_55 = arith.index_cast %add3A_52 : i32 to index
        %get3A_56 = arith.constant 0 : index
        %get3A_57 = tpu.vector_load %arg10[%get3A_55, %get3A_56] {strides = array<i32>} : memref<32x128xf32, #tpu.memory_space<vmem>>, vector<16xf32>,
        %add3A_58 = arith.addf %get3A_54, %get3A_57 : vector<16xf32>
        %mul3A_59 = arith.constant 2.000000e-01 : f32
        %mul3A_60 = vector.broadcast %mul3A_59 : f32 to vector<16xf32>
        %mul3A_61 = arith.mulf %mul3A_60, %add3A_58 : vector<16xf32>
        %max3A = arith.maximumf %add3A_58, %mul3A_61 : vector<16xf32>
        %exp3A = math.exp %max3A : vector<16xf32>
        %add3A_62 = arith.addi %add3A_32, %add3A_52 : i32
        %sub3A = arith.constant 330000 : i32
        %sub3A_63 = arith.subi %sub3A, %add3A_62 : i32
        %broadcast_in_dim3A = vector.broadcast %sub3A_63 : i32 to vector<16xi32>
        %jit3A = arith.constant 0 : i32
        %jit3A_64 = arith.constant 1 : i32
        %max3A_65 = vector.broadcast %jit3A : i32 to vector<16xi32>
        %max3A_66 = arith.maxsi %max3A_65, %broadcast_in_dim3A : vector<16xi32>
        %min3A = vector.broadcast %jit3A_64 : i32 to vector<16xi32>
        %min3A_67 = arith.minsi %min3A, %max3A_66 : vector<16xi32>
        %convert_element_type3A = arith.sitofp %min3A_67 : vector<16xi32> to vector<16xf32>
        %mul3A_68 = arith.mulf %exp3A, %convert_element_type3A : vector<16xf32>
        %get3A_69 = arith.index_cast %add3A_52 : i32 to index
        %get3A_70 = arith.constant 16 : index
        %get3A_71 = tpu.vector_load %arg10[%get3A_69, %get3A_70] {strides = array<i32>} : memref<32x128xf32, #tpu.memory_space<vmem>>, vector<16xf32>,
        %mul3A_72 = arith.mulf %mul3A_68, %get3A_71 : vector<16xf32>
        %swap3A = arith.constant 0 : index
        %swap3A_73 = tpu.vector_load %arg13[%swap3A] {strides = array<i32>} : memref<16xf32, #tpu.memory_space<vmem>>, vector<16xf32>,
        tpu.vector_store %arg13[%swap3A], %mul3A_72 {strides = array<i32>} : memref<16xf32, #tpu.memory_space<vmem>>, vector<16xf32>,
        %broadcast_in_dim3A_74 = arith.constant 8 : i32
        %broadcast_in_dim3A_75 = vector.broadcast %broadcast_in_dim3A_74 : i32 to vector<16xi32>
        %gather3A = tpu.vector_load_idx %arg13[%broadcast_in_dim3A_75] : memref<16xf32, #tpu.memory_space<vmem>>[vector<16xi32>], vector<16xf32>,
        %get3A_76 = arith.index_cast %add3A_52 : i32 to index
        %get3A_77 = arith.constant 0 : index
        %get3A_78 = tpu.vector_load %arg9[%get3A_76, %get3A_77] {strides = array<i32>} : memref<32x1152xf32, #tpu.memory_space<vmem>>, vector<16xf32>,
        %mul3A_79 = arith.mulf %gather3A, %get3A_78 : vector<16xf32>
        %swap3A_80 = arith.index_cast %add3A_52 : i32 to index
        %swap3A_81 = arith.constant 0 : index
        %swap3A_82 = tpu.vector_load %arg11[%swap3A_80, %swap3A_81] {strides = array<i32>} : memref<32x128xf32, #tpu.memory_space<vmem>>, vector<16xf32>,
        tpu.vector_store %arg11[%swap3A_80, %swap3A_81], %mul3A_79 {strides = array<i32>} : memref<32x128xf32, #tpu.memory_space<vmem>>, vector<16xf32>,
        %get3A_83 = arith.index_cast %add3A_52 : i32 to index
        %get3A_84 = arith.constant 16 : index
        %get3A_85 = tpu.vector_load %arg9[%get3A_83, %get3A_84] {strides = array<i32>} : memref<32x1152xf32, #tpu.memory_space<vmem>>, vector<16xf32>,
        %mul3A_86 = arith.mulf %gather3A, %get3A_85 : vector<16xf32>
        %swap3A_87 = arith.index_cast %add3A_52 : i32 to index
        %swap3A_88 = arith.constant 16 : index
        %swap3A_89 = tpu.vector_load %arg11[%swap3A_87, %swap3A_88] {strides = array<i32>} : memref<32x128xf32, #tpu.memory_space<vmem>>, vector<16xf32>,
        tpu.vector_store %arg11[%swap3A_87, %swap3A_88], %mul3A_86 {strides = array<i32>} : memref<32x128xf32, #tpu.memory_space<vmem>>, vector<16xf32>,
        %get3A_90 = arith.index_cast %add3A_52 : i32 to index
        %get3A_91 = arith.constant 32 : index
        %get3A_92 = tpu.vector_load %arg9[%get3A_90, %get3A_91] {strides = array<i32>} : memref<32x1152xf32, #tpu.memory_space<vmem>>, vector<16xf32>,
        %mul3A_93 = arith.mulf %gather3A, %get3A_92 : vector<16xf32>
        %swap3A_94 = arith.index_cast %add3A_52 : i32 to index
        %swap3A_95 = arith.constant 32 : index
        %swap3A_96 = tpu.vector_load %arg11[%swap3A_94, %swap3A_95] {strides = array<i32>} : memref<32x128xf32, #tpu.memory_space<vmem>>, vector<16xf32>,
        tpu.vector_store %arg11[%swap3A_94, %swap3A_95], %mul3A_93 {strides = array<i32>} : memref<32x128xf32, #tpu.memory_space<vmem>>, vector<16xf32>,
        %get3A_97 = arith.index_cast %add3A_52 : i32 to index
        %get3A_98 = arith.constant 48 : index
        %get3A_99 = tpu.vector_load %arg9[%get3A_97, %get3A_98] {strides = array<i32>} : memref<32x1152xf32, #tpu.memory_space<vmem>>, vector<16xf32>,
        %mul3A_100 = arith.mulf %gather3A, %get3A_99 : vector<16xf32>
        %swap3A_101 = arith.index_cast %add3A_52 : i32 to index
        %swap3A_102 = arith.constant 48 : index
        %swap3A_103 = tpu.vector_load %arg11[%swap3A_101, %swap3A_102] {strides = array<i32>} : memref<32x128xf32, #tpu.memory_space<vmem>>, vector<16xf32>,
        tpu.vector_store %arg11[%swap3A_101, %swap3A_102], %mul3A_100 {strides = array<i32>} : memref<32x128xf32, #tpu.memory_space<vmem>>, vector<16xf32>,
        %get3A_104 = arith.index_cast %add3A_52 : i32 to index
        %get3A_105 = arith.constant 64 : index
        %get3A_106 = tpu.vector_load %arg9[%get3A_104, %get3A_105] {strides = array<i32>} : memref<32x1152xf32, #tpu.memory_space<vmem>>, vector<16xf32>,
        %mul3A_107 = arith.mulf %gather3A, %get3A_106 : vector<16xf32>
        %swap3A_108 = arith.index_cast %add3A_52 : i32 to index
        %swap3A_109 = arith.constant 64 : index
        %swap3A_110 = tpu.vector_load %arg11[%swap3A_108, %swap3A_109] {strides = array<i32>} : memref<32x128xf32, #tpu.memory_space<vmem>>, vector<16xf32>,
        tpu.vector_store %arg11[%swap3A_108, %swap3A_109], %mul3A_107 {strides = array<i32>} : memref<32x128xf32, #tpu.memory_space<vmem>>, vector<16xf32>,
        %get3A_111 = arith.index_cast %add3A_52 : i32 to index
        %get3A_112 = arith.constant 80 : index
        %get3A_113 = tpu.vector_load %arg9[%get3A_111, %get3A_112] {strides = array<i32>} : memref<32x1152xf32, #tpu.memory_space<vmem>>, vector<16xf32>,
        %mul3A_114 = arith.mulf %gather3A, %get3A_113 : vector<16xf32>
        %swap3A_115 = arith.index_cast %add3A_52 : i32 to index
        %swap3A_116 = arith.constant 80 : index
        %swap3A_117 = tpu.vector_load %arg11[%swap3A_115, %swap3A_116] {strides = array<i32>} : memref<32x128xf32, #tpu.memory_space<vmem>>, vector<16xf32>,
        tpu.vector_store %arg11[%swap3A_115, %swap3A_116], %mul3A_114 {strides = array<i32>} : memref<32x128xf32, #tpu.memory_space<vmem>>, vector<16xf32>,
        %get3A_118 = arith.index_cast %add3A_52 : i32 to index
        %get3A_119 = arith.constant 96 : index
        %get3A_120 = tpu.vector_load %arg9[%get3A_118, %get3A_119] {strides = array<i32>} : memref<32x1152xf32, #tpu.memory_space<vmem>>, vector<16xf32>,
        %mul3A_121 = arith.mulf %gather3A, %get3A_120 : vector<16xf32>
        %swap3A_122 = arith.index_cast %add3A_52 : i32 to index
        %swap3A_123 = arith.constant 96 : index
        %swap3A_124 = tpu.vector_load %arg11[%swap3A_122, %swap3A_123] {strides = array<i32>} : memref<32x128xf32, #tpu.memory_space<vmem>>, vector<16xf32>,
        tpu.vector_store %arg11[%swap3A_122, %swap3A_123], %mul3A_121 {strides = array<i32>} : memref<32x128xf32, #tpu.memory_space<vmem>>, vector<16xf32>,
        %get3A_125 = arith.index_cast %add3A_52 : i32 to index
        %get3A_126 = arith.constant 112 : index
        %get3A_127 = tpu.vector_load %arg9[%get3A_125, %get3A_126] {strides = array<i32>} : memref<32x1152xf32, #tpu.memory_space<vmem>>, vector<16xf32>,
        %mul3A_128 = arith.mulf %gather3A, %get3A_127 : vector<16xf32>
        %swap3A_129 = arith.index_cast %add3A_52 : i32 to index
        %swap3A_130 = arith.constant 112 : index
        %swap3A_131 = tpu.vector_load %arg11[%swap3A_129, %swap3A_130] {strides = array<i32>} : memref<32x128xf32, #tpu.memory_space<vmem>>, vector<16xf32>,
        tpu.vector_store %arg11[%swap3A_129, %swap3A_130], %mul3A_128 {strides = array<i32>} : memref<32x128xf32, #tpu.memory_space<vmem>>, vector<16xf32>,
        %broadcast_in_dim3A_132 = arith.constant 9 : i32
        %broadcast_in_dim3A_133 = vector.broadcast %broadcast_in_dim3A_132 : i32 to vector<16xi32>
        %gather3A_134 = tpu.vector_load_idx %arg13[%broadcast_in_dim3A_133] : memref<16xf32, #tpu.memory_space<vmem>>[vector<16xi32>], vector<16xf32>,
        %get3A_135 = arith.index_cast %add3A_52 : i32 to index
        %get3A_136 = arith.constant 128 : index
        %get3A_137 = tpu.vector_load %arg9[%get3A_135, %get3A_136] {strides = array<i32>} : memref<32x1152xf32, #tpu.memory_space<vmem>>, vector<16xf32>,
        %get3A_138 = arith.index_cast %add3A_52 : i32 to index
        %get3A_139 = arith.constant 0 : index
        %get3A_140 = tpu.vector_load %arg11[%get3A_138, %get3A_139] {strides = array<i32>} : memref<32x128xf32, #tpu.memory_space<vmem>>, vector<16xf32>,
        %mul3A_141 = arith.mulf %gather3A_134, %get3A_137 : vector<16xf32>
        %add3A_142 = arith.addf %get3A_140, %mul3A_141 : vector<16xf32>
        %swap3A_143 = arith.index_cast %add3A_52 : i32 to index
        %swap3A_144 = arith.constant 0 : index
        %swap3A_145 = tpu.vector_load %arg11[%swap3A_143, %swap3A_144] {strides = array<i32>} : memref<32x128xf32, #tpu.memory_space<vmem>>, vector<16xf32>,
        tpu.vector_store %arg11[%swap3A_143, %swap3A_144], %add3A_142 {strides = array<i32>} : memref<32x128xf32, #tpu.memory_space<vmem>>, vector<16xf32>,
        %get3A_146 = arith.index_cast %add3A_52 : i32 to index
        %get3A_147 = arith.constant 144 : index
        %get3A_148 = tpu.vector_load %arg9[%get3A_146, %get3A_147] {strides = array<i32>} : memref<32x1152xf32, #tpu.memory_space<vmem>>, vector<16xf32>,
        %get3A_149 = arith.index_cast %add3A_52 : i32 to index
        %get3A_150 = arith.constant 16 : index
        %get3A_151 = tpu.vector_load %arg11[%get3A_149, %get3A_150] {strides = array<i32>} : memref<32x128xf32, #tpu.memory_space<vmem>>, vector<16xf32>,
        %mul3A_152 = arith.mulf %gather3A_134, %get3A_148 : vector<16xf32>
        %add3A_153 = arith.addf %get3A_151, %mul3A_152 : vector<16xf32>
        %swap3A_154 = arith.index_cast %add3A_52 : i32 to index
        %swap3A_155 = arith.constant 16 : index
        %swap3A_156 = tpu.vector_load %arg11[%swap3A_154, %swap3A_155] {strides = array<i32>} : memref<32x128xf32, #tpu.memory_space<vmem>>, vector<16xf32>,
        tpu.vector_store %arg11[%swap3A_154, %swap3A_155], %add3A_153 {strides = array<i32>} : memref<32x128xf32, #tpu.memory_space<vmem>>, vector<16xf32>,
        %get3A_157 = arith.index_cast %add3A_52 : i32 to index
        %get3A_158 = arith.constant 160 : index
        %get3A_159 = tpu.vector_load %arg9[%get3A_157, %get3A_158] {strides = array<i32>} : memref<32x1152xf32, #tpu.memory_space<vmem>>, vector<16xf32>,
        %get3A_160 = arith.index_cast %add3A_52 : i32 to index
        %get3A_161 = arith.constant 32 : index
        %get3A_162 = tpu.vector_load %arg11[%get3A_160, %get3A_161] {strides = array<i32>} : memref<32x128xf32, #tpu.memory_space<vmem>>, vector<16xf32>,
        %mul3A_163 = arith.mulf %gather3A_134, %get3A_159 : vector<16xf32>
        %add3A_164 = arith.addf %get3A_162, %mul3A_163 : vector<16xf32>
        %swap3A_165 = arith.index_cast %add3A_52 : i32 to index
        %swap3A_166 = arith.constant 32 : index
        %swap3A_167 = tpu.vector_load %arg11[%swap3A_165, %swap3A_166] {strides = array<i32>} : memref<32x128xf32, #tpu.memory_space<vmem>>, vector<16xf32>,
        tpu.vector_store %arg11[%swap3A_165, %swap3A_166], %add3A_164 {strides = array<i32>} : memref<32x128xf32, #tpu.memory_space<vmem>>, vector<16xf32>,
        %get3A_168 = arith.index_cast %add3A_52 : i32 to index
        %get3A_169 = arith.constant 176 : index
        %get3A_170 = tpu.vector_load %arg9[%get3A_168, %get3A_169] {strides = array<i32>} : memref<32x1152xf32, #tpu.memory_space<vmem>>, vector<16xf32>,
        %get3A_171 = arith.index_cast %add3A_52 : i32 to index
        %get3A_172 = arith.constant 48 : index
        %get3A_173 = tpu.vector_load %arg11[%get3A_171, %get3A_172] {strides = array<i32>} : memref<32x128xf32, #tpu.memory_space<vmem>>, vector<16xf32>,
        %mul3A_174 = arith.mulf %gather3A_134, %get3A_170 : vector<16xf32>
        %add3A_175 = arith.addf %get3A_173, %mul3A_174 : vector<16xf32>
        %swap3A_176 = arith.index_cast %add3A_52 : i32 to index
        %swap3A_177 = arith.constant 48 : index
        %swap3A_178 = tpu.vector_load %arg11[%swap3A_176, %swap3A_177] {strides = array<i32>} : memref<32x128xf32, #tpu.memory_space<vmem>>, vector<16xf32>,
        tpu.vector_store %arg11[%swap3A_176, %swap3A_177], %add3A_175 {strides = array<i32>} : memref<32x128xf32, #tpu.memory_space<vmem>>, vector<16xf32>,
        %get3A_179 = arith.index_cast %add3A_52 : i32 to index
        %get3A_180 = arith.constant 192 : index
        %get3A_181 = tpu.vector_load %arg9[%get3A_179, %get3A_180] {strides = array<i32>} : memref<32x1152xf32, #tpu.memory_space<vmem>>, vector<16xf32>,
        %get3A_182 = arith.index_cast %add3A_52 : i32 to index
        %get3A_183 = arith.constant 64 : index
        %get3A_184 = tpu.vector_load %arg11[%get3A_182, %get3A_183] {strides = array<i32>} : memref<32x128xf32, #tpu.memory_space<vmem>>, vector<16xf32>,
        %mul3A_185 = arith.mulf %gather3A_134, %get3A_181 : vector<16xf32>
        %add3A_186 = arith.addf %get3A_184, %mul3A_185 : vector<16xf32>
        %swap3A_187 = arith.index_cast %add3A_52 : i32 to index
        %swap3A_188 = arith.constant 64 : index
        %swap3A_189 = tpu.vector_load %arg11[%swap3A_187, %swap3A_188] {strides = array<i32>} : memref<32x128xf32, #tpu.memory_space<vmem>>, vector<16xf32>,
        tpu.vector_store %arg11[%swap3A_187, %swap3A_188], %add3A_186 {strides = array<i32>} : memref<32x128xf32, #tpu.memory_space<vmem>>, vector<16xf32>,
        %get3A_190 = arith.index_cast %add3A_52 : i32 to index
        %get3A_191 = arith.constant 208 : index
        %get3A_192 = tpu.vector_load %arg9[%get3A_190, %get3A_191] {strides = array<i32>} : memref<32x1152xf32, #tpu.memory_space<vmem>>, vector<16xf32>,
        %get3A_193 = arith.index_cast %add3A_52 : i32 to index
        %get3A_194 = arith.constant 80 : index
        %get3A_195 = tpu.vector_load %arg11[%get3A_193, %get3A_194] {strides = array<i32>} : memref<32x128xf32, #tpu.memory_space<vmem>>, vector<16xf32>,
        %mul3A_196 = arith.mulf %gather3A_134, %get3A_192 : vector<16xf32>
        %add3A_197 = arith.addf %get3A_195, %mul3A_196 : vector<16xf32>
        %swap3A_198 = arith.index_cast %add3A_52 : i32 to index
        %swap3A_199 = arith.constant 80 : index
        %swap3A_200 = tpu.vector_load %arg11[%swap3A_198, %swap3A_199] {strides = array<i32>} : memref<32x128xf32, #tpu.memory_space<vmem>>, vector<16xf32>,
        tpu.vector_store %arg11[%swap3A_198, %swap3A_199], %add3A_197 {strides = array<i32>} : memref<32x128xf32, #tpu.memory_space<vmem>>, vector<16xf32>,
        %get3A_201 = arith.index_cast %add3A_52 : i32 to index
        %get3A_202 = arith.constant 224 : index
        %get3A_203 = tpu.vector_load %arg9[%get3A_201, %get3A_202] {strides = array<i32>} : memref<32x1152xf32, #tpu.memory_space<vmem>>, vector<16xf32>,
        %get3A_204 = arith.index_cast %add3A_52 : i32 to index
        %get3A_205 = arith.constant 96 : index
        %get3A_206 = tpu.vector_load %arg11[%get3A_204, %get3A_205] {strides = array<i32>} : memref<32x128xf32, #tpu.memory_space<vmem>>, vector<16xf32>,
        %mul3A_207 = arith.mulf %gather3A_134, %get3A_203 : vector<16xf32>
        %add3A_208 = arith.addf %get3A_206, %mul3A_207 : vector<16xf32>
        %swap3A_209 = arith.index_cast %add3A_52 : i32 to index
        %swap3A_210 = arith.constant 96 : index
        %swap3A_211 = tpu.vector_load %arg11[%swap3A_209, %swap3A_210] {strides = array<i32>} : memref<32x128xf32, #tpu.memory_space<vmem>>, vector<16xf32>,
        tpu.vector_store %arg11[%swap3A_209, %swap3A_210], %add3A_208 {strides = array<i32>} : memref<32x128xf32, #tpu.memory_space<vmem>>, vector<16xf32>,
        %get3A_212 = arith.index_cast %add3A_52 : i32 to index
        %get3A_213 = arith.constant 240 : index
        %get3A_214 = tpu.vector_load %arg9[%get3A_212, %get3A_213] {strides = array<i32>} : memref<32x1152xf32, #tpu.memory_space<vmem>>, vector<16xf32>,
        %get3A_215 = arith.index_cast %add3A_52 : i32 to index
        %get3A_216 = arith.constant 112 : index
        %get3A_217 = tpu.vector_load %arg11[%get3A_215, %get3A_216] {strides = array<i32>} : memref<32x128xf32, #tpu.memory_space<vmem>>, vector<16xf32>,
        %mul3A_218 = arith.mulf %gather3A_134, %get3A_214 : vector<16xf32>
        %add3A_219 = arith.addf %get3A_217, %mul3A_218 : vector<16xf32>
        %swap3A_220 = arith.index_cast %add3A_52 : i32 to index
        %swap3A_221 = arith.constant 112 : index
        %swap3A_222 = tpu.vector_load %arg11[%swap3A_220, %swap3A_221] {strides = array<i32>} : memref<32x128xf32, #tpu.memory_space<vmem>>, vector<16xf32>,
        tpu.vector_store %arg11[%swap3A_220, %swap3A_221], %add3A_219 {strides = array<i32>} : memref<32x128xf32, #tpu.memory_space<vmem>>, vector<16xf32>,
        %broadcast_in_dim3A_223 = arith.constant 10 : i32
        %broadcast_in_dim3A_224 = vector.broadcast %broadcast_in_dim3A_223 : i32 to vector<16xi32>
        %gather3A_225 = tpu.vector_load_idx %arg13[%broadcast_in_dim3A_224] : memref<16xf32, #tpu.memory_space<vmem>>[vector<16xi32>], vector<16xf32>,
        %get3A_226 = arith.index_cast %add3A_52 : i32 to index
        %get3A_227 = arith.constant 256 : index
        %get3A_228 = tpu.vector_load %arg9[%get3A_226, %get3A_227] {strides = array<i32>} : memref<32x1152xf32, #tpu.memory_space<vmem>>, vector<16xf32>,
        %get3A_229 = arith.index_cast %add3A_52 : i32 to index
        %get3A_230 = arith.constant 0 : index
        %get3A_231 = tpu.vector_load %arg11[%get3A_229, %get3A_230] {strides = array<i32>} : memref<32x128xf32, #tpu.memory_space<vmem>>, vector<16xf32>,
        %mul3A_232 = arith.mulf %gather3A_225, %get3A_228 : vector<16xf32>
        %add3A_233 = arith.addf %get3A_231, %mul3A_232 : vector<16xf32>
        %swap3A_234 = arith.index_cast %add3A_52 : i32 to index
        %swap3A_235 = arith.constant 0 : index
        %swap3A_236 = tpu.vector_load %arg11[%swap3A_234, %swap3A_235] {strides = array<i32>} : memref<32x128xf32, #tpu.memory_space<vmem>>, vector<16xf32>,
        tpu.vector_store %arg11[%swap3A_234, %swap3A_235], %add3A_233 {strides = array<i32>} : memref<32x128xf32, #tpu.memory_space<vmem>>, vector<16xf32>,
        %get3A_237 = arith.index_cast %add3A_52 : i32 to index
        %get3A_238 = arith.constant 272 : index
        %get3A_239 = tpu.vector_load %arg9[%get3A_237, %get3A_238] {strides = array<i32>} : memref<32x1152xf32, #tpu.memory_space<vmem>>, vector<16xf32>,
        %get3A_240 = arith.index_cast %add3A_52 : i32 to index
        %get3A_241 = arith.constant 16 : index
        %get3A_242 = tpu.vector_load %arg11[%get3A_240, %get3A_241] {strides = array<i32>} : memref<32x128xf32, #tpu.memory_space<vmem>>, vector<16xf32>,
        %mul3A_243 = arith.mulf %gather3A_225, %get3A_239 : vector<16xf32>
        %add3A_244 = arith.addf %get3A_242, %mul3A_243 : vector<16xf32>
        %swap3A_245 = arith.index_cast %add3A_52 : i32 to index
        %swap3A_246 = arith.constant 16 : index
        %swap3A_247 = tpu.vector_load %arg11[%swap3A_245, %swap3A_246] {strides = array<i32>} : memref<32x128xf32, #tpu.memory_space<vmem>>, vector<16xf32>,
        tpu.vector_store %arg11[%swap3A_245, %swap3A_246], %add3A_244 {strides = array<i32>} : memref<32x128xf32, #tpu.memory_space<vmem>>, vector<16xf32>,
        %get3A_248 = arith.index_cast %add3A_52 : i32 to index
        %get3A_249 = arith.constant 288 : index
        %get3A_250 = tpu.vector_load %arg9[%get3A_248, %get3A_249] {strides = array<i32>} : memref<32x1152xf32, #tpu.memory_space<vmem>>, vector<16xf32>,
        %get3A_251 = arith.index_cast %add3A_52 : i32 to index
        %get3A_252 = arith.constant 32 : index
        %get3A_253 = tpu.vector_load %arg11[%get3A_251, %get3A_252] {strides = array<i32>} : memref<32x128xf32, #tpu.memory_space<vmem>>, vector<16xf32>,
        %mul3A_254 = arith.mulf %gather3A_225, %get3A_250 : vector<16xf32>
        %add3A_255 = arith.addf %get3A_253, %mul3A_254 : vector<16xf32>
        %swap3A_256 = arith.index_cast %add3A_52 : i32 to index
        %swap3A_257 = arith.constant 32 : index
        %swap3A_258 = tpu.vector_load %arg11[%swap3A_256, %swap3A_257] {strides = array<i32>} : memref<32x128xf32, #tpu.memory_space<vmem>>, vector<16xf32>,
        tpu.vector_store %arg11[%swap3A_256, %swap3A_257], %add3A_255 {strides = array<i32>} : memref<32x128xf32, #tpu.memory_space<vmem>>, vector<16xf32>,
        %get3A_259 = arith.index_cast %add3A_52 : i32 to index
        %get3A_260 = arith.constant 304 : index
        %get3A_261 = tpu.vector_load %arg9[%get3A_259, %get3A_260] {strides = array<i32>} : memref<32x1152xf32, #tpu.memory_space<vmem>>, vector<16xf32>,
        %get3A_262 = arith.index_cast %add3A_52 : i32 to index
        %get3A_263 = arith.constant 48 : index
        %get3A_264 = tpu.vector_load %arg11[%get3A_262, %get3A_263] {strides = array<i32>} : memref<32x128xf32, #tpu.memory_space<vmem>>, vector<16xf32>,
        %mul3A_265 = arith.mulf %gather3A_225, %get3A_261 : vector<16xf32>
        %add3A_266 = arith.addf %get3A_264, %mul3A_265 : vector<16xf32>
        %swap3A_267 = arith.index_cast %add3A_52 : i32 to index
        %swap3A_268 = arith.constant 48 : index
        %swap3A_269 = tpu.vector_load %arg11[%swap3A_267, %swap3A_268] {strides = array<i32>} : memref<32x128xf32, #tpu.memory_space<vmem>>, vector<16xf32>,
        tpu.vector_store %arg11[%swap3A_267, %swap3A_268], %add3A_266 {strides = array<i32>} : memref<32x128xf32, #tpu.memory_space<vmem>>, vector<16xf32>,
        %get3A_270 = arith.index_cast %add3A_52 : i32 to index
        %get3A_271 = arith.constant 320 : index
        %get3A_272 = tpu.vector_load %arg9[%get3A_270, %get3A_271] {strides = array<i32>} : memref<32x1152xf32, #tpu.memory_space<vmem>>, vector<16xf32>,
        %get3A_273 = arith.index_cast %add3A_52 : i32 to index
        %get3A_274 = arith.constant 64 : index
        %get3A_275 = tpu.vector_load %arg11[%get3A_273, %get3A_274] {strides = array<i32>} : memref<32x128xf32, #tpu.memory_space<vmem>>, vector<16xf32>,
        %mul3A_276 = arith.mulf %gather3A_225, %get3A_272 : vector<16xf32>
        %add3A_277 = arith.addf %get3A_275, %mul3A_276 : vector<16xf32>
        %swap3A_278 = arith.index_cast %add3A_52 : i32 to index
        %swap3A_279 = arith.constant 64 : index
        %swap3A_280 = tpu.vector_load %arg11[%swap3A_278, %swap3A_279] {strides = array<i32>} : memref<32x128xf32, #tpu.memory_space<vmem>>, vector<16xf32>,
        tpu.vector_store %arg11[%swap3A_278, %swap3A_279], %add3A_277 {strides = array<i32>} : memref<32x128xf32, #tpu.memory_space<vmem>>, vector<16xf32>,
        %get3A_281 = arith.index_cast %add3A_52 : i32 to index
        %get3A_282 = arith.constant 336 : index
        %get3A_283 = tpu.vector_load %arg9[%get3A_281, %get3A_282] {strides = array<i32>} : memref<32x1152xf32, #tpu.memory_space<vmem>>, vector<16xf32>,
        %get3A_284 = arith.index_cast %add3A_52 : i32 to index
        %get3A_285 = arith.constant 80 : index
        %get3A_286 = tpu.vector_load %arg11[%get3A_284, %get3A_285] {strides = array<i32>} : memref<32x128xf32, #tpu.memory_space<vmem>>, vector<16xf32>,
        %mul3A_287 = arith.mulf %gather3A_225, %get3A_283 : vector<16xf32>
        %add3A_288 = arith.addf %get3A_286, %mul3A_287 : vector<16xf32>
        %swap3A_289 = arith.index_cast %add3A_52 : i32 to index
        %swap3A_290 = arith.constant 80 : index
        %swap3A_291 = tpu.vector_load %arg11[%swap3A_289, %swap3A_290] {strides = array<i32>} : memref<32x128xf32, #tpu.memory_space<vmem>>, vector<16xf32>,
        tpu.vector_store %arg11[%swap3A_289, %swap3A_290], %add3A_288 {strides = array<i32>} : memref<32x128xf32, #tpu.memory_space<vmem>>, vector<16xf32>,
        %get3A_292 = arith.index_cast %add3A_52 : i32 to index
        %get3A_293 = arith.constant 352 : index
        %get3A_294 = tpu.vector_load %arg9[%get3A_292, %get3A_293] {strides = array<i32>} : memref<32x1152xf32, #tpu.memory_space<vmem>>, vector<16xf32>,
        %get3A_295 = arith.index_cast %add3A_52 : i32 to index
        %get3A_296 = arith.constant 96 : index
        %get3A_297 = tpu.vector_load %arg11[%get3A_295, %get3A_296] {strides = array<i32>} : memref<32x128xf32, #tpu.memory_space<vmem>>, vector<16xf32>,
        %mul3A_298 = arith.mulf %gather3A_225, %get3A_294 : vector<16xf32>
        %add3A_299 = arith.addf %get3A_297, %mul3A_298 : vector<16xf32>
        %swap3A_300 = arith.index_cast %add3A_52 : i32 to index
        %swap3A_301 = arith.constant 96 : index
        %swap3A_302 = tpu.vector_load %arg11[%swap3A_300, %swap3A_301] {strides = array<i32>} : memref<32x128xf32, #tpu.memory_space<vmem>>, vector<16xf32>,
        tpu.vector_store %arg11[%swap3A_300, %swap3A_301], %add3A_299 {strides = array<i32>} : memref<32x128xf32, #tpu.memory_space<vmem>>, vector<16xf32>,
        %get3A_303 = arith.index_cast %add3A_52 : i32 to index
        %get3A_304 = arith.constant 368 : index
        %get3A_305 = tpu.vector_load %arg9[%get3A_303, %get3A_304] {strides = array<i32>} : memref<32x1152xf32, #tpu.memory_space<vmem>>, vector<16xf32>,
        %get3A_306 = arith.index_cast %add3A_52 : i32 to index
        %get3A_307 = arith.constant 112 : index
        %get3A_308 = tpu.vector_load %arg11[%get3A_306, %get3A_307] {strides = array<i32>} : memref<32x128xf32, #tpu.memory_space<vmem>>, vector<16xf32>,
        %mul3A_309 = arith.mulf %gather3A_225, %get3A_305 : vector<16xf32>
        %add3A_310 = arith.addf %get3A_308, %mul3A_309 : vector<16xf32>
        %swap3A_311 = arith.index_cast %add3A_52 : i32 to index
        %swap3A_312 = arith.constant 112 : index
        %swap3A_313 = tpu.vector_load %arg11[%swap3A_311, %swap3A_312] {strides = array<i32>} : memref<32x128xf32, #tpu.memory_space<vmem>>, vector<16xf32>,
        tpu.vector_store %arg11[%swap3A_311, %swap3A_312], %add3A_310 {strides = array<i32>} : memref<32x128xf32, #tpu.memory_space<vmem>>, vector<16xf32>,
        %broadcast_in_dim3A_314 = arith.constant 11 : i32
        %broadcast_in_dim3A_315 = vector.broadcast %broadcast_in_dim3A_314 : i32 to vector<16xi32>
        %gather3A_316 = tpu.vector_load_idx %arg13[%broadcast_in_dim3A_315] : memref<16xf32, #tpu.memory_space<vmem>>[vector<16xi32>], vector<16xf32>,
        %get3A_317 = arith.index_cast %add3A_52 : i32 to index
        %get3A_318 = arith.constant 384 : index
        %get3A_319 = tpu.vector_load %arg9[%get3A_317, %get3A_318] {strides = array<i32>} : memref<32x1152xf32, #tpu.memory_space<vmem>>, vector<16xf32>,
        %get3A_320 = arith.index_cast %add3A_52 : i32 to index
        %get3A_321 = arith.constant 0 : index
        %get3A_322 = tpu.vector_load %arg11[%get3A_320, %get3A_321] {strides = array<i32>} : memref<32x128xf32, #tpu.memory_space<vmem>>, vector<16xf32>,
        %mul3A_323 = arith.mulf %gather3A_316, %get3A_319 : vector<16xf32>
        %add3A_324 = arith.addf %get3A_322, %mul3A_323 : vector<16xf32>
        %swap3A_325 = arith.index_cast %add3A_52 : i32 to index
        %swap3A_326 = arith.constant 0 : index
        %swap3A_327 = tpu.vector_load %arg11[%swap3A_325, %swap3A_326] {strides = array<i32>} : memref<32x128xf32, #tpu.memory_space<vmem>>, vector<16xf32>,
        tpu.vector_store %arg11[%swap3A_325, %swap3A_326], %add3A_324 {strides = array<i32>} : memref<32x128xf32, #tpu.memory_space<vmem>>, vector<16xf32>,
        %get3A_328 = arith.index_cast %add3A_52 : i32 to index
        %get3A_329 = arith.constant 400 : index
        %get3A_330 = tpu.vector_load %arg9[%get3A_328, %get3A_329] {strides = array<i32>} : memref<32x1152xf32, #tpu.memory_space<vmem>>, vector<16xf32>,
        %get3A_331 = arith.index_cast %add3A_52 : i32 to index
        %get3A_332 = arith.constant 16 : index
        %get3A_333 = tpu.vector_load %arg11[%get3A_331, %get3A_332] {strides = array<i32>} : memref<32x128xf32, #tpu.memory_space<vmem>>, vector<16xf32>,
        %mul3A_334 = arith.mulf %gather3A_316, %get3A_330 : vector<16xf32>
        %add3A_335 = arith.addf %get3A_333, %mul3A_334 : vector<16xf32>
        %swap3A_336 = arith.index_cast %add3A_52 : i32 to index
        %swap3A_337 = arith.constant 16 : index
        %swap3A_338 = tpu.vector_load %arg11[%swap3A_336, %swap3A_337] {strides = array<i32>} : memref<32x128xf32, #tpu.memory_space<vmem>>, vector<16xf32>,
        tpu.vector_store %arg11[%swap3A_336, %swap3A_337], %add3A_335 {strides = array<i32>} : memref<32x128xf32, #tpu.memory_space<vmem>>, vector<16xf32>,
        %get3A_339 = arith.index_cast %add3A_52 : i32 to index
        %get3A_340 = arith.constant 416 : index
        %get3A_341 = tpu.vector_load %arg9[%get3A_339, %get3A_340] {strides = array<i32>} : memref<32x1152xf32, #tpu.memory_space<vmem>>, vector<16xf32>,
        %get3A_342 = arith.index_cast %add3A_52 : i32 to index
        %get3A_343 = arith.constant 32 : index
        %get3A_344 = tpu.vector_load %arg11[%get3A_342, %get3A_343] {strides = array<i32>} : memref<32x128xf32, #tpu.memory_space<vmem>>, vector<16xf32>,
        %mul3A_345 = arith.mulf %gather3A_316, %get3A_341 : vector<16xf32>
        %add3A_346 = arith.addf %get3A_344, %mul3A_345 : vector<16xf32>
        %swap3A_347 = arith.index_cast %add3A_52 : i32 to index
        %swap3A_348 = arith.constant 32 : index
        %swap3A_349 = tpu.vector_load %arg11[%swap3A_347, %swap3A_348] {strides = array<i32>} : memref<32x128xf32, #tpu.memory_space<vmem>>, vector<16xf32>,
        tpu.vector_store %arg11[%swap3A_347, %swap3A_348], %add3A_346 {strides = array<i32>} : memref<32x128xf32, #tpu.memory_space<vmem>>, vector<16xf32>,
        %get3A_350 = arith.index_cast %add3A_52 : i32 to index
        %get3A_351 = arith.constant 432 : index
        %get3A_352 = tpu.vector_load %arg9[%get3A_350, %get3A_351] {strides = array<i32>} : memref<32x1152xf32, #tpu.memory_space<vmem>>, vector<16xf32>,
        %get3A_353 = arith.index_cast %add3A_52 : i32 to index
        %get3A_354 = arith.constant 48 : index
        %get3A_355 = tpu.vector_load %arg11[%get3A_353, %get3A_354] {strides = array<i32>} : memref<32x128xf32, #tpu.memory_space<vmem>>, vector<16xf32>,
        %mul3A_356 = arith.mulf %gather3A_316, %get3A_352 : vector<16xf32>
        %add3A_357 = arith.addf %get3A_355, %mul3A_356 : vector<16xf32>
        %swap3A_358 = arith.index_cast %add3A_52 : i32 to index
        %swap3A_359 = arith.constant 48 : index
        %swap3A_360 = tpu.vector_load %arg11[%swap3A_358, %swap3A_359] {strides = array<i32>} : memref<32x128xf32, #tpu.memory_space<vmem>>, vector<16xf32>,
        tpu.vector_store %arg11[%swap3A_358, %swap3A_359], %add3A_357 {strides = array<i32>} : memref<32x128xf32, #tpu.memory_space<vmem>>, vector<16xf32>,
        %get3A_361 = arith.index_cast %add3A_52 : i32 to index
        %get3A_362 = arith.constant 448 : index
        %get3A_363 = tpu.vector_load %arg9[%get3A_361, %get3A_362] {strides = array<i32>} : memref<32x1152xf32, #tpu.memory_space<vmem>>, vector<16xf32>,
        %get3A_364 = arith.index_cast %add3A_52 : i32 to index
        %get3A_365 = arith.constant 64 : index
        %get3A_366 = tpu.vector_load %arg11[%get3A_364, %get3A_365] {strides = array<i32>} : memref<32x128xf32, #tpu.memory_space<vmem>>, vector<16xf32>,
        %mul3A_367 = arith.mulf %gather3A_316, %get3A_363 : vector<16xf32>
        %add3A_368 = arith.addf %get3A_366, %mul3A_367 : vector<16xf32>
        %swap3A_369 = arith.index_cast %add3A_52 : i32 to index
        %swap3A_370 = arith.constant 64 : index
        %swap3A_371 = tpu.vector_load %arg11[%swap3A_369, %swap3A_370] {strides = array<i32>} : memref<32x128xf32, #tpu.memory_space<vmem>>, vector<16xf32>,
        tpu.vector_store %arg11[%swap3A_369, %swap3A_370], %add3A_368 {strides = array<i32>} : memref<32x128xf32, #tpu.memory_space<vmem>>, vector<16xf32>,
        %get3A_372 = arith.index_cast %add3A_52 : i32 to index
        %get3A_373 = arith.constant 464 : index
        %get3A_374 = tpu.vector_load %arg9[%get3A_372, %get3A_373] {strides = array<i32>} : memref<32x1152xf32, #tpu.memory_space<vmem>>, vector<16xf32>,
        %get3A_375 = arith.index_cast %add3A_52 : i32 to index
        %get3A_376 = arith.constant 80 : index
        %get3A_377 = tpu.vector_load %arg11[%get3A_375, %get3A_376] {strides = array<i32>} : memref<32x128xf32, #tpu.memory_space<vmem>>, vector<16xf32>,
        %mul3A_378 = arith.mulf %gather3A_316, %get3A_374 : vector<16xf32>
        %add3A_379 = arith.addf %get3A_377, %mul3A_378 : vector<16xf32>
        %swap3A_380 = arith.index_cast %add3A_52 : i32 to index
        %swap3A_381 = arith.constant 80 : index
        %swap3A_382 = tpu.vector_load %arg11[%swap3A_380, %swap3A_381] {strides = array<i32>} : memref<32x128xf32, #tpu.memory_space<vmem>>, vector<16xf32>,
        tpu.vector_store %arg11[%swap3A_380, %swap3A_381], %add3A_379 {strides = array<i32>} : memref<32x128xf32, #tpu.memory_space<vmem>>, vector<16xf32>,
        %get3A_383 = arith.index_cast %add3A_52 : i32 to index
        %get3A_384 = arith.constant 480 : index
        %get3A_385 = tpu.vector_load %arg9[%get3A_383, %get3A_384] {strides = array<i32>} : memref<32x1152xf32, #tpu.memory_space<vmem>>, vector<16xf32>,
        %get3A_386 = arith.index_cast %add3A_52 : i32 to index
        %get3A_387 = arith.constant 96 : index
        %get3A_388 = tpu.vector_load %arg11[%get3A_386, %get3A_387] {strides = array<i32>} : memref<32x128xf32, #tpu.memory_space<vmem>>, vector<16xf32>,
        %mul3A_389 = arith.mulf %gather3A_316, %get3A_385 : vector<16xf32>
        %add3A_390 = arith.addf %get3A_388, %mul3A_389 : vector<16xf32>
        %swap3A_391 = arith.index_cast %add3A_52 : i32 to index
        %swap3A_392 = arith.constant 96 : index
        %swap3A_393 = tpu.vector_load %arg11[%swap3A_391, %swap3A_392] {strides = array<i32>} : memref<32x128xf32, #tpu.memory_space<vmem>>, vector<16xf32>,
        tpu.vector_store %arg11[%swap3A_391, %swap3A_392], %add3A_390 {strides = array<i32>} : memref<32x128xf32, #tpu.memory_space<vmem>>, vector<16xf32>,
        %get3A_394 = arith.index_cast %add3A_52 : i32 to index
        %get3A_395 = arith.constant 496 : index
        %get3A_396 = tpu.vector_load %arg9[%get3A_394, %get3A_395] {strides = array<i32>} : memref<32x1152xf32, #tpu.memory_space<vmem>>, vector<16xf32>,
        %get3A_397 = arith.index_cast %add3A_52 : i32 to index
        %get3A_398 = arith.constant 112 : index
        %get3A_399 = tpu.vector_load %arg11[%get3A_397, %get3A_398] {strides = array<i32>} : memref<32x128xf32, #tpu.memory_space<vmem>>, vector<16xf32>,
        %mul3A_400 = arith.mulf %gather3A_316, %get3A_396 : vector<16xf32>
        %add3A_401 = arith.addf %get3A_399, %mul3A_400 : vector<16xf32>
        %swap3A_402 = arith.index_cast %add3A_52 : i32 to index
        %swap3A_403 = arith.constant 112 : index
        %swap3A_404 = tpu.vector_load %arg11[%swap3A_402, %swap3A_403] {strides = array<i32>} : memref<32x128xf32, #tpu.memory_space<vmem>>, vector<16xf32>,
        tpu.vector_store %arg11[%swap3A_402, %swap3A_403], %add3A_401 {strides = array<i32>} : memref<32x128xf32, #tpu.memory_space<vmem>>, vector<16xf32>,
        %broadcast_in_dim3A_405 = arith.constant 12 : i32
        %broadcast_in_dim3A_406 = vector.broadcast %broadcast_in_dim3A_405 : i32 to vector<16xi32>
        %gather3A_407 = tpu.vector_load_idx %arg13[%broadcast_in_dim3A_406] : memref<16xf32, #tpu.memory_space<vmem>>[vector<16xi32>], vector<16xf32>,
        %get3A_408 = arith.index_cast %add3A_52 : i32 to index
        %get3A_409 = arith.constant 512 : index
        %get3A_410 = tpu.vector_load %arg9[%get3A_408, %get3A_409] {strides = array<i32>} : memref<32x1152xf32, #tpu.memory_space<vmem>>, vector<16xf32>,
        %get3A_411 = arith.index_cast %add3A_52 : i32 to index
        %get3A_412 = arith.constant 0 : index
        %get3A_413 = tpu.vector_load %arg11[%get3A_411, %get3A_412] {strides = array<i32>} : memref<32x128xf32, #tpu.memory_space<vmem>>, vector<16xf32>,
        %mul3A_414 = arith.mulf %gather3A_407, %get3A_410 : vector<16xf32>
        %add3A_415 = arith.addf %get3A_413, %mul3A_414 : vector<16xf32>
        %swap3A_416 = arith.index_cast %add3A_52 : i32 to index
        %swap3A_417 = arith.constant 0 : index
        %swap3A_418 = tpu.vector_load %arg11[%swap3A_416, %swap3A_417] {strides = array<i32>} : memref<32x128xf32, #tpu.memory_space<vmem>>, vector<16xf32>,
        tpu.vector_store %arg11[%swap3A_416, %swap3A_417], %add3A_415 {strides = array<i32>} : memref<32x128xf32, #tpu.memory_space<vmem>>, vector<16xf32>,
        %get3A_419 = arith.index_cast %add3A_52 : i32 to index
        %get3A_420 = arith.constant 528 : index
        %get3A_421 = tpu.vector_load %arg9[%get3A_419, %get3A_420] {strides = array<i32>} : memref<32x1152xf32, #tpu.memory_space<vmem>>, vector<16xf32>,
        %get3A_422 = arith.index_cast %add3A_52 : i32 to index
        %get3A_423 = arith.constant 16 : index
        %get3A_424 = tpu.vector_load %arg11[%get3A_422, %get3A_423] {strides = array<i32>} : memref<32x128xf32, #tpu.memory_space<vmem>>, vector<16xf32>,
        %mul3A_425 = arith.mulf %gather3A_407, %get3A_421 : vector<16xf32>
        %add3A_426 = arith.addf %get3A_424, %mul3A_425 : vector<16xf32>
        %swap3A_427 = arith.index_cast %add3A_52 : i32 to index
        %swap3A_428 = arith.constant 16 : index
        %swap3A_429 = tpu.vector_load %arg11[%swap3A_427, %swap3A_428] {strides = array<i32>} : memref<32x128xf32, #tpu.memory_space<vmem>>, vector<16xf32>,
        tpu.vector_store %arg11[%swap3A_427, %swap3A_428], %add3A_426 {strides = array<i32>} : memref<32x128xf32, #tpu.memory_space<vmem>>, vector<16xf32>,
        %get3A_430 = arith.index_cast %add3A_52 : i32 to index
        %get3A_431 = arith.constant 544 : index
        %get3A_432 = tpu.vector_load %arg9[%get3A_430, %get3A_431] {strides = array<i32>} : memref<32x1152xf32, #tpu.memory_space<vmem>>, vector<16xf32>,
        %get3A_433 = arith.index_cast %add3A_52 : i32 to index
        %get3A_434 = arith.constant 32 : index
        %get3A_435 = tpu.vector_load %arg11[%get3A_433, %get3A_434] {strides = array<i32>} : memref<32x128xf32, #tpu.memory_space<vmem>>, vector<16xf32>,
        %mul3A_436 = arith.mulf %gather3A_407, %get3A_432 : vector<16xf32>
        %add3A_437 = arith.addf %get3A_435, %mul3A_436 : vector<16xf32>
        %swap3A_438 = arith.index_cast %add3A_52 : i32 to index
        %swap3A_439 = arith.constant 32 : index
        %swap3A_440 = tpu.vector_load %arg11[%swap3A_438, %swap3A_439] {strides = array<i32>} : memref<32x128xf32, #tpu.memory_space<vmem>>, vector<16xf32>,
        tpu.vector_store %arg11[%swap3A_438, %swap3A_439], %add3A_437 {strides = array<i32>} : memref<32x128xf32, #tpu.memory_space<vmem>>, vector<16xf32>,
        %get3A_441 = arith.index_cast %add3A_52 : i32 to index
        %get3A_442 = arith.constant 560 : index
        %get3A_443 = tpu.vector_load %arg9[%get3A_441, %get3A_442] {strides = array<i32>} : memref<32x1152xf32, #tpu.memory_space<vmem>>, vector<16xf32>,
        %get3A_444 = arith.index_cast %add3A_52 : i32 to index
        %get3A_445 = arith.constant 48 : index
        %get3A_446 = tpu.vector_load %arg11[%get3A_444, %get3A_445] {strides = array<i32>} : memref<32x128xf32, #tpu.memory_space<vmem>>, vector<16xf32>,
        %mul3A_447 = arith.mulf %gather3A_407, %get3A_443 : vector<16xf32>
        %add3A_448 = arith.addf %get3A_446, %mul3A_447 : vector<16xf32>
        %swap3A_449 = arith.index_cast %add3A_52 : i32 to index
        %swap3A_450 = arith.constant 48 : index
        %swap3A_451 = tpu.vector_load %arg11[%swap3A_449, %swap3A_450] {strides = array<i32>} : memref<32x128xf32, #tpu.memory_space<vmem>>, vector<16xf32>,
        tpu.vector_store %arg11[%swap3A_449, %swap3A_450], %add3A_448 {strides = array<i32>} : memref<32x128xf32, #tpu.memory_space<vmem>>, vector<16xf32>,
        %get3A_452 = arith.index_cast %add3A_52 : i32 to index
        %get3A_453 = arith.constant 576 : index
        %get3A_454 = tpu.vector_load %arg9[%get3A_452, %get3A_453] {strides = array<i32>} : memref<32x1152xf32, #tpu.memory_space<vmem>>, vector<16xf32>,
        %get3A_455 = arith.index_cast %add3A_52 : i32 to index
        %get3A_456 = arith.constant 64 : index
        %get3A_457 = tpu.vector_load %arg11[%get3A_455, %get3A_456] {strides = array<i32>} : memref<32x128xf32, #tpu.memory_space<vmem>>, vector<16xf32>,
        %mul3A_458 = arith.mulf %gather3A_407, %get3A_454 : vector<16xf32>
        %add3A_459 = arith.addf %get3A_457, %mul3A_458 : vector<16xf32>
        %swap3A_460 = arith.index_cast %add3A_52 : i32 to index
        %swap3A_461 = arith.constant 64 : index
        %swap3A_462 = tpu.vector_load %arg11[%swap3A_460, %swap3A_461] {strides = array<i32>} : memref<32x128xf32, #tpu.memory_space<vmem>>, vector<16xf32>,
        tpu.vector_store %arg11[%swap3A_460, %swap3A_461], %add3A_459 {strides = array<i32>} : memref<32x128xf32, #tpu.memory_space<vmem>>, vector<16xf32>,
        %get3A_463 = arith.index_cast %add3A_52 : i32 to index
        %get3A_464 = arith.constant 592 : index
        %get3A_465 = tpu.vector_load %arg9[%get3A_463, %get3A_464] {strides = array<i32>} : memref<32x1152xf32, #tpu.memory_space<vmem>>, vector<16xf32>,
        %get3A_466 = arith.index_cast %add3A_52 : i32 to index
        %get3A_467 = arith.constant 80 : index
        %get3A_468 = tpu.vector_load %arg11[%get3A_466, %get3A_467] {strides = array<i32>} : memref<32x128xf32, #tpu.memory_space<vmem>>, vector<16xf32>,
        %mul3A_469 = arith.mulf %gather3A_407, %get3A_465 : vector<16xf32>
        %add3A_470 = arith.addf %get3A_468, %mul3A_469 : vector<16xf32>
        %swap3A_471 = arith.index_cast %add3A_52 : i32 to index
        %swap3A_472 = arith.constant 80 : index
        %swap3A_473 = tpu.vector_load %arg11[%swap3A_471, %swap3A_472] {strides = array<i32>} : memref<32x128xf32, #tpu.memory_space<vmem>>, vector<16xf32>,
        tpu.vector_store %arg11[%swap3A_471, %swap3A_472], %add3A_470 {strides = array<i32>} : memref<32x128xf32, #tpu.memory_space<vmem>>, vector<16xf32>,
        %get3A_474 = arith.index_cast %add3A_52 : i32 to index
        %get3A_475 = arith.constant 608 : index
        %get3A_476 = tpu.vector_load %arg9[%get3A_474, %get3A_475] {strides = array<i32>} : memref<32x1152xf32, #tpu.memory_space<vmem>>, vector<16xf32>,
        %get3A_477 = arith.index_cast %add3A_52 : i32 to index
        %get3A_478 = arith.constant 96 : index
        %get3A_479 = tpu.vector_load %arg11[%get3A_477, %get3A_478] {strides = array<i32>} : memref<32x128xf32, #tpu.memory_space<vmem>>, vector<16xf32>,
        %mul3A_480 = arith.mulf %gather3A_407, %get3A_476 : vector<16xf32>
        %add3A_481 = arith.addf %get3A_479, %mul3A_480 : vector<16xf32>
        %swap3A_482 = arith.index_cast %add3A_52 : i32 to index
        %swap3A_483 = arith.constant 96 : index
        %swap3A_484 = tpu.vector_load %arg11[%swap3A_482, %swap3A_483] {strides = array<i32>} : memref<32x128xf32, #tpu.memory_space<vmem>>, vector<16xf32>,
        tpu.vector_store %arg11[%swap3A_482, %swap3A_483], %add3A_481 {strides = array<i32>} : memref<32x128xf32, #tpu.memory_space<vmem>>, vector<16xf32>,
        %get3A_485 = arith.index_cast %add3A_52 : i32 to index
        %get3A_486 = arith.constant 624 : index
        %get3A_487 = tpu.vector_load %arg9[%get3A_485, %get3A_486] {strides = array<i32>} : memref<32x1152xf32, #tpu.memory_space<vmem>>, vector<16xf32>,
        %get3A_488 = arith.index_cast %add3A_52 : i32 to index
        %get3A_489 = arith.constant 112 : index
        %get3A_490 = tpu.vector_load %arg11[%get3A_488, %get3A_489] {strides = array<i32>} : memref<32x128xf32, #tpu.memory_space<vmem>>, vector<16xf32>,
        %mul3A_491 = arith.mulf %gather3A_407, %get3A_487 : vector<16xf32>
        %add3A_492 = arith.addf %get3A_490, %mul3A_491 : vector<16xf32>
        %swap3A_493 = arith.index_cast %add3A_52 : i32 to index
        %swap3A_494 = arith.constant 112 : index
        %swap3A_495 = tpu.vector_load %arg11[%swap3A_493, %swap3A_494] {strides = array<i32>} : memref<32x128xf32, #tpu.memory_space<vmem>>, vector<16xf32>,
        tpu.vector_store %arg11[%swap3A_493, %swap3A_494], %add3A_492 {strides = array<i32>} : memref<32x128xf32, #tpu.memory_space<vmem>>, vector<16xf32>,
        %broadcast_in_dim3A_496 = arith.constant 13 : i32
        %broadcast_in_dim3A_497 = vector.broadcast %broadcast_in_dim3A_496 : i32 to vector<16xi32>
        %gather3A_498 = tpu.vector_load_idx %arg13[%broadcast_in_dim3A_497] : memref<16xf32, #tpu.memory_space<vmem>>[vector<16xi32>], vector<16xf32>,
        %get3A_499 = arith.index_cast %add3A_52 : i32 to index
        %get3A_500 = arith.constant 640 : index
        %get3A_501 = tpu.vector_load %arg9[%get3A_499, %get3A_500] {strides = array<i32>} : memref<32x1152xf32, #tpu.memory_space<vmem>>, vector<16xf32>,
        %get3A_502 = arith.index_cast %add3A_52 : i32 to index
        %get3A_503 = arith.constant 0 : index
        %get3A_504 = tpu.vector_load %arg11[%get3A_502, %get3A_503] {strides = array<i32>} : memref<32x128xf32, #tpu.memory_space<vmem>>, vector<16xf32>,
        %mul3A_505 = arith.mulf %gather3A_498, %get3A_501 : vector<16xf32>
        %add3A_506 = arith.addf %get3A_504, %mul3A_505 : vector<16xf32>
        %swap3A_507 = arith.index_cast %add3A_52 : i32 to index
        %swap3A_508 = arith.constant 0 : index
        %swap3A_509 = tpu.vector_load %arg11[%swap3A_507, %swap3A_508] {strides = array<i32>} : memref<32x128xf32, #tpu.memory_space<vmem>>, vector<16xf32>,
        tpu.vector_store %arg11[%swap3A_507, %swap3A_508], %add3A_506 {strides = array<i32>} : memref<32x128xf32, #tpu.memory_space<vmem>>, vector<16xf32>,
        %get3A_510 = arith.index_cast %add3A_52 : i32 to index
        %get3A_511 = arith.constant 656 : index
        %get3A_512 = tpu.vector_load %arg9[%get3A_510, %get3A_511] {strides = array<i32>} : memref<32x1152xf32, #tpu.memory_space<vmem>>, vector<16xf32>,
        %get3A_513 = arith.index_cast %add3A_52 : i32 to index
        %get3A_514 = arith.constant 16 : index
        %get3A_515 = tpu.vector_load %arg11[%get3A_513, %get3A_514] {strides = array<i32>} : memref<32x128xf32, #tpu.memory_space<vmem>>, vector<16xf32>,
        %mul3A_516 = arith.mulf %gather3A_498, %get3A_512 : vector<16xf32>
        %add3A_517 = arith.addf %get3A_515, %mul3A_516 : vector<16xf32>
        %swap3A_518 = arith.index_cast %add3A_52 : i32 to index
        %swap3A_519 = arith.constant 16 : index
        %swap3A_520 = tpu.vector_load %arg11[%swap3A_518, %swap3A_519] {strides = array<i32>} : memref<32x128xf32, #tpu.memory_space<vmem>>, vector<16xf32>,
        tpu.vector_store %arg11[%swap3A_518, %swap3A_519], %add3A_517 {strides = array<i32>} : memref<32x128xf32, #tpu.memory_space<vmem>>, vector<16xf32>,
        %get3A_521 = arith.index_cast %add3A_52 : i32 to index
        %get3A_522 = arith.constant 672 : index
        %get3A_523 = tpu.vector_load %arg9[%get3A_521, %get3A_522] {strides = array<i32>} : memref<32x1152xf32, #tpu.memory_space<vmem>>, vector<16xf32>,
        %get3A_524 = arith.index_cast %add3A_52 : i32 to index
        %get3A_525 = arith.constant 32 : index
        %get3A_526 = tpu.vector_load %arg11[%get3A_524, %get3A_525] {strides = array<i32>} : memref<32x128xf32, #tpu.memory_space<vmem>>, vector<16xf32>,
        %mul3A_527 = arith.mulf %gather3A_498, %get3A_523 : vector<16xf32>
        %add3A_528 = arith.addf %get3A_526, %mul3A_527 : vector<16xf32>
        %swap3A_529 = arith.index_cast %add3A_52 : i32 to index
        %swap3A_530 = arith.constant 32 : index
        %swap3A_531 = tpu.vector_load %arg11[%swap3A_529, %swap3A_530] {strides = array<i32>} : memref<32x128xf32, #tpu.memory_space<vmem>>, vector<16xf32>,
        tpu.vector_store %arg11[%swap3A_529, %swap3A_530], %add3A_528 {strides = array<i32>} : memref<32x128xf32, #tpu.memory_space<vmem>>, vector<16xf32>,
        %get3A_532 = arith.index_cast %add3A_52 : i32 to index
        %get3A_533 = arith.constant 688 : index
        %get3A_534 = tpu.vector_load %arg9[%get3A_532, %get3A_533] {strides = array<i32>} : memref<32x1152xf32, #tpu.memory_space<vmem>>, vector<16xf32>,
        %get3A_535 = arith.index_cast %add3A_52 : i32 to index
        %get3A_536 = arith.constant 48 : index
        %get3A_537 = tpu.vector_load %arg11[%get3A_535, %get3A_536] {strides = array<i32>} : memref<32x128xf32, #tpu.memory_space<vmem>>, vector<16xf32>,
        %mul3A_538 = arith.mulf %gather3A_498, %get3A_534 : vector<16xf32>
        %add3A_539 = arith.addf %get3A_537, %mul3A_538 : vector<16xf32>
        %swap3A_540 = arith.index_cast %add3A_52 : i32 to index
        %swap3A_541 = arith.constant 48 : index
        %swap3A_542 = tpu.vector_load %arg11[%swap3A_540, %swap3A_541] {strides = array<i32>} : memref<32x128xf32, #tpu.memory_space<vmem>>, vector<16xf32>,
        tpu.vector_store %arg11[%swap3A_540, %swap3A_541], %add3A_539 {strides = array<i32>} : memref<32x128xf32, #tpu.memory_space<vmem>>, vector<16xf32>,
        %get3A_543 = arith.index_cast %add3A_52 : i32 to index
        %get3A_544 = arith.constant 704 : index
        %get3A_545 = tpu.vector_load %arg9[%get3A_543, %get3A_544] {strides = array<i32>} : memref<32x1152xf32, #tpu.memory_space<vmem>>, vector<16xf32>,
        %get3A_546 = arith.index_cast %add3A_52 : i32 to index
        %get3A_547 = arith.constant 64 : index
        %get3A_548 = tpu.vector_load %arg11[%get3A_546, %get3A_547] {strides = array<i32>} : memref<32x128xf32, #tpu.memory_space<vmem>>, vector<16xf32>,
        %mul3A_549 = arith.mulf %gather3A_498, %get3A_545 : vector<16xf32>
        %add3A_550 = arith.addf %get3A_548, %mul3A_549 : vector<16xf32>
        %swap3A_551 = arith.index_cast %add3A_52 : i32 to index
        %swap3A_552 = arith.constant 64 : index
        %swap3A_553 = tpu.vector_load %arg11[%swap3A_551, %swap3A_552] {strides = array<i32>} : memref<32x128xf32, #tpu.memory_space<vmem>>, vector<16xf32>,
        tpu.vector_store %arg11[%swap3A_551, %swap3A_552], %add3A_550 {strides = array<i32>} : memref<32x128xf32, #tpu.memory_space<vmem>>, vector<16xf32>,
        %get3A_554 = arith.index_cast %add3A_52 : i32 to index
        %get3A_555 = arith.constant 720 : index
        %get3A_556 = tpu.vector_load %arg9[%get3A_554, %get3A_555] {strides = array<i32>} : memref<32x1152xf32, #tpu.memory_space<vmem>>, vector<16xf32>,
        %get3A_557 = arith.index_cast %add3A_52 : i32 to index
        %get3A_558 = arith.constant 80 : index
        %get3A_559 = tpu.vector_load %arg11[%get3A_557, %get3A_558] {strides = array<i32>} : memref<32x128xf32, #tpu.memory_space<vmem>>, vector<16xf32>,
        %mul3A_560 = arith.mulf %gather3A_498, %get3A_556 : vector<16xf32>
        %add3A_561 = arith.addf %get3A_559, %mul3A_560 : vector<16xf32>
        %swap3A_562 = arith.index_cast %add3A_52 : i32 to index
        %swap3A_563 = arith.constant 80 : index
        %swap3A_564 = tpu.vector_load %arg11[%swap3A_562, %swap3A_563] {strides = array<i32>} : memref<32x128xf32, #tpu.memory_space<vmem>>, vector<16xf32>,
        tpu.vector_store %arg11[%swap3A_562, %swap3A_563], %add3A_561 {strides = array<i32>} : memref<32x128xf32, #tpu.memory_space<vmem>>, vector<16xf32>,
        %get3A_565 = arith.index_cast %add3A_52 : i32 to index
        %get3A_566 = arith.constant 736 : index
        %get3A_567 = tpu.vector_load %arg9[%get3A_565, %get3A_566] {strides = array<i32>} : memref<32x1152xf32, #tpu.memory_space<vmem>>, vector<16xf32>,
        %get3A_568 = arith.index_cast %add3A_52 : i32 to index
        %get3A_569 = arith.constant 96 : index
        %get3A_570 = tpu.vector_load %arg11[%get3A_568, %get3A_569] {strides = array<i32>} : memref<32x128xf32, #tpu.memory_space<vmem>>, vector<16xf32>,
        %mul3A_571 = arith.mulf %gather3A_498, %get3A_567 : vector<16xf32>
        %add3A_572 = arith.addf %get3A_570, %mul3A_571 : vector<16xf32>
        %swap3A_573 = arith.index_cast %add3A_52 : i32 to index
        %swap3A_574 = arith.constant 96 : index
        %swap3A_575 = tpu.vector_load %arg11[%swap3A_573, %swap3A_574] {strides = array<i32>} : memref<32x128xf32, #tpu.memory_space<vmem>>, vector<16xf32>,
        tpu.vector_store %arg11[%swap3A_573, %swap3A_574], %add3A_572 {strides = array<i32>} : memref<32x128xf32, #tpu.memory_space<vmem>>, vector<16xf32>,
        %get3A_576 = arith.index_cast %add3A_52 : i32 to index
        %get3A_577 = arith.constant 752 : index
        %get3A_578 = tpu.vector_load %arg9[%get3A_576, %get3A_577] {strides = array<i32>} : memref<32x1152xf32, #tpu.memory_space<vmem>>, vector<16xf32>,
        %get3A_579 = arith.index_cast %add3A_52 : i32 to index
        %get3A_580 = arith.constant 112 : index
        %get3A_581 = tpu.vector_load %arg11[%get3A_579, %get3A_580] {strides = array<i32>} : memref<32x128xf32, #tpu.memory_space<vmem>>, vector<16xf32>,
        %mul3A_582 = arith.mulf %gather3A_498, %get3A_578 : vector<16xf32>
        %add3A_583 = arith.addf %get3A_581, %mul3A_582 : vector<16xf32>
        %swap3A_584 = arith.index_cast %add3A_52 : i32 to index
        %swap3A_585 = arith.constant 112 : index
        %swap3A_586 = tpu.vector_load %arg11[%swap3A_584, %swap3A_585] {strides = array<i32>} : memref<32x128xf32, #tpu.memory_space<vmem>>, vector<16xf32>,
        tpu.vector_store %arg11[%swap3A_584, %swap3A_585], %add3A_583 {strides = array<i32>} : memref<32x128xf32, #tpu.memory_space<vmem>>, vector<16xf32>,
        %broadcast_in_dim3A_587 = arith.constant 14 : i32
        %broadcast_in_dim3A_588 = vector.broadcast %broadcast_in_dim3A_587 : i32 to vector<16xi32>
        %gather3A_589 = tpu.vector_load_idx %arg13[%broadcast_in_dim3A_588] : memref<16xf32, #tpu.memory_space<vmem>>[vector<16xi32>], vector<16xf32>,
        %get3A_590 = arith.index_cast %add3A_52 : i32 to index
        %get3A_591 = arith.constant 768 : index
        %get3A_592 = tpu.vector_load %arg9[%get3A_590, %get3A_591] {strides = array<i32>} : memref<32x1152xf32, #tpu.memory_space<vmem>>, vector<16xf32>,
        %get3A_593 = arith.index_cast %add3A_52 : i32 to index
        %get3A_594 = arith.constant 0 : index
        %get3A_595 = tpu.vector_load %arg11[%get3A_593, %get3A_594] {strides = array<i32>} : memref<32x128xf32, #tpu.memory_space<vmem>>, vector<16xf32>,
        %mul3A_596 = arith.mulf %gather3A_589, %get3A_592 : vector<16xf32>
        %add3A_597 = arith.addf %get3A_595, %mul3A_596 : vector<16xf32>
        %swap3A_598 = arith.index_cast %add3A_52 : i32 to index
        %swap3A_599 = arith.constant 0 : index
        %swap3A_600 = tpu.vector_load %arg11[%swap3A_598, %swap3A_599] {strides = array<i32>} : memref<32x128xf32, #tpu.memory_space<vmem>>, vector<16xf32>,
        tpu.vector_store %arg11[%swap3A_598, %swap3A_599], %add3A_597 {strides = array<i32>} : memref<32x128xf32, #tpu.memory_space<vmem>>, vector<16xf32>,
        %get3A_601 = arith.index_cast %add3A_52 : i32 to index
        %get3A_602 = arith.constant 784 : index
        %get3A_603 = tpu.vector_load %arg9[%get3A_601, %get3A_602] {strides = array<i32>} : memref<32x1152xf32, #tpu.memory_space<vmem>>, vector<16xf32>,
        %get3A_604 = arith.index_cast %add3A_52 : i32 to index
        %get3A_605 = arith.constant 16 : index
        %get3A_606 = tpu.vector_load %arg11[%get3A_604, %get3A_605] {strides = array<i32>} : memref<32x128xf32, #tpu.memory_space<vmem>>, vector<16xf32>,
        %mul3A_607 = arith.mulf %gather3A_589, %get3A_603 : vector<16xf32>
        %add3A_608 = arith.addf %get3A_606, %mul3A_607 : vector<16xf32>
        %swap3A_609 = arith.index_cast %add3A_52 : i32 to index
        %swap3A_610 = arith.constant 16 : index
        %swap3A_611 = tpu.vector_load %arg11[%swap3A_609, %swap3A_610] {strides = array<i32>} : memref<32x128xf32, #tpu.memory_space<vmem>>, vector<16xf32>,
        tpu.vector_store %arg11[%swap3A_609, %swap3A_610], %add3A_608 {strides = array<i32>} : memref<32x128xf32, #tpu.memory_space<vmem>>, vector<16xf32>,
        %get3A_612 = arith.index_cast %add3A_52 : i32 to index
        %get3A_613 = arith.constant 800 : index
        %get3A_614 = tpu.vector_load %arg9[%get3A_612, %get3A_613] {strides = array<i32>} : memref<32x1152xf32, #tpu.memory_space<vmem>>, vector<16xf32>,
        %get3A_615 = arith.index_cast %add3A_52 : i32 to index
        %get3A_616 = arith.constant 32 : index
        %get3A_617 = tpu.vector_load %arg11[%get3A_615, %get3A_616] {strides = array<i32>} : memref<32x128xf32, #tpu.memory_space<vmem>>, vector<16xf32>,
        %mul3A_618 = arith.mulf %gather3A_589, %get3A_614 : vector<16xf32>
        %add3A_619 = arith.addf %get3A_617, %mul3A_618 : vector<16xf32>
        %swap3A_620 = arith.index_cast %add3A_52 : i32 to index
        %swap3A_621 = arith.constant 32 : index
        %swap3A_622 = tpu.vector_load %arg11[%swap3A_620, %swap3A_621] {strides = array<i32>} : memref<32x128xf32, #tpu.memory_space<vmem>>, vector<16xf32>,
        tpu.vector_store %arg11[%swap3A_620, %swap3A_621], %add3A_619 {strides = array<i32>} : memref<32x128xf32, #tpu.memory_space<vmem>>, vector<16xf32>,
        %get3A_623 = arith.index_cast %add3A_52 : i32 to index
        %get3A_624 = arith.constant 816 : index
        %get3A_625 = tpu.vector_load %arg9[%get3A_623, %get3A_624] {strides = array<i32>} : memref<32x1152xf32, #tpu.memory_space<vmem>>, vector<16xf32>,
        %get3A_626 = arith.index_cast %add3A_52 : i32 to index
        %get3A_627 = arith.constant 48 : index
        %get3A_628 = tpu.vector_load %arg11[%get3A_626, %get3A_627] {strides = array<i32>} : memref<32x128xf32, #tpu.memory_space<vmem>>, vector<16xf32>,
        %mul3A_629 = arith.mulf %gather3A_589, %get3A_625 : vector<16xf32>
        %add3A_630 = arith.addf %get3A_628, %mul3A_629 : vector<16xf32>
        %swap3A_631 = arith.index_cast %add3A_52 : i32 to index
        %swap3A_632 = arith.constant 48 : index
        %swap3A_633 = tpu.vector_load %arg11[%swap3A_631, %swap3A_632] {strides = array<i32>} : memref<32x128xf32, #tpu.memory_space<vmem>>, vector<16xf32>,
        tpu.vector_store %arg11[%swap3A_631, %swap3A_632], %add3A_630 {strides = array<i32>} : memref<32x128xf32, #tpu.memory_space<vmem>>, vector<16xf32>,
        %get3A_634 = arith.index_cast %add3A_52 : i32 to index
        %get3A_635 = arith.constant 832 : index
        %get3A_636 = tpu.vector_load %arg9[%get3A_634, %get3A_635] {strides = array<i32>} : memref<32x1152xf32, #tpu.memory_space<vmem>>, vector<16xf32>,
        %get3A_637 = arith.index_cast %add3A_52 : i32 to index
        %get3A_638 = arith.constant 64 : index
        %get3A_639 = tpu.vector_load %arg11[%get3A_637, %get3A_638] {strides = array<i32>} : memref<32x128xf32, #tpu.memory_space<vmem>>, vector<16xf32>,
        %mul3A_640 = arith.mulf %gather3A_589, %get3A_636 : vector<16xf32>
        %add3A_641 = arith.addf %get3A_639, %mul3A_640 : vector<16xf32>
        %swap3A_642 = arith.index_cast %add3A_52 : i32 to index
        %swap3A_643 = arith.constant 64 : index
        %swap3A_644 = tpu.vector_load %arg11[%swap3A_642, %swap3A_643] {strides = array<i32>} : memref<32x128xf32, #tpu.memory_space<vmem>>, vector<16xf32>,
        tpu.vector_store %arg11[%swap3A_642, %swap3A_643], %add3A_641 {strides = array<i32>} : memref<32x128xf32, #tpu.memory_space<vmem>>, vector<16xf32>,
        %get3A_645 = arith.index_cast %add3A_52 : i32 to index
        %get3A_646 = arith.constant 848 : index
        %get3A_647 = tpu.vector_load %arg9[%get3A_645, %get3A_646] {strides = array<i32>} : memref<32x1152xf32, #tpu.memory_space<vmem>>, vector<16xf32>,
        %get3A_648 = arith.index_cast %add3A_52 : i32 to index
        %get3A_649 = arith.constant 80 : index
        %get3A_650 = tpu.vector_load %arg11[%get3A_648, %get3A_649] {strides = array<i32>} : memref<32x128xf32, #tpu.memory_space<vmem>>, vector<16xf32>,
        %mul3A_651 = arith.mulf %gather3A_589, %get3A_647 : vector<16xf32>
        %add3A_652 = arith.addf %get3A_650, %mul3A_651 : vector<16xf32>
        %swap3A_653 = arith.index_cast %add3A_52 : i32 to index
        %swap3A_654 = arith.constant 80 : index
        %swap3A_655 = tpu.vector_load %arg11[%swap3A_653, %swap3A_654] {strides = array<i32>} : memref<32x128xf32, #tpu.memory_space<vmem>>, vector<16xf32>,
        tpu.vector_store %arg11[%swap3A_653, %swap3A_654], %add3A_652 {strides = array<i32>} : memref<32x128xf32, #tpu.memory_space<vmem>>, vector<16xf32>,
        %get3A_656 = arith.index_cast %add3A_52 : i32 to index
        %get3A_657 = arith.constant 864 : index
        %get3A_658 = tpu.vector_load %arg9[%get3A_656, %get3A_657] {strides = array<i32>} : memref<32x1152xf32, #tpu.memory_space<vmem>>, vector<16xf32>,
        %get3A_659 = arith.index_cast %add3A_52 : i32 to index
        %get3A_660 = arith.constant 96 : index
        %get3A_661 = tpu.vector_load %arg11[%get3A_659, %get3A_660] {strides = array<i32>} : memref<32x128xf32, #tpu.memory_space<vmem>>, vector<16xf32>,
        %mul3A_662 = arith.mulf %gather3A_589, %get3A_658 : vector<16xf32>
        %add3A_663 = arith.addf %get3A_661, %mul3A_662 : vector<16xf32>
        %swap3A_664 = arith.index_cast %add3A_52 : i32 to index
        %swap3A_665 = arith.constant 96 : index
        %swap3A_666 = tpu.vector_load %arg11[%swap3A_664, %swap3A_665] {strides = array<i32>} : memref<32x128xf32, #tpu.memory_space<vmem>>, vector<16xf32>,
        tpu.vector_store %arg11[%swap3A_664, %swap3A_665], %add3A_663 {strides = array<i32>} : memref<32x128xf32, #tpu.memory_space<vmem>>, vector<16xf32>,
        %get3A_667 = arith.index_cast %add3A_52 : i32 to index
        %get3A_668 = arith.constant 880 : index
        %get3A_669 = tpu.vector_load %arg9[%get3A_667, %get3A_668] {strides = array<i32>} : memref<32x1152xf32, #tpu.memory_space<vmem>>, vector<16xf32>,
        %get3A_670 = arith.index_cast %add3A_52 : i32 to index
        %get3A_671 = arith.constant 112 : index
        %get3A_672 = tpu.vector_load %arg11[%get3A_670, %get3A_671] {strides = array<i32>} : memref<32x128xf32, #tpu.memory_space<vmem>>, vector<16xf32>,
        %mul3A_673 = arith.mulf %gather3A_589, %get3A_669 : vector<16xf32>
        %add3A_674 = arith.addf %get3A_672, %mul3A_673 : vector<16xf32>
        %swap3A_675 = arith.index_cast %add3A_52 : i32 to index
        %swap3A_676 = arith.constant 112 : index
        %swap3A_677 = tpu.vector_load %arg11[%swap3A_675, %swap3A_676] {strides = array<i32>} : memref<32x128xf32, #tpu.memory_space<vmem>>, vector<16xf32>,
        tpu.vector_store %arg11[%swap3A_675, %swap3A_676], %add3A_674 {strides = array<i32>} : memref<32x128xf32, #tpu.memory_space<vmem>>, vector<16xf32>,
        %broadcast_in_dim3A_678 = arith.constant 15 : i32
        %broadcast_in_dim3A_679 = vector.broadcast %broadcast_in_dim3A_678 : i32 to vector<16xi32>
        %gather3A_680 = tpu.vector_load_idx %arg13[%broadcast_in_dim3A_679] : memref<16xf32, #tpu.memory_space<vmem>>[vector<16xi32>], vector<16xf32>,
        %get3A_681 = arith.index_cast %add3A_52 : i32 to index
        %get3A_682 = arith.constant 896 : index
        %get3A_683 = tpu.vector_load %arg9[%get3A_681, %get3A_682] {strides = array<i32>} : memref<32x1152xf32, #tpu.memory_space<vmem>>, vector<16xf32>,
        %get3A_684 = arith.index_cast %add3A_52 : i32 to index
        %get3A_685 = arith.constant 0 : index
        %get3A_686 = tpu.vector_load %arg11[%get3A_684, %get3A_685] {strides = array<i32>} : memref<32x128xf32, #tpu.memory_space<vmem>>, vector<16xf32>,
        %mul3A_687 = arith.mulf %gather3A_680, %get3A_683 : vector<16xf32>
        %add3A_688 = arith.addf %get3A_686, %mul3A_687 : vector<16xf32>
        %swap3A_689 = arith.index_cast %add3A_52 : i32 to index
        %swap3A_690 = arith.constant 0 : index
        %swap3A_691 = tpu.vector_load %arg11[%swap3A_689, %swap3A_690] {strides = array<i32>} : memref<32x128xf32, #tpu.memory_space<vmem>>, vector<16xf32>,
        tpu.vector_store %arg11[%swap3A_689, %swap3A_690], %add3A_688 {strides = array<i32>} : memref<32x128xf32, #tpu.memory_space<vmem>>, vector<16xf32>,
        %get3A_692 = arith.index_cast %add3A_52 : i32 to index
        %get3A_693 = arith.constant 912 : index
        %get3A_694 = tpu.vector_load %arg9[%get3A_692, %get3A_693] {strides = array<i32>} : memref<32x1152xf32, #tpu.memory_space<vmem>>, vector<16xf32>,
        %get3A_695 = arith.index_cast %add3A_52 : i32 to index
        %get3A_696 = arith.constant 16 : index
        %get3A_697 = tpu.vector_load %arg11[%get3A_695, %get3A_696] {strides = array<i32>} : memref<32x128xf32, #tpu.memory_space<vmem>>, vector<16xf32>,
        %mul3A_698 = arith.mulf %gather3A_680, %get3A_694 : vector<16xf32>
        %add3A_699 = arith.addf %get3A_697, %mul3A_698 : vector<16xf32>
        %swap3A_700 = arith.index_cast %add3A_52 : i32 to index
        %swap3A_701 = arith.constant 16 : index
        %swap3A_702 = tpu.vector_load %arg11[%swap3A_700, %swap3A_701] {strides = array<i32>} : memref<32x128xf32, #tpu.memory_space<vmem>>, vector<16xf32>,
        tpu.vector_store %arg11[%swap3A_700, %swap3A_701], %add3A_699 {strides = array<i32>} : memref<32x128xf32, #tpu.memory_space<vmem>>, vector<16xf32>,
        %get3A_703 = arith.index_cast %add3A_52 : i32 to index
        %get3A_704 = arith.constant 928 : index
        %get3A_705 = tpu.vector_load %arg9[%get3A_703, %get3A_704] {strides = array<i32>} : memref<32x1152xf32, #tpu.memory_space<vmem>>, vector<16xf32>,
        %get3A_706 = arith.index_cast %add3A_52 : i32 to index
        %get3A_707 = arith.constant 32 : index
        %get3A_708 = tpu.vector_load %arg11[%get3A_706, %get3A_707] {strides = array<i32>} : memref<32x128xf32, #tpu.memory_space<vmem>>, vector<16xf32>,
        %mul3A_709 = arith.mulf %gather3A_680, %get3A_705 : vector<16xf32>
        %add3A_710 = arith.addf %get3A_708, %mul3A_709 : vector<16xf32>
        %swap3A_711 = arith.index_cast %add3A_52 : i32 to index
        %swap3A_712 = arith.constant 32 : index
        %swap3A_713 = tpu.vector_load %arg11[%swap3A_711, %swap3A_712] {strides = array<i32>} : memref<32x128xf32, #tpu.memory_space<vmem>>, vector<16xf32>,
        tpu.vector_store %arg11[%swap3A_711, %swap3A_712], %add3A_710 {strides = array<i32>} : memref<32x128xf32, #tpu.memory_space<vmem>>, vector<16xf32>,
        %get3A_714 = arith.index_cast %add3A_52 : i32 to index
        %get3A_715 = arith.constant 944 : index
        %get3A_716 = tpu.vector_load %arg9[%get3A_714, %get3A_715] {strides = array<i32>} : memref<32x1152xf32, #tpu.memory_space<vmem>>, vector<16xf32>,
        %get3A_717 = arith.index_cast %add3A_52 : i32 to index
        %get3A_718 = arith.constant 48 : index
        %get3A_719 = tpu.vector_load %arg11[%get3A_717, %get3A_718] {strides = array<i32>} : memref<32x128xf32, #tpu.memory_space<vmem>>, vector<16xf32>,
        %mul3A_720 = arith.mulf %gather3A_680, %get3A_716 : vector<16xf32>
        %add3A_721 = arith.addf %get3A_719, %mul3A_720 : vector<16xf32>
        %swap3A_722 = arith.index_cast %add3A_52 : i32 to index
        %swap3A_723 = arith.constant 48 : index
        %swap3A_724 = tpu.vector_load %arg11[%swap3A_722, %swap3A_723] {strides = array<i32>} : memref<32x128xf32, #tpu.memory_space<vmem>>, vector<16xf32>,
        tpu.vector_store %arg11[%swap3A_722, %swap3A_723], %add3A_721 {strides = array<i32>} : memref<32x128xf32, #tpu.memory_space<vmem>>, vector<16xf32>,
        %get3A_725 = arith.index_cast %add3A_52 : i32 to index
        %get3A_726 = arith.constant 960 : index
        %get3A_727 = tpu.vector_load %arg9[%get3A_725, %get3A_726] {strides = array<i32>} : memref<32x1152xf32, #tpu.memory_space<vmem>>, vector<16xf32>,
        %get3A_728 = arith.index_cast %add3A_52 : i32 to index
        %get3A_729 = arith.constant 64 : index
        %get3A_730 = tpu.vector_load %arg11[%get3A_728, %get3A_729] {strides = array<i32>} : memref<32x128xf32, #tpu.memory_space<vmem>>, vector<16xf32>,
        %mul3A_731 = arith.mulf %gather3A_680, %get3A_727 : vector<16xf32>
        %add3A_732 = arith.addf %get3A_730, %mul3A_731 : vector<16xf32>
        %swap3A_733 = arith.index_cast %add3A_52 : i32 to index
        %swap3A_734 = arith.constant 64 : index
        %swap3A_735 = tpu.vector_load %arg11[%swap3A_733, %swap3A_734] {strides = array<i32>} : memref<32x128xf32, #tpu.memory_space<vmem>>, vector<16xf32>,
        tpu.vector_store %arg11[%swap3A_733, %swap3A_734], %add3A_732 {strides = array<i32>} : memref<32x128xf32, #tpu.memory_space<vmem>>, vector<16xf32>,
        %get3A_736 = arith.index_cast %add3A_52 : i32 to index
        %get3A_737 = arith.constant 976 : index
        %get3A_738 = tpu.vector_load %arg9[%get3A_736, %get3A_737] {strides = array<i32>} : memref<32x1152xf32, #tpu.memory_space<vmem>>, vector<16xf32>,
        %get3A_739 = arith.index_cast %add3A_52 : i32 to index
        %get3A_740 = arith.constant 80 : index
        %get3A_741 = tpu.vector_load %arg11[%get3A_739, %get3A_740] {strides = array<i32>} : memref<32x128xf32, #tpu.memory_space<vmem>>, vector<16xf32>,
        %mul3A_742 = arith.mulf %gather3A_680, %get3A_738 : vector<16xf32>
        %add3A_743 = arith.addf %get3A_741, %mul3A_742 : vector<16xf32>
        %swap3A_744 = arith.index_cast %add3A_52 : i32 to index
        %swap3A_745 = arith.constant 80 : index
        %swap3A_746 = tpu.vector_load %arg11[%swap3A_744, %swap3A_745] {strides = array<i32>} : memref<32x128xf32, #tpu.memory_space<vmem>>, vector<16xf32>,
        tpu.vector_store %arg11[%swap3A_744, %swap3A_745], %add3A_743 {strides = array<i32>} : memref<32x128xf32, #tpu.memory_space<vmem>>, vector<16xf32>,
        %get3A_747 = arith.index_cast %add3A_52 : i32 to index
        %get3A_748 = arith.constant 992 : index
        %get3A_749 = tpu.vector_load %arg9[%get3A_747, %get3A_748] {strides = array<i32>} : memref<32x1152xf32, #tpu.memory_space<vmem>>, vector<16xf32>,
        %get3A_750 = arith.index_cast %add3A_52 : i32 to index
        %get3A_751 = arith.constant 96 : index
        %get3A_752 = tpu.vector_load %arg11[%get3A_750, %get3A_751] {strides = array<i32>} : memref<32x128xf32, #tpu.memory_space<vmem>>, vector<16xf32>,
        %mul3A_753 = arith.mulf %gather3A_680, %get3A_749 : vector<16xf32>
        %add3A_754 = arith.addf %get3A_752, %mul3A_753 : vector<16xf32>
        %swap3A_755 = arith.index_cast %add3A_52 : i32 to index
        %swap3A_756 = arith.constant 96 : index
        %swap3A_757 = tpu.vector_load %arg11[%swap3A_755, %swap3A_756] {strides = array<i32>} : memref<32x128xf32, #tpu.memory_space<vmem>>, vector<16xf32>,
        tpu.vector_store %arg11[%swap3A_755, %swap3A_756], %add3A_754 {strides = array<i32>} : memref<32x128xf32, #tpu.memory_space<vmem>>, vector<16xf32>,
        %get3A_758 = arith.index_cast %add3A_52 : i32 to index
        %get3A_759 = arith.constant 1008 : index
        %get3A_760 = tpu.vector_load %arg9[%get3A_758, %get3A_759] {strides = array<i32>} : memref<32x1152xf32, #tpu.memory_space<vmem>>, vector<16xf32>,
        %get3A_761 = arith.index_cast %add3A_52 : i32 to index
        %get3A_762 = arith.constant 112 : index
        %get3A_763 = tpu.vector_load %arg11[%get3A_761, %get3A_762] {strides = array<i32>} : memref<32x128xf32, #tpu.memory_space<vmem>>, vector<16xf32>,
        %mul3A_764 = arith.mulf %gather3A_680, %get3A_760 : vector<16xf32>
        %add3A_765 = arith.addf %get3A_763, %mul3A_764 : vector<16xf32>
        %swap3A_766 = arith.index_cast %add3A_52 : i32 to index
        %swap3A_767 = arith.constant 112 : index
        %swap3A_768 = tpu.vector_load %arg11[%swap3A_766, %swap3A_767] {strides = array<i32>} : memref<32x128xf32, #tpu.memory_space<vmem>>, vector<16xf32>,
        tpu.vector_store %arg11[%swap3A_766, %swap3A_767], %add3A_765 {strides = array<i32>} : memref<32x128xf32, #tpu.memory_space<vmem>>, vector<16xf32>,
      }
      %scan3A_47 = arith.constant 32 : i32
      "tpu.region"() ({
        %run_scoped3A = tpu.sem_alloc : memref<!tpu.dma_semaphore, #tpu.memory_space<semaphore_mem>>
        %dma_start3A_48 = arith.constant 0 : i32
        %dma_start3A_49 = arith.constant 0 : i32
        %dma_start3A_50 = tpu.memref_slice %arg14[%dma_start3A_48, %dma_start3A_49] : memref<10112x128xf32, #tpu.memory_space<vmem_shared>> -> memref<10112x128xf32, #tpu.memory_space<vmem_shared>>
        tpu.enqueue_indirect_dma source(%arg11 : memref<32x128xf32, #tpu.memory_space<vmem>>) target(%dma_start3A_50 : memref<10112x128xf32, #tpu.memory_space<vmem_shared>>) offsets(%arg8 : memref<32xi32, #tpu.memory_space<vmem>>) semaphore(%run_scoped3A : memref<!tpu.dma_semaphore, #tpu.memory_space<semaphore_mem>>) {add = true}
        %dma_wait3A_51 = arith.constant 0 : i32
        %dma_wait3A_52 = arith.constant 0 : i32
        %dma_wait3A_53 = tpu.memref_slice %arg14[%dma_wait3A_51, %dma_wait3A_52] : memref<10112x128xf32, #tpu.memory_space<vmem_shared>> -> memref<10112x128xf32, #tpu.memory_space<vmem_shared>>
        tpu.wait_indirect_dma semaphore(%run_scoped3A : memref<!tpu.dma_semaphore, #tpu.memory_space<semaphore_mem>>) src(%arg11 : memref<32x128xf32, #tpu.memory_space<vmem>>) dst(%dma_wait3A_53 : memref<10112x128xf32, #tpu.memory_space<vmem_shared>>)
        tpu.yield
      }) : () -> ()
    }
    %scan3A_16 = arith.constant 324 : i32
    %barrier3A_17 = arith.constant 0 : index
    tpu.barrier barrier_id(%barrier3A_17)
    %mul3A_18 = arith.constant 632 : i32
    %mul3A_19 = arith.muli %arg1, %mul3A_18 : i32
    %mul3A_20 = arith.constant 10240 : i32
    %mul3A_21 = arith.muli %arg0, %mul3A_20 : i32
    %mul3A_22 = arith.constant 632 : i32
    %mul3A_23 = arith.muli %arg1, %mul3A_22 : i32
    %add3A_24 = arith.addi %mul3A_21, %mul3A_23 : i32
    "tpu.region"() ({
      %run_scoped3A = tpu.sem_alloc : memref<!tpu.dma_semaphore, #tpu.memory_space<semaphore_mem>>
      %dma_start3A = arith.constant 0 : i32
      %dma_start3A_25 = tpu.memref_slice %arg6[%add3A_24, %dma_start3A] : memref<20480x128xf32, #tpu.memory_space<hbm>> -> memref<632x128xf32, #tpu.memory_space<hbm>>
      %dma_start3A_26 = arith.constant 0 : i32
      %dma_start3A_27 = tpu.memref_slice %arg14[%mul3A_19, %dma_start3A_26] : memref<10112x128xf32, #tpu.memory_space<vmem_shared>> -> memref<632x128xf32, #tpu.memory_space<vmem_shared>>
      tpu.enqueue_dma source(%dma_start3A_27 : memref<632x128xf32, #tpu.memory_space<vmem_shared>>) target(%dma_start3A_25 : memref<632x128xf32, #tpu.memory_space<hbm>>) target_semaphore(%run_scoped3A : memref<!tpu.dma_semaphore, #tpu.memory_space<semaphore_mem>>)
      %dma_wait3A = arith.constant 0 : i32
      %dma_wait3A_28 = tpu.memref_slice %arg6[%add3A_24, %dma_wait3A] : memref<20480x128xf32, #tpu.memory_space<hbm>> -> memref<632x128xf32, #tpu.memory_space<hbm>>
      %dma_wait3A_29 = arith.constant 0 : i32
      %dma_wait3A_30 = tpu.memref_slice %arg14[%mul3A_19, %dma_wait3A_29] : memref<10112x128xf32, #tpu.memory_space<vmem_shared>> -> memref<632x128xf32, #tpu.memory_space<vmem_shared>>
      tpu.wait_dma2 semaphore(%run_scoped3A : memref<!tpu.dma_semaphore, #tpu.memory_space<semaphore_mem>>) src(%dma_wait3A_30 : memref<632x128xf32, #tpu.memory_space<vmem_shared>>) dst(%dma_wait3A_28 : memref<632x128xf32, #tpu.memory_space<hbm>>)
      tpu.yield
    }) : () -> ()
    return
  }
}

#map = affine_map<(d0, d1) -> (0)>
#map1 = affine_map<(d0, d1) -> (0, 0)>
module attributes {stable_mosaic.version = 14 : i64} {
  func.func @k(%arg0: i32, %arg1: i32, %arg2: memref<331776xi32, #tpu.memory_space<hbm>>, %arg3: memref<331776xi32, #tpu.memory_space<hbm>>, %arg4: memref<10240x128xf32, #tpu.memory_space<hbm>>, %arg5: memref<10240x128xf32, #tpu.memory_space<hbm>>, %arg6: memref<20480x128xf32, #tpu.memory_space<hbm>>, %arg7: memref<96xi32, #tpu.memory_space<vmem>>, %arg8: memref<96xi32, #tpu.memory_space<vmem>>, %arg9: memref<96x128xf32, #tpu.memory_space<vmem>>, %arg10: memref<96x128xf32, #tpu.memory_space<vmem>>, %arg11: memref<96x128xf32, #tpu.memory_space<vmem>>, %arg12: memref<10112x128xf32, #tpu.memory_space<vmem_shared>>, %arg13: memref<!tpu.dma_semaphore, #tpu.memory_space<semaphore_mem>>) attributes {dimension_semantics = [#tpu.dimension_semantics<core_parallel>, #tpu.dimension_semantics<subcore_parallel>], iteration_bounds = array<i64: 2, 16>, scalar_prefetch = 0 : i64, scratch_operands = 7 : i64, tpu.core_type = #tpu.core_type<sc_vector_subcore>, window_params = [{transform_indices = #map}, {transform_indices = #map}, {transform_indices = #map1}, {transform_indices = #map1}, {transform_indices = #map1}]} {
    %mul3A = arith.constant 2 : i32
    %mul3A_0 = arith.muli %arg1, %mul3A : i32
    %add3A = arith.addi %mul3A_0, %arg0 : i32
    %scan3A = arith.constant 0 : i32
    %scan3A_1 = arith.constant 96 : i32
    %scan3A_2 = arith.addi %scan3A, %scan3A_1 : i32
    %scan3A_3 = arith.constant 1 : i32
    scf.for %scan3A_25 = %scan3A to %scan3A_2 step %scan3A_3  : i32 {
      %mul3A_26 = arith.constant 1 : i32
      %mul3A_27 = arith.muli %scan3A_25, %mul3A_26 : i32
      %add3A_28 = arith.constant 0 : i32
      %add3A_29 = arith.addi %add3A_28, %mul3A_27 : i32
      %broadcast_in_dim3A = arith.constant 0.000000e+00 : f32
      %broadcast_in_dim3A_30 = vector.broadcast %broadcast_in_dim3A : f32 to vector<16xf32>
      %swap3A = arith.index_cast %add3A_29 : i32 to index
      %swap3A_31 = arith.constant 0 : index
      %swap3A_32 = tpu.vector_load %arg11[%swap3A, %swap3A_31] {strides = array<i32>} : memref<96x128xf32, #tpu.memory_space<vmem>>, vector<1x16xf32>,
      %swap3A_33 = vector.shape_cast %swap3A_32 : vector<1x16xf32> to vector<16xf32>
      %swap3A_34 = vector.shape_cast %broadcast_in_dim3A_30 : vector<16xf32> to vector<1x16xf32>
      tpu.vector_store %arg11[%swap3A, %swap3A_31], %swap3A_34 {strides = array<i32>} : memref<96x128xf32, #tpu.memory_space<vmem>>, vector<1x16xf32>,
      %broadcast_in_dim3A_35 = arith.constant 0.000000e+00 : f32
      %broadcast_in_dim3A_36 = vector.broadcast %broadcast_in_dim3A_35 : f32 to vector<16xf32>
      %swap3A_37 = arith.index_cast %add3A_29 : i32 to index
      %swap3A_38 = arith.constant 16 : index
      %swap3A_39 = tpu.vector_load %arg11[%swap3A_37, %swap3A_38] {strides = array<i32>} : memref<96x128xf32, #tpu.memory_space<vmem>>, vector<1x16xf32>,
      %swap3A_40 = vector.shape_cast %swap3A_39 : vector<1x16xf32> to vector<16xf32>
      %swap3A_41 = vector.shape_cast %broadcast_in_dim3A_36 : vector<16xf32> to vector<1x16xf32>
      tpu.vector_store %arg11[%swap3A_37, %swap3A_38], %swap3A_41 {strides = array<i32>} : memref<96x128xf32, #tpu.memory_space<vmem>>, vector<1x16xf32>,
      %broadcast_in_dim3A_42 = arith.constant 0.000000e+00 : f32
      %broadcast_in_dim3A_43 = vector.broadcast %broadcast_in_dim3A_42 : f32 to vector<16xf32>
      %swap3A_44 = arith.index_cast %add3A_29 : i32 to index
      %swap3A_45 = arith.constant 32 : index
      %swap3A_46 = tpu.vector_load %arg11[%swap3A_44, %swap3A_45] {strides = array<i32>} : memref<96x128xf32, #tpu.memory_space<vmem>>, vector<1x16xf32>,
      %swap3A_47 = vector.shape_cast %swap3A_46 : vector<1x16xf32> to vector<16xf32>
      %swap3A_48 = vector.shape_cast %broadcast_in_dim3A_43 : vector<16xf32> to vector<1x16xf32>
      tpu.vector_store %arg11[%swap3A_44, %swap3A_45], %swap3A_48 {strides = array<i32>} : memref<96x128xf32, #tpu.memory_space<vmem>>, vector<1x16xf32>,
      %broadcast_in_dim3A_49 = arith.constant 0.000000e+00 : f32
      %broadcast_in_dim3A_50 = vector.broadcast %broadcast_in_dim3A_49 : f32 to vector<16xf32>
      %swap3A_51 = arith.index_cast %add3A_29 : i32 to index
      %swap3A_52 = arith.constant 48 : index
      %swap3A_53 = tpu.vector_load %arg11[%swap3A_51, %swap3A_52] {strides = array<i32>} : memref<96x128xf32, #tpu.memory_space<vmem>>, vector<1x16xf32>,
      %swap3A_54 = vector.shape_cast %swap3A_53 : vector<1x16xf32> to vector<16xf32>
      %swap3A_55 = vector.shape_cast %broadcast_in_dim3A_50 : vector<16xf32> to vector<1x16xf32>
      tpu.vector_store %arg11[%swap3A_51, %swap3A_52], %swap3A_55 {strides = array<i32>} : memref<96x128xf32, #tpu.memory_space<vmem>>, vector<1x16xf32>,
      %broadcast_in_dim3A_56 = arith.constant 0.000000e+00 : f32
      %broadcast_in_dim3A_57 = vector.broadcast %broadcast_in_dim3A_56 : f32 to vector<16xf32>
      %swap3A_58 = arith.index_cast %add3A_29 : i32 to index
      %swap3A_59 = arith.constant 64 : index
      %swap3A_60 = tpu.vector_load %arg11[%swap3A_58, %swap3A_59] {strides = array<i32>} : memref<96x128xf32, #tpu.memory_space<vmem>>, vector<1x16xf32>,
      %swap3A_61 = vector.shape_cast %swap3A_60 : vector<1x16xf32> to vector<16xf32>
      %swap3A_62 = vector.shape_cast %broadcast_in_dim3A_57 : vector<16xf32> to vector<1x16xf32>
      tpu.vector_store %arg11[%swap3A_58, %swap3A_59], %swap3A_62 {strides = array<i32>} : memref<96x128xf32, #tpu.memory_space<vmem>>, vector<1x16xf32>,
      %broadcast_in_dim3A_63 = arith.constant 0.000000e+00 : f32
      %broadcast_in_dim3A_64 = vector.broadcast %broadcast_in_dim3A_63 : f32 to vector<16xf32>
      %swap3A_65 = arith.index_cast %add3A_29 : i32 to index
      %swap3A_66 = arith.constant 80 : index
      %swap3A_67 = tpu.vector_load %arg11[%swap3A_65, %swap3A_66] {strides = array<i32>} : memref<96x128xf32, #tpu.memory_space<vmem>>, vector<1x16xf32>,
      %swap3A_68 = vector.shape_cast %swap3A_67 : vector<1x16xf32> to vector<16xf32>
      %swap3A_69 = vector.shape_cast %broadcast_in_dim3A_64 : vector<16xf32> to vector<1x16xf32>
      tpu.vector_store %arg11[%swap3A_65, %swap3A_66], %swap3A_69 {strides = array<i32>} : memref<96x128xf32, #tpu.memory_space<vmem>>, vector<1x16xf32>,
      %broadcast_in_dim3A_70 = arith.constant 0.000000e+00 : f32
      %broadcast_in_dim3A_71 = vector.broadcast %broadcast_in_dim3A_70 : f32 to vector<16xf32>
      %swap3A_72 = arith.index_cast %add3A_29 : i32 to index
      %swap3A_73 = arith.constant 96 : index
      %swap3A_74 = tpu.vector_load %arg11[%swap3A_72, %swap3A_73] {strides = array<i32>} : memref<96x128xf32, #tpu.memory_space<vmem>>, vector<1x16xf32>,
      %swap3A_75 = vector.shape_cast %swap3A_74 : vector<1x16xf32> to vector<16xf32>
      %swap3A_76 = vector.shape_cast %broadcast_in_dim3A_71 : vector<16xf32> to vector<1x16xf32>
      tpu.vector_store %arg11[%swap3A_72, %swap3A_73], %swap3A_76 {strides = array<i32>} : memref<96x128xf32, #tpu.memory_space<vmem>>, vector<1x16xf32>,
      %broadcast_in_dim3A_77 = arith.constant 0.000000e+00 : f32
      %broadcast_in_dim3A_78 = vector.broadcast %broadcast_in_dim3A_77 : f32 to vector<16xf32>
      %swap3A_79 = arith.index_cast %add3A_29 : i32 to index
      %swap3A_80 = arith.constant 112 : index
      %swap3A_81 = tpu.vector_load %arg11[%swap3A_79, %swap3A_80] {strides = array<i32>} : memref<96x128xf32, #tpu.memory_space<vmem>>, vector<1x16xf32>,
      %swap3A_82 = vector.shape_cast %swap3A_81 : vector<1x16xf32> to vector<16xf32>
      %swap3A_83 = vector.shape_cast %broadcast_in_dim3A_78 : vector<16xf32> to vector<1x16xf32>
      tpu.vector_store %arg11[%swap3A_79, %swap3A_80], %swap3A_83 {strides = array<i32>} : memref<96x128xf32, #tpu.memory_space<vmem>>, vector<1x16xf32>,
    }
    %scan3A_4 = arith.constant 96 : i32
    %scan3A_5 = arith.constant 0 : i32
    %scan3A_6 = arith.constant 79 : i32
    %scan3A_7 = arith.addi %scan3A_5, %scan3A_6 : i32
    %scan3A_8 = arith.constant 1 : i32
    scf.for %scan3A_25 = %scan3A_5 to %scan3A_7 step %scan3A_8  : i32 {
      %mul3A_26 = arith.constant 1 : i32
      %mul3A_27 = arith.muli %scan3A_25, %mul3A_26 : i32
      %add3A_28 = arith.constant 0 : i32
      %add3A_29 = arith.addi %add3A_28, %mul3A_27 : i32
      %mul3A_30 = arith.constant 632 : i32
      %mul3A_31 = arith.muli %arg1, %mul3A_30 : i32
      %mul3A_32 = arith.constant 8 : i32
      %mul3A_33 = arith.muli %add3A_29, %mul3A_32 : i32
      %add3A_34 = arith.addi %mul3A_31, %mul3A_33 : i32
      "tpu.region"() ({
        %run_scoped3A = tpu.sem_alloc : memref<!tpu.dma_semaphore, #tpu.memory_space<semaphore_mem>>
        %dma_start3A = arith.constant 0 : i32
        %dma_start3A_35 = arith.constant 0 : i32
        %dma_start3A_36 = tpu.memref_slice %arg11[%dma_start3A, %dma_start3A_35] : memref<96x128xf32, #tpu.memory_space<vmem>> -> memref<8x128xf32, #tpu.memory_space<vmem>>
        %dma_start3A_37 = arith.constant 0 : i32
        %dma_start3A_38 = tpu.memref_slice %arg12[%add3A_34, %dma_start3A_37] : memref<10112x128xf32, #tpu.memory_space<vmem_shared>> -> memref<8x128xf32, #tpu.memory_space<vmem_shared>>
        %dma_start3A_39 = arith.constant 0 : i32
        %dma_start3A_40 = tpu.memref_slice %arg12[%add3A_34, %dma_start3A_39] : memref<10112x128xf32, #tpu.memory_space<vmem_shared>> -> memref<8x128xf32, #tpu.memory_space<vmem_shared>>
        %dma_start3A_41 = arith.constant 0 : i32
        %dma_start3A_42 = arith.constant 0 : i32
        %dma_start3A_43 = tpu.memref_slice %arg11[%dma_start3A_41, %dma_start3A_42] : memref<96x128xf32, #tpu.memory_space<vmem>> -> memref<8x128xf32, #tpu.memory_space<vmem>>
        tpu.enqueue_dma source(%dma_start3A_43 : memref<8x128xf32, #tpu.memory_space<vmem>>) target(%dma_start3A_40 : memref<8x128xf32, #tpu.memory_space<vmem_shared>>) target_semaphore(%run_scoped3A : memref<!tpu.dma_semaphore, #tpu.memory_space<semaphore_mem>>)
        %dma_wait3A = arith.constant 0 : i32
        %dma_wait3A_44 = arith.constant 0 : i32
        %dma_wait3A_45 = tpu.memref_slice %arg11[%dma_wait3A, %dma_wait3A_44] : memref<96x128xf32, #tpu.memory_space<vmem>> -> memref<8x128xf32, #tpu.memory_space<vmem>>
        %dma_wait3A_46 = arith.constant 0 : i32
        %dma_wait3A_47 = tpu.memref_slice %arg12[%add3A_34, %dma_wait3A_46] : memref<10112x128xf32, #tpu.memory_space<vmem_shared>> -> memref<8x128xf32, #tpu.memory_space<vmem_shared>>
        %dma_wait3A_48 = arith.constant 0 : i32
        %dma_wait3A_49 = tpu.memref_slice %arg12[%add3A_34, %dma_wait3A_48] : memref<10112x128xf32, #tpu.memory_space<vmem_shared>> -> memref<8x128xf32, #tpu.memory_space<vmem_shared>>
        %dma_wait3A_50 = arith.constant 0 : i32
        %dma_wait3A_51 = arith.constant 0 : i32
        %dma_wait3A_52 = tpu.memref_slice %arg11[%dma_wait3A_50, %dma_wait3A_51] : memref<96x128xf32, #tpu.memory_space<vmem>> -> memref<8x128xf32, #tpu.memory_space<vmem>>
        tpu.wait_dma2 semaphore(%run_scoped3A : memref<!tpu.dma_semaphore, #tpu.memory_space<semaphore_mem>>) src(%dma_wait3A_52 : memref<8x128xf32, #tpu.memory_space<vmem>>) dst(%dma_wait3A_49 : memref<8x128xf32, #tpu.memory_space<vmem_shared>>)
        tpu.yield
      }) : () -> ()
    }
    %scan3A_9 = arith.constant 79 : i32
    %barrier3A = arith.constant 0 : index
    tpu.barrier barrier_id(%barrier3A)
    %mul3A_10 = arith.constant 10368 : i32
    %mul3A_11 = arith.muli %add3A, %mul3A_10 : i32
    %scan3A_12 = arith.constant 0 : i32
    %scan3A_13 = arith.constant 108 : i32
    %scan3A_14 = arith.addi %scan3A_12, %scan3A_13 : i32
    %scan3A_15 = arith.constant 1 : i32
    scf.for %scan3A_25 = %scan3A_12 to %scan3A_14 step %scan3A_15  : i32 {
      %mul3A_26 = arith.constant 1 : i32
      %mul3A_27 = arith.muli %scan3A_25, %mul3A_26 : i32
      %add3A_28 = arith.constant 0 : i32
      %add3A_29 = arith.addi %add3A_28, %mul3A_27 : i32
      %mul3A_30 = arith.constant 96 : i32
      %mul3A_31 = arith.muli %add3A_29, %mul3A_30 : i32
      %add3A_32 = arith.addi %mul3A_11, %mul3A_31 : i32
      "tpu.region"() ({
        %run_scoped3A = tpu.sem_alloc : memref<!tpu.dma_semaphore, #tpu.memory_space<semaphore_mem>>
        %dma_start3A_48 = tpu.memref_slice %arg2[%add3A_32] : memref<331776xi32, #tpu.memory_space<hbm>> -> memref<96xi32, #tpu.memory_space<hbm>>
        %dma_start3A_49 = tpu.memref_slice %arg2[%add3A_32] : memref<331776xi32, #tpu.memory_space<hbm>> -> memref<96xi32, #tpu.memory_space<hbm>>
        tpu.enqueue_dma source(%dma_start3A_49 : memref<96xi32, #tpu.memory_space<hbm>>) target(%arg7 : memref<96xi32, #tpu.memory_space<vmem>>) target_semaphore(%run_scoped3A : memref<!tpu.dma_semaphore, #tpu.memory_space<semaphore_mem>>)
        %dma_wait3A_50 = tpu.memref_slice %arg2[%add3A_32] : memref<331776xi32, #tpu.memory_space<hbm>> -> memref<96xi32, #tpu.memory_space<hbm>>
        %dma_wait3A_51 = tpu.memref_slice %arg2[%add3A_32] : memref<331776xi32, #tpu.memory_space<hbm>> -> memref<96xi32, #tpu.memory_space<hbm>>
        tpu.wait_dma2 semaphore(%run_scoped3A : memref<!tpu.dma_semaphore, #tpu.memory_space<semaphore_mem>>) src(%dma_wait3A_51 : memref<96xi32, #tpu.memory_space<hbm>>) dst(%arg7 : memref<96xi32, #tpu.memory_space<vmem>>)
        tpu.yield
      }) : () -> ()
      "tpu.region"() ({
        %run_scoped3A = tpu.sem_alloc : memref<!tpu.dma_semaphore, #tpu.memory_space<semaphore_mem>>
        %dma_start3A_48 = tpu.memref_slice %arg3[%add3A_32] : memref<331776xi32, #tpu.memory_space<hbm>> -> memref<96xi32, #tpu.memory_space<hbm>>
        %dma_start3A_49 = tpu.memref_slice %arg3[%add3A_32] : memref<331776xi32, #tpu.memory_space<hbm>> -> memref<96xi32, #tpu.memory_space<hbm>>
        tpu.enqueue_dma source(%dma_start3A_49 : memref<96xi32, #tpu.memory_space<hbm>>) target(%arg8 : memref<96xi32, #tpu.memory_space<vmem>>) target_semaphore(%run_scoped3A : memref<!tpu.dma_semaphore, #tpu.memory_space<semaphore_mem>>)
        %dma_wait3A_50 = tpu.memref_slice %arg3[%add3A_32] : memref<331776xi32, #tpu.memory_space<hbm>> -> memref<96xi32, #tpu.memory_space<hbm>>
        %dma_wait3A_51 = tpu.memref_slice %arg3[%add3A_32] : memref<331776xi32, #tpu.memory_space<hbm>> -> memref<96xi32, #tpu.memory_space<hbm>>
        tpu.wait_dma2 semaphore(%run_scoped3A : memref<!tpu.dma_semaphore, #tpu.memory_space<semaphore_mem>>) src(%dma_wait3A_51 : memref<96xi32, #tpu.memory_space<hbm>>) dst(%arg8 : memref<96xi32, #tpu.memory_space<vmem>>)
        tpu.yield
      }) : () -> ()
      %dma_start3A = arith.constant 0 : i32
      %dma_start3A_33 = arith.constant 0 : i32
      %dma_start3A_34 = tpu.memref_slice %arg4[%dma_start3A, %dma_start3A_33] : memref<10240x128xf32, #tpu.memory_space<hbm>> -> memref<10240x128xf32, #tpu.memory_space<hbm>>
      tpu.enqueue_indirect_dma source(%dma_start3A_34 : memref<10240x128xf32, #tpu.memory_space<hbm>>) target(%arg9 : memref<96x128xf32, #tpu.memory_space<vmem>>) offsets(%arg7 : memref<96xi32, #tpu.memory_space<vmem>>) semaphore(%arg13 : memref<!tpu.dma_semaphore, #tpu.memory_space<semaphore_mem>>)
      %dma_wait3A = arith.constant 0 : i32
      %dma_wait3A_35 = arith.constant 0 : i32
      %dma_wait3A_36 = tpu.memref_slice %arg4[%dma_wait3A, %dma_wait3A_35] : memref<10240x128xf32, #tpu.memory_space<hbm>> -> memref<10240x128xf32, #tpu.memory_space<hbm>>
      tpu.wait_indirect_dma semaphore(%arg13 : memref<!tpu.dma_semaphore, #tpu.memory_space<semaphore_mem>>) src(%dma_wait3A_36 : memref<10240x128xf32, #tpu.memory_space<hbm>>) dst(%arg9 : memref<96x128xf32, #tpu.memory_space<vmem>>)
      %dma_start3A_37 = arith.constant 0 : i32
      %dma_start3A_38 = arith.constant 0 : i32
      %dma_start3A_39 = tpu.memref_slice %arg5[%dma_start3A_37, %dma_start3A_38] : memref<10240x128xf32, #tpu.memory_space<hbm>> -> memref<10240x128xf32, #tpu.memory_space<hbm>>
      tpu.enqueue_indirect_dma source(%dma_start3A_39 : memref<10240x128xf32, #tpu.memory_space<hbm>>) target(%arg10 : memref<96x128xf32, #tpu.memory_space<vmem>>) offsets(%arg8 : memref<96xi32, #tpu.memory_space<vmem>>) semaphore(%arg13 : memref<!tpu.dma_semaphore, #tpu.memory_space<semaphore_mem>>)
      %dma_wait3A_40 = arith.constant 0 : i32
      %dma_wait3A_41 = arith.constant 0 : i32
      %dma_wait3A_42 = tpu.memref_slice %arg5[%dma_wait3A_40, %dma_wait3A_41] : memref<10240x128xf32, #tpu.memory_space<hbm>> -> memref<10240x128xf32, #tpu.memory_space<hbm>>
      tpu.wait_indirect_dma semaphore(%arg13 : memref<!tpu.dma_semaphore, #tpu.memory_space<semaphore_mem>>) src(%dma_wait3A_42 : memref<10240x128xf32, #tpu.memory_space<hbm>>) dst(%arg10 : memref<96x128xf32, #tpu.memory_space<vmem>>)
      %scan3A_43 = arith.constant 0 : i32
      %scan3A_44 = arith.constant 96 : i32
      %scan3A_45 = arith.addi %scan3A_43, %scan3A_44 : i32
      %scan3A_46 = arith.constant 1 : i32
      scf.for %scan3A_48 = %scan3A_43 to %scan3A_45 step %scan3A_46  : i32 {
        %mul3A_49 = arith.constant 1 : i32
        %mul3A_50 = arith.muli %scan3A_48, %mul3A_49 : i32
        %add3A_51 = arith.constant 0 : i32
        %add3A_52 = arith.addi %add3A_51, %mul3A_50 : i32
        %get3A = arith.index_cast %add3A_52 : i32 to index
        %get3A_53 = arith.constant 0 : index
        %get3A_54 = tpu.vector_load %arg9[%get3A, %get3A_53] {strides = array<i32>} : memref<96x128xf32, #tpu.memory_space<vmem>>, vector<1x16xf32>,
        %get3A_55 = vector.shape_cast %get3A_54 : vector<1x16xf32> to vector<16xf32>
        %get3A_56 = arith.index_cast %add3A_52 : i32 to index
        %get3A_57 = arith.constant 0 : index
        %get3A_58 = tpu.vector_load %arg10[%get3A_56, %get3A_57] {strides = array<i32>} : memref<96x128xf32, #tpu.memory_space<vmem>>, vector<1x16xf32>,
        %get3A_59 = vector.shape_cast %get3A_58 : vector<1x16xf32> to vector<16xf32>
        %add3A_60 = arith.addf %get3A_55, %get3A_59 : vector<16xf32>
        %mul3A_61 = arith.constant 2.000000e-01 : f32
        %mul3A_62 = vector.broadcast %mul3A_61 : f32 to vector<16xf32>
        %mul3A_63 = arith.mulf %mul3A_62, %add3A_60 : vector<16xf32>
        %max3A = arith.maximumf %add3A_60, %mul3A_63 : vector<16xf32>
        %exp3A = math.exp %max3A : vector<16xf32>
        %add3A_64 = arith.addi %add3A_32, %add3A_52 : i32
        %sub3A = arith.constant 330000 : i32
        %sub3A_65 = arith.subi %sub3A, %add3A_64 : i32
        %broadcast_in_dim3A = vector.broadcast %sub3A_65 : i32 to vector<16xi32>
        %jit3A = arith.constant 0 : i32
        %jit3A_66 = arith.constant 1 : i32
        %max3A_67 = vector.broadcast %jit3A : i32 to vector<16xi32>
        %max3A_68 = arith.maxsi %max3A_67, %broadcast_in_dim3A : vector<16xi32>
        %min3A = vector.broadcast %jit3A_66 : i32 to vector<16xi32>
        %min3A_69 = arith.minsi %min3A, %max3A_68 : vector<16xi32>
        %convert_element_type3A = arith.sitofp %min3A_69 : vector<16xi32> to vector<16xf32>
        %mul3A_70 = arith.mulf %exp3A, %convert_element_type3A : vector<16xf32>
        %swap3A = arith.index_cast %add3A_52 : i32 to index
        %swap3A_71 = arith.constant 0 : index
        %swap3A_72 = tpu.vector_load %arg11[%swap3A, %swap3A_71] {strides = array<i32>} : memref<96x128xf32, #tpu.memory_space<vmem>>, vector<1x16xf32>,
        %swap3A_73 = vector.shape_cast %swap3A_72 : vector<1x16xf32> to vector<16xf32>
        %swap3A_74 = vector.shape_cast %mul3A_70 : vector<16xf32> to vector<1x16xf32>
        tpu.vector_store %arg11[%swap3A, %swap3A_71], %swap3A_74 {strides = array<i32>} : memref<96x128xf32, #tpu.memory_space<vmem>>, vector<1x16xf32>,
      }
      %scan3A_47 = arith.constant 96 : i32
      "tpu.region"() ({
        %run_scoped3A = tpu.sem_alloc : memref<!tpu.dma_semaphore, #tpu.memory_space<semaphore_mem>>
        %dma_start3A_48 = arith.constant 0 : i32
        %dma_start3A_49 = arith.constant 0 : i32
        %dma_start3A_50 = tpu.memref_slice %arg12[%dma_start3A_48, %dma_start3A_49] : memref<10112x128xf32, #tpu.memory_space<vmem_shared>> -> memref<10112x128xf32, #tpu.memory_space<vmem_shared>>
        tpu.enqueue_indirect_dma source(%arg11 : memref<96x128xf32, #tpu.memory_space<vmem>>) target(%dma_start3A_50 : memref<10112x128xf32, #tpu.memory_space<vmem_shared>>) offsets(%arg8 : memref<96xi32, #tpu.memory_space<vmem>>) semaphore(%run_scoped3A : memref<!tpu.dma_semaphore, #tpu.memory_space<semaphore_mem>>) {add = true}
        %dma_wait3A_51 = arith.constant 0 : i32
        %dma_wait3A_52 = arith.constant 0 : i32
        %dma_wait3A_53 = tpu.memref_slice %arg12[%dma_wait3A_51, %dma_wait3A_52] : memref<10112x128xf32, #tpu.memory_space<vmem_shared>> -> memref<10112x128xf32, #tpu.memory_space<vmem_shared>>
        tpu.wait_indirect_dma semaphore(%run_scoped3A : memref<!tpu.dma_semaphore, #tpu.memory_space<semaphore_mem>>) src(%arg11 : memref<96x128xf32, #tpu.memory_space<vmem>>) dst(%dma_wait3A_53 : memref<10112x128xf32, #tpu.memory_space<vmem_shared>>)
        tpu.yield
      }) : () -> ()
    }
    %scan3A_16 = arith.constant 108 : i32
    %barrier3A_17 = arith.constant 0 : index
    tpu.barrier barrier_id(%barrier3A_17)
    %mul3A_18 = arith.constant 632 : i32
    %mul3A_19 = arith.muli %arg1, %mul3A_18 : i32
    %mul3A_20 = arith.constant 10240 : i32
    %mul3A_21 = arith.muli %arg0, %mul3A_20 : i32
    %mul3A_22 = arith.constant 632 : i32
    %mul3A_23 = arith.muli %arg1, %mul3A_22 : i32
    %add3A_24 = arith.addi %mul3A_21, %mul3A_23 : i32
    "tpu.region"() ({
      %run_scoped3A = tpu.sem_alloc : memref<!tpu.dma_semaphore, #tpu.memory_space<semaphore_mem>>
      %dma_start3A = arith.constant 0 : i32
      %dma_start3A_25 = tpu.memref_slice %arg6[%add3A_24, %dma_start3A] : memref<20480x128xf32, #tpu.memory_space<hbm>> -> memref<632x128xf32, #tpu.memory_space<hbm>>
      %dma_start3A_26 = arith.constant 0 : i32
      %dma_start3A_27 = tpu.memref_slice %arg12[%mul3A_19, %dma_start3A_26] : memref<10112x128xf32, #tpu.memory_space<vmem_shared>> -> memref<632x128xf32, #tpu.memory_space<vmem_shared>>
      tpu.enqueue_dma source(%dma_start3A_27 : memref<632x128xf32, #tpu.memory_space<vmem_shared>>) target(%dma_start3A_25 : memref<632x128xf32, #tpu.memory_space<hbm>>) target_semaphore(%run_scoped3A : memref<!tpu.dma_semaphore, #tpu.memory_space<semaphore_mem>>)
      %dma_wait3A = arith.constant 0 : i32
      %dma_wait3A_28 = tpu.memref_slice %arg6[%add3A_24, %dma_wait3A] : memref<20480x128xf32, #tpu.memory_space<hbm>> -> memref<632x128xf32, #tpu.memory_space<hbm>>
      %dma_wait3A_29 = arith.constant 0 : i32
      %dma_wait3A_30 = tpu.memref_slice %arg12[%mul3A_19, %dma_wait3A_29] : memref<10112x128xf32, #tpu.memory_space<vmem_shared>> -> memref<632x128xf32, #tpu.memory_space<vmem_shared>>
      tpu.wait_dma2 semaphore(%run_scoped3A : memref<!tpu.dma_semaphore, #tpu.memory_space<semaphore_mem>>) src(%dma_wait3A_30 : memref<632x128xf32, #tpu.memory_space<vmem_shared>>) dst(%dma_wait3A_28 : memref<632x128xf32, #tpu.memory_space<hbm>>)
      tpu.yield
    }) : () -> ()
    return
  }
}

#map = affine_map<(d0, d1) -> (0)>
#map1 = affine_map<(d0, d1) -> (0, 0)>
module attributes {stable_mosaic.version = 14 : i64} {
  func.func @k(%arg0: i32, %arg1: i32, %arg2: memref<331776xi32, #tpu.memory_space<hbm>>, %arg3: memref<331776xi32, #tpu.memory_space<hbm>>, %arg4: memref<10240x1152xf32, #tpu.memory_space<hbm>>, %arg5: memref<10240x128xf32, #tpu.memory_space<hbm>>, %arg6: memref<20480x128xf32, #tpu.memory_space<hbm>>, %arg7: memref<32xi32, #tpu.memory_space<vmem>>, %arg8: memref<32xi32, #tpu.memory_space<vmem>>, %arg9: memref<32x1152xf32, #tpu.memory_space<vmem>>, %arg10: memref<32x128xf32, #tpu.memory_space<vmem>>, %arg11: memref<32x128xf32, #tpu.memory_space<vmem>>, %arg12: memref<8x128xf32, #tpu.memory_space<vmem>>, %arg13: memref<16xf32, #tpu.memory_space<vmem>>, %arg14: memref<10112x128xf32, #tpu.memory_space<vmem_shared>>, %arg15: memref<!tpu.dma_semaphore, #tpu.memory_space<semaphore_mem>>) attributes {dimension_semantics = [#tpu.dimension_semantics<core_parallel>, #tpu.dimension_semantics<subcore_parallel>], iteration_bounds = array<i64: 2, 16>, scalar_prefetch = 0 : i64, scratch_operands = 9 : i64, tpu.core_type = #tpu.core_type<sc_vector_subcore>, window_params = [{transform_indices = #map}, {transform_indices = #map}, {transform_indices = #map1}, {transform_indices = #map1}, {transform_indices = #map1}]} {
    %mul3A = arith.constant 2 : i32
    %mul3A_0 = arith.muli %arg1, %mul3A : i32
    %add3A = arith.addi %mul3A_0, %arg0 : i32
    %scan3A = arith.constant 0 : i32
    %scan3A_1 = arith.constant 8 : i32
    %scan3A_2 = arith.addi %scan3A, %scan3A_1 : i32
    %scan3A_3 = arith.constant 1 : i32
    scf.for %scan3A_25 = %scan3A to %scan3A_2 step %scan3A_3  : i32 {
      %mul3A_26 = arith.constant 1 : i32
      %mul3A_27 = arith.muli %scan3A_25, %mul3A_26 : i32
      %add3A_28 = arith.constant 0 : i32
      %add3A_29 = arith.addi %add3A_28, %mul3A_27 : i32
      %broadcast_in_dim3A = arith.constant 0.000000e+00 : f32
      %broadcast_in_dim3A_30 = vector.broadcast %broadcast_in_dim3A : f32 to vector<16xf32>
      %swap3A = arith.index_cast %add3A_29 : i32 to index
      %swap3A_31 = arith.constant 0 : index
      %swap3A_32 = tpu.vector_load %arg12[%swap3A, %swap3A_31] {strides = array<i32>} : memref<8x128xf32, #tpu.memory_space<vmem>>, vector<16xf32>,
      tpu.vector_store %arg12[%swap3A, %swap3A_31], %broadcast_in_dim3A_30 {strides = array<i32>} : memref<8x128xf32, #tpu.memory_space<vmem>>, vector<16xf32>,
      %broadcast_in_dim3A_33 = arith.constant 0.000000e+00 : f32
      %broadcast_in_dim3A_34 = vector.broadcast %broadcast_in_dim3A_33 : f32 to vector<16xf32>
      %swap3A_35 = arith.index_cast %add3A_29 : i32 to index
      %swap3A_36 = arith.constant 16 : index
      %swap3A_37 = tpu.vector_load %arg12[%swap3A_35, %swap3A_36] {strides = array<i32>} : memref<8x128xf32, #tpu.memory_space<vmem>>, vector<16xf32>,
      tpu.vector_store %arg12[%swap3A_35, %swap3A_36], %broadcast_in_dim3A_34 {strides = array<i32>} : memref<8x128xf32, #tpu.memory_space<vmem>>, vector<16xf32>,
      %broadcast_in_dim3A_38 = arith.constant 0.000000e+00 : f32
      %broadcast_in_dim3A_39 = vector.broadcast %broadcast_in_dim3A_38 : f32 to vector<16xf32>
      %swap3A_40 = arith.index_cast %add3A_29 : i32 to index
      %swap3A_41 = arith.constant 32 : index
      %swap3A_42 = tpu.vector_load %arg12[%swap3A_40, %swap3A_41] {strides = array<i32>} : memref<8x128xf32, #tpu.memory_space<vmem>>, vector<16xf32>,
      tpu.vector_store %arg12[%swap3A_40, %swap3A_41], %broadcast_in_dim3A_39 {strides = array<i32>} : memref<8x128xf32, #tpu.memory_space<vmem>>, vector<16xf32>,
      %broadcast_in_dim3A_43 = arith.constant 0.000000e+00 : f32
      %broadcast_in_dim3A_44 = vector.broadcast %broadcast_in_dim3A_43 : f32 to vector<16xf32>
      %swap3A_45 = arith.index_cast %add3A_29 : i32 to index
      %swap3A_46 = arith.constant 48 : index
      %swap3A_47 = tpu.vector_load %arg12[%swap3A_45, %swap3A_46] {strides = array<i32>} : memref<8x128xf32, #tpu.memory_space<vmem>>, vector<16xf32>,
      tpu.vector_store %arg12[%swap3A_45, %swap3A_46], %broadcast_in_dim3A_44 {strides = array<i32>} : memref<8x128xf32, #tpu.memory_space<vmem>>, vector<16xf32>,
      %broadcast_in_dim3A_48 = arith.constant 0.000000e+00 : f32
      %broadcast_in_dim3A_49 = vector.broadcast %broadcast_in_dim3A_48 : f32 to vector<16xf32>
      %swap3A_50 = arith.index_cast %add3A_29 : i32 to index
      %swap3A_51 = arith.constant 64 : index
      %swap3A_52 = tpu.vector_load %arg12[%swap3A_50, %swap3A_51] {strides = array<i32>} : memref<8x128xf32, #tpu.memory_space<vmem>>, vector<16xf32>,
      tpu.vector_store %arg12[%swap3A_50, %swap3A_51], %broadcast_in_dim3A_49 {strides = array<i32>} : memref<8x128xf32, #tpu.memory_space<vmem>>, vector<16xf32>,
      %broadcast_in_dim3A_53 = arith.constant 0.000000e+00 : f32
      %broadcast_in_dim3A_54 = vector.broadcast %broadcast_in_dim3A_53 : f32 to vector<16xf32>
      %swap3A_55 = arith.index_cast %add3A_29 : i32 to index
      %swap3A_56 = arith.constant 80 : index
      %swap3A_57 = tpu.vector_load %arg12[%swap3A_55, %swap3A_56] {strides = array<i32>} : memref<8x128xf32, #tpu.memory_space<vmem>>, vector<16xf32>,
      tpu.vector_store %arg12[%swap3A_55, %swap3A_56], %broadcast_in_dim3A_54 {strides = array<i32>} : memref<8x128xf32, #tpu.memory_space<vmem>>, vector<16xf32>,
      %broadcast_in_dim3A_58 = arith.constant 0.000000e+00 : f32
      %broadcast_in_dim3A_59 = vector.broadcast %broadcast_in_dim3A_58 : f32 to vector<16xf32>
      %swap3A_60 = arith.index_cast %add3A_29 : i32 to index
      %swap3A_61 = arith.constant 96 : index
      %swap3A_62 = tpu.vector_load %arg12[%swap3A_60, %swap3A_61] {strides = array<i32>} : memref<8x128xf32, #tpu.memory_space<vmem>>, vector<16xf32>,
      tpu.vector_store %arg12[%swap3A_60, %swap3A_61], %broadcast_in_dim3A_59 {strides = array<i32>} : memref<8x128xf32, #tpu.memory_space<vmem>>, vector<16xf32>,
      %broadcast_in_dim3A_63 = arith.constant 0.000000e+00 : f32
      %broadcast_in_dim3A_64 = vector.broadcast %broadcast_in_dim3A_63 : f32 to vector<16xf32>
      %swap3A_65 = arith.index_cast %add3A_29 : i32 to index
      %swap3A_66 = arith.constant 112 : index
      %swap3A_67 = tpu.vector_load %arg12[%swap3A_65, %swap3A_66] {strides = array<i32>} : memref<8x128xf32, #tpu.memory_space<vmem>>, vector<16xf32>,
      tpu.vector_store %arg12[%swap3A_65, %swap3A_66], %broadcast_in_dim3A_64 {strides = array<i32>} : memref<8x128xf32, #tpu.memory_space<vmem>>, vector<16xf32>,
    }
    %scan3A_4 = arith.constant 8 : i32
    %scan3A_5 = arith.constant 0 : i32
    %scan3A_6 = arith.constant 79 : i32
    %scan3A_7 = arith.addi %scan3A_5, %scan3A_6 : i32
    %scan3A_8 = arith.constant 1 : i32
    scf.for %scan3A_25 = %scan3A_5 to %scan3A_7 step %scan3A_8  : i32 {
      %mul3A_26 = arith.constant 1 : i32
      %mul3A_27 = arith.muli %scan3A_25, %mul3A_26 : i32
      %add3A_28 = arith.constant 0 : i32
      %add3A_29 = arith.addi %add3A_28, %mul3A_27 : i32
      %mul3A_30 = arith.constant 632 : i32
      %mul3A_31 = arith.muli %arg1, %mul3A_30 : i32
      %mul3A_32 = arith.constant 8 : i32
      %mul3A_33 = arith.muli %add3A_29, %mul3A_32 : i32
      %add3A_34 = arith.addi %mul3A_31, %mul3A_33 : i32
      "tpu.region"() ({
        %run_scoped3A = tpu.sem_alloc : memref<!tpu.dma_semaphore, #tpu.memory_space<semaphore_mem>>
        %dma_start3A = arith.constant 0 : i32
        %dma_start3A_35 = tpu.memref_slice %arg14[%add3A_34, %dma_start3A] : memref<10112x128xf32, #tpu.memory_space<vmem_shared>> -> memref<8x128xf32, #tpu.memory_space<vmem_shared>>
        %dma_start3A_36 = arith.constant 0 : i32
        %dma_start3A_37 = tpu.memref_slice %arg14[%add3A_34, %dma_start3A_36] : memref<10112x128xf32, #tpu.memory_space<vmem_shared>> -> memref<8x128xf32, #tpu.memory_space<vmem_shared>>
        tpu.enqueue_dma source(%arg12 : memref<8x128xf32, #tpu.memory_space<vmem>>) target(%dma_start3A_37 : memref<8x128xf32, #tpu.memory_space<vmem_shared>>) target_semaphore(%run_scoped3A : memref<!tpu.dma_semaphore, #tpu.memory_space<semaphore_mem>>)
        %dma_wait3A = arith.constant 0 : i32
        %dma_wait3A_38 = tpu.memref_slice %arg14[%add3A_34, %dma_wait3A] : memref<10112x128xf32, #tpu.memory_space<vmem_shared>> -> memref<8x128xf32, #tpu.memory_space<vmem_shared>>
        %dma_wait3A_39 = arith.constant 0 : i32
        %dma_wait3A_40 = tpu.memref_slice %arg14[%add3A_34, %dma_wait3A_39] : memref<10112x128xf32, #tpu.memory_space<vmem_shared>> -> memref<8x128xf32, #tpu.memory_space<vmem_shared>>
        tpu.wait_dma2 semaphore(%run_scoped3A : memref<!tpu.dma_semaphore, #tpu.memory_space<semaphore_mem>>) src(%arg12 : memref<8x128xf32, #tpu.memory_space<vmem>>) dst(%dma_wait3A_40 : memref<8x128xf32, #tpu.memory_space<vmem_shared>>)
        tpu.yield
      }) : () -> ()
    }
    %scan3A_9 = arith.constant 79 : i32
    %barrier3A = arith.constant 0 : index
    tpu.barrier barrier_id(%barrier3A)
    %mul3A_10 = arith.constant 10368 : i32
    %mul3A_11 = arith.muli %add3A, %mul3A_10 : i32
    %scan3A_12 = arith.constant 0 : i32
    %scan3A_13 = arith.constant 324 : i32
    %scan3A_14 = arith.addi %scan3A_12, %scan3A_13 : i32
    %scan3A_15 = arith.constant 1 : i32
    scf.for %scan3A_25 = %scan3A_12 to %scan3A_14 step %scan3A_15  : i32 {
      %mul3A_26 = arith.constant 1 : i32
      %mul3A_27 = arith.muli %scan3A_25, %mul3A_26 : i32
      %add3A_28 = arith.constant 0 : i32
      %add3A_29 = arith.addi %add3A_28, %mul3A_27 : i32
      %mul3A_30 = arith.constant 32 : i32
      %mul3A_31 = arith.muli %add3A_29, %mul3A_30 : i32
      %add3A_32 = arith.addi %mul3A_11, %mul3A_31 : i32
      "tpu.region"() ({
        %run_scoped3A = tpu.sem_alloc : memref<!tpu.dma_semaphore, #tpu.memory_space<semaphore_mem>>
        %dma_start3A_48 = tpu.memref_slice %arg2[%add3A_32] : memref<331776xi32, #tpu.memory_space<hbm>> -> memref<32xi32, #tpu.memory_space<hbm>>
        %dma_start3A_49 = tpu.memref_slice %arg2[%add3A_32] : memref<331776xi32, #tpu.memory_space<hbm>> -> memref<32xi32, #tpu.memory_space<hbm>>
        tpu.enqueue_dma source(%dma_start3A_49 : memref<32xi32, #tpu.memory_space<hbm>>) target(%arg7 : memref<32xi32, #tpu.memory_space<vmem>>) target_semaphore(%run_scoped3A : memref<!tpu.dma_semaphore, #tpu.memory_space<semaphore_mem>>)
        %dma_wait3A_50 = tpu.memref_slice %arg2[%add3A_32] : memref<331776xi32, #tpu.memory_space<hbm>> -> memref<32xi32, #tpu.memory_space<hbm>>
        %dma_wait3A_51 = tpu.memref_slice %arg2[%add3A_32] : memref<331776xi32, #tpu.memory_space<hbm>> -> memref<32xi32, #tpu.memory_space<hbm>>
        tpu.wait_dma2 semaphore(%run_scoped3A : memref<!tpu.dma_semaphore, #tpu.memory_space<semaphore_mem>>) src(%dma_wait3A_51 : memref<32xi32, #tpu.memory_space<hbm>>) dst(%arg7 : memref<32xi32, #tpu.memory_space<vmem>>)
        tpu.yield
      }) : () -> ()
      "tpu.region"() ({
        %run_scoped3A = tpu.sem_alloc : memref<!tpu.dma_semaphore, #tpu.memory_space<semaphore_mem>>
        %dma_start3A_48 = tpu.memref_slice %arg3[%add3A_32] : memref<331776xi32, #tpu.memory_space<hbm>> -> memref<32xi32, #tpu.memory_space<hbm>>
        %dma_start3A_49 = tpu.memref_slice %arg3[%add3A_32] : memref<331776xi32, #tpu.memory_space<hbm>> -> memref<32xi32, #tpu.memory_space<hbm>>
        tpu.enqueue_dma source(%dma_start3A_49 : memref<32xi32, #tpu.memory_space<hbm>>) target(%arg8 : memref<32xi32, #tpu.memory_space<vmem>>) target_semaphore(%run_scoped3A : memref<!tpu.dma_semaphore, #tpu.memory_space<semaphore_mem>>)
        %dma_wait3A_50 = tpu.memref_slice %arg3[%add3A_32] : memref<331776xi32, #tpu.memory_space<hbm>> -> memref<32xi32, #tpu.memory_space<hbm>>
        %dma_wait3A_51 = tpu.memref_slice %arg3[%add3A_32] : memref<331776xi32, #tpu.memory_space<hbm>> -> memref<32xi32, #tpu.memory_space<hbm>>
        tpu.wait_dma2 semaphore(%run_scoped3A : memref<!tpu.dma_semaphore, #tpu.memory_space<semaphore_mem>>) src(%dma_wait3A_51 : memref<32xi32, #tpu.memory_space<hbm>>) dst(%arg8 : memref<32xi32, #tpu.memory_space<vmem>>)
        tpu.yield
      }) : () -> ()
      %dma_start3A = arith.constant 0 : i32
      %dma_start3A_33 = arith.constant 0 : i32
      %dma_start3A_34 = tpu.memref_slice %arg4[%dma_start3A, %dma_start3A_33] : memref<10240x1152xf32, #tpu.memory_space<hbm>> -> memref<10240x1152xf32, #tpu.memory_space<hbm>>
      tpu.enqueue_indirect_dma source(%dma_start3A_34 : memref<10240x1152xf32, #tpu.memory_space<hbm>>) target(%arg9 : memref<32x1152xf32, #tpu.memory_space<vmem>>) offsets(%arg7 : memref<32xi32, #tpu.memory_space<vmem>>) semaphore(%arg15 : memref<!tpu.dma_semaphore, #tpu.memory_space<semaphore_mem>>)
      %dma_wait3A = arith.constant 0 : i32
      %dma_wait3A_35 = arith.constant 0 : i32
      %dma_wait3A_36 = tpu.memref_slice %arg4[%dma_wait3A, %dma_wait3A_35] : memref<10240x1152xf32, #tpu.memory_space<hbm>> -> memref<10240x1152xf32, #tpu.memory_space<hbm>>
      tpu.wait_indirect_dma semaphore(%arg15 : memref<!tpu.dma_semaphore, #tpu.memory_space<semaphore_mem>>) src(%dma_wait3A_36 : memref<10240x1152xf32, #tpu.memory_space<hbm>>) dst(%arg9 : memref<32x1152xf32, #tpu.memory_space<vmem>>)
      %dma_start3A_37 = arith.constant 0 : i32
      %dma_start3A_38 = arith.constant 0 : i32
      %dma_start3A_39 = tpu.memref_slice %arg5[%dma_start3A_37, %dma_start3A_38] : memref<10240x128xf32, #tpu.memory_space<hbm>> -> memref<10240x128xf32, #tpu.memory_space<hbm>>
      tpu.enqueue_indirect_dma source(%dma_start3A_39 : memref<10240x128xf32, #tpu.memory_space<hbm>>) target(%arg10 : memref<32x128xf32, #tpu.memory_space<vmem>>) offsets(%arg8 : memref<32xi32, #tpu.memory_space<vmem>>) semaphore(%arg15 : memref<!tpu.dma_semaphore, #tpu.memory_space<semaphore_mem>>)
      %dma_wait3A_40 = arith.constant 0 : i32
      %dma_wait3A_41 = arith.constant 0 : i32
      %dma_wait3A_42 = tpu.memref_slice %arg5[%dma_wait3A_40, %dma_wait3A_41] : memref<10240x128xf32, #tpu.memory_space<hbm>> -> memref<10240x128xf32, #tpu.memory_space<hbm>>
      tpu.wait_indirect_dma semaphore(%arg15 : memref<!tpu.dma_semaphore, #tpu.memory_space<semaphore_mem>>) src(%dma_wait3A_42 : memref<10240x128xf32, #tpu.memory_space<hbm>>) dst(%arg10 : memref<32x128xf32, #tpu.memory_space<vmem>>)
      %scan3A_43 = arith.constant 0 : i32
      %scan3A_44 = arith.constant 32 : i32
      %scan3A_45 = arith.addi %scan3A_43, %scan3A_44 : i32
      %scan3A_46 = arith.constant 1 : i32
      scf.for %scan3A_48 = %scan3A_43 to %scan3A_45 step %scan3A_46  : i32 {
        %mul3A_49 = arith.constant 1 : i32
        %mul3A_50 = arith.muli %scan3A_48, %mul3A_49 : i32
        %add3A_51 = arith.constant 0 : i32
        %add3A_52 = arith.addi %add3A_51, %mul3A_50 : i32
        %get3A = arith.index_cast %add3A_52 : i32 to index
        %get3A_53 = arith.constant 1024 : index
        %get3A_54 = tpu.vector_load %arg9[%get3A, %get3A_53] {strides = array<i32>} : memref<32x1152xf32, #tpu.memory_space<vmem>>, vector<16xf32>,
        %get3A_55 = arith.index_cast %add3A_52 : i32 to index
        %get3A_56 = arith.constant 0 : index
        %get3A_57 = tpu.vector_load %arg10[%get3A_55, %get3A_56] {strides = array<i32>} : memref<32x128xf32, #tpu.memory_space<vmem>>, vector<16xf32>,
        %add3A_58 = arith.addf %get3A_54, %get3A_57 : vector<16xf32>
        %mul3A_59 = arith.constant 2.000000e-01 : f32
        %mul3A_60 = vector.broadcast %mul3A_59 : f32 to vector<16xf32>
        %mul3A_61 = arith.mulf %mul3A_60, %add3A_58 : vector<16xf32>
        %max3A = arith.maximumf %add3A_58, %mul3A_61 : vector<16xf32>
        %exp3A = math.exp %max3A : vector<16xf32>
        %add3A_62 = arith.addi %add3A_32, %add3A_52 : i32
        %sub3A = arith.constant 330000 : i32
        %sub3A_63 = arith.subi %sub3A, %add3A_62 : i32
        %broadcast_in_dim3A = vector.broadcast %sub3A_63 : i32 to vector<16xi32>
        %jit3A = arith.constant 0 : i32
        %jit3A_64 = arith.constant 1 : i32
        %max3A_65 = vector.broadcast %jit3A : i32 to vector<16xi32>
        %max3A_66 = arith.maxsi %max3A_65, %broadcast_in_dim3A : vector<16xi32>
        %min3A = vector.broadcast %jit3A_64 : i32 to vector<16xi32>
        %min3A_67 = arith.minsi %min3A, %max3A_66 : vector<16xi32>
        %convert_element_type3A = arith.sitofp %min3A_67 : vector<16xi32> to vector<16xf32>
        %mul3A_68 = arith.mulf %exp3A, %convert_element_type3A : vector<16xf32>
        %get3A_69 = arith.index_cast %add3A_52 : i32 to index
        %get3A_70 = arith.constant 16 : index
        %get3A_71 = tpu.vector_load %arg10[%get3A_69, %get3A_70] {strides = array<i32>} : memref<32x128xf32, #tpu.memory_space<vmem>>, vector<16xf32>,
        %mul3A_72 = arith.mulf %mul3A_68, %get3A_71 : vector<16xf32>
        %swap3A = arith.constant 0 : index
        %swap3A_73 = tpu.vector_load %arg13[%swap3A] {strides = array<i32>} : memref<16xf32, #tpu.memory_space<vmem>>, vector<16xf32>,
        tpu.vector_store %arg13[%swap3A], %mul3A_72 {strides = array<i32>} : memref<16xf32, #tpu.memory_space<vmem>>, vector<16xf32>,
        %broadcast_in_dim3A_74 = arith.constant 8 : i32
        %broadcast_in_dim3A_75 = vector.broadcast %broadcast_in_dim3A_74 : i32 to vector<16xi32>
        %gather3A = tpu.vector_load_idx %arg13[%broadcast_in_dim3A_75] : memref<16xf32, #tpu.memory_space<vmem>>[vector<16xi32>], vector<16xf32>,
        %get3A_76 = arith.index_cast %add3A_52 : i32 to index
        %get3A_77 = arith.constant 0 : index
        %get3A_78 = tpu.vector_load %arg9[%get3A_76, %get3A_77] {strides = array<i32>} : memref<32x1152xf32, #tpu.memory_space<vmem>>, vector<16xf32>,
        %mul3A_79 = arith.mulf %gather3A, %get3A_78 : vector<16xf32>
        %swap3A_80 = arith.index_cast %add3A_52 : i32 to index
        %swap3A_81 = arith.constant 0 : index
        %swap3A_82 = tpu.vector_load %arg11[%swap3A_80, %swap3A_81] {strides = array<i32>} : memref<32x128xf32, #tpu.memory_space<vmem>>, vector<16xf32>,
        tpu.vector_store %arg11[%swap3A_80, %swap3A_81], %mul3A_79 {strides = array<i32>} : memref<32x128xf32, #tpu.memory_space<vmem>>, vector<16xf32>,
        %get3A_83 = arith.index_cast %add3A_52 : i32 to index
        %get3A_84 = arith.constant 16 : index
        %get3A_85 = tpu.vector_load %arg9[%get3A_83, %get3A_84] {strides = array<i32>} : memref<32x1152xf32, #tpu.memory_space<vmem>>, vector<16xf32>,
        %mul3A_86 = arith.mulf %gather3A, %get3A_85 : vector<16xf32>
        %swap3A_87 = arith.index_cast %add3A_52 : i32 to index
        %swap3A_88 = arith.constant 16 : index
        %swap3A_89 = tpu.vector_load %arg11[%swap3A_87, %swap3A_88] {strides = array<i32>} : memref<32x128xf32, #tpu.memory_space<vmem>>, vector<16xf32>,
        tpu.vector_store %arg11[%swap3A_87, %swap3A_88], %mul3A_86 {strides = array<i32>} : memref<32x128xf32, #tpu.memory_space<vmem>>, vector<16xf32>,
        %get3A_90 = arith.index_cast %add3A_52 : i32 to index
        %get3A_91 = arith.constant 32 : index
        %get3A_92 = tpu.vector_load %arg9[%get3A_90, %get3A_91] {strides = array<i32>} : memref<32x1152xf32, #tpu.memory_space<vmem>>, vector<16xf32>,
        %mul3A_93 = arith.mulf %gather3A, %get3A_92 : vector<16xf32>
        %swap3A_94 = arith.index_cast %add3A_52 : i32 to index
        %swap3A_95 = arith.constant 32 : index
        %swap3A_96 = tpu.vector_load %arg11[%swap3A_94, %swap3A_95] {strides = array<i32>} : memref<32x128xf32, #tpu.memory_space<vmem>>, vector<16xf32>,
        tpu.vector_store %arg11[%swap3A_94, %swap3A_95], %mul3A_93 {strides = array<i32>} : memref<32x128xf32, #tpu.memory_space<vmem>>, vector<16xf32>,
        %get3A_97 = arith.index_cast %add3A_52 : i32 to index
        %get3A_98 = arith.constant 48 : index
        %get3A_99 = tpu.vector_load %arg9[%get3A_97, %get3A_98] {strides = array<i32>} : memref<32x1152xf32, #tpu.memory_space<vmem>>, vector<16xf32>,
        %mul3A_100 = arith.mulf %gather3A, %get3A_99 : vector<16xf32>
        %swap3A_101 = arith.index_cast %add3A_52 : i32 to index
        %swap3A_102 = arith.constant 48 : index
        %swap3A_103 = tpu.vector_load %arg11[%swap3A_101, %swap3A_102] {strides = array<i32>} : memref<32x128xf32, #tpu.memory_space<vmem>>, vector<16xf32>,
        tpu.vector_store %arg11[%swap3A_101, %swap3A_102], %mul3A_100 {strides = array<i32>} : memref<32x128xf32, #tpu.memory_space<vmem>>, vector<16xf32>,
        %get3A_104 = arith.index_cast %add3A_52 : i32 to index
        %get3A_105 = arith.constant 64 : index
        %get3A_106 = tpu.vector_load %arg9[%get3A_104, %get3A_105] {strides = array<i32>} : memref<32x1152xf32, #tpu.memory_space<vmem>>, vector<16xf32>,
        %mul3A_107 = arith.mulf %gather3A, %get3A_106 : vector<16xf32>
        %swap3A_108 = arith.index_cast %add3A_52 : i32 to index
        %swap3A_109 = arith.constant 64 : index
        %swap3A_110 = tpu.vector_load %arg11[%swap3A_108, %swap3A_109] {strides = array<i32>} : memref<32x128xf32, #tpu.memory_space<vmem>>, vector<16xf32>,
        tpu.vector_store %arg11[%swap3A_108, %swap3A_109], %mul3A_107 {strides = array<i32>} : memref<32x128xf32, #tpu.memory_space<vmem>>, vector<16xf32>,
        %get3A_111 = arith.index_cast %add3A_52 : i32 to index
        %get3A_112 = arith.constant 80 : index
        %get3A_113 = tpu.vector_load %arg9[%get3A_111, %get3A_112] {strides = array<i32>} : memref<32x1152xf32, #tpu.memory_space<vmem>>, vector<16xf32>,
        %mul3A_114 = arith.mulf %gather3A, %get3A_113 : vector<16xf32>
        %swap3A_115 = arith.index_cast %add3A_52 : i32 to index
        %swap3A_116 = arith.constant 80 : index
        %swap3A_117 = tpu.vector_load %arg11[%swap3A_115, %swap3A_116] {strides = array<i32>} : memref<32x128xf32, #tpu.memory_space<vmem>>, vector<16xf32>,
        tpu.vector_store %arg11[%swap3A_115, %swap3A_116], %mul3A_114 {strides = array<i32>} : memref<32x128xf32, #tpu.memory_space<vmem>>, vector<16xf32>,
        %get3A_118 = arith.index_cast %add3A_52 : i32 to index
        %get3A_119 = arith.constant 96 : index
        %get3A_120 = tpu.vector_load %arg9[%get3A_118, %get3A_119] {strides = array<i32>} : memref<32x1152xf32, #tpu.memory_space<vmem>>, vector<16xf32>,
        %mul3A_121 = arith.mulf %gather3A, %get3A_120 : vector<16xf32>
        %swap3A_122 = arith.index_cast %add3A_52 : i32 to index
        %swap3A_123 = arith.constant 96 : index
        %swap3A_124 = tpu.vector_load %arg11[%swap3A_122, %swap3A_123] {strides = array<i32>} : memref<32x128xf32, #tpu.memory_space<vmem>>, vector<16xf32>,
        tpu.vector_store %arg11[%swap3A_122, %swap3A_123], %mul3A_121 {strides = array<i32>} : memref<32x128xf32, #tpu.memory_space<vmem>>, vector<16xf32>,
        %get3A_125 = arith.index_cast %add3A_52 : i32 to index
        %get3A_126 = arith.constant 112 : index
        %get3A_127 = tpu.vector_load %arg9[%get3A_125, %get3A_126] {strides = array<i32>} : memref<32x1152xf32, #tpu.memory_space<vmem>>, vector<16xf32>,
        %mul3A_128 = arith.mulf %gather3A, %get3A_127 : vector<16xf32>
        %swap3A_129 = arith.index_cast %add3A_52 : i32 to index
        %swap3A_130 = arith.constant 112 : index
        %swap3A_131 = tpu.vector_load %arg11[%swap3A_129, %swap3A_130] {strides = array<i32>} : memref<32x128xf32, #tpu.memory_space<vmem>>, vector<16xf32>,
        tpu.vector_store %arg11[%swap3A_129, %swap3A_130], %mul3A_128 {strides = array<i32>} : memref<32x128xf32, #tpu.memory_space<vmem>>, vector<16xf32>,
        %broadcast_in_dim3A_132 = arith.constant 9 : i32
        %broadcast_in_dim3A_133 = vector.broadcast %broadcast_in_dim3A_132 : i32 to vector<16xi32>
        %gather3A_134 = tpu.vector_load_idx %arg13[%broadcast_in_dim3A_133] : memref<16xf32, #tpu.memory_space<vmem>>[vector<16xi32>], vector<16xf32>,
        %get3A_135 = arith.index_cast %add3A_52 : i32 to index
        %get3A_136 = arith.constant 128 : index
        %get3A_137 = tpu.vector_load %arg9[%get3A_135, %get3A_136] {strides = array<i32>} : memref<32x1152xf32, #tpu.memory_space<vmem>>, vector<16xf32>,
        %get3A_138 = arith.index_cast %add3A_52 : i32 to index
        %get3A_139 = arith.constant 0 : index
        %get3A_140 = tpu.vector_load %arg11[%get3A_138, %get3A_139] {strides = array<i32>} : memref<32x128xf32, #tpu.memory_space<vmem>>, vector<16xf32>,
        %mul3A_141 = arith.mulf %gather3A_134, %get3A_137 : vector<16xf32>
        %add3A_142 = arith.addf %get3A_140, %mul3A_141 : vector<16xf32>
        %swap3A_143 = arith.index_cast %add3A_52 : i32 to index
        %swap3A_144 = arith.constant 0 : index
        %swap3A_145 = tpu.vector_load %arg11[%swap3A_143, %swap3A_144] {strides = array<i32>} : memref<32x128xf32, #tpu.memory_space<vmem>>, vector<16xf32>,
        tpu.vector_store %arg11[%swap3A_143, %swap3A_144], %add3A_142 {strides = array<i32>} : memref<32x128xf32, #tpu.memory_space<vmem>>, vector<16xf32>,
        %get3A_146 = arith.index_cast %add3A_52 : i32 to index
        %get3A_147 = arith.constant 144 : index
        %get3A_148 = tpu.vector_load %arg9[%get3A_146, %get3A_147] {strides = array<i32>} : memref<32x1152xf32, #tpu.memory_space<vmem>>, vector<16xf32>,
        %get3A_149 = arith.index_cast %add3A_52 : i32 to index
        %get3A_150 = arith.constant 16 : index
        %get3A_151 = tpu.vector_load %arg11[%get3A_149, %get3A_150] {strides = array<i32>} : memref<32x128xf32, #tpu.memory_space<vmem>>, vector<16xf32>,
        %mul3A_152 = arith.mulf %gather3A_134, %get3A_148 : vector<16xf32>
        %add3A_153 = arith.addf %get3A_151, %mul3A_152 : vector<16xf32>
        %swap3A_154 = arith.index_cast %add3A_52 : i32 to index
        %swap3A_155 = arith.constant 16 : index
        %swap3A_156 = tpu.vector_load %arg11[%swap3A_154, %swap3A_155] {strides = array<i32>} : memref<32x128xf32, #tpu.memory_space<vmem>>, vector<16xf32>,
        tpu.vector_store %arg11[%swap3A_154, %swap3A_155], %add3A_153 {strides = array<i32>} : memref<32x128xf32, #tpu.memory_space<vmem>>, vector<16xf32>,
        %get3A_157 = arith.index_cast %add3A_52 : i32 to index
        %get3A_158 = arith.constant 160 : index
        %get3A_159 = tpu.vector_load %arg9[%get3A_157, %get3A_158] {strides = array<i32>} : memref<32x1152xf32, #tpu.memory_space<vmem>>, vector<16xf32>,
        %get3A_160 = arith.index_cast %add3A_52 : i32 to index
        %get3A_161 = arith.constant 32 : index
        %get3A_162 = tpu.vector_load %arg11[%get3A_160, %get3A_161] {strides = array<i32>} : memref<32x128xf32, #tpu.memory_space<vmem>>, vector<16xf32>,
        %mul3A_163 = arith.mulf %gather3A_134, %get3A_159 : vector<16xf32>
        %add3A_164 = arith.addf %get3A_162, %mul3A_163 : vector<16xf32>
        %swap3A_165 = arith.index_cast %add3A_52 : i32 to index
        %swap3A_166 = arith.constant 32 : index
        %swap3A_167 = tpu.vector_load %arg11[%swap3A_165, %swap3A_166] {strides = array<i32>} : memref<32x128xf32, #tpu.memory_space<vmem>>, vector<16xf32>,
        tpu.vector_store %arg11[%swap3A_165, %swap3A_166], %add3A_164 {strides = array<i32>} : memref<32x128xf32, #tpu.memory_space<vmem>>, vector<16xf32>,
        %get3A_168 = arith.index_cast %add3A_52 : i32 to index
        %get3A_169 = arith.constant 176 : index
        %get3A_170 = tpu.vector_load %arg9[%get3A_168, %get3A_169] {strides = array<i32>} : memref<32x1152xf32, #tpu.memory_space<vmem>>, vector<16xf32>,
        %get3A_171 = arith.index_cast %add3A_52 : i32 to index
        %get3A_172 = arith.constant 48 : index
        %get3A_173 = tpu.vector_load %arg11[%get3A_171, %get3A_172] {strides = array<i32>} : memref<32x128xf32, #tpu.memory_space<vmem>>, vector<16xf32>,
        %mul3A_174 = arith.mulf %gather3A_134, %get3A_170 : vector<16xf32>
        %add3A_175 = arith.addf %get3A_173, %mul3A_174 : vector<16xf32>
        %swap3A_176 = arith.index_cast %add3A_52 : i32 to index
        %swap3A_177 = arith.constant 48 : index
        %swap3A_178 = tpu.vector_load %arg11[%swap3A_176, %swap3A_177] {strides = array<i32>} : memref<32x128xf32, #tpu.memory_space<vmem>>, vector<16xf32>,
        tpu.vector_store %arg11[%swap3A_176, %swap3A_177], %add3A_175 {strides = array<i32>} : memref<32x128xf32, #tpu.memory_space<vmem>>, vector<16xf32>,
        %get3A_179 = arith.index_cast %add3A_52 : i32 to index
        %get3A_180 = arith.constant 192 : index
        %get3A_181 = tpu.vector_load %arg9[%get3A_179, %get3A_180] {strides = array<i32>} : memref<32x1152xf32, #tpu.memory_space<vmem>>, vector<16xf32>,
        %get3A_182 = arith.index_cast %add3A_52 : i32 to index
        %get3A_183 = arith.constant 64 : index
        %get3A_184 = tpu.vector_load %arg11[%get3A_182, %get3A_183] {strides = array<i32>} : memref<32x128xf32, #tpu.memory_space<vmem>>, vector<16xf32>,
        %mul3A_185 = arith.mulf %gather3A_134, %get3A_181 : vector<16xf32>
        %add3A_186 = arith.addf %get3A_184, %mul3A_185 : vector<16xf32>
        %swap3A_187 = arith.index_cast %add3A_52 : i32 to index
        %swap3A_188 = arith.constant 64 : index
        %swap3A_189 = tpu.vector_load %arg11[%swap3A_187, %swap3A_188] {strides = array<i32>} : memref<32x128xf32, #tpu.memory_space<vmem>>, vector<16xf32>,
        tpu.vector_store %arg11[%swap3A_187, %swap3A_188], %add3A_186 {strides = array<i32>} : memref<32x128xf32, #tpu.memory_space<vmem>>, vector<16xf32>,
        %get3A_190 = arith.index_cast %add3A_52 : i32 to index
        %get3A_191 = arith.constant 208 : index
        %get3A_192 = tpu.vector_load %arg9[%get3A_190, %get3A_191] {strides = array<i32>} : memref<32x1152xf32, #tpu.memory_space<vmem>>, vector<16xf32>,
        %get3A_193 = arith.index_cast %add3A_52 : i32 to index
        %get3A_194 = arith.constant 80 : index
        %get3A_195 = tpu.vector_load %arg11[%get3A_193, %get3A_194] {strides = array<i32>} : memref<32x128xf32, #tpu.memory_space<vmem>>, vector<16xf32>,
        %mul3A_196 = arith.mulf %gather3A_134, %get3A_192 : vector<16xf32>
        %add3A_197 = arith.addf %get3A_195, %mul3A_196 : vector<16xf32>
        %swap3A_198 = arith.index_cast %add3A_52 : i32 to index
        %swap3A_199 = arith.constant 80 : index
        %swap3A_200 = tpu.vector_load %arg11[%swap3A_198, %swap3A_199] {strides = array<i32>} : memref<32x128xf32, #tpu.memory_space<vmem>>, vector<16xf32>,
        tpu.vector_store %arg11[%swap3A_198, %swap3A_199], %add3A_197 {strides = array<i32>} : memref<32x128xf32, #tpu.memory_space<vmem>>, vector<16xf32>,
        %get3A_201 = arith.index_cast %add3A_52 : i32 to index
        %get3A_202 = arith.constant 224 : index
        %get3A_203 = tpu.vector_load %arg9[%get3A_201, %get3A_202] {strides = array<i32>} : memref<32x1152xf32, #tpu.memory_space<vmem>>, vector<16xf32>,
        %get3A_204 = arith.index_cast %add3A_52 : i32 to index
        %get3A_205 = arith.constant 96 : index
        %get3A_206 = tpu.vector_load %arg11[%get3A_204, %get3A_205] {strides = array<i32>} : memref<32x128xf32, #tpu.memory_space<vmem>>, vector<16xf32>,
        %mul3A_207 = arith.mulf %gather3A_134, %get3A_203 : vector<16xf32>
        %add3A_208 = arith.addf %get3A_206, %mul3A_207 : vector<16xf32>
        %swap3A_209 = arith.index_cast %add3A_52 : i32 to index
        %swap3A_210 = arith.constant 96 : index
        %swap3A_211 = tpu.vector_load %arg11[%swap3A_209, %swap3A_210] {strides = array<i32>} : memref<32x128xf32, #tpu.memory_space<vmem>>, vector<16xf32>,
        tpu.vector_store %arg11[%swap3A_209, %swap3A_210], %add3A_208 {strides = array<i32>} : memref<32x128xf32, #tpu.memory_space<vmem>>, vector<16xf32>,
        %get3A_212 = arith.index_cast %add3A_52 : i32 to index
        %get3A_213 = arith.constant 240 : index
        %get3A_214 = tpu.vector_load %arg9[%get3A_212, %get3A_213] {strides = array<i32>} : memref<32x1152xf32, #tpu.memory_space<vmem>>, vector<16xf32>,
        %get3A_215 = arith.index_cast %add3A_52 : i32 to index
        %get3A_216 = arith.constant 112 : index
        %get3A_217 = tpu.vector_load %arg11[%get3A_215, %get3A_216] {strides = array<i32>} : memref<32x128xf32, #tpu.memory_space<vmem>>, vector<16xf32>,
        %mul3A_218 = arith.mulf %gather3A_134, %get3A_214 : vector<16xf32>
        %add3A_219 = arith.addf %get3A_217, %mul3A_218 : vector<16xf32>
        %swap3A_220 = arith.index_cast %add3A_52 : i32 to index
        %swap3A_221 = arith.constant 112 : index
        %swap3A_222 = tpu.vector_load %arg11[%swap3A_220, %swap3A_221] {strides = array<i32>} : memref<32x128xf32, #tpu.memory_space<vmem>>, vector<16xf32>,
        tpu.vector_store %arg11[%swap3A_220, %swap3A_221], %add3A_219 {strides = array<i32>} : memref<32x128xf32, #tpu.memory_space<vmem>>, vector<16xf32>,
        %broadcast_in_dim3A_223 = arith.constant 10 : i32
        %broadcast_in_dim3A_224 = vector.broadcast %broadcast_in_dim3A_223 : i32 to vector<16xi32>
        %gather3A_225 = tpu.vector_load_idx %arg13[%broadcast_in_dim3A_224] : memref<16xf32, #tpu.memory_space<vmem>>[vector<16xi32>], vector<16xf32>,
        %get3A_226 = arith.index_cast %add3A_52 : i32 to index
        %get3A_227 = arith.constant 256 : index
        %get3A_228 = tpu.vector_load %arg9[%get3A_226, %get3A_227] {strides = array<i32>} : memref<32x1152xf32, #tpu.memory_space<vmem>>, vector<16xf32>,
        %get3A_229 = arith.index_cast %add3A_52 : i32 to index
        %get3A_230 = arith.constant 0 : index
        %get3A_231 = tpu.vector_load %arg11[%get3A_229, %get3A_230] {strides = array<i32>} : memref<32x128xf32, #tpu.memory_space<vmem>>, vector<16xf32>,
        %mul3A_232 = arith.mulf %gather3A_225, %get3A_228 : vector<16xf32>
        %add3A_233 = arith.addf %get3A_231, %mul3A_232 : vector<16xf32>
        %swap3A_234 = arith.index_cast %add3A_52 : i32 to index
        %swap3A_235 = arith.constant 0 : index
        %swap3A_236 = tpu.vector_load %arg11[%swap3A_234, %swap3A_235] {strides = array<i32>} : memref<32x128xf32, #tpu.memory_space<vmem>>, vector<16xf32>,
        tpu.vector_store %arg11[%swap3A_234, %swap3A_235], %add3A_233 {strides = array<i32>} : memref<32x128xf32, #tpu.memory_space<vmem>>, vector<16xf32>,
        %get3A_237 = arith.index_cast %add3A_52 : i32 to index
        %get3A_238 = arith.constant 272 : index
        %get3A_239 = tpu.vector_load %arg9[%get3A_237, %get3A_238] {strides = array<i32>} : memref<32x1152xf32, #tpu.memory_space<vmem>>, vector<16xf32>,
        %get3A_240 = arith.index_cast %add3A_52 : i32 to index
        %get3A_241 = arith.constant 16 : index
        %get3A_242 = tpu.vector_load %arg11[%get3A_240, %get3A_241] {strides = array<i32>} : memref<32x128xf32, #tpu.memory_space<vmem>>, vector<16xf32>,
        %mul3A_243 = arith.mulf %gather3A_225, %get3A_239 : vector<16xf32>
        %add3A_244 = arith.addf %get3A_242, %mul3A_243 : vector<16xf32>
        %swap3A_245 = arith.index_cast %add3A_52 : i32 to index
        %swap3A_246 = arith.constant 16 : index
        %swap3A_247 = tpu.vector_load %arg11[%swap3A_245, %swap3A_246] {strides = array<i32>} : memref<32x128xf32, #tpu.memory_space<vmem>>, vector<16xf32>,
        tpu.vector_store %arg11[%swap3A_245, %swap3A_246], %add3A_244 {strides = array<i32>} : memref<32x128xf32, #tpu.memory_space<vmem>>, vector<16xf32>,
        %get3A_248 = arith.index_cast %add3A_52 : i32 to index
        %get3A_249 = arith.constant 288 : index
        %get3A_250 = tpu.vector_load %arg9[%get3A_248, %get3A_249] {strides = array<i32>} : memref<32x1152xf32, #tpu.memory_space<vmem>>, vector<16xf32>,
        %get3A_251 = arith.index_cast %add3A_52 : i32 to index
        %get3A_252 = arith.constant 32 : index
        %get3A_253 = tpu.vector_load %arg11[%get3A_251, %get3A_252] {strides = array<i32>} : memref<32x128xf32, #tpu.memory_space<vmem>>, vector<16xf32>,
        %mul3A_254 = arith.mulf %gather3A_225, %get3A_250 : vector<16xf32>
        %add3A_255 = arith.addf %get3A_253, %mul3A_254 : vector<16xf32>
        %swap3A_256 = arith.index_cast %add3A_52 : i32 to index
        %swap3A_257 = arith.constant 32 : index
        %swap3A_258 = tpu.vector_load %arg11[%swap3A_256, %swap3A_257] {strides = array<i32>} : memref<32x128xf32, #tpu.memory_space<vmem>>, vector<16xf32>,
        tpu.vector_store %arg11[%swap3A_256, %swap3A_257], %add3A_255 {strides = array<i32>} : memref<32x128xf32, #tpu.memory_space<vmem>>, vector<16xf32>,
        %get3A_259 = arith.index_cast %add3A_52 : i32 to index
        %get3A_260 = arith.constant 304 : index
        %get3A_261 = tpu.vector_load %arg9[%get3A_259, %get3A_260] {strides = array<i32>} : memref<32x1152xf32, #tpu.memory_space<vmem>>, vector<16xf32>,
        %get3A_262 = arith.index_cast %add3A_52 : i32 to index
        %get3A_263 = arith.constant 48 : index
        %get3A_264 = tpu.vector_load %arg11[%get3A_262, %get3A_263] {strides = array<i32>} : memref<32x128xf32, #tpu.memory_space<vmem>>, vector<16xf32>,
        %mul3A_265 = arith.mulf %gather3A_225, %get3A_261 : vector<16xf32>
        %add3A_266 = arith.addf %get3A_264, %mul3A_265 : vector<16xf32>
        %swap3A_267 = arith.index_cast %add3A_52 : i32 to index
        %swap3A_268 = arith.constant 48 : index
        %swap3A_269 = tpu.vector_load %arg11[%swap3A_267, %swap3A_268] {strides = array<i32>} : memref<32x128xf32, #tpu.memory_space<vmem>>, vector<16xf32>,
        tpu.vector_store %arg11[%swap3A_267, %swap3A_268], %add3A_266 {strides = array<i32>} : memref<32x128xf32, #tpu.memory_space<vmem>>, vector<16xf32>,
        %get3A_270 = arith.index_cast %add3A_52 : i32 to index
        %get3A_271 = arith.constant 320 : index
        %get3A_272 = tpu.vector_load %arg9[%get3A_270, %get3A_271] {strides = array<i32>} : memref<32x1152xf32, #tpu.memory_space<vmem>>, vector<16xf32>,
        %get3A_273 = arith.index_cast %add3A_52 : i32 to index
        %get3A_274 = arith.constant 64 : index
        %get3A_275 = tpu.vector_load %arg11[%get3A_273, %get3A_274] {strides = array<i32>} : memref<32x128xf32, #tpu.memory_space<vmem>>, vector<16xf32>,
        %mul3A_276 = arith.mulf %gather3A_225, %get3A_272 : vector<16xf32>
        %add3A_277 = arith.addf %get3A_275, %mul3A_276 : vector<16xf32>
        %swap3A_278 = arith.index_cast %add3A_52 : i32 to index
        %swap3A_279 = arith.constant 64 : index
        %swap3A_280 = tpu.vector_load %arg11[%swap3A_278, %swap3A_279] {strides = array<i32>} : memref<32x128xf32, #tpu.memory_space<vmem>>, vector<16xf32>,
        tpu.vector_store %arg11[%swap3A_278, %swap3A_279], %add3A_277 {strides = array<i32>} : memref<32x128xf32, #tpu.memory_space<vmem>>, vector<16xf32>,
        %get3A_281 = arith.index_cast %add3A_52 : i32 to index
        %get3A_282 = arith.constant 336 : index
        %get3A_283 = tpu.vector_load %arg9[%get3A_281, %get3A_282] {strides = array<i32>} : memref<32x1152xf32, #tpu.memory_space<vmem>>, vector<16xf32>,
        %get3A_284 = arith.index_cast %add3A_52 : i32 to index
        %get3A_285 = arith.constant 80 : index
        %get3A_286 = tpu.vector_load %arg11[%get3A_284, %get3A_285] {strides = array<i32>} : memref<32x128xf32, #tpu.memory_space<vmem>>, vector<16xf32>,
        %mul3A_287 = arith.mulf %gather3A_225, %get3A_283 : vector<16xf32>
        %add3A_288 = arith.addf %get3A_286, %mul3A_287 : vector<16xf32>
        %swap3A_289 = arith.index_cast %add3A_52 : i32 to index
        %swap3A_290 = arith.constant 80 : index
        %swap3A_291 = tpu.vector_load %arg11[%swap3A_289, %swap3A_290] {strides = array<i32>} : memref<32x128xf32, #tpu.memory_space<vmem>>, vector<16xf32>,
        tpu.vector_store %arg11[%swap3A_289, %swap3A_290], %add3A_288 {strides = array<i32>} : memref<32x128xf32, #tpu.memory_space<vmem>>, vector<16xf32>,
        %get3A_292 = arith.index_cast %add3A_52 : i32 to index
        %get3A_293 = arith.constant 352 : index
        %get3A_294 = tpu.vector_load %arg9[%get3A_292, %get3A_293] {strides = array<i32>} : memref<32x1152xf32, #tpu.memory_space<vmem>>, vector<16xf32>,
        %get3A_295 = arith.index_cast %add3A_52 : i32 to index
        %get3A_296 = arith.constant 96 : index
        %get3A_297 = tpu.vector_load %arg11[%get3A_295, %get3A_296] {strides = array<i32>} : memref<32x128xf32, #tpu.memory_space<vmem>>, vector<16xf32>,
        %mul3A_298 = arith.mulf %gather3A_225, %get3A_294 : vector<16xf32>
        %add3A_299 = arith.addf %get3A_297, %mul3A_298 : vector<16xf32>
        %swap3A_300 = arith.index_cast %add3A_52 : i32 to index
        %swap3A_301 = arith.constant 96 : index
        %swap3A_302 = tpu.vector_load %arg11[%swap3A_300, %swap3A_301] {strides = array<i32>} : memref<32x128xf32, #tpu.memory_space<vmem>>, vector<16xf32>,
        tpu.vector_store %arg11[%swap3A_300, %swap3A_301], %add3A_299 {strides = array<i32>} : memref<32x128xf32, #tpu.memory_space<vmem>>, vector<16xf32>,
        %get3A_303 = arith.index_cast %add3A_52 : i32 to index
        %get3A_304 = arith.constant 368 : index
        %get3A_305 = tpu.vector_load %arg9[%get3A_303, %get3A_304] {strides = array<i32>} : memref<32x1152xf32, #tpu.memory_space<vmem>>, vector<16xf32>,
        %get3A_306 = arith.index_cast %add3A_52 : i32 to index
        %get3A_307 = arith.constant 112 : index
        %get3A_308 = tpu.vector_load %arg11[%get3A_306, %get3A_307] {strides = array<i32>} : memref<32x128xf32, #tpu.memory_space<vmem>>, vector<16xf32>,
        %mul3A_309 = arith.mulf %gather3A_225, %get3A_305 : vector<16xf32>
        %add3A_310 = arith.addf %get3A_308, %mul3A_309 : vector<16xf32>
        %swap3A_311 = arith.index_cast %add3A_52 : i32 to index
        %swap3A_312 = arith.constant 112 : index
        %swap3A_313 = tpu.vector_load %arg11[%swap3A_311, %swap3A_312] {strides = array<i32>} : memref<32x128xf32, #tpu.memory_space<vmem>>, vector<16xf32>,
        tpu.vector_store %arg11[%swap3A_311, %swap3A_312], %add3A_310 {strides = array<i32>} : memref<32x128xf32, #tpu.memory_space<vmem>>, vector<16xf32>,
        %broadcast_in_dim3A_314 = arith.constant 11 : i32
        %broadcast_in_dim3A_315 = vector.broadcast %broadcast_in_dim3A_314 : i32 to vector<16xi32>
        %gather3A_316 = tpu.vector_load_idx %arg13[%broadcast_in_dim3A_315] : memref<16xf32, #tpu.memory_space<vmem>>[vector<16xi32>], vector<16xf32>,
        %get3A_317 = arith.index_cast %add3A_52 : i32 to index
        %get3A_318 = arith.constant 384 : index
        %get3A_319 = tpu.vector_load %arg9[%get3A_317, %get3A_318] {strides = array<i32>} : memref<32x1152xf32, #tpu.memory_space<vmem>>, vector<16xf32>,
        %get3A_320 = arith.index_cast %add3A_52 : i32 to index
        %get3A_321 = arith.constant 0 : index
        %get3A_322 = tpu.vector_load %arg11[%get3A_320, %get3A_321] {strides = array<i32>} : memref<32x128xf32, #tpu.memory_space<vmem>>, vector<16xf32>,
        %mul3A_323 = arith.mulf %gather3A_316, %get3A_319 : vector<16xf32>
        %add3A_324 = arith.addf %get3A_322, %mul3A_323 : vector<16xf32>
        %swap3A_325 = arith.index_cast %add3A_52 : i32 to index
        %swap3A_326 = arith.constant 0 : index
        %swap3A_327 = tpu.vector_load %arg11[%swap3A_325, %swap3A_326] {strides = array<i32>} : memref<32x128xf32, #tpu.memory_space<vmem>>, vector<16xf32>,
        tpu.vector_store %arg11[%swap3A_325, %swap3A_326], %add3A_324 {strides = array<i32>} : memref<32x128xf32, #tpu.memory_space<vmem>>, vector<16xf32>,
        %get3A_328 = arith.index_cast %add3A_52 : i32 to index
        %get3A_329 = arith.constant 400 : index
        %get3A_330 = tpu.vector_load %arg9[%get3A_328, %get3A_329] {strides = array<i32>} : memref<32x1152xf32, #tpu.memory_space<vmem>>, vector<16xf32>,
        %get3A_331 = arith.index_cast %add3A_52 : i32 to index
        %get3A_332 = arith.constant 16 : index
        %get3A_333 = tpu.vector_load %arg11[%get3A_331, %get3A_332] {strides = array<i32>} : memref<32x128xf32, #tpu.memory_space<vmem>>, vector<16xf32>,
        %mul3A_334 = arith.mulf %gather3A_316, %get3A_330 : vector<16xf32>
        %add3A_335 = arith.addf %get3A_333, %mul3A_334 : vector<16xf32>
        %swap3A_336 = arith.index_cast %add3A_52 : i32 to index
        %swap3A_337 = arith.constant 16 : index
        %swap3A_338 = tpu.vector_load %arg11[%swap3A_336, %swap3A_337] {strides = array<i32>} : memref<32x128xf32, #tpu.memory_space<vmem>>, vector<16xf32>,
        tpu.vector_store %arg11[%swap3A_336, %swap3A_337], %add3A_335 {strides = array<i32>} : memref<32x128xf32, #tpu.memory_space<vmem>>, vector<16xf32>,
        %get3A_339 = arith.index_cast %add3A_52 : i32 to index
        %get3A_340 = arith.constant 416 : index
        %get3A_341 = tpu.vector_load %arg9[%get3A_339, %get3A_340] {strides = array<i32>} : memref<32x1152xf32, #tpu.memory_space<vmem>>, vector<16xf32>,
        %get3A_342 = arith.index_cast %add3A_52 : i32 to index
        %get3A_343 = arith.constant 32 : index
        %get3A_344 = tpu.vector_load %arg11[%get3A_342, %get3A_343] {strides = array<i32>} : memref<32x128xf32, #tpu.memory_space<vmem>>, vector<16xf32>,
        %mul3A_345 = arith.mulf %gather3A_316, %get3A_341 : vector<16xf32>
        %add3A_346 = arith.addf %get3A_344, %mul3A_345 : vector<16xf32>
        %swap3A_347 = arith.index_cast %add3A_52 : i32 to index
        %swap3A_348 = arith.constant 32 : index
        %swap3A_349 = tpu.vector_load %arg11[%swap3A_347, %swap3A_348] {strides = array<i32>} : memref<32x128xf32, #tpu.memory_space<vmem>>, vector<16xf32>,
        tpu.vector_store %arg11[%swap3A_347, %swap3A_348], %add3A_346 {strides = array<i32>} : memref<32x128xf32, #tpu.memory_space<vmem>>, vector<16xf32>,
        %get3A_350 = arith.index_cast %add3A_52 : i32 to index
        %get3A_351 = arith.constant 432 : index
        %get3A_352 = tpu.vector_load %arg9[%get3A_350, %get3A_351] {strides = array<i32>} : memref<32x1152xf32, #tpu.memory_space<vmem>>, vector<16xf32>,
        %get3A_353 = arith.index_cast %add3A_52 : i32 to index
        %get3A_354 = arith.constant 48 : index
        %get3A_355 = tpu.vector_load %arg11[%get3A_353, %get3A_354] {strides = array<i32>} : memref<32x128xf32, #tpu.memory_space<vmem>>, vector<16xf32>,
        %mul3A_356 = arith.mulf %gather3A_316, %get3A_352 : vector<16xf32>
        %add3A_357 = arith.addf %get3A_355, %mul3A_356 : vector<16xf32>
        %swap3A_358 = arith.index_cast %add3A_52 : i32 to index
        %swap3A_359 = arith.constant 48 : index
        %swap3A_360 = tpu.vector_load %arg11[%swap3A_358, %swap3A_359] {strides = array<i32>} : memref<32x128xf32, #tpu.memory_space<vmem>>, vector<16xf32>,
        tpu.vector_store %arg11[%swap3A_358, %swap3A_359], %add3A_357 {strides = array<i32>} : memref<32x128xf32, #tpu.memory_space<vmem>>, vector<16xf32>,
        %get3A_361 = arith.index_cast %add3A_52 : i32 to index
        %get3A_362 = arith.constant 448 : index
        %get3A_363 = tpu.vector_load %arg9[%get3A_361, %get3A_362] {strides = array<i32>} : memref<32x1152xf32, #tpu.memory_space<vmem>>, vector<16xf32>,
        %get3A_364 = arith.index_cast %add3A_52 : i32 to index
        %get3A_365 = arith.constant 64 : index
        %get3A_366 = tpu.vector_load %arg11[%get3A_364, %get3A_365] {strides = array<i32>} : memref<32x128xf32, #tpu.memory_space<vmem>>, vector<16xf32>,
        %mul3A_367 = arith.mulf %gather3A_316, %get3A_363 : vector<16xf32>
        %add3A_368 = arith.addf %get3A_366, %mul3A_367 : vector<16xf32>
        %swap3A_369 = arith.index_cast %add3A_52 : i32 to index
        %swap3A_370 = arith.constant 64 : index
        %swap3A_371 = tpu.vector_load %arg11[%swap3A_369, %swap3A_370] {strides = array<i32>} : memref<32x128xf32, #tpu.memory_space<vmem>>, vector<16xf32>,
        tpu.vector_store %arg11[%swap3A_369, %swap3A_370], %add3A_368 {strides = array<i32>} : memref<32x128xf32, #tpu.memory_space<vmem>>, vector<16xf32>,
        %get3A_372 = arith.index_cast %add3A_52 : i32 to index
        %get3A_373 = arith.constant 464 : index
        %get3A_374 = tpu.vector_load %arg9[%get3A_372, %get3A_373] {strides = array<i32>} : memref<32x1152xf32, #tpu.memory_space<vmem>>, vector<16xf32>,
        %get3A_375 = arith.index_cast %add3A_52 : i32 to index
        %get3A_376 = arith.constant 80 : index
        %get3A_377 = tpu.vector_load %arg11[%get3A_375, %get3A_376] {strides = array<i32>} : memref<32x128xf32, #tpu.memory_space<vmem>>, vector<16xf32>,
        %mul3A_378 = arith.mulf %gather3A_316, %get3A_374 : vector<16xf32>
        %add3A_379 = arith.addf %get3A_377, %mul3A_378 : vector<16xf32>
        %swap3A_380 = arith.index_cast %add3A_52 : i32 to index
        %swap3A_381 = arith.constant 80 : index
        %swap3A_382 = tpu.vector_load %arg11[%swap3A_380, %swap3A_381] {strides = array<i32>} : memref<32x128xf32, #tpu.memory_space<vmem>>, vector<16xf32>,
        tpu.vector_store %arg11[%swap3A_380, %swap3A_381], %add3A_379 {strides = array<i32>} : memref<32x128xf32, #tpu.memory_space<vmem>>, vector<16xf32>,
        %get3A_383 = arith.index_cast %add3A_52 : i32 to index
        %get3A_384 = arith.constant 480 : index
        %get3A_385 = tpu.vector_load %arg9[%get3A_383, %get3A_384] {strides = array<i32>} : memref<32x1152xf32, #tpu.memory_space<vmem>>, vector<16xf32>,
        %get3A_386 = arith.index_cast %add3A_52 : i32 to index
        %get3A_387 = arith.constant 96 : index
        %get3A_388 = tpu.vector_load %arg11[%get3A_386, %get3A_387] {strides = array<i32>} : memref<32x128xf32, #tpu.memory_space<vmem>>, vector<16xf32>,
        %mul3A_389 = arith.mulf %gather3A_316, %get3A_385 : vector<16xf32>
        %add3A_390 = arith.addf %get3A_388, %mul3A_389 : vector<16xf32>
        %swap3A_391 = arith.index_cast %add3A_52 : i32 to index
        %swap3A_392 = arith.constant 96 : index
        %swap3A_393 = tpu.vector_load %arg11[%swap3A_391, %swap3A_392] {strides = array<i32>} : memref<32x128xf32, #tpu.memory_space<vmem>>, vector<16xf32>,
        tpu.vector_store %arg11[%swap3A_391, %swap3A_392], %add3A_390 {strides = array<i32>} : memref<32x128xf32, #tpu.memory_space<vmem>>, vector<16xf32>,
        %get3A_394 = arith.index_cast %add3A_52 : i32 to index
        %get3A_395 = arith.constant 496 : index
        %get3A_396 = tpu.vector_load %arg9[%get3A_394, %get3A_395] {strides = array<i32>} : memref<32x1152xf32, #tpu.memory_space<vmem>>, vector<16xf32>,
        %get3A_397 = arith.index_cast %add3A_52 : i32 to index
        %get3A_398 = arith.constant 112 : index
        %get3A_399 = tpu.vector_load %arg11[%get3A_397, %get3A_398] {strides = array<i32>} : memref<32x128xf32, #tpu.memory_space<vmem>>, vector<16xf32>,
        %mul3A_400 = arith.mulf %gather3A_316, %get3A_396 : vector<16xf32>
        %add3A_401 = arith.addf %get3A_399, %mul3A_400 : vector<16xf32>
        %swap3A_402 = arith.index_cast %add3A_52 : i32 to index
        %swap3A_403 = arith.constant 112 : index
        %swap3A_404 = tpu.vector_load %arg11[%swap3A_402, %swap3A_403] {strides = array<i32>} : memref<32x128xf32, #tpu.memory_space<vmem>>, vector<16xf32>,
        tpu.vector_store %arg11[%swap3A_402, %swap3A_403], %add3A_401 {strides = array<i32>} : memref<32x128xf32, #tpu.memory_space<vmem>>, vector<16xf32>,
        %broadcast_in_dim3A_405 = arith.constant 12 : i32
        %broadcast_in_dim3A_406 = vector.broadcast %broadcast_in_dim3A_405 : i32 to vector<16xi32>
        %gather3A_407 = tpu.vector_load_idx %arg13[%broadcast_in_dim3A_406] : memref<16xf32, #tpu.memory_space<vmem>>[vector<16xi32>], vector<16xf32>,
        %get3A_408 = arith.index_cast %add3A_52 : i32 to index
        %get3A_409 = arith.constant 512 : index
        %get3A_410 = tpu.vector_load %arg9[%get3A_408, %get3A_409] {strides = array<i32>} : memref<32x1152xf32, #tpu.memory_space<vmem>>, vector<16xf32>,
        %get3A_411 = arith.index_cast %add3A_52 : i32 to index
        %get3A_412 = arith.constant 0 : index
        %get3A_413 = tpu.vector_load %arg11[%get3A_411, %get3A_412] {strides = array<i32>} : memref<32x128xf32, #tpu.memory_space<vmem>>, vector<16xf32>,
        %mul3A_414 = arith.mulf %gather3A_407, %get3A_410 : vector<16xf32>
        %add3A_415 = arith.addf %get3A_413, %mul3A_414 : vector<16xf32>
        %swap3A_416 = arith.index_cast %add3A_52 : i32 to index
        %swap3A_417 = arith.constant 0 : index
        %swap3A_418 = tpu.vector_load %arg11[%swap3A_416, %swap3A_417] {strides = array<i32>} : memref<32x128xf32, #tpu.memory_space<vmem>>, vector<16xf32>,
        tpu.vector_store %arg11[%swap3A_416, %swap3A_417], %add3A_415 {strides = array<i32>} : memref<32x128xf32, #tpu.memory_space<vmem>>, vector<16xf32>,
        %get3A_419 = arith.index_cast %add3A_52 : i32 to index
        %get3A_420 = arith.constant 528 : index
        %get3A_421 = tpu.vector_load %arg9[%get3A_419, %get3A_420] {strides = array<i32>} : memref<32x1152xf32, #tpu.memory_space<vmem>>, vector<16xf32>,
        %get3A_422 = arith.index_cast %add3A_52 : i32 to index
        %get3A_423 = arith.constant 16 : index
        %get3A_424 = tpu.vector_load %arg11[%get3A_422, %get3A_423] {strides = array<i32>} : memref<32x128xf32, #tpu.memory_space<vmem>>, vector<16xf32>,
        %mul3A_425 = arith.mulf %gather3A_407, %get3A_421 : vector<16xf32>
        %add3A_426 = arith.addf %get3A_424, %mul3A_425 : vector<16xf32>
        %swap3A_427 = arith.index_cast %add3A_52 : i32 to index
        %swap3A_428 = arith.constant 16 : index
        %swap3A_429 = tpu.vector_load %arg11[%swap3A_427, %swap3A_428] {strides = array<i32>} : memref<32x128xf32, #tpu.memory_space<vmem>>, vector<16xf32>,
        tpu.vector_store %arg11[%swap3A_427, %swap3A_428], %add3A_426 {strides = array<i32>} : memref<32x128xf32, #tpu.memory_space<vmem>>, vector<16xf32>,
        %get3A_430 = arith.index_cast %add3A_52 : i32 to index
        %get3A_431 = arith.constant 544 : index
        %get3A_432 = tpu.vector_load %arg9[%get3A_430, %get3A_431] {strides = array<i32>} : memref<32x1152xf32, #tpu.memory_space<vmem>>, vector<16xf32>,
        %get3A_433 = arith.index_cast %add3A_52 : i32 to index
        %get3A_434 = arith.constant 32 : index
        %get3A_435 = tpu.vector_load %arg11[%get3A_433, %get3A_434] {strides = array<i32>} : memref<32x128xf32, #tpu.memory_space<vmem>>, vector<16xf32>,
        %mul3A_436 = arith.mulf %gather3A_407, %get3A_432 : vector<16xf32>
        %add3A_437 = arith.addf %get3A_435, %mul3A_436 : vector<16xf32>
        %swap3A_438 = arith.index_cast %add3A_52 : i32 to index
        %swap3A_439 = arith.constant 32 : index
        %swap3A_440 = tpu.vector_load %arg11[%swap3A_438, %swap3A_439] {strides = array<i32>} : memref<32x128xf32, #tpu.memory_space<vmem>>, vector<16xf32>,
        tpu.vector_store %arg11[%swap3A_438, %swap3A_439], %add3A_437 {strides = array<i32>} : memref<32x128xf32, #tpu.memory_space<vmem>>, vector<16xf32>,
        %get3A_441 = arith.index_cast %add3A_52 : i32 to index
        %get3A_442 = arith.constant 560 : index
        %get3A_443 = tpu.vector_load %arg9[%get3A_441, %get3A_442] {strides = array<i32>} : memref<32x1152xf32, #tpu.memory_space<vmem>>, vector<16xf32>,
        %get3A_444 = arith.index_cast %add3A_52 : i32 to index
        %get3A_445 = arith.constant 48 : index
        %get3A_446 = tpu.vector_load %arg11[%get3A_444, %get3A_445] {strides = array<i32>} : memref<32x128xf32, #tpu.memory_space<vmem>>, vector<16xf32>,
        %mul3A_447 = arith.mulf %gather3A_407, %get3A_443 : vector<16xf32>
        %add3A_448 = arith.addf %get3A_446, %mul3A_447 : vector<16xf32>
        %swap3A_449 = arith.index_cast %add3A_52 : i32 to index
        %swap3A_450 = arith.constant 48 : index
        %swap3A_451 = tpu.vector_load %arg11[%swap3A_449, %swap3A_450] {strides = array<i32>} : memref<32x128xf32, #tpu.memory_space<vmem>>, vector<16xf32>,
        tpu.vector_store %arg11[%swap3A_449, %swap3A_450], %add3A_448 {strides = array<i32>} : memref<32x128xf32, #tpu.memory_space<vmem>>, vector<16xf32>,
        %get3A_452 = arith.index_cast %add3A_52 : i32 to index
        %get3A_453 = arith.constant 576 : index
        %get3A_454 = tpu.vector_load %arg9[%get3A_452, %get3A_453] {strides = array<i32>} : memref<32x1152xf32, #tpu.memory_space<vmem>>, vector<16xf32>,
        %get3A_455 = arith.index_cast %add3A_52 : i32 to index
        %get3A_456 = arith.constant 64 : index
        %get3A_457 = tpu.vector_load %arg11[%get3A_455, %get3A_456] {strides = array<i32>} : memref<32x128xf32, #tpu.memory_space<vmem>>, vector<16xf32>,
        %mul3A_458 = arith.mulf %gather3A_407, %get3A_454 : vector<16xf32>
        %add3A_459 = arith.addf %get3A_457, %mul3A_458 : vector<16xf32>
        %swap3A_460 = arith.index_cast %add3A_52 : i32 to index
        %swap3A_461 = arith.constant 64 : index
        %swap3A_462 = tpu.vector_load %arg11[%swap3A_460, %swap3A_461] {strides = array<i32>} : memref<32x128xf32, #tpu.memory_space<vmem>>, vector<16xf32>,
        tpu.vector_store %arg11[%swap3A_460, %swap3A_461], %add3A_459 {strides = array<i32>} : memref<32x128xf32, #tpu.memory_space<vmem>>, vector<16xf32>,
        %get3A_463 = arith.index_cast %add3A_52 : i32 to index
        %get3A_464 = arith.constant 592 : index
        %get3A_465 = tpu.vector_load %arg9[%get3A_463, %get3A_464] {strides = array<i32>} : memref<32x1152xf32, #tpu.memory_space<vmem>>, vector<16xf32>,
        %get3A_466 = arith.index_cast %add3A_52 : i32 to index
        %get3A_467 = arith.constant 80 : index
        %get3A_468 = tpu.vector_load %arg11[%get3A_466, %get3A_467] {strides = array<i32>} : memref<32x128xf32, #tpu.memory_space<vmem>>, vector<16xf32>,
        %mul3A_469 = arith.mulf %gather3A_407, %get3A_465 : vector<16xf32>
        %add3A_470 = arith.addf %get3A_468, %mul3A_469 : vector<16xf32>
        %swap3A_471 = arith.index_cast %add3A_52 : i32 to index
        %swap3A_472 = arith.constant 80 : index
        %swap3A_473 = tpu.vector_load %arg11[%swap3A_471, %swap3A_472] {strides = array<i32>} : memref<32x128xf32, #tpu.memory_space<vmem>>, vector<16xf32>,
        tpu.vector_store %arg11[%swap3A_471, %swap3A_472], %add3A_470 {strides = array<i32>} : memref<32x128xf32, #tpu.memory_space<vmem>>, vector<16xf32>,
        %get3A_474 = arith.index_cast %add3A_52 : i32 to index
        %get3A_475 = arith.constant 608 : index
        %get3A_476 = tpu.vector_load %arg9[%get3A_474, %get3A_475] {strides = array<i32>} : memref<32x1152xf32, #tpu.memory_space<vmem>>, vector<16xf32>,
        %get3A_477 = arith.index_cast %add3A_52 : i32 to index
        %get3A_478 = arith.constant 96 : index
        %get3A_479 = tpu.vector_load %arg11[%get3A_477, %get3A_478] {strides = array<i32>} : memref<32x128xf32, #tpu.memory_space<vmem>>, vector<16xf32>,
        %mul3A_480 = arith.mulf %gather3A_407, %get3A_476 : vector<16xf32>
        %add3A_481 = arith.addf %get3A_479, %mul3A_480 : vector<16xf32>
        %swap3A_482 = arith.index_cast %add3A_52 : i32 to index
        %swap3A_483 = arith.constant 96 : index
        %swap3A_484 = tpu.vector_load %arg11[%swap3A_482, %swap3A_483] {strides = array<i32>} : memref<32x128xf32, #tpu.memory_space<vmem>>, vector<16xf32>,
        tpu.vector_store %arg11[%swap3A_482, %swap3A_483], %add3A_481 {strides = array<i32>} : memref<32x128xf32, #tpu.memory_space<vmem>>, vector<16xf32>,
        %get3A_485 = arith.index_cast %add3A_52 : i32 to index
        %get3A_486 = arith.constant 624 : index
        %get3A_487 = tpu.vector_load %arg9[%get3A_485, %get3A_486] {strides = array<i32>} : memref<32x1152xf32, #tpu.memory_space<vmem>>, vector<16xf32>,
        %get3A_488 = arith.index_cast %add3A_52 : i32 to index
        %get3A_489 = arith.constant 112 : index
        %get3A_490 = tpu.vector_load %arg11[%get3A_488, %get3A_489] {strides = array<i32>} : memref<32x128xf32, #tpu.memory_space<vmem>>, vector<16xf32>,
        %mul3A_491 = arith.mulf %gather3A_407, %get3A_487 : vector<16xf32>
        %add3A_492 = arith.addf %get3A_490, %mul3A_491 : vector<16xf32>
        %swap3A_493 = arith.index_cast %add3A_52 : i32 to index
        %swap3A_494 = arith.constant 112 : index
        %swap3A_495 = tpu.vector_load %arg11[%swap3A_493, %swap3A_494] {strides = array<i32>} : memref<32x128xf32, #tpu.memory_space<vmem>>, vector<16xf32>,
        tpu.vector_store %arg11[%swap3A_493, %swap3A_494], %add3A_492 {strides = array<i32>} : memref<32x128xf32, #tpu.memory_space<vmem>>, vector<16xf32>,
        %broadcast_in_dim3A_496 = arith.constant 13 : i32
        %broadcast_in_dim3A_497 = vector.broadcast %broadcast_in_dim3A_496 : i32 to vector<16xi32>
        %gather3A_498 = tpu.vector_load_idx %arg13[%broadcast_in_dim3A_497] : memref<16xf32, #tpu.memory_space<vmem>>[vector<16xi32>], vector<16xf32>,
        %get3A_499 = arith.index_cast %add3A_52 : i32 to index
        %get3A_500 = arith.constant 640 : index
        %get3A_501 = tpu.vector_load %arg9[%get3A_499, %get3A_500] {strides = array<i32>} : memref<32x1152xf32, #tpu.memory_space<vmem>>, vector<16xf32>,
        %get3A_502 = arith.index_cast %add3A_52 : i32 to index
        %get3A_503 = arith.constant 0 : index
        %get3A_504 = tpu.vector_load %arg11[%get3A_502, %get3A_503] {strides = array<i32>} : memref<32x128xf32, #tpu.memory_space<vmem>>, vector<16xf32>,
        %mul3A_505 = arith.mulf %gather3A_498, %get3A_501 : vector<16xf32>
        %add3A_506 = arith.addf %get3A_504, %mul3A_505 : vector<16xf32>
        %swap3A_507 = arith.index_cast %add3A_52 : i32 to index
        %swap3A_508 = arith.constant 0 : index
        %swap3A_509 = tpu.vector_load %arg11[%swap3A_507, %swap3A_508] {strides = array<i32>} : memref<32x128xf32, #tpu.memory_space<vmem>>, vector<16xf32>,
        tpu.vector_store %arg11[%swap3A_507, %swap3A_508], %add3A_506 {strides = array<i32>} : memref<32x128xf32, #tpu.memory_space<vmem>>, vector<16xf32>,
        %get3A_510 = arith.index_cast %add3A_52 : i32 to index
        %get3A_511 = arith.constant 656 : index
        %get3A_512 = tpu.vector_load %arg9[%get3A_510, %get3A_511] {strides = array<i32>} : memref<32x1152xf32, #tpu.memory_space<vmem>>, vector<16xf32>,
        %get3A_513 = arith.index_cast %add3A_52 : i32 to index
        %get3A_514 = arith.constant 16 : index
        %get3A_515 = tpu.vector_load %arg11[%get3A_513, %get3A_514] {strides = array<i32>} : memref<32x128xf32, #tpu.memory_space<vmem>>, vector<16xf32>,
        %mul3A_516 = arith.mulf %gather3A_498, %get3A_512 : vector<16xf32>
        %add3A_517 = arith.addf %get3A_515, %mul3A_516 : vector<16xf32>
        %swap3A_518 = arith.index_cast %add3A_52 : i32 to index
        %swap3A_519 = arith.constant 16 : index
        %swap3A_520 = tpu.vector_load %arg11[%swap3A_518, %swap3A_519] {strides = array<i32>} : memref<32x128xf32, #tpu.memory_space<vmem>>, vector<16xf32>,
        tpu.vector_store %arg11[%swap3A_518, %swap3A_519], %add3A_517 {strides = array<i32>} : memref<32x128xf32, #tpu.memory_space<vmem>>, vector<16xf32>,
        %get3A_521 = arith.index_cast %add3A_52 : i32 to index
        %get3A_522 = arith.constant 672 : index
        %get3A_523 = tpu.vector_load %arg9[%get3A_521, %get3A_522] {strides = array<i32>} : memref<32x1152xf32, #tpu.memory_space<vmem>>, vector<16xf32>,
        %get3A_524 = arith.index_cast %add3A_52 : i32 to index
        %get3A_525 = arith.constant 32 : index
        %get3A_526 = tpu.vector_load %arg11[%get3A_524, %get3A_525] {strides = array<i32>} : memref<32x128xf32, #tpu.memory_space<vmem>>, vector<16xf32>,
        %mul3A_527 = arith.mulf %gather3A_498, %get3A_523 : vector<16xf32>
        %add3A_528 = arith.addf %get3A_526, %mul3A_527 : vector<16xf32>
        %swap3A_529 = arith.index_cast %add3A_52 : i32 to index
        %swap3A_530 = arith.constant 32 : index
        %swap3A_531 = tpu.vector_load %arg11[%swap3A_529, %swap3A_530] {strides = array<i32>} : memref<32x128xf32, #tpu.memory_space<vmem>>, vector<16xf32>,
        tpu.vector_store %arg11[%swap3A_529, %swap3A_530], %add3A_528 {strides = array<i32>} : memref<32x128xf32, #tpu.memory_space<vmem>>, vector<16xf32>,
        %get3A_532 = arith.index_cast %add3A_52 : i32 to index
        %get3A_533 = arith.constant 688 : index
        %get3A_534 = tpu.vector_load %arg9[%get3A_532, %get3A_533] {strides = array<i32>} : memref<32x1152xf32, #tpu.memory_space<vmem>>, vector<16xf32>,
        %get3A_535 = arith.index_cast %add3A_52 : i32 to index
        %get3A_536 = arith.constant 48 : index
        %get3A_537 = tpu.vector_load %arg11[%get3A_535, %get3A_536] {strides = array<i32>} : memref<32x128xf32, #tpu.memory_space<vmem>>, vector<16xf32>,
        %mul3A_538 = arith.mulf %gather3A_498, %get3A_534 : vector<16xf32>
        %add3A_539 = arith.addf %get3A_537, %mul3A_538 : vector<16xf32>
        %swap3A_540 = arith.index_cast %add3A_52 : i32 to index
        %swap3A_541 = arith.constant 48 : index
        %swap3A_542 = tpu.vector_load %arg11[%swap3A_540, %swap3A_541] {strides = array<i32>} : memref<32x128xf32, #tpu.memory_space<vmem>>, vector<16xf32>,
        tpu.vector_store %arg11[%swap3A_540, %swap3A_541], %add3A_539 {strides = array<i32>} : memref<32x128xf32, #tpu.memory_space<vmem>>, vector<16xf32>,
        %get3A_543 = arith.index_cast %add3A_52 : i32 to index
        %get3A_544 = arith.constant 704 : index
        %get3A_545 = tpu.vector_load %arg9[%get3A_543, %get3A_544] {strides = array<i32>} : memref<32x1152xf32, #tpu.memory_space<vmem>>, vector<16xf32>,
        %get3A_546 = arith.index_cast %add3A_52 : i32 to index
        %get3A_547 = arith.constant 64 : index
        %get3A_548 = tpu.vector_load %arg11[%get3A_546, %get3A_547] {strides = array<i32>} : memref<32x128xf32, #tpu.memory_space<vmem>>, vector<16xf32>,
        %mul3A_549 = arith.mulf %gather3A_498, %get3A_545 : vector<16xf32>
        %add3A_550 = arith.addf %get3A_548, %mul3A_549 : vector<16xf32>
        %swap3A_551 = arith.index_cast %add3A_52 : i32 to index
        %swap3A_552 = arith.constant 64 : index
        %swap3A_553 = tpu.vector_load %arg11[%swap3A_551, %swap3A_552] {strides = array<i32>} : memref<32x128xf32, #tpu.memory_space<vmem>>, vector<16xf32>,
        tpu.vector_store %arg11[%swap3A_551, %swap3A_552], %add3A_550 {strides = array<i32>} : memref<32x128xf32, #tpu.memory_space<vmem>>, vector<16xf32>,
        %get3A_554 = arith.index_cast %add3A_52 : i32 to index
        %get3A_555 = arith.constant 720 : index
        %get3A_556 = tpu.vector_load %arg9[%get3A_554, %get3A_555] {strides = array<i32>} : memref<32x1152xf32, #tpu.memory_space<vmem>>, vector<16xf32>,
        %get3A_557 = arith.index_cast %add3A_52 : i32 to index
        %get3A_558 = arith.constant 80 : index
        %get3A_559 = tpu.vector_load %arg11[%get3A_557, %get3A_558] {strides = array<i32>} : memref<32x128xf32, #tpu.memory_space<vmem>>, vector<16xf32>,
        %mul3A_560 = arith.mulf %gather3A_498, %get3A_556 : vector<16xf32>
        %add3A_561 = arith.addf %get3A_559, %mul3A_560 : vector<16xf32>
        %swap3A_562 = arith.index_cast %add3A_52 : i32 to index
        %swap3A_563 = arith.constant 80 : index
        %swap3A_564 = tpu.vector_load %arg11[%swap3A_562, %swap3A_563] {strides = array<i32>} : memref<32x128xf32, #tpu.memory_space<vmem>>, vector<16xf32>,
        tpu.vector_store %arg11[%swap3A_562, %swap3A_563], %add3A_561 {strides = array<i32>} : memref<32x128xf32, #tpu.memory_space<vmem>>, vector<16xf32>,
        %get3A_565 = arith.index_cast %add3A_52 : i32 to index
        %get3A_566 = arith.constant 736 : index
        %get3A_567 = tpu.vector_load %arg9[%get3A_565, %get3A_566] {strides = array<i32>} : memref<32x1152xf32, #tpu.memory_space<vmem>>, vector<16xf32>,
        %get3A_568 = arith.index_cast %add3A_52 : i32 to index
        %get3A_569 = arith.constant 96 : index
        %get3A_570 = tpu.vector_load %arg11[%get3A_568, %get3A_569] {strides = array<i32>} : memref<32x128xf32, #tpu.memory_space<vmem>>, vector<16xf32>,
        %mul3A_571 = arith.mulf %gather3A_498, %get3A_567 : vector<16xf32>
        %add3A_572 = arith.addf %get3A_570, %mul3A_571 : vector<16xf32>
        %swap3A_573 = arith.index_cast %add3A_52 : i32 to index
        %swap3A_574 = arith.constant 96 : index
        %swap3A_575 = tpu.vector_load %arg11[%swap3A_573, %swap3A_574] {strides = array<i32>} : memref<32x128xf32, #tpu.memory_space<vmem>>, vector<16xf32>,
        tpu.vector_store %arg11[%swap3A_573, %swap3A_574], %add3A_572 {strides = array<i32>} : memref<32x128xf32, #tpu.memory_space<vmem>>, vector<16xf32>,
        %get3A_576 = arith.index_cast %add3A_52 : i32 to index
        %get3A_577 = arith.constant 752 : index
        %get3A_578 = tpu.vector_load %arg9[%get3A_576, %get3A_577] {strides = array<i32>} : memref<32x1152xf32, #tpu.memory_space<vmem>>, vector<16xf32>,
        %get3A_579 = arith.index_cast %add3A_52 : i32 to index
        %get3A_580 = arith.constant 112 : index
        %get3A_581 = tpu.vector_load %arg11[%get3A_579, %get3A_580] {strides = array<i32>} : memref<32x128xf32, #tpu.memory_space<vmem>>, vector<16xf32>,
        %mul3A_582 = arith.mulf %gather3A_498, %get3A_578 : vector<16xf32>
        %add3A_583 = arith.addf %get3A_581, %mul3A_582 : vector<16xf32>
        %swap3A_584 = arith.index_cast %add3A_52 : i32 to index
        %swap3A_585 = arith.constant 112 : index
        %swap3A_586 = tpu.vector_load %arg11[%swap3A_584, %swap3A_585] {strides = array<i32>} : memref<32x128xf32, #tpu.memory_space<vmem>>, vector<16xf32>,
        tpu.vector_store %arg11[%swap3A_584, %swap3A_585], %add3A_583 {strides = array<i32>} : memref<32x128xf32, #tpu.memory_space<vmem>>, vector<16xf32>,
        %broadcast_in_dim3A_587 = arith.constant 14 : i32
        %broadcast_in_dim3A_588 = vector.broadcast %broadcast_in_dim3A_587 : i32 to vector<16xi32>
        %gather3A_589 = tpu.vector_load_idx %arg13[%broadcast_in_dim3A_588] : memref<16xf32, #tpu.memory_space<vmem>>[vector<16xi32>], vector<16xf32>,
        %get3A_590 = arith.index_cast %add3A_52 : i32 to index
        %get3A_591 = arith.constant 768 : index
        %get3A_592 = tpu.vector_load %arg9[%get3A_590, %get3A_591] {strides = array<i32>} : memref<32x1152xf32, #tpu.memory_space<vmem>>, vector<16xf32>,
        %get3A_593 = arith.index_cast %add3A_52 : i32 to index
        %get3A_594 = arith.constant 0 : index
        %get3A_595 = tpu.vector_load %arg11[%get3A_593, %get3A_594] {strides = array<i32>} : memref<32x128xf32, #tpu.memory_space<vmem>>, vector<16xf32>,
        %mul3A_596 = arith.mulf %gather3A_589, %get3A_592 : vector<16xf32>
        %add3A_597 = arith.addf %get3A_595, %mul3A_596 : vector<16xf32>
        %swap3A_598 = arith.index_cast %add3A_52 : i32 to index
        %swap3A_599 = arith.constant 0 : index
        %swap3A_600 = tpu.vector_load %arg11[%swap3A_598, %swap3A_599] {strides = array<i32>} : memref<32x128xf32, #tpu.memory_space<vmem>>, vector<16xf32>,
        tpu.vector_store %arg11[%swap3A_598, %swap3A_599], %add3A_597 {strides = array<i32>} : memref<32x128xf32, #tpu.memory_space<vmem>>, vector<16xf32>,
        %get3A_601 = arith.index_cast %add3A_52 : i32 to index
        %get3A_602 = arith.constant 784 : index
        %get3A_603 = tpu.vector_load %arg9[%get3A_601, %get3A_602] {strides = array<i32>} : memref<32x1152xf32, #tpu.memory_space<vmem>>, vector<16xf32>,
        %get3A_604 = arith.index_cast %add3A_52 : i32 to index
        %get3A_605 = arith.constant 16 : index
        %get3A_606 = tpu.vector_load %arg11[%get3A_604, %get3A_605] {strides = array<i32>} : memref<32x128xf32, #tpu.memory_space<vmem>>, vector<16xf32>,
        %mul3A_607 = arith.mulf %gather3A_589, %get3A_603 : vector<16xf32>
        %add3A_608 = arith.addf %get3A_606, %mul3A_607 : vector<16xf32>
        %swap3A_609 = arith.index_cast %add3A_52 : i32 to index
        %swap3A_610 = arith.constant 16 : index
        %swap3A_611 = tpu.vector_load %arg11[%swap3A_609, %swap3A_610] {strides = array<i32>} : memref<32x128xf32, #tpu.memory_space<vmem>>, vector<16xf32>,
        tpu.vector_store %arg11[%swap3A_609, %swap3A_610], %add3A_608 {strides = array<i32>} : memref<32x128xf32, #tpu.memory_space<vmem>>, vector<16xf32>,
        %get3A_612 = arith.index_cast %add3A_52 : i32 to index
        %get3A_613 = arith.constant 800 : index
        %get3A_614 = tpu.vector_load %arg9[%get3A_612, %get3A_613] {strides = array<i32>} : memref<32x1152xf32, #tpu.memory_space<vmem>>, vector<16xf32>,
        %get3A_615 = arith.index_cast %add3A_52 : i32 to index
        %get3A_616 = arith.constant 32 : index
        %get3A_617 = tpu.vector_load %arg11[%get3A_615, %get3A_616] {strides = array<i32>} : memref<32x128xf32, #tpu.memory_space<vmem>>, vector<16xf32>,
        %mul3A_618 = arith.mulf %gather3A_589, %get3A_614 : vector<16xf32>
        %add3A_619 = arith.addf %get3A_617, %mul3A_618 : vector<16xf32>
        %swap3A_620 = arith.index_cast %add3A_52 : i32 to index
        %swap3A_621 = arith.constant 32 : index
        %swap3A_622 = tpu.vector_load %arg11[%swap3A_620, %swap3A_621] {strides = array<i32>} : memref<32x128xf32, #tpu.memory_space<vmem>>, vector<16xf32>,
        tpu.vector_store %arg11[%swap3A_620, %swap3A_621], %add3A_619 {strides = array<i32>} : memref<32x128xf32, #tpu.memory_space<vmem>>, vector<16xf32>,
        %get3A_623 = arith.index_cast %add3A_52 : i32 to index
        %get3A_624 = arith.constant 816 : index
        %get3A_625 = tpu.vector_load %arg9[%get3A_623, %get3A_624] {strides = array<i32>} : memref<32x1152xf32, #tpu.memory_space<vmem>>, vector<16xf32>,
        %get3A_626 = arith.index_cast %add3A_52 : i32 to index
        %get3A_627 = arith.constant 48 : index
        %get3A_628 = tpu.vector_load %arg11[%get3A_626, %get3A_627] {strides = array<i32>} : memref<32x128xf32, #tpu.memory_space<vmem>>, vector<16xf32>,
        %mul3A_629 = arith.mulf %gather3A_589, %get3A_625 : vector<16xf32>
        %add3A_630 = arith.addf %get3A_628, %mul3A_629 : vector<16xf32>
        %swap3A_631 = arith.index_cast %add3A_52 : i32 to index
        %swap3A_632 = arith.constant 48 : index
        %swap3A_633 = tpu.vector_load %arg11[%swap3A_631, %swap3A_632] {strides = array<i32>} : memref<32x128xf32, #tpu.memory_space<vmem>>, vector<16xf32>,
        tpu.vector_store %arg11[%swap3A_631, %swap3A_632], %add3A_630 {strides = array<i32>} : memref<32x128xf32, #tpu.memory_space<vmem>>, vector<16xf32>,
        %get3A_634 = arith.index_cast %add3A_52 : i32 to index
        %get3A_635 = arith.constant 832 : index
        %get3A_636 = tpu.vector_load %arg9[%get3A_634, %get3A_635] {strides = array<i32>} : memref<32x1152xf32, #tpu.memory_space<vmem>>, vector<16xf32>,
        %get3A_637 = arith.index_cast %add3A_52 : i32 to index
        %get3A_638 = arith.constant 64 : index
        %get3A_639 = tpu.vector_load %arg11[%get3A_637, %get3A_638] {strides = array<i32>} : memref<32x128xf32, #tpu.memory_space<vmem>>, vector<16xf32>,
        %mul3A_640 = arith.mulf %gather3A_589, %get3A_636 : vector<16xf32>
        %add3A_641 = arith.addf %get3A_639, %mul3A_640 : vector<16xf32>
        %swap3A_642 = arith.index_cast %add3A_52 : i32 to index
        %swap3A_643 = arith.constant 64 : index
        %swap3A_644 = tpu.vector_load %arg11[%swap3A_642, %swap3A_643] {strides = array<i32>} : memref<32x128xf32, #tpu.memory_space<vmem>>, vector<16xf32>,
        tpu.vector_store %arg11[%swap3A_642, %swap3A_643], %add3A_641 {strides = array<i32>} : memref<32x128xf32, #tpu.memory_space<vmem>>, vector<16xf32>,
        %get3A_645 = arith.index_cast %add3A_52 : i32 to index
        %get3A_646 = arith.constant 848 : index
        %get3A_647 = tpu.vector_load %arg9[%get3A_645, %get3A_646] {strides = array<i32>} : memref<32x1152xf32, #tpu.memory_space<vmem>>, vector<16xf32>,
        %get3A_648 = arith.index_cast %add3A_52 : i32 to index
        %get3A_649 = arith.constant 80 : index
        %get3A_650 = tpu.vector_load %arg11[%get3A_648, %get3A_649] {strides = array<i32>} : memref<32x128xf32, #tpu.memory_space<vmem>>, vector<16xf32>,
        %mul3A_651 = arith.mulf %gather3A_589, %get3A_647 : vector<16xf32>
        %add3A_652 = arith.addf %get3A_650, %mul3A_651 : vector<16xf32>
        %swap3A_653 = arith.index_cast %add3A_52 : i32 to index
        %swap3A_654 = arith.constant 80 : index
        %swap3A_655 = tpu.vector_load %arg11[%swap3A_653, %swap3A_654] {strides = array<i32>} : memref<32x128xf32, #tpu.memory_space<vmem>>, vector<16xf32>,
        tpu.vector_store %arg11[%swap3A_653, %swap3A_654], %add3A_652 {strides = array<i32>} : memref<32x128xf32, #tpu.memory_space<vmem>>, vector<16xf32>,
        %get3A_656 = arith.index_cast %add3A_52 : i32 to index
        %get3A_657 = arith.constant 864 : index
        %get3A_658 = tpu.vector_load %arg9[%get3A_656, %get3A_657] {strides = array<i32>} : memref<32x1152xf32, #tpu.memory_space<vmem>>, vector<16xf32>,
        %get3A_659 = arith.index_cast %add3A_52 : i32 to index
        %get3A_660 = arith.constant 96 : index
        %get3A_661 = tpu.vector_load %arg11[%get3A_659, %get3A_660] {strides = array<i32>} : memref<32x128xf32, #tpu.memory_space<vmem>>, vector<16xf32>,
        %mul3A_662 = arith.mulf %gather3A_589, %get3A_658 : vector<16xf32>
        %add3A_663 = arith.addf %get3A_661, %mul3A_662 : vector<16xf32>
        %swap3A_664 = arith.index_cast %add3A_52 : i32 to index
        %swap3A_665 = arith.constant 96 : index
        %swap3A_666 = tpu.vector_load %arg11[%swap3A_664, %swap3A_665] {strides = array<i32>} : memref<32x128xf32, #tpu.memory_space<vmem>>, vector<16xf32>,
        tpu.vector_store %arg11[%swap3A_664, %swap3A_665], %add3A_663 {strides = array<i32>} : memref<32x128xf32, #tpu.memory_space<vmem>>, vector<16xf32>,
        %get3A_667 = arith.index_cast %add3A_52 : i32 to index
        %get3A_668 = arith.constant 880 : index
        %get3A_669 = tpu.vector_load %arg9[%get3A_667, %get3A_668] {strides = array<i32>} : memref<32x1152xf32, #tpu.memory_space<vmem>>, vector<16xf32>,
        %get3A_670 = arith.index_cast %add3A_52 : i32 to index
        %get3A_671 = arith.constant 112 : index
        %get3A_672 = tpu.vector_load %arg11[%get3A_670, %get3A_671] {strides = array<i32>} : memref<32x128xf32, #tpu.memory_space<vmem>>, vector<16xf32>,
        %mul3A_673 = arith.mulf %gather3A_589, %get3A_669 : vector<16xf32>
        %add3A_674 = arith.addf %get3A_672, %mul3A_673 : vector<16xf32>
        %swap3A_675 = arith.index_cast %add3A_52 : i32 to index
        %swap3A_676 = arith.constant 112 : index
        %swap3A_677 = tpu.vector_load %arg11[%swap3A_675, %swap3A_676] {strides = array<i32>} : memref<32x128xf32, #tpu.memory_space<vmem>>, vector<16xf32>,
        tpu.vector_store %arg11[%swap3A_675, %swap3A_676], %add3A_674 {strides = array<i32>} : memref<32x128xf32, #tpu.memory_space<vmem>>, vector<16xf32>,
        %broadcast_in_dim3A_678 = arith.constant 15 : i32
        %broadcast_in_dim3A_679 = vector.broadcast %broadcast_in_dim3A_678 : i32 to vector<16xi32>
        %gather3A_680 = tpu.vector_load_idx %arg13[%broadcast_in_dim3A_679] : memref<16xf32, #tpu.memory_space<vmem>>[vector<16xi32>], vector<16xf32>,
        %get3A_681 = arith.index_cast %add3A_52 : i32 to index
        %get3A_682 = arith.constant 896 : index
        %get3A_683 = tpu.vector_load %arg9[%get3A_681, %get3A_682] {strides = array<i32>} : memref<32x1152xf32, #tpu.memory_space<vmem>>, vector<16xf32>,
        %get3A_684 = arith.index_cast %add3A_52 : i32 to index
        %get3A_685 = arith.constant 0 : index
        %get3A_686 = tpu.vector_load %arg11[%get3A_684, %get3A_685] {strides = array<i32>} : memref<32x128xf32, #tpu.memory_space<vmem>>, vector<16xf32>,
        %mul3A_687 = arith.mulf %gather3A_680, %get3A_683 : vector<16xf32>
        %add3A_688 = arith.addf %get3A_686, %mul3A_687 : vector<16xf32>
        %swap3A_689 = arith.index_cast %add3A_52 : i32 to index
        %swap3A_690 = arith.constant 0 : index
        %swap3A_691 = tpu.vector_load %arg11[%swap3A_689, %swap3A_690] {strides = array<i32>} : memref<32x128xf32, #tpu.memory_space<vmem>>, vector<16xf32>,
        tpu.vector_store %arg11[%swap3A_689, %swap3A_690], %add3A_688 {strides = array<i32>} : memref<32x128xf32, #tpu.memory_space<vmem>>, vector<16xf32>,
        %get3A_692 = arith.index_cast %add3A_52 : i32 to index
        %get3A_693 = arith.constant 912 : index
        %get3A_694 = tpu.vector_load %arg9[%get3A_692, %get3A_693] {strides = array<i32>} : memref<32x1152xf32, #tpu.memory_space<vmem>>, vector<16xf32>,
        %get3A_695 = arith.index_cast %add3A_52 : i32 to index
        %get3A_696 = arith.constant 16 : index
        %get3A_697 = tpu.vector_load %arg11[%get3A_695, %get3A_696] {strides = array<i32>} : memref<32x128xf32, #tpu.memory_space<vmem>>, vector<16xf32>,
        %mul3A_698 = arith.mulf %gather3A_680, %get3A_694 : vector<16xf32>
        %add3A_699 = arith.addf %get3A_697, %mul3A_698 : vector<16xf32>
        %swap3A_700 = arith.index_cast %add3A_52 : i32 to index
        %swap3A_701 = arith.constant 16 : index
        %swap3A_702 = tpu.vector_load %arg11[%swap3A_700, %swap3A_701] {strides = array<i32>} : memref<32x128xf32, #tpu.memory_space<vmem>>, vector<16xf32>,
        tpu.vector_store %arg11[%swap3A_700, %swap3A_701], %add3A_699 {strides = array<i32>} : memref<32x128xf32, #tpu.memory_space<vmem>>, vector<16xf32>,
        %get3A_703 = arith.index_cast %add3A_52 : i32 to index
        %get3A_704 = arith.constant 928 : index
        %get3A_705 = tpu.vector_load %arg9[%get3A_703, %get3A_704] {strides = array<i32>} : memref<32x1152xf32, #tpu.memory_space<vmem>>, vector<16xf32>,
        %get3A_706 = arith.index_cast %add3A_52 : i32 to index
        %get3A_707 = arith.constant 32 : index
        %get3A_708 = tpu.vector_load %arg11[%get3A_706, %get3A_707] {strides = array<i32>} : memref<32x128xf32, #tpu.memory_space<vmem>>, vector<16xf32>,
        %mul3A_709 = arith.mulf %gather3A_680, %get3A_705 : vector<16xf32>
        %add3A_710 = arith.addf %get3A_708, %mul3A_709 : vector<16xf32>
        %swap3A_711 = arith.index_cast %add3A_52 : i32 to index
        %swap3A_712 = arith.constant 32 : index
        %swap3A_713 = tpu.vector_load %arg11[%swap3A_711, %swap3A_712] {strides = array<i32>} : memref<32x128xf32, #tpu.memory_space<vmem>>, vector<16xf32>,
        tpu.vector_store %arg11[%swap3A_711, %swap3A_712], %add3A_710 {strides = array<i32>} : memref<32x128xf32, #tpu.memory_space<vmem>>, vector<16xf32>,
        %get3A_714 = arith.index_cast %add3A_52 : i32 to index
        %get3A_715 = arith.constant 944 : index
        %get3A_716 = tpu.vector_load %arg9[%get3A_714, %get3A_715] {strides = array<i32>} : memref<32x1152xf32, #tpu.memory_space<vmem>>, vector<16xf32>,
        %get3A_717 = arith.index_cast %add3A_52 : i32 to index
        %get3A_718 = arith.constant 48 : index
        %get3A_719 = tpu.vector_load %arg11[%get3A_717, %get3A_718] {strides = array<i32>} : memref<32x128xf32, #tpu.memory_space<vmem>>, vector<16xf32>,
        %mul3A_720 = arith.mulf %gather3A_680, %get3A_716 : vector<16xf32>
        %add3A_721 = arith.addf %get3A_719, %mul3A_720 : vector<16xf32>
        %swap3A_722 = arith.index_cast %add3A_52 : i32 to index
        %swap3A_723 = arith.constant 48 : index
        %swap3A_724 = tpu.vector_load %arg11[%swap3A_722, %swap3A_723] {strides = array<i32>} : memref<32x128xf32, #tpu.memory_space<vmem>>, vector<16xf32>,
        tpu.vector_store %arg11[%swap3A_722, %swap3A_723], %add3A_721 {strides = array<i32>} : memref<32x128xf32, #tpu.memory_space<vmem>>, vector<16xf32>,
        %get3A_725 = arith.index_cast %add3A_52 : i32 to index
        %get3A_726 = arith.constant 960 : index
        %get3A_727 = tpu.vector_load %arg9[%get3A_725, %get3A_726] {strides = array<i32>} : memref<32x1152xf32, #tpu.memory_space<vmem>>, vector<16xf32>,
        %get3A_728 = arith.index_cast %add3A_52 : i32 to index
        %get3A_729 = arith.constant 64 : index
        %get3A_730 = tpu.vector_load %arg11[%get3A_728, %get3A_729] {strides = array<i32>} : memref<32x128xf32, #tpu.memory_space<vmem>>, vector<16xf32>,
        %mul3A_731 = arith.mulf %gather3A_680, %get3A_727 : vector<16xf32>
        %add3A_732 = arith.addf %get3A_730, %mul3A_731 : vector<16xf32>
        %swap3A_733 = arith.index_cast %add3A_52 : i32 to index
        %swap3A_734 = arith.constant 64 : index
        %swap3A_735 = tpu.vector_load %arg11[%swap3A_733, %swap3A_734] {strides = array<i32>} : memref<32x128xf32, #tpu.memory_space<vmem>>, vector<16xf32>,
        tpu.vector_store %arg11[%swap3A_733, %swap3A_734], %add3A_732 {strides = array<i32>} : memref<32x128xf32, #tpu.memory_space<vmem>>, vector<16xf32>,
        %get3A_736 = arith.index_cast %add3A_52 : i32 to index
        %get3A_737 = arith.constant 976 : index
        %get3A_738 = tpu.vector_load %arg9[%get3A_736, %get3A_737] {strides = array<i32>} : memref<32x1152xf32, #tpu.memory_space<vmem>>, vector<16xf32>,
        %get3A_739 = arith.index_cast %add3A_52 : i32 to index
        %get3A_740 = arith.constant 80 : index
        %get3A_741 = tpu.vector_load %arg11[%get3A_739, %get3A_740] {strides = array<i32>} : memref<32x128xf32, #tpu.memory_space<vmem>>, vector<16xf32>,
        %mul3A_742 = arith.mulf %gather3A_680, %get3A_738 : vector<16xf32>
        %add3A_743 = arith.addf %get3A_741, %mul3A_742 : vector<16xf32>
        %swap3A_744 = arith.index_cast %add3A_52 : i32 to index
        %swap3A_745 = arith.constant 80 : index
        %swap3A_746 = tpu.vector_load %arg11[%swap3A_744, %swap3A_745] {strides = array<i32>} : memref<32x128xf32, #tpu.memory_space<vmem>>, vector<16xf32>,
        tpu.vector_store %arg11[%swap3A_744, %swap3A_745], %add3A_743 {strides = array<i32>} : memref<32x128xf32, #tpu.memory_space<vmem>>, vector<16xf32>,
        %get3A_747 = arith.index_cast %add3A_52 : i32 to index
        %get3A_748 = arith.constant 992 : index
        %get3A_749 = tpu.vector_load %arg9[%get3A_747, %get3A_748] {strides = array<i32>} : memref<32x1152xf32, #tpu.memory_space<vmem>>, vector<16xf32>,
        %get3A_750 = arith.index_cast %add3A_52 : i32 to index
        %get3A_751 = arith.constant 96 : index
        %get3A_752 = tpu.vector_load %arg11[%get3A_750, %get3A_751] {strides = array<i32>} : memref<32x128xf32, #tpu.memory_space<vmem>>, vector<16xf32>,
        %mul3A_753 = arith.mulf %gather3A_680, %get3A_749 : vector<16xf32>
        %add3A_754 = arith.addf %get3A_752, %mul3A_753 : vector<16xf32>
        %swap3A_755 = arith.index_cast %add3A_52 : i32 to index
        %swap3A_756 = arith.constant 96 : index
        %swap3A_757 = tpu.vector_load %arg11[%swap3A_755, %swap3A_756] {strides = array<i32>} : memref<32x128xf32, #tpu.memory_space<vmem>>, vector<16xf32>,
        tpu.vector_store %arg11[%swap3A_755, %swap3A_756], %add3A_754 {strides = array<i32>} : memref<32x128xf32, #tpu.memory_space<vmem>>, vector<16xf32>,
        %get3A_758 = arith.index_cast %add3A_52 : i32 to index
        %get3A_759 = arith.constant 1008 : index
        %get3A_760 = tpu.vector_load %arg9[%get3A_758, %get3A_759] {strides = array<i32>} : memref<32x1152xf32, #tpu.memory_space<vmem>>, vector<16xf32>,
        %get3A_761 = arith.index_cast %add3A_52 : i32 to index
        %get3A_762 = arith.constant 112 : index
        %get3A_763 = tpu.vector_load %arg11[%get3A_761, %get3A_762] {strides = array<i32>} : memref<32x128xf32, #tpu.memory_space<vmem>>, vector<16xf32>,
        %mul3A_764 = arith.mulf %gather3A_680, %get3A_760 : vector<16xf32>
        %add3A_765 = arith.addf %get3A_763, %mul3A_764 : vector<16xf32>
        %swap3A_766 = arith.index_cast %add3A_52 : i32 to index
        %swap3A_767 = arith.constant 112 : index
        %swap3A_768 = tpu.vector_load %arg11[%swap3A_766, %swap3A_767] {strides = array<i32>} : memref<32x128xf32, #tpu.memory_space<vmem>>, vector<16xf32>,
        tpu.vector_store %arg11[%swap3A_766, %swap3A_767], %add3A_765 {strides = array<i32>} : memref<32x128xf32, #tpu.memory_space<vmem>>, vector<16xf32>,
      }
      %scan3A_47 = arith.constant 32 : i32
      "tpu.region"() ({
        %run_scoped3A = tpu.sem_alloc : memref<!tpu.dma_semaphore, #tpu.memory_space<semaphore_mem>>
        %dma_start3A_48 = arith.constant 0 : i32
        %dma_start3A_49 = arith.constant 0 : i32
        %dma_start3A_50 = tpu.memref_slice %arg14[%dma_start3A_48, %dma_start3A_49] : memref<10112x128xf32, #tpu.memory_space<vmem_shared>> -> memref<10112x128xf32, #tpu.memory_space<vmem_shared>>
        tpu.enqueue_indirect_dma source(%arg11 : memref<32x128xf32, #tpu.memory_space<vmem>>) target(%dma_start3A_50 : memref<10112x128xf32, #tpu.memory_space<vmem_shared>>) offsets(%arg8 : memref<32xi32, #tpu.memory_space<vmem>>) semaphore(%run_scoped3A : memref<!tpu.dma_semaphore, #tpu.memory_space<semaphore_mem>>) {add = true}
        %dma_wait3A_51 = arith.constant 0 : i32
        %dma_wait3A_52 = arith.constant 0 : i32
        %dma_wait3A_53 = tpu.memref_slice %arg14[%dma_wait3A_51, %dma_wait3A_52] : memref<10112x128xf32, #tpu.memory_space<vmem_shared>> -> memref<10112x128xf32, #tpu.memory_space<vmem_shared>>
        tpu.wait_indirect_dma semaphore(%run_scoped3A : memref<!tpu.dma_semaphore, #tpu.memory_space<semaphore_mem>>) src(%arg11 : memref<32x128xf32, #tpu.memory_space<vmem>>) dst(%dma_wait3A_53 : memref<10112x128xf32, #tpu.memory_space<vmem_shared>>)
        tpu.yield
      }) : () -> ()
    }
    %scan3A_16 = arith.constant 324 : i32
    %barrier3A_17 = arith.constant 0 : index
    tpu.barrier barrier_id(%barrier3A_17)
    %mul3A_18 = arith.constant 632 : i32
    %mul3A_19 = arith.muli %arg1, %mul3A_18 : i32
    %mul3A_20 = arith.constant 10240 : i32
    %mul3A_21 = arith.muli %arg0, %mul3A_20 : i32
    %mul3A_22 = arith.constant 632 : i32
    %mul3A_23 = arith.muli %arg1, %mul3A_22 : i32
    %add3A_24 = arith.addi %mul3A_21, %mul3A_23 : i32
    "tpu.region"() ({
      %run_scoped3A = tpu.sem_alloc : memref<!tpu.dma_semaphore, #tpu.memory_space<semaphore_mem>>
      %dma_start3A = arith.constant 0 : i32
      %dma_start3A_25 = tpu.memref_slice %arg6[%add3A_24, %dma_start3A] : memref<20480x128xf32, #tpu.memory_space<hbm>> -> memref<632x128xf32, #tpu.memory_space<hbm>>
      %dma_start3A_26 = arith.constant 0 : i32
      %dma_start3A_27 = tpu.memref_slice %arg14[%mul3A_19, %dma_start3A_26] : memref<10112x128xf32, #tpu.memory_space<vmem_shared>> -> memref<632x128xf32, #tpu.memory_space<vmem_shared>>
      tpu.enqueue_dma source(%dma_start3A_27 : memref<632x128xf32, #tpu.memory_space<vmem_shared>>) target(%dma_start3A_25 : memref<632x128xf32, #tpu.memory_space<hbm>>) target_semaphore(%run_scoped3A : memref<!tpu.dma_semaphore, #tpu.memory_space<semaphore_mem>>)
      %dma_wait3A = arith.constant 0 : i32
      %dma_wait3A_28 = tpu.memref_slice %arg6[%add3A_24, %dma_wait3A] : memref<20480x128xf32, #tpu.memory_space<hbm>> -> memref<632x128xf32, #tpu.memory_space<hbm>>
      %dma_wait3A_29 = arith.constant 0 : i32
      %dma_wait3A_30 = tpu.memref_slice %arg14[%mul3A_19, %dma_wait3A_29] : memref<10112x128xf32, #tpu.memory_space<vmem_shared>> -> memref<632x128xf32, #tpu.memory_space<vmem_shared>>
      tpu.wait_dma2 semaphore(%run_scoped3A : memref<!tpu.dma_semaphore, #tpu.memory_space<semaphore_mem>>) src(%dma_wait3A_30 : memref<632x128xf32, #tpu.memory_space<vmem_shared>>) dst(%dma_wait3A_28 : memref<632x128xf32, #tpu.memory_space<hbm>>)
      tpu.yield
    }) : () -> ()
    return
  }
}

#map = affine_map<(d0, d1) -> (0, 0)>
#map1 = affine_map<(d0, d1) -> (0)>
module attributes {stable_mosaic.version = 14 : i64} {
  func.func @k(%arg0: i32, %arg1: i32, %arg2: memref<10240x128xf32, #tpu.memory_space<hbm>>, %arg3: memref<256xi32, #tpu.memory_space<hbm>>, %arg4: memref<256x128xf32, #tpu.memory_space<hbm>>, %arg5: memref<8xi32, #tpu.memory_space<vmem>>, %arg6: memref<8x128xf32, #tpu.memory_space<vmem>>, %arg7: memref<!tpu.dma_semaphore, #tpu.memory_space<semaphore_mem>>) attributes {dimension_semantics = [#tpu.dimension_semantics<core_parallel>, #tpu.dimension_semantics<subcore_parallel>], iteration_bounds = array<i64: 2, 16>, scalar_prefetch = 0 : i64, scratch_operands = 3 : i64, tpu.core_type = #tpu.core_type<sc_vector_subcore>, window_params = [{transform_indices = #map}, {transform_indices = #map1}, {transform_indices = #map}]} {
    %mul3A = arith.constant 2 : i32
    %mul3A_0 = arith.muli %arg1, %mul3A : i32
    %add3A = arith.addi %mul3A_0, %arg0 : i32
    %mul3A_1 = arith.constant 8 : i32
    %mul3A_2 = arith.muli %add3A, %mul3A_1 : i32
    "tpu.region"() ({
      %run_scoped3A = tpu.sem_alloc : memref<!tpu.dma_semaphore, #tpu.memory_space<semaphore_mem>>
      %dma_start3A_7 = tpu.memref_slice %arg3[%mul3A_2] : memref<256xi32, #tpu.memory_space<hbm>> -> memref<8xi32, #tpu.memory_space<hbm>>
      %dma_start3A_8 = tpu.memref_slice %arg3[%mul3A_2] : memref<256xi32, #tpu.memory_space<hbm>> -> memref<8xi32, #tpu.memory_space<hbm>>
      tpu.enqueue_dma source(%dma_start3A_8 : memref<8xi32, #tpu.memory_space<hbm>>) target(%arg5 : memref<8xi32, #tpu.memory_space<vmem>>) target_semaphore(%run_scoped3A : memref<!tpu.dma_semaphore, #tpu.memory_space<semaphore_mem>>)
      %dma_wait3A_9 = tpu.memref_slice %arg3[%mul3A_2] : memref<256xi32, #tpu.memory_space<hbm>> -> memref<8xi32, #tpu.memory_space<hbm>>
      %dma_wait3A_10 = tpu.memref_slice %arg3[%mul3A_2] : memref<256xi32, #tpu.memory_space<hbm>> -> memref<8xi32, #tpu.memory_space<hbm>>
      tpu.wait_dma2 semaphore(%run_scoped3A : memref<!tpu.dma_semaphore, #tpu.memory_space<semaphore_mem>>) src(%dma_wait3A_10 : memref<8xi32, #tpu.memory_space<hbm>>) dst(%arg5 : memref<8xi32, #tpu.memory_space<vmem>>)
      tpu.yield
    }) : () -> ()
    %dma_start3A = arith.constant 0 : i32
    %dma_start3A_3 = arith.constant 0 : i32
    %dma_start3A_4 = tpu.memref_slice %arg2[%dma_start3A, %dma_start3A_3] : memref<10240x128xf32, #tpu.memory_space<hbm>> -> memref<10240x128xf32, #tpu.memory_space<hbm>>
    tpu.enqueue_indirect_dma source(%dma_start3A_4 : memref<10240x128xf32, #tpu.memory_space<hbm>>) target(%arg6 : memref<8x128xf32, #tpu.memory_space<vmem>>) offsets(%arg5 : memref<8xi32, #tpu.memory_space<vmem>>) semaphore(%arg7 : memref<!tpu.dma_semaphore, #tpu.memory_space<semaphore_mem>>)
    %dma_wait3A = arith.constant 0 : i32
    %dma_wait3A_5 = arith.constant 0 : i32
    %dma_wait3A_6 = tpu.memref_slice %arg2[%dma_wait3A, %dma_wait3A_5] : memref<10240x128xf32, #tpu.memory_space<hbm>> -> memref<10240x128xf32, #tpu.memory_space<hbm>>
    tpu.wait_indirect_dma semaphore(%arg7 : memref<!tpu.dma_semaphore, #tpu.memory_space<semaphore_mem>>) src(%dma_wait3A_6 : memref<10240x128xf32, #tpu.memory_space<hbm>>) dst(%arg6 : memref<8x128xf32, #tpu.memory_space<vmem>>)
    "tpu.region"() ({
      %run_scoped3A = tpu.sem_alloc : memref<!tpu.dma_semaphore, #tpu.memory_space<semaphore_mem>>
      %dma_start3A_7 = arith.constant 0 : i32
      %dma_start3A_8 = tpu.memref_slice %arg4[%mul3A_2, %dma_start3A_7] : memref<256x128xf32, #tpu.memory_space<hbm>> -> memref<8x128xf32, #tpu.memory_space<hbm>>
      %dma_start3A_9 = arith.constant 0 : i32
      %dma_start3A_10 = tpu.memref_slice %arg4[%mul3A_2, %dma_start3A_9] : memref<256x128xf32, #tpu.memory_space<hbm>> -> memref<8x128xf32, #tpu.memory_space<hbm>>
      tpu.enqueue_dma source(%arg6 : memref<8x128xf32, #tpu.memory_space<vmem>>) target(%dma_start3A_10 : memref<8x128xf32, #tpu.memory_space<hbm>>) target_semaphore(%run_scoped3A : memref<!tpu.dma_semaphore, #tpu.memory_space<semaphore_mem>>)
      %dma_wait3A_11 = arith.constant 0 : i32
      %dma_wait3A_12 = tpu.memref_slice %arg4[%mul3A_2, %dma_wait3A_11] : memref<256x128xf32, #tpu.memory_space<hbm>> -> memref<8x128xf32, #tpu.memory_space<hbm>>
      %dma_wait3A_13 = arith.constant 0 : i32
      %dma_wait3A_14 = tpu.memref_slice %arg4[%mul3A_2, %dma_wait3A_13] : memref<256x128xf32, #tpu.memory_space<hbm>> -> memref<8x128xf32, #tpu.memory_space<hbm>>
      tpu.wait_dma2 semaphore(%run_scoped3A : memref<!tpu.dma_semaphore, #tpu.memory_space<semaphore_mem>>) src(%arg6 : memref<8x128xf32, #tpu.memory_space<vmem>>) dst(%dma_wait3A_14 : memref<8x128xf32, #tpu.memory_space<hbm>>)
      tpu.yield
    }) : () -> ()
    return
  }
}

module attributes {stable_mosaic.version = 14 : i64} {
  func.func @_d1_body(%arg0: i32, %arg1: memref<512x128xf32, #tpu.memory_space<vmem>>, %arg2: memref<128x1024xf32, #tpu.memory_space<vmem>>, %arg3: memref<1024x128xf32, #tpu.memory_space<vmem>>, %arg4: memref<1024x128xf32, #tpu.memory_space<vmem>>, %arg5: memref<512x1152xf32, #tpu.memory_space<vmem>>, %arg6: memref<512x128xf32, #tpu.memory_space<vmem>>, %arg7: memref<512x128xf32, #tpu.memory_space<vmem>>) attributes {dimension_semantics = [#tpu.dimension_semantics<arbitrary>], iteration_bounds = array<i64: 20>, scalar_prefetch = 0 : i64, scratch_operands = 0 : i64, tpu.core_type = #tpu.core_type<tc>, window_params = [{transform_indices = @transform_0, window_bounds = array<i64: 512, 128>}, {pipeline_mode = #tpu.pipeline_mode<synchronous>, transform_indices = @transform_1, window_bounds = array<i64: 128, 1024>}, {pipeline_mode = #tpu.pipeline_mode<synchronous>, transform_indices = @transform_2, window_bounds = array<i64: 1024, 128>}, {pipeline_mode = #tpu.pipeline_mode<synchronous>, transform_indices = @transform_3, window_bounds = array<i64: 1024, 128>}, {transform_indices = @transform_4, window_bounds = array<i64: 512, 1152>}, {transform_indices = @transform_5, window_bounds = array<i64: 512, 128>}, {transform_indices = @transform_6, window_bounds = array<i64: 512, 128>}]} {
    %get3A = arith.constant 0 : index
    %get3A_0 = arith.constant 0 : index
    %get3A_1 = vector.load %arg1[%get3A, %get3A_0] : memref<512x128xf32, #tpu.memory_space<vmem>>, vector<512x128xf32>
    %reduce_sum3A = arith.constant dense<0.000000e+00> : vector<512xf32>
    %reduce_sum3A_2 = vector.multi_reduction <add>, %get3A_1, %reduce_sum3A [1] : vector<512x128xf32> to vector<512xf32>
    %broadcast_in_dim3A = vector.shape_cast %reduce_sum3A_2 : vector<512xf32> to vector<512x1xf32>
    %div3A = arith.constant 1.280000e+02 : f32
    %div3A_3 = vector.broadcast %div3A : f32 to vector<512x1xf32>
    %div3A_4 = arith.divf %broadcast_in_dim3A, %div3A_3 : vector<512x1xf32>
    %sub3A = vector.broadcast %div3A_4 : vector<512x1xf32> to vector<512x128xf32>
    %sub3A_5 = arith.subf %get3A_1, %sub3A : vector<512x128xf32>
    %integer_pow3A = arith.mulf %sub3A_5, %sub3A_5 : vector<512x128xf32>
    %reduce_sum3A_6 = arith.constant dense<0.000000e+00> : vector<512xf32>
    %reduce_sum3A_7 = vector.multi_reduction <add>, %integer_pow3A, %reduce_sum3A_6 [1] : vector<512x128xf32> to vector<512xf32>
    %broadcast_in_dim3A_8 = vector.shape_cast %reduce_sum3A_7 : vector<512xf32> to vector<512x1xf32>
    %div3A_9 = arith.constant 1.280000e+02 : f32
    %div3A_10 = vector.broadcast %div3A_9 : f32 to vector<512x1xf32>
    %div3A_11 = arith.divf %broadcast_in_dim3A_8, %div3A_10 : vector<512x1xf32>
    %sub3A_12 = vector.broadcast %div3A_4 : vector<512x1xf32> to vector<512x128xf32>
    %sub3A_13 = arith.subf %get3A_1, %sub3A_12 : vector<512x128xf32>
    %add3A = arith.constant 9.99999974E-6 : f32
    %add3A_14 = vector.broadcast %add3A : f32 to vector<512x1xf32>
    %add3A_15 = arith.addf %div3A_11, %add3A_14 : vector<512x1xf32>
    %sqrt3A = math.sqrt %add3A_15 : vector<512x1xf32>
    %div3A_16 = vector.broadcast %sqrt3A : vector<512x1xf32> to vector<512x128xf32>
    %div3A_17 = arith.divf %sub3A_13, %div3A_16 : vector<512x128xf32>
    %get3A_18 = arith.constant 0 : index
    %get3A_19 = arith.constant 0 : index
    %get3A_20 = vector.load %arg2[%get3A_18, %get3A_19] : memref<128x1024xf32, #tpu.memory_space<vmem>>, vector<128x1024xf32>
    %convert_element_type3A = arith.truncf %div3A_17 : vector<512x128xf32> to vector<512x128xbf16>
    %convert_element_type3A_21 = arith.truncf %get3A_20 : vector<128x1024xf32> to vector<128x1024xbf16>
    %dot_general3A = arith.constant dense<0.000000e+00> : vector<512x1024xf32>
    %dot_general3A_22 = tpu.matmul %convert_element_type3A, %convert_element_type3A_21, %dot_general3A {dimension_numbers = #tpu.dot_dimension_numbers<[1], [0], [0], [1], [0, 0, 1, 1], [], []>, transpose_lhs_hint = false} : vector<512x128xbf16>, vector<128x1024xbf16>, vector<512x1024xf32> -> vector<512x1024xf32>
    %get3A_23 = arith.constant 0 : index
    %get3A_24 = arith.constant 0 : index
    %get3A_25 = vector.load %arg3[%get3A_23, %get3A_24] : memref<1024x128xf32, #tpu.memory_space<vmem>>, vector<1024x128xf32>
    %dot_general3A_26 = arith.constant dense<0.000000e+00> : vector<512x128xf32>
    %dot_general3A_27 = tpu.matmul %dot_general3A_22, %get3A_25, %dot_general3A_26 {dimension_numbers = #tpu.dot_dimension_numbers<[1], [0], [0], [1], [0, 0, 1, 1], [], []>, precision = #tpu.contract_precision<fp32>, transpose_lhs_hint = false} : vector<512x1024xf32>, vector<1024x128xf32>, vector<512x128xf32> -> vector<512x128xf32>
    %get3A_28 = arith.constant 0 : index
    %get3A_29 = arith.constant 0 : index
    %get3A_30 = vector.load %arg4[%get3A_28, %get3A_29] : memref<1024x128xf32, #tpu.memory_space<vmem>>, vector<1024x128xf32>
    %dot_general3A_31 = arith.constant dense<0.000000e+00> : vector<512x128xf32>
    %dot_general3A_32 = tpu.matmul %dot_general3A_22, %get3A_30, %dot_general3A_31 {dimension_numbers = #tpu.dot_dimension_numbers<[1], [0], [0], [1], [0, 0, 1, 1], [], []>, precision = #tpu.contract_precision<fp32>, transpose_lhs_hint = false} : vector<512x1024xf32>, vector<1024x128xf32>, vector<512x128xf32> -> vector<512x128xf32>
    %swap3A = arith.constant 0 : index
    %swap3A_33 = arith.constant 0 : index
    %swap3A_34 = vector.load %arg5[%swap3A, %swap3A_33] : memref<512x1152xf32, #tpu.memory_space<vmem>>, vector<512x1024xf32>
    tpu.vector_store %arg5[%swap3A, %swap3A_33], %dot_general3A_22 {strides = array<i32>} : memref<512x1152xf32, #tpu.memory_space<vmem>>, vector<512x1024xf32>,
    %swap3A_35 = arith.constant 0 : index
    %swap3A_36 = arith.constant 1024 : index
    %swap3A_37 = vector.load %arg5[%swap3A_35, %swap3A_36] : memref<512x1152xf32, #tpu.memory_space<vmem>>, vector<512x128xf32>
    tpu.vector_store %arg5[%swap3A_35, %swap3A_36], %dot_general3A_27 {strides = array<i32>} : memref<512x1152xf32, #tpu.memory_space<vmem>>, vector<512x128xf32>,
    %swap3A_38 = arith.constant 0 : index
    %swap3A_39 = arith.constant 0 : index
    %swap3A_40 = vector.load %arg6[%swap3A_38, %swap3A_39] : memref<512x128xf32, #tpu.memory_space<vmem>>, vector<512x128xf32>
    tpu.vector_store %arg6[%swap3A_38, %swap3A_39], %dot_general3A_27 {strides = array<i32>} : memref<512x128xf32, #tpu.memory_space<vmem>>, vector<512x128xf32>,
    %swap3A_41 = arith.constant 0 : index
    %swap3A_42 = arith.constant 0 : index
    %swap3A_43 = vector.load %arg7[%swap3A_41, %swap3A_42] : memref<512x128xf32, #tpu.memory_space<vmem>>, vector<512x128xf32>
    tpu.vector_store %arg7[%swap3A_41, %swap3A_42], %dot_general3A_32 {strides = array<i32>} : memref<512x128xf32, #tpu.memory_space<vmem>>, vector<512x128xf32>,
    return
  }
  func.func @transform_0(%arg0: i32) -> (i32, i32) {
    %c0_i32 = arith.constant 0 : i32
    %c0_i32_0 = arith.constant 0 : i32
    return %arg0, %c0_i32 : i32, i32
  }
  func.func @transform_1(%arg0: i32) -> (i32, i32) {
    %c0_i32 = arith.constant 0 : i32
    %c0_i32_0 = arith.constant 0 : i32
    %c0_i32_1 = arith.constant 0 : i32
    return %c0_i32, %c0_i32_0 : i32, i32
  }
  func.func @transform_2(%arg0: i32) -> (i32, i32) {
    %c0_i32 = arith.constant 0 : i32
    %c0_i32_0 = arith.constant 0 : i32
    %c0_i32_1 = arith.constant 0 : i32
    return %c0_i32, %c0_i32_0 : i32, i32
  }
  func.func @transform_3(%arg0: i32) -> (i32, i32) {
    %c0_i32 = arith.constant 0 : i32
    %c0_i32_0 = arith.constant 0 : i32
    %c0_i32_1 = arith.constant 0 : i32
    return %c0_i32, %c0_i32_0 : i32, i32
  }
  func.func @transform_4(%arg0: i32) -> (i32, i32) {
    %c0_i32 = arith.constant 0 : i32
    %c0_i32_0 = arith.constant 0 : i32
    return %arg0, %c0_i32 : i32, i32
  }
  func.func @transform_5(%arg0: i32) -> (i32, i32) {
    %c0_i32 = arith.constant 0 : i32
    %c0_i32_0 = arith.constant 0 : i32
    return %arg0, %c0_i32 : i32, i32
  }
  func.func @transform_6(%arg0: i32) -> (i32, i32) {
    %c0_i32 = arith.constant 0 : i32
    %c0_i32_0 = arith.constant 0 : i32
    return %arg0, %c0_i32 : i32, i32
  }
}

module attributes {stable_mosaic.version = 14 : i64} {
  func.func @_pack_body(%arg0: i32, %arg1: memref<512x128xf32, #tpu.memory_space<vmem>>, %arg2: memref<512x128xf32, #tpu.memory_space<vmem>>, %arg3: memref<512x128xf32, #tpu.memory_space<vmem>>, %arg4: memref<512x128xf32, #tpu.memory_space<vmem>>) attributes {dimension_semantics = [#tpu.dimension_semantics<arbitrary>], iteration_bounds = array<i64: 20>, scalar_prefetch = 0 : i64, scratch_operands = 0 : i64, tpu.core_type = #tpu.core_type<tc>, window_params = [{transform_indices = @transform_0, window_bounds = array<i64: 512, 128>}, {transform_indices = @transform_1, window_bounds = array<i64: 512, 128>}, {transform_indices = @transform_2, window_bounds = array<i64: 512, 128>}, {transform_indices = @transform_3, window_bounds = array<i64: 512, 128>}]} {
    %get3A = arith.constant 0 : index
    %get3A_0 = arith.constant 0 : index
    %get3A_1 = vector.load %arg2[%get3A, %get3A_0] : memref<512x128xf32, #tpu.memory_space<vmem>>, vector<512x128xf32>
    %get3A_2 = arith.constant 0 : index
    %get3A_3 = arith.constant 0 : index
    %get3A_4 = vector.load %arg3[%get3A_2, %get3A_3] : memref<512x128xf32, #tpu.memory_space<vmem>>, vector<512x128xf32>
    %add3A = arith.addf %get3A_1, %get3A_4 : vector<512x128xf32>
    %add3A_5 = arith.constant 1.000000e-16 : f32
    %add3A_6 = vector.broadcast %add3A_5 : f32 to vector<512x128xf32>
    %add3A_7 = arith.addf %add3A, %add3A_6 : vector<512x128xf32>
    %mul3A = arith.constant 8.000000e+00 : f32
    %mul3A_8 = vector.broadcast %mul3A : f32 to vector<512x128xf32>
    %mul3A_9 = arith.mulf %mul3A_8, %add3A_7 : vector<512x128xf32>
    %div3A = arith.constant 1.000000e+00 : f32
    %div3A_10 = vector.broadcast %div3A : f32 to vector<512x128xf32>
    %div3A_11 = arith.divf %div3A_10, %mul3A_9 : vector<512x128xf32>
    %get3A_12 = arith.constant 0 : index
    %get3A_13 = arith.constant 0 : index
    %get3A_14 = vector.load %arg1[%get3A_12, %get3A_13] : memref<512x128xf32, #tpu.memory_space<vmem>>, vector<512x16xf32>
    %swap3A = arith.constant 0 : index
    %swap3A_15 = arith.constant 0 : index
    %swap3A_16 = vector.load %arg4[%swap3A, %swap3A_15] : memref<512x128xf32, #tpu.memory_space<vmem>>, vector<512x16xf32>
    tpu.vector_store %arg4[%swap3A, %swap3A_15], %get3A_14 {strides = array<i32>} : memref<512x128xf32, #tpu.memory_space<vmem>>, vector<512x16xf32>,
    %slice3A = vector.extract_strided_slice %div3A_11 {offsets = [0, 0], sizes = [512, 16], strides = [1, 1]} : vector<512x128xf32> to vector<512x16xf32>
    %swap3A_17 = arith.constant 0 : index
    %swap3A_18 = arith.constant 16 : index
    %swap3A_19 = vector.load %arg4[%swap3A_17, %swap3A_18] : memref<512x128xf32, #tpu.memory_space<vmem>>, vector<512x16xf32>
    tpu.vector_store %arg4[%swap3A_17, %swap3A_18], %slice3A {strides = array<i32>} : memref<512x128xf32, #tpu.memory_space<vmem>>, vector<512x16xf32>,
    %broadcast_in_dim3A = arith.constant 0.000000e+00 : f32
    %broadcast_in_dim3A_20 = vector.broadcast %broadcast_in_dim3A : f32 to vector<512x96xf32>
    %swap3A_21 = arith.constant 0 : index
    %swap3A_22 = arith.constant 32 : index
    %swap3A_23 = vector.load %arg4[%swap3A_21, %swap3A_22] : memref<512x128xf32, #tpu.memory_space<vmem>>, vector<512x96xf32>
    tpu.vector_store %arg4[%swap3A_21, %swap3A_22], %broadcast_in_dim3A_20 {strides = array<i32>} : memref<512x128xf32, #tpu.memory_space<vmem>>, vector<512x96xf32>,
    return
  }
  func.func @transform_0(%arg0: i32) -> (i32, i32) {
    %c0_i32 = arith.constant 0 : i32
    %c0_i32_0 = arith.constant 0 : i32
    return %arg0, %c0_i32 : i32, i32
  }
  func.func @transform_1(%arg0: i32) -> (i32, i32) {
    %c0_i32 = arith.constant 0 : i32
    %c0_i32_0 = arith.constant 0 : i32
    return %arg0, %c0_i32 : i32, i32
  }
  func.func @transform_2(%arg0: i32) -> (i32, i32) {
    %c0_i32 = arith.constant 0 : i32
    %c0_i32_0 = arith.constant 0 : i32
    return %arg0, %c0_i32 : i32, i32
  }
  func.func @transform_3(%arg0: i32) -> (i32, i32) {
    %c0_i32 = arith.constant 0 : i32
    %c0_i32_0 = arith.constant 0 : i32
    return %arg0, %c0_i32 : i32, i32
  }
}

module attributes {stable_mosaic.version = 14 : i64} {
  func.func @_d2_body(%arg0: i32, %arg1: memref<512x128xf32, #tpu.memory_space<vmem>>, %arg2: memref<512x128xf32, #tpu.memory_space<vmem>>, %arg3: memref<1x128xf32, #tpu.memory_space<vmem>>, %arg4: memref<128x128xf32, #tpu.memory_space<vmem>>, %arg5: memref<1x128xf32, #tpu.memory_space<vmem>>, %arg6: memref<128x1024xf32, #tpu.memory_space<vmem>>, %arg7: memref<1024x128xf32, #tpu.memory_space<vmem>>, %arg8: memref<1024x128xf32, #tpu.memory_space<vmem>>, %arg9: memref<512x1152xf32, #tpu.memory_space<vmem>>, %arg10: memref<512x128xf32, #tpu.memory_space<vmem>>, %arg11: memref<512x128xf32, #tpu.memory_space<vmem>>) attributes {dimension_semantics = [#tpu.dimension_semantics<arbitrary>], iteration_bounds = array<i64: 20>, scalar_prefetch = 0 : i64, scratch_operands = 0 : i64, tpu.core_type = #tpu.core_type<tc>, window_params = [{transform_indices = @transform_0, window_bounds = array<i64: 512, 128>}, {transform_indices = @transform_1, window_bounds = array<i64: 512, 128>}, {pipeline_mode = #tpu.pipeline_mode<synchronous>, transform_indices = @transform_2, window_bounds = array<i64: 1, 128>}, {pipeline_mode = #tpu.pipeline_mode<synchronous>, transform_indices = @transform_3, window_bounds = array<i64: 128, 128>}, {pipeline_mode = #tpu.pipeline_mode<synchronous>, transform_indices = @transform_4, window_bounds = array<i64: 1, 128>}, {pipeline_mode = #tpu.pipeline_mode<synchronous>, transform_indices = @transform_5, window_bounds = array<i64: 128, 1024>}, {pipeline_mode = #tpu.pipeline_mode<synchronous>, transform_indices = @transform_6, window_bounds = array<i64: 1024, 128>}, {pipeline_mode = #tpu.pipeline_mode<synchronous>, transform_indices = @transform_7, window_bounds = array<i64: 1024, 128>}, {transform_indices = @transform_8, window_bounds = array<i64: 512, 1152>}, {transform_indices = @transform_9, window_bounds = array<i64: 512, 128>}, {transform_indices = @transform_10, window_bounds = array<i64: 512, 128>}]} {
    %get3A = arith.constant 0 : index
    %get3A_0 = arith.constant 0 : index
    %get3A_1 = vector.load %arg1[%get3A, %get3A_0] : memref<512x128xf32, #tpu.memory_space<vmem>>, vector<512x128xf32>
    %get3A_2 = arith.constant 0 : index
    %get3A_3 = arith.constant 0 : index
    %get3A_4 = vector.load %arg2[%get3A_2, %get3A_3] : memref<512x128xf32, #tpu.memory_space<vmem>>, vector<512x128xf32>
    %add3A = arith.addf %get3A_1, %get3A_4 : vector<512x128xf32>
    %get3A_5 = arith.constant 0 : index
    %get3A_6 = arith.constant 0 : index
    %get3A_7 = vector.load %arg3[%get3A_5, %get3A_6] : memref<1x128xf32, #tpu.memory_space<vmem>>, vector<1x128xf32>
    %add3A_8 = vector.broadcast %get3A_7 : vector<1x128xf32> to vector<512x128xf32>
    %add3A_9 = arith.addf %add3A, %add3A_8 : vector<512x128xf32>
    %gt3A = arith.constant 0.000000e+00 : f32
    %gt3A_10 = vector.broadcast %gt3A : f32 to vector<512x128xf32>
    %gt3A_11 = arith.cmpf ogt, %add3A_9, %gt3A_10 : vector<512x128xf32>
    %mul3A = arith.constant 1.500000e-01 : f32
    %mul3A_12 = vector.broadcast %mul3A : f32 to vector<512x128xf32>
    %mul3A_13 = arith.mulf %mul3A_12, %add3A_9 : vector<512x128xf32>
    %select_n3A = arith.select %gt3A_11, %add3A_9, %mul3A_13 : vector<512x128xi1>, vector<512x128xf32>
    %get3A_14 = arith.constant 0 : index
    %get3A_15 = arith.constant 0 : index
    %get3A_16 = vector.load %arg4[%get3A_14, %get3A_15] : memref<128x128xf32, #tpu.memory_space<vmem>>, vector<128x128xf32>
    %convert_element_type3A = arith.truncf %select_n3A : vector<512x128xf32> to vector<512x128xbf16>
    %convert_element_type3A_17 = arith.truncf %get3A_16 : vector<128x128xf32> to vector<128x128xbf16>
    %dot_general3A = arith.constant dense<0.000000e+00> : vector<512x128xf32>
    %dot_general3A_18 = tpu.matmul %convert_element_type3A, %convert_element_type3A_17, %dot_general3A {dimension_numbers = #tpu.dot_dimension_numbers<[1], [0], [0], [1], [0, 0, 1, 1], [], []>, transpose_lhs_hint = false} : vector<512x128xbf16>, vector<128x128xbf16>, vector<512x128xf32> -> vector<512x128xf32>
    %get3A_19 = arith.constant 0 : index
    %get3A_20 = arith.constant 0 : index
    %get3A_21 = vector.load %arg5[%get3A_19, %get3A_20] : memref<1x128xf32, #tpu.memory_space<vmem>>, vector<1x128xf32>
    %add3A_22 = vector.broadcast %get3A_21 : vector<1x128xf32> to vector<512x128xf32>
    %add3A_23 = arith.addf %dot_general3A_18, %add3A_22 : vector<512x128xf32>
    %mul3A_24 = arith.constant 5.000000e-01 : f32
    %mul3A_25 = vector.broadcast %mul3A_24 : f32 to vector<512x128xf32>
    %mul3A_26 = arith.mulf %mul3A_25, %add3A_23 : vector<512x128xf32>
    %mul3A_27 = arith.constant 0.707106769 : f32
    %mul3A_28 = vector.broadcast %mul3A_27 : f32 to vector<512x128xf32>
    %mul3A_29 = arith.mulf %add3A_23, %mul3A_28 : vector<512x128xf32>
    %erf3A = math.erf %mul3A_29 : vector<512x128xf32>
    %add3A_30 = arith.constant 1.000000e+00 : f32
    %add3A_31 = vector.broadcast %add3A_30 : f32 to vector<512x128xf32>
    %add3A_32 = arith.addf %add3A_31, %erf3A : vector<512x128xf32>
    %mul3A_33 = arith.mulf %mul3A_26, %add3A_32 : vector<512x128xf32>
    %get3A_34 = arith.constant 0 : index
    %get3A_35 = arith.constant 0 : index
    %get3A_36 = vector.load %arg6[%get3A_34, %get3A_35] : memref<128x1024xf32, #tpu.memory_space<vmem>>, vector<128x1024xf32>
    %convert_element_type3A_37 = arith.truncf %mul3A_33 : vector<512x128xf32> to vector<512x128xbf16>
    %convert_element_type3A_38 = arith.truncf %get3A_36 : vector<128x1024xf32> to vector<128x1024xbf16>
    %dot_general3A_39 = arith.constant dense<0.000000e+00> : vector<512x1024xf32>
    %dot_general3A_40 = tpu.matmul %convert_element_type3A_37, %convert_element_type3A_38, %dot_general3A_39 {dimension_numbers = #tpu.dot_dimension_numbers<[1], [0], [0], [1], [0, 0, 1, 1], [], []>, transpose_lhs_hint = false} : vector<512x128xbf16>, vector<128x1024xbf16>, vector<512x1024xf32> -> vector<512x1024xf32>
    %get3A_41 = arith.constant 0 : index
    %get3A_42 = arith.constant 0 : index
    %get3A_43 = vector.load %arg7[%get3A_41, %get3A_42] : memref<1024x128xf32, #tpu.memory_space<vmem>>, vector<1024x128xf32>
    %dot_general3A_44 = arith.constant dense<0.000000e+00> : vector<512x128xf32>
    %dot_general3A_45 = tpu.matmul %dot_general3A_40, %get3A_43, %dot_general3A_44 {dimension_numbers = #tpu.dot_dimension_numbers<[1], [0], [0], [1], [0, 0, 1, 1], [], []>, precision = #tpu.contract_precision<fp32>, transpose_lhs_hint = false} : vector<512x1024xf32>, vector<1024x128xf32>, vector<512x128xf32> -> vector<512x128xf32>
    %get3A_46 = arith.constant 0 : index
    %get3A_47 = arith.constant 0 : index
    %get3A_48 = vector.load %arg8[%get3A_46, %get3A_47] : memref<1024x128xf32, #tpu.memory_space<vmem>>, vector<1024x128xf32>
    %dot_general3A_49 = arith.constant dense<0.000000e+00> : vector<512x128xf32>
    %dot_general3A_50 = tpu.matmul %dot_general3A_40, %get3A_48, %dot_general3A_49 {dimension_numbers = #tpu.dot_dimension_numbers<[1], [0], [0], [1], [0, 0, 1, 1], [], []>, precision = #tpu.contract_precision<fp32>, transpose_lhs_hint = false} : vector<512x1024xf32>, vector<1024x128xf32>, vector<512x128xf32> -> vector<512x128xf32>
    %swap3A = arith.constant 0 : index
    %swap3A_51 = arith.constant 0 : index
    %swap3A_52 = vector.load %arg9[%swap3A, %swap3A_51] : memref<512x1152xf32, #tpu.memory_space<vmem>>, vector<512x1024xf32>
    tpu.vector_store %arg9[%swap3A, %swap3A_51], %dot_general3A_40 {strides = array<i32>} : memref<512x1152xf32, #tpu.memory_space<vmem>>, vector<512x1024xf32>,
    %swap3A_53 = arith.constant 0 : index
    %swap3A_54 = arith.constant 1024 : index
    %swap3A_55 = vector.load %arg9[%swap3A_53, %swap3A_54] : memref<512x1152xf32, #tpu.memory_space<vmem>>, vector<512x128xf32>
    tpu.vector_store %arg9[%swap3A_53, %swap3A_54], %dot_general3A_45 {strides = array<i32>} : memref<512x1152xf32, #tpu.memory_space<vmem>>, vector<512x128xf32>,
    %swap3A_56 = arith.constant 0 : index
    %swap3A_57 = arith.constant 0 : index
    %swap3A_58 = vector.load %arg10[%swap3A_56, %swap3A_57] : memref<512x128xf32, #tpu.memory_space<vmem>>, vector<512x128xf32>
    tpu.vector_store %arg10[%swap3A_56, %swap3A_57], %dot_general3A_45 {strides = array<i32>} : memref<512x128xf32, #tpu.memory_space<vmem>>, vector<512x128xf32>,
    %swap3A_59 = arith.constant 0 : index
    %swap3A_60 = arith.constant 0 : index
    %swap3A_61 = vector.load %arg11[%swap3A_59, %swap3A_60] : memref<512x128xf32, #tpu.memory_space<vmem>>, vector<512x128xf32>
    tpu.vector_store %arg11[%swap3A_59, %swap3A_60], %dot_general3A_50 {strides = array<i32>} : memref<512x128xf32, #tpu.memory_space<vmem>>, vector<512x128xf32>,
    return
  }
  func.func @transform_0(%arg0: i32) -> (i32, i32) {
    %c0_i32 = arith.constant 0 : i32
    %c0_i32_0 = arith.constant 0 : i32
    return %arg0, %c0_i32 : i32, i32
  }
  func.func @transform_1(%arg0: i32) -> (i32, i32) {
    %c0_i32 = arith.constant 0 : i32
    %c0_i32_0 = arith.constant 0 : i32
    return %arg0, %c0_i32 : i32, i32
  }
  func.func @transform_2(%arg0: i32) -> (i32, i32) {
    %c0_i32 = arith.constant 0 : i32
    %c0_i32_0 = arith.constant 0 : i32
    %c0_i32_1 = arith.constant 0 : i32
    return %c0_i32, %c0_i32_0 : i32, i32
  }
  func.func @transform_3(%arg0: i32) -> (i32, i32) {
    %c0_i32 = arith.constant 0 : i32
    %c0_i32_0 = arith.constant 0 : i32
    %c0_i32_1 = arith.constant 0 : i32
    return %c0_i32, %c0_i32_0 : i32, i32
  }
  func.func @transform_4(%arg0: i32) -> (i32, i32) {
    %c0_i32 = arith.constant 0 : i32
    %c0_i32_0 = arith.constant 0 : i32
    %c0_i32_1 = arith.constant 0 : i32
    return %c0_i32, %c0_i32_0 : i32, i32
  }
  func.func @transform_5(%arg0: i32) -> (i32, i32) {
    %c0_i32 = arith.constant 0 : i32
    %c0_i32_0 = arith.constant 0 : i32
    %c0_i32_1 = arith.constant 0 : i32
    return %c0_i32, %c0_i32_0 : i32, i32
  }
  func.func @transform_6(%arg0: i32) -> (i32, i32) {
    %c0_i32 = arith.constant 0 : i32
    %c0_i32_0 = arith.constant 0 : i32
    %c0_i32_1 = arith.constant 0 : i32
    return %c0_i32, %c0_i32_0 : i32, i32
  }
  func.func @transform_7(%arg0: i32) -> (i32, i32) {
    %c0_i32 = arith.constant 0 : i32
    %c0_i32_0 = arith.constant 0 : i32
    %c0_i32_1 = arith.constant 0 : i32
    return %c0_i32, %c0_i32_0 : i32, i32
  }
  func.func @transform_8(%arg0: i32) -> (i32, i32) {
    %c0_i32 = arith.constant 0 : i32
    %c0_i32_0 = arith.constant 0 : i32
    return %arg0, %c0_i32 : i32, i32
  }
  func.func @transform_9(%arg0: i32) -> (i32, i32) {
    %c0_i32 = arith.constant 0 : i32
    %c0_i32_0 = arith.constant 0 : i32
    return %arg0, %c0_i32 : i32, i32
  }
  func.func @transform_10(%arg0: i32) -> (i32, i32) {
    %c0_i32 = arith.constant 0 : i32
    %c0_i32_0 = arith.constant 0 : i32
    return %arg0, %c0_i32 : i32, i32
  }
}

module attributes {stable_mosaic.version = 14 : i64} {
  func.func @_comb_body(%arg0: i32, %arg1: memref<512x128xf32, #tpu.memory_space<vmem>>, %arg2: memref<512x128xf32, #tpu.memory_space<vmem>>, %arg3: memref<1x128xf32, #tpu.memory_space<vmem>>, %arg4: memref<512x128xf32, #tpu.memory_space<vmem>>) attributes {dimension_semantics = [#tpu.dimension_semantics<arbitrary>], iteration_bounds = array<i64: 20>, scalar_prefetch = 0 : i64, scratch_operands = 0 : i64, tpu.core_type = #tpu.core_type<tc>, window_params = [{transform_indices = @transform_0, window_bounds = array<i64: 512, 128>}, {transform_indices = @transform_1, window_bounds = array<i64: 512, 128>}, {pipeline_mode = #tpu.pipeline_mode<synchronous>, transform_indices = @transform_2, window_bounds = array<i64: 1, 128>}, {transform_indices = @transform_3, window_bounds = array<i64: 512, 128>}]} {
    %get3A = arith.constant 0 : index
    %get3A_0 = arith.constant 0 : index
    %get3A_1 = vector.load %arg1[%get3A, %get3A_0] : memref<512x128xf32, #tpu.memory_space<vmem>>, vector<512x128xf32>
    %get3A_2 = arith.constant 0 : index
    %get3A_3 = arith.constant 0 : index
    %get3A_4 = vector.load %arg2[%get3A_2, %get3A_3] : memref<512x128xf32, #tpu.memory_space<vmem>>, vector<512x128xf32>
    %add3A = arith.addf %get3A_1, %get3A_4 : vector<512x128xf32>
    %get3A_5 = arith.constant 0 : index
    %get3A_6 = arith.constant 0 : index
    %get3A_7 = vector.load %arg3[%get3A_5, %get3A_6] : memref<1x128xf32, #tpu.memory_space<vmem>>, vector<1x128xf32>
    %add3A_8 = vector.broadcast %get3A_7 : vector<1x128xf32> to vector<512x128xf32>
    %add3A_9 = arith.addf %add3A, %add3A_8 : vector<512x128xf32>
    %swap3A = arith.constant 0 : index
    %swap3A_10 = arith.constant 0 : index
    %swap3A_11 = vector.load %arg4[%swap3A, %swap3A_10] : memref<512x128xf32, #tpu.memory_space<vmem>>, vector<512x128xf32>
    tpu.vector_store %arg4[%swap3A, %swap3A_10], %add3A_9 {strides = array<i32>} : memref<512x128xf32, #tpu.memory_space<vmem>>, vector<512x128xf32>,
    return
  }
  func.func @transform_0(%arg0: i32) -> (i32, i32) {
    %c0_i32 = arith.constant 0 : i32
    %c0_i32_0 = arith.constant 0 : i32
    return %arg0, %c0_i32 : i32, i32
  }
  func.func @transform_1(%arg0: i32) -> (i32, i32) {
    %c0_i32 = arith.constant 0 : i32
    %c0_i32_0 = arith.constant 0 : i32
    return %arg0, %c0_i32 : i32, i32
  }
  func.func @transform_2(%arg0: i32) -> (i32, i32) {
    %c0_i32 = arith.constant 0 : i32
    %c0_i32_0 = arith.constant 0 : i32
    %c0_i32_1 = arith.constant 0 : i32
    return %c0_i32, %c0_i32_0 : i32, i32
  }
  func.func @transform_3(%arg0: i32) -> (i32, i32) {
    %c0_i32 = arith.constant 0 : i32
    %c0_i32_0 = arith.constant 0 : i32
    return %arg0, %c0_i32 : i32, i32
  }
}

module attributes {stable_mosaic.version = 14 : i64} {
  func.func @_final_proj_body(%arg0: i32, %arg1: memref<256x128xf32, #tpu.memory_space<vmem>>, %arg2: memref<128x128xf32, #tpu.memory_space<vmem>>, %arg3: memref<1x128xf32, #tpu.memory_space<vmem>>, %arg4: memref<128x3584xf32, #tpu.memory_space<vmem>>, %arg5: memref<1x3584xf32, #tpu.memory_space<vmem>>, %arg6: memref<256x3584xf32, #tpu.memory_space<vmem>>) attributes {dimension_semantics = [#tpu.dimension_semantics<arbitrary>], iteration_bounds = array<i64: 14>, scalar_prefetch = 0 : i64, scratch_operands = 0 : i64, tpu.core_type = #tpu.core_type<tc>, window_params = [{pipeline_mode = #tpu.pipeline_mode<synchronous>, transform_indices = @transform_0, window_bounds = array<i64: 256, 128>}, {pipeline_mode = #tpu.pipeline_mode<synchronous>, transform_indices = @transform_1, window_bounds = array<i64: 128, 128>}, {pipeline_mode = #tpu.pipeline_mode<synchronous>, transform_indices = @transform_2, window_bounds = array<i64: 1, 128>}, {transform_indices = @transform_3, window_bounds = array<i64: 128, 3584>}, {transform_indices = @transform_4, window_bounds = array<i64: 1, 3584>}, {transform_indices = @transform_5, window_bounds = array<i64: 256, 3584>}]} {
    %get3A = arith.constant 0 : index
    %get3A_0 = arith.constant 0 : index
    %get3A_1 = vector.load %arg1[%get3A, %get3A_0] : memref<256x128xf32, #tpu.memory_space<vmem>>, vector<256x128xf32>
    %get3A_2 = arith.constant 0 : index
    %get3A_3 = arith.constant 0 : index
    %get3A_4 = vector.load %arg2[%get3A_2, %get3A_3] : memref<128x128xf32, #tpu.memory_space<vmem>>, vector<128x128xf32>
    %convert_element_type3A = arith.truncf %get3A_1 : vector<256x128xf32> to vector<256x128xbf16>
    %convert_element_type3A_5 = arith.truncf %get3A_4 : vector<128x128xf32> to vector<128x128xbf16>
    %dot_general3A = arith.constant dense<0.000000e+00> : vector<256x128xf32>
    %dot_general3A_6 = tpu.matmul %convert_element_type3A, %convert_element_type3A_5, %dot_general3A {dimension_numbers = #tpu.dot_dimension_numbers<[1], [0], [0], [1], [0, 0, 1, 1], [], []>, transpose_lhs_hint = false} : vector<256x128xbf16>, vector<128x128xbf16>, vector<256x128xf32> -> vector<256x128xf32>
    %get3A_7 = arith.constant 0 : index
    %get3A_8 = arith.constant 0 : index
    %get3A_9 = vector.load %arg3[%get3A_7, %get3A_8] : memref<1x128xf32, #tpu.memory_space<vmem>>, vector<1x128xf32>
    %add3A = vector.broadcast %get3A_9 : vector<1x128xf32> to vector<256x128xf32>
    %add3A_10 = arith.addf %dot_general3A_6, %add3A : vector<256x128xf32>
    %mul3A = arith.constant 5.000000e-01 : f32
    %mul3A_11 = vector.broadcast %mul3A : f32 to vector<256x128xf32>
    %mul3A_12 = arith.mulf %mul3A_11, %add3A_10 : vector<256x128xf32>
    %mul3A_13 = arith.constant 0.707106769 : f32
    %mul3A_14 = vector.broadcast %mul3A_13 : f32 to vector<256x128xf32>
    %mul3A_15 = arith.mulf %add3A_10, %mul3A_14 : vector<256x128xf32>
    %erf3A = math.erf %mul3A_15 : vector<256x128xf32>
    %add3A_16 = arith.constant 1.000000e+00 : f32
    %add3A_17 = vector.broadcast %add3A_16 : f32 to vector<256x128xf32>
    %add3A_18 = arith.addf %add3A_17, %erf3A : vector<256x128xf32>
    %mul3A_19 = arith.mulf %mul3A_12, %add3A_18 : vector<256x128xf32>
    %get3A_20 = arith.constant 0 : index
    %get3A_21 = arith.constant 0 : index
    %get3A_22 = vector.load %arg4[%get3A_20, %get3A_21] : memref<128x3584xf32, #tpu.memory_space<vmem>>, vector<128x3584xf32>
    %convert_element_type3A_23 = arith.truncf %mul3A_19 : vector<256x128xf32> to vector<256x128xbf16>
    %convert_element_type3A_24 = arith.truncf %get3A_22 : vector<128x3584xf32> to vector<128x3584xbf16>
    %dot_general3A_25 = arith.constant dense<0.000000e+00> : vector<256x3584xf32>
    %dot_general3A_26 = tpu.matmul %convert_element_type3A_23, %convert_element_type3A_24, %dot_general3A_25 {dimension_numbers = #tpu.dot_dimension_numbers<[1], [0], [0], [1], [0, 0, 1, 1], [], []>, transpose_lhs_hint = false} : vector<256x128xbf16>, vector<128x3584xbf16>, vector<256x3584xf32> -> vector<256x3584xf32>
    %get3A_27 = arith.constant 0 : index
    %get3A_28 = arith.constant 0 : index
    %get3A_29 = vector.load %arg5[%get3A_27, %get3A_28] : memref<1x3584xf32, #tpu.memory_space<vmem>>, vector<1x3584xf32>
    %add3A_30 = vector.broadcast %get3A_29 : vector<1x3584xf32> to vector<256x3584xf32>
    %add3A_31 = arith.addf %dot_general3A_26, %add3A_30 : vector<256x3584xf32>
    %swap3A = arith.constant 0 : index
    %swap3A_32 = arith.constant 0 : index
    %swap3A_33 = vector.load %arg6[%swap3A, %swap3A_32] : memref<256x3584xf32, #tpu.memory_space<vmem>>, vector<256x3584xf32>
    tpu.vector_store %arg6[%swap3A, %swap3A_32], %add3A_31 {strides = array<i32>} : memref<256x3584xf32, #tpu.memory_space<vmem>>, vector<256x3584xf32>,
    return
  }
  func.func @transform_0(%arg0: i32) -> (i32, i32) {
    %c0_i32 = arith.constant 0 : i32
    %c0_i32_0 = arith.constant 0 : i32
    %c0_i32_1 = arith.constant 0 : i32
    return %c0_i32, %c0_i32_0 : i32, i32
  }
  func.func @transform_1(%arg0: i32) -> (i32, i32) {
    %c0_i32 = arith.constant 0 : i32
    %c0_i32_0 = arith.constant 0 : i32
    %c0_i32_1 = arith.constant 0 : i32
    return %c0_i32, %c0_i32_0 : i32, i32
  }
  func.func @transform_2(%arg0: i32) -> (i32, i32) {
    %c0_i32 = arith.constant 0 : i32
    %c0_i32_0 = arith.constant 0 : i32
    %c0_i32_1 = arith.constant 0 : i32
    return %c0_i32, %c0_i32_0 : i32, i32
  }
  func.func @transform_3(%arg0: i32) -> (i32, i32) {
    %c0_i32 = arith.constant 0 : i32
    %c0_i32_0 = arith.constant 0 : i32
    return %c0_i32, %arg0 : i32, i32
  }
  func.func @transform_4(%arg0: i32) -> (i32, i32) {
    %c0_i32 = arith.constant 0 : i32
    %c0_i32_0 = arith.constant 0 : i32
    return %c0_i32, %arg0 : i32, i32
  }
  func.func @transform_5(%arg0: i32) -> (i32, i32) {
    %c0_i32 = arith.constant 0 : i32
    %c0_i32_0 = arith.constant 0 : i32
    return %c0_i32, %arg0 : i32, i32
  }
}

</mosaic_0001>

<sc_bundles>
// kernel: kernel.14.cloned.1.call-start
scs
__scs_entry_jumppad:
0x0: {  	(pc) =	sbr.rel $0x88, $3  }
0x1: {  	(tag) =	ssettag $0x0;
	lr =	simm.s32 $0x1  }
0x2: {  	[smem:$0x3F8F] =	sst lr;
	_ =	strace $0xD0000000  }
0x3: {  	_ = 	snop  }
0x4: {  	_ = 	snop  }
0x5: {  	_ = 	snop  }
0x6: {  	_ = 	snop  }
0x7: {  	_ = 	snop  }
__scs_overlays_trampoline_lowered:
0x8: {  	[smem:$0x3F9E] =	sst s0  }
0x9: {  	[smem:$0x3F9F] =	sst s1  }
0xa: {  	[smem:$0x3FA0] =	sst s2  }
0xb: {  	[smem:$0x3FA1] =	sst s3  }
0xc: {  	[smem:$0x3FA2] =	sst s4  }
0xd: {  	[smem:$0x3FA3] =	sst s5  }
0xe: {  	[smem:$0x3FA4] =	sst s6  }
0xf: {  	[smem:$0x3FA5] =	sst s7  }
0x10: {  	[smem:$0x3FA6] =	sst s8  }
0x11: {  	[smem:$0x3FA7] =	sst s9;
	s0 =	simm.s32 @!p0 $0x0  }
0x12: {  	s1 =	sld [smem:$0x3F8D];
	s0 =	simm.s32 @p0 $0x1  }
0x13: {  	[smem:$0x3FA8] =	sst s0;
	s0 =	simm.s32 @!p1 $0x0  }
0x14: {  	s2 =	sld [smem:$0x3F8C];
	s0 =	simm.s32 @p1 $0x1  }
0x15: {  	[smem:$0x3FA9] =	sst s0;
	s0 =	simm.s32 @!p2 $0x0  }
0x16: {  	s3 =	sld [smem:$0x3FDB];
	s0 =	simm.s32 @p2 $0x1  }
0x17: {  	s4 =	simm.s32 $0x1BF5;
	[smem:$0x3FAB] =	sst s0  }
0x18: {  	s0 =	sld [smem:$0x3F8E];
	_ =	swait.ge [sflag:s4], $0x0  }
0x19: {  	s7 =	sld [smem:$0x3F8F]  }
0x1a: {  	s8 =	sadd.s32 $0xFFFFE003, lr  }
0x1b: {  	s9 =	sadd.s32 $0xFFFFFEF7, lr;
	s5 =	simm.s32 $0xFFFFFFFF;
	p2 =	slt.u32 s8, $0xFFFFF086  }
0x1c: {  	p1 =	slt.u32 s9, $0xF7A;
	s5 =	simm.s32 @!p2 $0x0  }
0x1d: {  	s5 =	simm.s32 @p1 $0x1;
	p0 =	seq.s32 s7, s2  }
0x1e: {  	s7 =	smul.u32 @!p0 $0xF7A, s2;
	p2 =	seq.s32 @!p0 s5, $0x0  }
0x1f: {  	s9 =	smul.u32 $0xF7A, s1;
	s8 =	simm.s32 @!p0 $0x1BF5;
	p2 =	por !p2, p0  }
0x20: {  	[sflag:s8] =	ssyncset.s32 @!p0 $0xFFFFF086;
	s6 =	sadd.s32 @!p0 s3, s7;
	s7 =	simm.s32 @!p0 $0x108  }
0x21: {  	s3 =	sadd.s32 s3, s9;
	s6 =	sadd.s32 @!p0 $0x88, s6;
	s7 =	simm.s32 @p2 $0x1082  }
0x22: {  	[simem:s7], [sflag:s8] =	dma.local @!p0 [hbm:s6], $0xF7A  }
0x23: {  	s9 =	sor.u32 $0xD0000000, s2;
	s6 =	simm.s32 $0x108;
	_ =	swait.ge @!p0 [sflag:s8], $0x0  }
0x24: {  	s3 =	sadd.s32 $0x88, s3;
	s6 =	simm.s32 @!p1 $0x1082;
	[sflag:s4] =	ssyncset.s32 $0xFFFFF086  }
0x25: {  	[simem:s6], [sflag:s4] =	dma.local [hbm:s3], $0xF7A  }
0x26: {  	[smem:$0x3F8F] =	sst s1;
	(tag) =	ssettag s2;
	_ =	strace s9  }
0x27: {  	s1 =	sld [smem:$0x3F9F]  }
0x28: {  	s2 =	sld [smem:$0x3FA0]  }
0x29: {  	s4 =	sld [smem:$0x3FA2]  }
0x2a: {  	p0 =	seq.s32 s5, $0x0;
	s5 =	sld [smem:$0x3FA3]  }
0x2b: {  	s6 =	sld [smem:$0x3FA4]  }
0x2c: {  	s7 =	sld [smem:$0x3FA5]  }
0x2d: {  	s3 =	simm.s32 $0x108;
	s8 =	sld [smem:$0x3FA6]  }
0x2e: {  	s3 =	simm.s32 @!p0 $0x1082;
	s9 =	sld [smem:$0x3FA7]  }
0x2f: {  	lr =	sadd.s32 s0, s3;
	s0 =	sld [smem:$0x3F9E]  }
0x30: {  	s3 =	sld [smem:$0x3FA1]  }
0x31: {  	[smem:$0x3FAA] =	sst s10  }
0x32: {  	s10 =	sld [smem:$0x3FA8];
	_ =	sdelay $0x3  }
0x33: {  	p0 =	seq.s32 s10, $0x1;
	s10 =	sld [smem:$0x3FAA];
	_ =	sdelay $0x3  }
0x34: {  	[smem:$0x3FAA] =	sst s10  }
0x35: {  	s10 =	sld [smem:$0x3FA9];
	_ =	sdelay $0x3  }
0x36: {  	p1 =	seq.s32 s10, $0x1;
	s10 =	sld [smem:$0x3FAA];
	_ =	sdelay $0x3  }
0x37: {  	[smem:$0x3FAA] =	sst s10  }
0x38: {  	s10 =	sld [smem:$0x3FAB]  }
0x39: {  	_ = 	snop;
	(pc) =	sbr.ind lr, $3  }
0x3a: {  	_ = 	snop  }
0x3b: {  	_ = 	snop  }
0x3c: {  	p2 =	seq.s32 s10, $0x1;
	s10 =	sld [smem:$0x3FAA]  }
0x3d: {  	_ =	shalt  }
0x3e: {  	_ =	shalt  }
0x3f: {  	_ =	shalt  }
0x40: {  	_ =	shalt  }
0x41: {  	_ =	shalt  }
0x42: {  	_ =	shalt  }
0x43: {  	_ =	shalt  }
0x44: {  	_ =	shalt  }
0x45: {  	_ =	shalt  }
0x46: {  	_ =	shalt  }
0x47: {  	_ =	shalt  }
0x48: {  	_ =	shalt  }
0x49: {  	_ =	shalt  }
0x4a: {  	_ =	shalt  }
0x4b: {  	_ =	shalt  }
0x4c: {  	_ =	shalt  }
0x4d: {  	_ =	shalt  }
0x4e: {  	_ =	shalt  }
0x4f: {  	_ =	shalt  }
0x50: {  	_ =	shalt  }
0x51: {  	_ =	shalt  }
0x52: {  	_ =	shalt  }
0x53: {  	_ =	shalt  }
0x54: {  	_ =	shalt  }
0x55: {  	_ =	shalt  }
0x56: {  	_ =	shalt  }
0x57: {  	_ =	shalt  }
0x58: {  	_ =	shalt  }
0x59: {  	_ =	shalt  }
0x5a: {  	_ =	shalt  }
0x5b: {  	_ =	shalt  }
0x5c: {  	_ =	shalt  }
0x5d: {  	_ =	shalt  }
0x5e: {  	_ =	shalt  }
0x5f: {  	_ =	shalt  }
0x60: {  	_ =	shalt  }
0x61: {  	_ =	shalt  }
0x62: {  	_ =	shalt  }
0x63: {  	_ =	shalt  }
0x64: {  	_ =	shalt  }
0x65: {  	_ =	shalt  }
0x66: {  	_ =	shalt  }
0x67: {  	_ =	shalt  }
0x68: {  	_ =	shalt  }
0x69: {  	_ =	shalt  }
0x6a: {  	_ =	shalt  }
0x6b: {  	_ =	shalt  }
0x6c: {  	_ =	shalt  }
0x6d: {  	_ =	shalt  }
0x6e: {  	_ =	shalt  }
0x6f: {  	_ =	shalt  }
0x70: {  	_ =	shalt  }
0x71: {  	_ =	shalt  }
0x72: {  	_ =	shalt  }
0x73: {  	_ =	shalt  }
0x74: {  	_ =	shalt  }
0x75: {  	_ =	shalt  }
0x76: {  	_ =	shalt  }
0x77: {  	_ =	shalt  }
0x78: {  	_ =	shalt  }
0x79: {  	_ =	shalt  }
0x7a: {  	_ =	shalt  }
0x7b: {  	_ =	shalt  }
0x7c: {  	_ =	shalt  }
0x7d: {  	_ =	shalt  }
0x7e: {  	_ =	shalt  }
0x7f: {  	_ =	shalt  }
0x80: {  	_ =	shalt  }
0x81: {  	_ =	shalt  }
0x82: {  	_ =	shalt  }
0x83: {  	_ =	shalt  }
0x84: {  	_ =	shalt  }
0x85: {  	_ =	shalt  }
0x86: {  	_ =	shalt  }
0x87: {  	_ =	shalt  }
.Lfunc_end0:
.L_simem_size_0:
called_computation.1_lowered:
.L_overlay_start_0:
0x88: {  	s2 =	sld [smem:$0x3FD9]  }
0x89: {  	s3 =	sld [smem:$0x3FFE];
	_ =	sdelay $0x1  }
0x8a: {  	s1 =	srdreg.scid  }
0x8b: {  	s0 =	sand.u32 $0x1, s1  }
0x8c: {  	s17 =	sshll.u32 s0, $0xA;
	s2 =	sadd.s32 s3, s2  }
0x8d: {  	s2 =	sadd.s32 s2, s17  }
0x8e: {  	[smem:$0x3FB6] =	sst s2  }
0x8f: {  	_ = 	snop  }
0x90: {  	s2 =	sld [smem:$0x3FC6]  }
0x91: {  	s18 =	sld [smem:$0x3FD0];
	(tm) =	ssettm $0x1  }
0x92: {  	s4 =	sld [smem:$0x3FFB];
	_ =	sdelay $0x3  }
0x93: {  	_ =	strace s4  }
0x94: {  	s4 =	sld [smem:$0x3FFC];
	_ =	sdelay $0x3  }
0x95: {  	_ =	strace s4  }
0x96: {  	s4 =	sld [smem:$0x3FFD];
	_ =	sdelay $0x3  }
0x97: {  	_ =	strace s4  }
0x98: {  	_ =	strace $0x8FFFFFFF  }
0x99: {  	s19 =	sld [smem:$0x3FDB];
	_ =	sdelay $0x1  }
0x9a: {  	s5 =	simm.s32 $_scs_section_size  }
0x9b: {  	s6 =	simm.s32 $_size__tile_overlayer_lowered;
	s7 =	simm.s32 $_tile_overlayer_lowered  }
0x9c: {  	s22 =	simm.s32 $0x1BFF;
	s21 =	sshll.u32 s7, $0x1;
	s4 =	sadd.s32 s5, s19  }
0x9d: {  	s8 =	simm.s32 $0x0;
	s20 =	sshll.u32 s6, $0x1;
	s6 =	sadd.s32 s21, s4  }
0x9e: {  	[timem:s8], [sflag:s22] =	dma.local [hbm:s6], s20  }
0x9f: {  	_ =	swait.ge [sflag:s22], s20  }
0xa0: {  	s5 =	ssub.s32 $0x0, s20;
	[sflag:s22] =	ssyncset.done $0x0  }
0xa1: {  	[sflag:s22] =	ssyncadd.s32 s5;
	_ =	sdelay $0x1  }
0xa2: {  	s23 =	simm.s32 $0x1B8B  }
0xa3: {  	_ =	swait.ge [sflag:s23], $0x1  }
0xa4: {  	[sflag:s23] =	ssyncset.done $0x0  }
0xa5: {  	s25 =	simm.s32 $0x1B8E;
	s24 =	sld [smem:$0x3FFE];
	[sflag:s23] =	ssyncadd.s32 $0xFFFFFFFF  }
0xa6: {  	s26 =	simm.s32 $execute0_lowered;
	[smem:$0x3FD2] =	sst s25  }
0xa7: {  	s6 =	sshll.u32 s26, $0x1;
	_ =	strace $0x80000046;
	[dreg:$0x1] =	wrdreg $0xFFFFFFFF  }
0xa8: {  	s28 =	simm.s32 $_size_execute0_lowered;
	s4 =	sadd.s32 s4, s6;
	[dreg:$0x0] =	wrdreg $0x0  }
0xa9: {  	s6 =	sshll.u32 s28, $0x1;
	[dreg:$0x2] =	wrdreg s4  }
0xaa: {  	[dreg:$0x3] =	wrdreg s6  }
0xab: {  	[dreg:$0x4] =	wrdreg $0xC0  }
0xac: {  	_ =	task [dreg:s8], $0x5FFFF  }
0xad: {  	[dreg:$0x1] =	wrdreg $0xFFFFFFFF  }
0xae: {  	[dreg:$0x0] =	wrdreg $0x60  }
0xaf: {  	[dreg:$0x2] =	wrdreg s2  }
0xb0: {  	[dreg:$0x3] =	wrdreg s24  }
0xb1: {  	[dreg:$0x4] =	wrdreg s18  }
0xb2: {  	[dreg:$0x5] =	wrdreg $0x9  }
0xb3: {  	_ =	task.clear_ibuf [dreg:s8], $0x6FFFF;
	_ =	strace $0x90000046  }
0xb4: {  	s29 =	simm.s32 $0x9;
	_ =	strace $0x80000048  }
0xb5: {  	_ =	swait.ge [sflag:s29], $0x1  }
0xb6: {  	[sflag:s29] =	ssyncadd.s32 $0xFFFFFFFF  }
0xb7: {  	_ =	strace $0x90000048  }
0xb8: {  	_ =	sfence  }
0xb9: {  	s30 =	sld [smem:$0x0];
	_ =	sdelay $0x2  }
0xba: {  	s31 =	sshll.u32 s1, $0xD;
	s1 =	sshrl.u32 s1, $0x2  }
0xbb: {  	s3 =	sand.u32 $0x4000, s31;
	s1 =	sadd.s32 s1, s30  }
0xbc: {  	s0 =	sor.u32 s3, s0;
	s1 =	sshll.u32 s1, $0x11  }
0xbd: {  	s0 =	sor.u32 s1, s0  }
0xbe: {  	s0 =	sadd.s32 $0x8F2B, s0  }
0xbf: {  	[sflag:s0] =	ssyncadd.remote.s32 $0x1  }
0xc0: {  	_ =	sfence.sel $0xFFFF  }
0xc1: {  	[dreg:$0x0] =	wrdreg $0xFFFFFFFF;
	(pc) =	sbr.abs _section_cstart, $3  }
0xc2: {  	[dreg:$0x1] =	wrdreg $0xFFFFFFFF  }
0xc3: {  	_ =	task.clear_ibuf [dreg:s8], $0x2FFFF;
	_ =	strace $0x9FFFFFFF  }
0xc4: {  	(tm) =	ssettm $0x7FFFFFFF  }
0xc5: {  	_ =	shalt  }
tec
execute0_lowered:
.L_overlay_start_1:
0x0: {  	(tag) =	ssettag $0x1  }
0x1: {  	s1 =	srdreg.scid;
	s0 =	stileid.u32  }
0x2: {  	s2 =	rddreg [dreg:$0x0];
	s6 =	sand.u32 $0x1, s1;
	s30 =	sshll.u32 s0, $0x1  }
0x3: {  	s4 =	rddreg [dreg:$0x1];
	s9 =	sor.u32 s6, s30  }
0x4: {  	s10 =	rddreg [dreg:$0x2];
	s3 =	simm.s32 $0x0;
	s5 =	smul.u32 $0x28, s9  }
0x5: {  	[smem:$0x7FF] =	sst s3  }
0x6: {  	s1 =	rddreg [dreg:$0x3];
	_ =	strace $0x80000047;
	s4 =	sadd.s32 s5, s4  }
0x7: {  	s11 =	ssub.s32 $0x2, s6;
	s5 =	sadd.s32 $0x5E00, s4;
	s4 =	simm.s32 $0x2  }
0x8: {  	[tilespmem:s3], [sflag:$0x2] =	stream.linear.gather [hbm4b:s5+s3], $0x140, $0x38;
	[tilespmem:$0xA180] =	vst v63  }
0x9: {  	s7 =	simm.s32 $0x180;
	s12 =	sshrl.u32 s11, $0x1;
	_ =	swait.ge [sflag:s4], $0x140  }
0xa: {  	s8 =	simm.s32 $0x1;
	s11 =	ssub.s32 s11, s12;
	[sflag:s4] =	ssyncset.done $0x0  }
0xb: {  	s6 =	simm.s32 $0x140;
	s31 =	smax.u32 s11, $0x1;
	[sflag:s4] =	ssyncadd.s32 $0xFFFFFEC0  }
0xc: {  	[tilespmem:s7], [sflag:$0x1] =	stream.indirect.gather [hbm4b:s2+s6], $0x80, s3, s6, $0xb8;
	[tilespmem:$0xA180] =	vst v63  }
0xd: {  	s9 =	smul.u32 $0x1400, s9;
	p0 =	sne.s32 s31, $0x1;
	_ =	swait.ge [sflag:s8], $0xA000  }
.Ltmp0:
0xe: {  	[sflag:s8] =	ssyncset.done $0x0;
	(pc) =	sbr.rel @!p0 .LBB2_2-.Ltmp0, $4  }
0xf: {  	s9 =	sadd.s32 s10, s9;
	[sflag:s8] =	ssyncadd.s32 $0xFFFF6000  }
0x10: {  	[hbm4b:s9+s3] =	stream.linear.scatter [tilespmem:s7], [sflag:$0x2], $0xA000, $0x38;
	[tilespmem:$0xA180] =	vst v63  }
0x11: {  	_ =	swait.ge [sflag:s4], $0xA000  }
0x12: {  	s10 =	sadd.s32 $0xFFFFFFFF, s31;
	[sflag:s4] =	ssyncset.done $0x0  }
.LBB2_1:
0x13: {  	p0 =	sne.s32 s10, $0x1;
	s10 =	sadd.s32 $0xFFFFFFFF, s10;
	[sflag:s4] =	ssyncadd.s32 $0xFFFF6000  }
0x14: {  	[tilespmem:s3], [sflag:$0x2] =	stream.linear.gather [hbm4b:s5+s3], $0x140, $0x38;
	[tilespmem:$0xA180] =	vst v63  }
0x15: {  	_ =	swait.ge [sflag:s4], $0x140  }
0x16: {  	[sflag:s4] =	ssyncset.done $0x0  }
0x17: {  	[sflag:s4] =	ssyncadd.s32 $0xFFFFFEC0  }
0x18: {  	[tilespmem:s7], [sflag:$0x1] =	stream.indirect.gather [hbm4b:s2+s6], $0x80, s3, s6, $0xb8;
	[tilespmem:$0xA180] =	vst v63  }
0x19: {  	_ =	swait.ge [sflag:s8], $0xA000  }
.Ltmp1:
0x1a: {  	[sflag:s8] =	ssyncset.done $0x0;
	(pc) =	sbr.rel @p0 .LBB2_1-.Ltmp1, $4  }
0x1b: {  	[sflag:s8] =	ssyncadd.s32 $0xFFFF6000  }
0x1c: {  	[hbm4b:s9+s3] =	stream.linear.scatter [tilespmem:s7], [sflag:$0x2], $0xA000, $0x38;
	[tilespmem:$0xA180] =	vst v63  }
0x1d: {  	_ =	swait.ge [sflag:s4], $0xA000  }
0x1e: {  	[sflag:s4] =	ssyncset.done $0x0  }
.LBB2_2:
0x1f: {  	[sflag:s4] =	ssyncadd.s32 $0xFFFF6000  }
0x20: {  	_ =	sfence.sel $0x180000  }
0x21: {  	[bflag:$0x0] =	sbarrier.arrive $0xFFFF  }
0x22: {  	p0 =	sne.s32 s0, $0x0;
	_ =	strace $0x90000047  }
0x23: {  	s0 =	sadd.s32 @!p0 $0x100000, s1;
	[bflag:$0x2] =	sbarrier.arrive $0xFFFF  }
0x24: {  	[sflag:s0] =	ssyncadd.tile.s32 @!p0 $0x1;
	_ =	shalt  }
.Lfunc_end2:
_tile_overlayer_lowered:
.L_overlay_start_2:
0x25: {  	(tag) =	ssettag $0x2  }
0x26: {  	s0 =	rddreg [dreg:$0x0];
	s2 =	stileid.u32  }
0x27: {  	s1 =	rddreg [dreg:$0x1];
	p0 =	sne.s32 s2, $0x0  }
0x28: {  	s3 =	rddreg [dreg:$0x2];
	[bflag:$0x3] =	sbarrier.arrive $0xFFFF;
	s2 =	simm.s32 @!p0 $0x1C02  }
0x29: {  	[timem:s3], [sflag:s2] =	dma.local @!p0 [hbm:s0], s1  }
0x2a: {  	s0 =	simm.s32 @!p0 $0x2  }
0x2b: {  	_ =	swait.ge @!p0 [sflag:s0], s1  }
0x2c: {  	s1 =	ssub.s32 @!p0 $0x0, s1;
	[sflag:s0] =	ssyncset.done @!p0 $0x0  }
0x2d: {  	[sflag:s0] =	ssyncadd.s32 @!p0 s1  }
0x2e: {  	[bflag:$0x3] =	sbarrier.arrive $0xFFFF  }
0x2f: {  	_ =	shalt  }

// kernel: kernel.17.cloned.1.call-start
scs
__scs_entry_jumppad:
0x0: {  	(pc) =	sbr.rel $0x88, $3  }
0x1: {  	(tag) =	ssettag $0x0;
	lr =	simm.s32 $0x1  }
0x2: {  	[smem:$0x3F8F] =	sst lr;
	_ =	strace $0xD0000000  }
0x3: {  	_ = 	snop  }
0x4: {  	_ = 	snop  }
0x5: {  	_ = 	snop  }
0x6: {  	_ = 	snop  }
0x7: {  	_ = 	snop  }
__scs_overlays_trampoline_lowered:
0x8: {  	[smem:$0x3F9E] =	sst s0  }
0x9: {  	[smem:$0x3F9F] =	sst s1  }
0xa: {  	[smem:$0x3FA0] =	sst s2  }
0xb: {  	[smem:$0x3FA1] =	sst s3  }
0xc: {  	[smem:$0x3FA2] =	sst s4  }
0xd: {  	[smem:$0x3FA3] =	sst s5  }
0xe: {  	[smem:$0x3FA4] =	sst s6  }
0xf: {  	[smem:$0x3FA5] =	sst s7  }
0x10: {  	[smem:$0x3FA6] =	sst s8  }
0x11: {  	[smem:$0x3FA7] =	sst s9;
	s0 =	simm.s32 @!p0 $0x0  }
0x12: {  	s1 =	sld [smem:$0x3F8D];
	s0 =	simm.s32 @p0 $0x1  }
0x13: {  	[smem:$0x3FA8] =	sst s0;
	s0 =	simm.s32 @!p1 $0x0  }
0x14: {  	s2 =	sld [smem:$0x3F8C];
	s0 =	simm.s32 @p1 $0x1  }
0x15: {  	[smem:$0x3FA9] =	sst s0;
	s0 =	simm.s32 @!p2 $0x0  }
0x16: {  	s3 =	sld [smem:$0x3FDB];
	s0 =	simm.s32 @p2 $0x1  }
0x17: {  	s4 =	simm.s32 $0x1BF5;
	[smem:$0x3FAB] =	sst s0  }
0x18: {  	s0 =	sld [smem:$0x3F8E];
	_ =	swait.ge [sflag:s4], $0x0  }
0x19: {  	s7 =	sld [smem:$0x3F8F]  }
0x1a: {  	s8 =	sadd.s32 $0xFFFFE003, lr  }
0x1b: {  	s9 =	sadd.s32 $0xFFFFFEF7, lr;
	s5 =	simm.s32 $0xFFFFFFFF;
	p2 =	slt.u32 s8, $0xFFFFF086  }
0x1c: {  	p1 =	slt.u32 s9, $0xF7A;
	s5 =	simm.s32 @!p2 $0x0  }
0x1d: {  	s5 =	simm.s32 @p1 $0x1;
	p0 =	seq.s32 s7, s2  }
0x1e: {  	s7 =	smul.u32 @!p0 $0xF7A, s2;
	p2 =	seq.s32 @!p0 s5, $0x0  }
0x1f: {  	s9 =	smul.u32 $0xF7A, s1;
	s8 =	simm.s32 @!p0 $0x1BF5;
	p2 =	por !p2, p0  }
0x20: {  	[sflag:s8] =	ssyncset.s32 @!p0 $0xFFFFF086;
	s6 =	sadd.s32 @!p0 s3, s7;
	s7 =	simm.s32 @!p0 $0x108  }
0x21: {  	s3 =	sadd.s32 s3, s9;
	s6 =	sadd.s32 @!p0 $0x88, s6;
	s7 =	simm.s32 @p2 $0x1082  }
0x22: {  	[simem:s7], [sflag:s8] =	dma.local @!p0 [hbm:s6], $0xF7A  }
0x23: {  	s9 =	sor.u32 $0xD0000000, s2;
	s6 =	simm.s32 $0x108;
	_ =	swait.ge @!p0 [sflag:s8], $0x0  }
0x24: {  	s3 =	sadd.s32 $0x88, s3;
	s6 =	simm.s32 @!p1 $0x1082;
	[sflag:s4] =	ssyncset.s32 $0xFFFFF086  }
0x25: {  	[simem:s6], [sflag:s4] =	dma.local [hbm:s3], $0xF7A  }
0x26: {  	[smem:$0x3F8F] =	sst s1;
	(tag) =	ssettag s2;
	_ =	strace s9  }
0x27: {  	s1 =	sld [smem:$0x3F9F]  }
0x28: {  	s2 =	sld [smem:$0x3FA0]  }
0x29: {  	s4 =	sld [smem:$0x3FA2]  }
0x2a: {  	p0 =	seq.s32 s5, $0x0;
	s5 =	sld [smem:$0x3FA3]  }
0x2b: {  	s6 =	sld [smem:$0x3FA4]  }
0x2c: {  	s7 =	sld [smem:$0x3FA5]  }
0x2d: {  	s3 =	simm.s32 $0x108;
	s8 =	sld [smem:$0x3FA6]  }
0x2e: {  	s3 =	simm.s32 @!p0 $0x1082;
	s9 =	sld [smem:$0x3FA7]  }
0x2f: {  	lr =	sadd.s32 s0, s3;
	s0 =	sld [smem:$0x3F9E]  }
0x30: {  	s3 =	sld [smem:$0x3FA1]  }
0x31: {  	[smem:$0x3FAA] =	sst s10  }
0x32: {  	s10 =	sld [smem:$0x3FA8];
	_ =	sdelay $0x3  }
0x33: {  	p0 =	seq.s32 s10, $0x1;
	s10 =	sld [smem:$0x3FAA];
	_ =	sdelay $0x3  }
0x34: {  	[smem:$0x3FAA] =	sst s10  }
0x35: {  	s10 =	sld [smem:$0x3FA9];
	_ =	sdelay $0x3  }
0x36: {  	p1 =	seq.s32 s10, $0x1;
	s10 =	sld [smem:$0x3FAA];
	_ =	sdelay $0x3  }
0x37: {  	[smem:$0x3FAA] =	sst s10  }
0x38: {  	s10 =	sld [smem:$0x3FAB]  }
0x39: {  	_ = 	snop;
	(pc) =	sbr.ind lr, $3  }
0x3a: {  	_ = 	snop  }
0x3b: {  	_ = 	snop  }
0x3c: {  	p2 =	seq.s32 s10, $0x1;
	s10 =	sld [smem:$0x3FAA]  }
0x3d: {  	_ =	shalt  }
0x3e: {  	_ =	shalt  }
0x3f: {  	_ =	shalt  }
0x40: {  	_ =	shalt  }
0x41: {  	_ =	shalt  }
0x42: {  	_ =	shalt  }
0x43: {  	_ =	shalt  }
0x44: {  	_ =	shalt  }
0x45: {  	_ =	shalt  }
0x46: {  	_ =	shalt  }
0x47: {  	_ =	shalt  }
0x48: {  	_ =	shalt  }
0x49: {  	_ =	shalt  }
0x4a: {  	_ =	shalt  }
0x4b: {  	_ =	shalt  }
0x4c: {  	_ =	shalt  }
0x4d: {  	_ =	shalt  }
0x4e: {  	_ =	shalt  }
0x4f: {  	_ =	shalt  }
0x50: {  	_ =	shalt  }
0x51: {  	_ =	shalt  }
0x52: {  	_ =	shalt  }
0x53: {  	_ =	shalt  }
0x54: {  	_ =	shalt  }
0x55: {  	_ =	shalt  }
0x56: {  	_ =	shalt  }
0x57: {  	_ =	shalt  }
0x58: {  	_ =	shalt  }
0x59: {  	_ =	shalt  }
0x5a: {  	_ =	shalt  }
0x5b: {  	_ =	shalt  }
0x5c: {  	_ =	shalt  }
0x5d: {  	_ =	shalt  }
0x5e: {  	_ =	shalt  }
0x5f: {  	_ =	shalt  }
0x60: {  	_ =	shalt  }
0x61: {  	_ =	shalt  }
0x62: {  	_ =	shalt  }
0x63: {  	_ =	shalt  }
0x64: {  	_ =	shalt  }
0x65: {  	_ =	shalt  }
0x66: {  	_ =	shalt  }
0x67: {  	_ =	shalt  }
0x68: {  	_ =	shalt  }
0x69: {  	_ =	shalt  }
0x6a: {  	_ =	shalt  }
0x6b: {  	_ =	shalt  }
0x6c: {  	_ =	shalt  }
0x6d: {  	_ =	shalt  }
0x6e: {  	_ =	shalt  }
0x6f: {  	_ =	shalt  }
0x70: {  	_ =	shalt  }
0x71: {  	_ =	shalt  }
0x72: {  	_ =	shalt  }
0x73: {  	_ =	shalt  }
0x74: {  	_ =	shalt  }
0x75: {  	_ =	shalt  }
0x76: {  	_ =	shalt  }
0x77: {  	_ =	shalt  }
0x78: {  	_ =	shalt  }
0x79: {  	_ =	shalt  }
0x7a: {  	_ =	shalt  }
0x7b: {  	_ =	shalt  }
0x7c: {  	_ =	shalt  }
0x7d: {  	_ =	shalt  }
0x7e: {  	_ =	shalt  }
0x7f: {  	_ =	shalt  }
0x80: {  	_ =	shalt  }
0x81: {  	_ =	shalt  }
0x82: {  	_ =	shalt  }
0x83: {  	_ =	shalt  }
0x84: {  	_ =	shalt  }
0x85: {  	_ =	shalt  }
0x86: {  	_ =	shalt  }
0x87: {  	_ =	shalt  }
.Lfunc_end0:
.L_simem_size_0:
called_computation.2_lowered:
.L_overlay_start_0:
0x88: {  	s2 =	sld [smem:$0x3FD9]  }
0x89: {  	s3 =	sld [smem:$0x3FFE];
	_ =	sdelay $0x1  }
0x8a: {  	s1 =	srdreg.scid  }
0x8b: {  	s0 =	sand.u32 $0x1, s1  }
0x8c: {  	s16 =	sshll.u32 s0, $0xA;
	s2 =	sadd.s32 s3, s2  }
0x8d: {  	s2 =	sadd.s32 s2, s16  }
0x8e: {  	[smem:$0x3FB6] =	sst s2  }
0x8f: {  	_ = 	snop  }
0x90: {  	(tm) =	ssettm $0x1  }
0x91: {  	s17 =	sld [smem:$0x3FFB];
	_ =	sdelay $0x3  }
0x92: {  	_ =	strace s17  }
0x93: {  	s2 =	sld [smem:$0x3FFC];
	_ =	sdelay $0x3  }
0x94: {  	_ =	strace s2  }
0x95: {  	s2 =	sld [smem:$0x3FFD];
	_ =	sdelay $0x3  }
0x96: {  	_ =	strace s2  }
0x97: {  	_ =	strace $0x8FFFFFFF  }
0x98: {  	s18 =	sld [smem:$0x3FDB];
	_ =	sdelay $0x1  }
0x99: {  	s19 =	simm.s32 $_scs_section_size  }
0x9a: {  	s4 =	simm.s32 $_size__tile_overlayer_lowered;
	s5 =	simm.s32 $_tile_overlayer_lowered  }
0x9b: {  	s22 =	simm.s32 $0x1BFF;
	s21 =	sshll.u32 s5, $0x1;
	s2 =	sadd.s32 s19, s18  }
0x9c: {  	s6 =	simm.s32 $0x0;
	s20 =	sshll.u32 s4, $0x1;
	s4 =	sadd.s32 s21, s2  }
0x9d: {  	[timem:s6], [sflag:s22] =	dma.local [hbm:s4], s20  }
0x9e: {  	_ =	swait.ge [sflag:s22], s20  }
0x9f: {  	s3 =	ssub.s32 $0x0, s20;
	[sflag:s22] =	ssyncset.done $0x0  }
0xa0: {  	[sflag:s22] =	ssyncadd.s32 s3;
	_ =	sdelay $0x1  }
0xa1: {  	s23 =	simm.s32 $0x1B8B  }
0xa2: {  	_ =	swait.ge [sflag:s23], $0x1  }
0xa3: {  	[sflag:s23] =	ssyncset.done $0x0  }
0xa4: {  	s25 =	simm.s32 $0x1B8E;
	s24 =	sld [smem:$0x3FFE];
	[sflag:s23] =	ssyncadd.s32 $0xFFFFFFFF  }
0xa5: {  	s26 =	simm.s32 $execute0_lowered;
	[smem:$0x3FD2] =	sst s25  }
0xa6: {  	s4 =	sshll.u32 s26, $0x1;
	_ =	strace $0x80000049;
	[dreg:$0x1] =	wrdreg $0xFFFFFFFF  }
0xa7: {  	s28 =	simm.s32 $_size_execute0_lowered;
	s2 =	sadd.s32 s2, s4;
	[dreg:$0x0] =	wrdreg $0x0  }
0xa8: {  	s4 =	sshll.u32 s28, $0x1;
	[dreg:$0x2] =	wrdreg s2  }
0xa9: {  	[dreg:$0x3] =	wrdreg s4  }
0xaa: {  	[dreg:$0x4] =	wrdreg $0xC0  }
0xab: {  	_ =	task [dreg:s6], $0x5FFFF  }
0xac: {  	[dreg:$0x1] =	wrdreg $0xFFFFFFFF  }
0xad: {  	[dreg:$0x0] =	wrdreg $0x60  }
0xae: {  	[dreg:$0x2] =	wrdreg s24  }
0xaf: {  	[dreg:$0x3] =	wrdreg $0x91000  }
0xb0: {  	[dreg:$0x4] =	wrdreg $0x9  }
0xb1: {  	_ =	task.clear_ibuf [dreg:s6], $0x5FFFF;
	_ =	strace $0x90000049  }
0xb2: {  	s29 =	simm.s32 $0x9;
	_ =	strace $0x8000004B  }
0xb3: {  	_ =	swait.ge [sflag:s29], $0x1  }
0xb4: {  	[sflag:s29] =	ssyncadd.s32 $0xFFFFFFFF  }
0xb5: {  	_ =	strace $0x9000004B  }
0xb6: {  	_ =	sfence  }
0xb7: {  	s30 =	sld [smem:$0x0];
	_ =	sdelay $0x2  }
0xb8: {  	s31 =	sshll.u32 s1, $0xD;
	s1 =	sshrl.u32 s1, $0x2  }
0xb9: {  	s3 =	sand.u32 $0x4000, s31;
	s1 =	sadd.s32 s1, s30  }
0xba: {  	s0 =	sor.u32 s3, s0;
	s1 =	sshll.u32 s1, $0x11  }
0xbb: {  	s0 =	sor.u32 s1, s0  }
0xbc: {  	s0 =	sadd.s32 $0x8F2B, s0  }
0xbd: {  	[sflag:s0] =	ssyncadd.remote.s32 $0x1  }
0xbe: {  	_ =	sfence.sel $0xFFFF  }
0xbf: {  	[dreg:$0x0] =	wrdreg $0xFFFFFFFF;
	(pc) =	sbr.abs _section_cstart, $3  }
0xc0: {  	[dreg:$0x1] =	wrdreg $0xFFFFFFFF  }
0xc1: {  	_ =	task.clear_ibuf [dreg:s6], $0x2FFFF;
	_ =	strace $0x9FFFFFFF  }
0xc2: {  	(tm) =	ssettm $0x7FFFFFFF  }
0xc3: {  	_ =	shalt  }
tec
execute0_lowered:
.L_overlay_start_1:
0x0: {  	(tag) =	ssettag $0x1  }
0x1: {  	s8 =	rddreg [dreg:$0x0]  }
0x2: {  	s1 =	rddreg [dreg:$0x1]  }
0x3: {  	s0 =	rddreg [dreg:$0x2]  }
0x4: {  	s3 =	simm.s32 $0x0;
	s2 =	srdreg.scid;
	s16 =	simm.s32 $0x60  }
0x5: {  	s17 =	simm.s32 $0x100;
	s18 =	simm.s32 $0x1;
	s9 =	sand.u32 $0x1, s2  }
0x6: {  	s19 =	simm.s32 $0x3100;
	s2 =	stileid.u32;
	s10 =	smul.u32 $0x28000, s9  }
0x7: {  	[smem:$0x7FF] =	sst s3;
	s4 =	sadd.s32 $0x6400, s8;
	s11 =	smul.u32 $0x2780, s2  }
0x8: {  	s5 =	sadd.s32 $0x10600, s8;
	s6 =	sadd.s32 $0x42800, s8;
	s12 =	smul.u32 $0x4F000, s2  }
0x9: {  	s7 =	sadd.s32 $0x1A800, s8;
	_ =	strace $0x8000004A;
	s13 =	smul.u32 $0x2880, s9  }
0xa: {  	s29 =	ssub.s32 $0x2, s9;
	s14 =	sshll.u32 s2, $0x1;
	s15 =	smul.u32 $0x5100, s2  }
0xb: {  	s30 =	sshrl.u32 s29, $0x1;
	s9 =	sor.u32 s9, s14;
	s14 =	simm.s32 $0x2  }
0xc: {  	s10 =	sadd.s32 s11, s10;
	s12 =	sshrl.u32 s12, $0x2;
	s11 =	ssub.s32 s29, s30  }
0xd: {  	s9 =	smul.u32 $0x2880, s9;
	s31 =	sadd.s32 s15, s13;
	s13 =	simm.s32 $0x6100  }
0xe: {  	s15 =	simm.s32 $0x80;
	s10 =	sadd.s32 s10, s8;
	s8 =	sadd.s32 s12, s1  }
0xf: {  	v0 =	vimm.f32 $0.0e+00;
	v1 =	vimm.s32 $0x0;
	s11 =	smax.u32 s11, $0x1;
	s12 =	ssub.s32 $0x50910, s31;
	s10 =	sadd.s32 $0x6A800, s10  }
.LBB2_1:
0x10: {  	s20 =	simm.s32 $0x0;
	s21 =	simm.s32 $0x200  }
.LBB2_2:
0x11: {  	p0 =	sne.s32 s21, $0xBE00;
	[tilespmem:s20+$0x6170] =	vst v0  }
0x12: {  	[tilespmem:s20+$0x6100] =	vst v0  }
0x13: {  	[tilespmem:s20+$0x6110] =	vst v0  }
.Ltmp0:
0x14: {  	[tilespmem:s20+$0x6120] =	vst v0;
	(pc) =	sbr.rel @p0 .LBB2_2-.Ltmp0, $4  }
0x15: {  	[tilespmem:s20+$0x6130] =	vst v0  }
0x16: {  	[tilespmem:s20+$0x6140] =	vst v0  }
0x17: {  	[tilespmem:s20+$0x6150] =	vst v0  }
0x18: {  	[tilespmem:s20+$0x6160] =	vst v0;
	s20 =	sshra.s32 s21, $0x2;
	s21 =	sadd.s32 $0x200, s21  }
0x19: {  	[tilespmem:s20+$0x6170] =	vst v0  }
0x1a: {  	[tilespmem:s20+$0x6100] =	vst v0  }
0x1b: {  	[tilespmem:s20+$0x6110] =	vst v0  }
0x1c: {  	[tilespmem:s20+$0x6120] =	vst v0  }
0x1d: {  	[tilespmem:s20+$0x6130] =	vst v0  }
0x1e: {  	[tilespmem:s20+$0x6140] =	vst v0  }
0x1f: {  	[tilespmem:s20+$0x6150] =	vst v0  }
0x20: {  	[tilespmem:s20+$0x6160] =	vst v0;
	s31 =	sadd.s32 $0x0, s8  }
0x21: {  	[spmem:s31] =	stream.linear.scatter [tilespmem:s13], [sflag:$0x2], $0x400, $0x38;
	[tilespmem:$0x1CD00] =	vst v63  }
0x22: {  	s20 =	simm.s32 $0x1000;
	_ =	swait.ge [sflag:s14], $0x400  }
.LBB2_4:
0x23: {  	s21 =	sshra.s32 s20, $0x2;
	[sflag:s14] =	ssyncset.done $0x0;
	p0 =	sne.s32 s20, $0x4E000  }
.Ltmp1:
0x24: {  	s21 =	sadd.s32 s21, s8;
	[sflag:s14] =	ssyncadd.s32 $0xFFFFFC00;
	(pc) =	sbr.rel @p0 .LBB2_4-.Ltmp1, $3  }
0x25: {  	[spmem:s21] =	stream.linear.scatter [tilespmem:s13], [sflag:$0x2], $0x400, $0x38;
	[tilespmem:$0x1CD00] =	vst v63  }
0x26: {  	s20 =	sadd.s32 $0x1000, s20;
	_ =	sdelay $0x1  }
0x27: {  	_ =	swait.ge [sflag:s14], $0x400  }
0x28: {  	[sflag:s14] =	ssyncset.done $0x0  }
0x29: {  	s20 =	simm.s32 $0x0;
	[sflag:s14] =	ssyncadd.s32 $0xFFFFFC00  }
0x2a: {  	s21 =	smov.u32 s12;
	s22 =	simm.s32 $0x0;
	[bflag:$0x0] =	sbarrier.arrive $0xFFFF  }
.LBB2_6:
0x2b: {  	s23 =	smul.u32 $0x60, s22;
	_ =	sdelay $0x1  }
0x2c: {  	s23 =	sadd.s32 s9, s23  }
0x2d: {  	s23 =	sshrl.u32 s23, $0x3  }
0x2e: {  	s24 =	sadd.s32 s4, s23  }
0x2f: {  	[tilespmem:s20], [sflag:$0x2] =	stream.linear.gather [hbm4b:s24+s20], $0x60, $0x38;
	[tilespmem:$0x1CD00] =	vst v63  }
0x30: {  	_ =	swait.ge [sflag:s14], $0x60  }
0x31: {  	[sflag:s14] =	ssyncset.done $0x0  }
0x32: {  	s23 =	sadd.s32 s5, s23;
	[sflag:s14] =	ssyncadd.s32 $0xFFFFFFA0  }
0x33: {  	[tilespmem:s15], [sflag:$0x2] =	stream.linear.gather [hbm4b:s23+s20], $0x60, $0x38;
	[tilespmem:$0x1CD00] =	vst v63  }
0x34: {  	_ =	swait.ge [sflag:s14], $0x60  }
0x35: {  	[sflag:s14] =	ssyncset.done $0x0  }
0x36: {  	[sflag:s14] =	ssyncadd.s32 $0xFFFFFFA0  }
0x37: {  	[tilespmem:s17], [sflag:$0x1] =	stream.indirect.gather [hbm4b:s6+s16], $0x80, s20, s16, $0xb8;
	[tilespmem:$0x1CD00] =	vst v63  }
0x38: {  	_ =	swait.ge [sflag:s18], $0x3000  }
0x39: {  	[sflag:s18] =	ssyncset.done $0x0  }
0x3a: {  	[sflag:s18] =	ssyncadd.s32 $0xFFFFD000  }
0x3b: {  	[tilespmem:s19], [sflag:$0x1] =	stream.indirect.gather [hbm4b:s7+s16], $0x80, s15, s16, $0xb8;
	[tilespmem:$0x1CD00] =	vst v63  }
0x3c: {  	_ =	swait.ge [sflag:s18], $0x3000  }
0x3d: {  	[sflag:s18] =	ssyncset.done $0x0  }
0x3e: {  	s23 =	simm.s32 $0x0;
	[sflag:s18] =	ssyncadd.s32 $0xFFFFD000  }
0x3f: {  	v2 =	vld [tilespmem:s23+$0x100]  }
0x40: {  	v3 =	vld [tilespmem:s23+$0x3100];
	_ =	sdelay $0x4  }
0x41: {  	s24 =	simm.s32 $0x80;
	v2 =	vadd.f32 v3, v2  }
0x42: {  	v4 =	vld [tilespmem:s24+$0x100]  }
0x43: {  	v5 =	vld [tilespmem:s24+$0x3100];
	v3 =	vmul.f32 $2.000000030e-01, v2;
	_ =	sdelay $0x1  }
0x44: {  	v2 =	vmax.f32 v2, v3  }
0x45: {  	v2 =	vmul.f32 $1.442695020e+00, v2  }
0x46: {  	s25 =	simm.s32 $0x100  }
0x47: {  	v6 =	vld [tilespmem:s25+$0x3100];
	(erf) = vpow2.f32 v2;
	v2 =	vadd.f32 v5, v4  }
0x48: {  	v3 =	vld [tilespmem:s25+$0x100]  }
0x49: {  	v4 =	vmul.f32 $2.000000030e-01, v2;
	_ =	sdelay $0x1  }
0x4a: {  	v2 =	vmax.f32 v2, v4  }
0x4b: {  	s26 =	simm.s32 $0x180;
	v4 =	vmul.f32 $1.442695020e+00, v2  }
0x4c: {  	v5 =	vadd.f32 v6, v3;
	v3 =	vmov s21;
	v2 =	vld [tilespmem:s26+$0x100]  }
0x4d: {  	vm0 =	vgt.s32 v3, $0x0;
	(erf) = vpow2.f32 v4;
	v4 =	vld [tilespmem:s26+$0x3100]  }
0x4e: {  	v6 =	vmul.f32 $2.000000030e-01, v5;
	v3 =	vsel vm0, $0x3F800000, v1  }
0x4f: {  	v3 =	vbroadcast v3, $0x0  }
0x50: {  	s29 =	simm.s32 $0x800;
	s28 =	smov.u32 s21;
	v6 =	vmax.f32 v5, v6;
	v5 =	vpop (erf)  }
.LBB2_7:
0x51: {  	s30 =	sshra.s32 s29, $0x2;
	v6 =	vmul.f32 $1.442695020e+00, v6;
	v3 =	vmul.f32 v5, v3;
	s28 =	sadd.s32 $0xFFFFFFFF, s28;
	p0 =	sne.s32 s29, $0xBE00  }
.Ltmp2:
0x52: {  	s29 =	sadd.s32 $0x200, s29;
	v5 =	vadd.f32 v4, v2;
	v2 =	vld [tilespmem:s30+$0x100];
	v7 =	vmov s28;
	(pc) =	sbr.rel @p0 .LBB2_7-.Ltmp2, $4  }
0x53: {  	v4 =	vld [tilespmem:s30+$0x3100];
	(erf) = vpow2.f32 v6;
	vm0 =	vgt.s32 v7, $0x0;
	[tilespmem:s23+$0x6100] =	vst v3;
	s23 =	smov.u32 s24;
	s24 =	smov.u32 s25;
	s25 =	smov.u32 s26  }
0x54: {  	s26 =	smov.u32 s30;
	v6 =	vmul.f32 $2.000000030e-01, v5;
	v3 =	vsel vm0, $0x3F800000, v1  }
0x55: {  	v3 =	vbroadcast v3, $0x0  }
0x56: {  	v6 =	vmax.f32 v5, v6;
	v5 =	vpop (erf)  }
0x57: {  	_ = 	snop  }
0x58: {  	v2 =	vadd.f32 v4, v2;
	_ =	sdelay $0x1  }
0x59: {  	v4 =	vmul.f32 $2.000000030e-01, v2;
	_ =	sdelay $0x1  }
0x5a: {  	v6 =	vmul.f32 $1.442695020e+00, v6;
	v2 =	vmax.f32 v2, v4  }
0x5b: {  	v2 =	vmul.f32 $1.442695020e+00, v2  }
0x5c: {  	(erf) = vpow2.f32 v6  }
0x5d: {  	(erf) = vpow2.f32 v2  }
0x5e: {  	s28 =	sadd.s32 $0xFFFFFFFF, s28  }
0x5f: {  	v2 =	vmov s28;
	s28 =	sadd.s32 $0xFFFFFFFF, s28  }
0x60: {  	vm0 =	vgt.s32 v2, $0x0;
	v2 =	vmov s28;
	s28 =	sadd.s32 $0xFFFFFFFF, s28  }
0x61: {  	vm14 =	vgt.s32 v2, $0x0;
	v2 =	vmov s28  }
0x62: {  	v58 =	vsel vm0, $0x3F800000, v1  }
0x63: {  	v4 =	vbroadcast v58, $0x0;
	v59 =	vsel vm14, $0x3F800000, v1;
	vm15 =	vgt.s32 v2, $0x0  }
0x64: {  	v3 =	vmul.f32 v5, v3;
	v60 =	vbroadcast v59, $0x0;
	v61 =	vsel vm15, $0x3F800000, v1;
	v2 =	vpop (erf)  }
0x65: {  	v6 =	vbroadcast v61, $0x0;
	v2 =	vmul.f32 v2, v4;
	v62 =	vpop (erf)  }
0x66: {  	[tilespmem:s23+$0x6100] =	vst v3;
	v3 =	vmul.f32 v62, v60;
	v63 =	vpop (erf)  }
0x67: {  	s22 =	sadd.s32 $0x1, s22;
	[tilespmem:s24+$0x6100] =	vst v2;
	v2 =	vmul.f32 v63, v6  }
0x68: {  	p0 =	sne.s32 s22, $0x6C;
	[tilespmem:s25+$0x6100] =	vst v3  }
.Ltmp3:
0x69: {  	[tilespmem:s26+$0x6100] =	vst v2;
	(pc) =	sbr.rel @p0 .LBB2_6-.Ltmp3, $4  }
0x6a: {  	[spmem:s1] =	stream.indirect.scatter.add.f32 [tilespmem:s13], [sflag:$0x2], $0x80, s15, s16, $0xb8;
	[tilespmem:$0x1CD00] =	vst v63  }
0x6b: {  	_ =	swait.ge [sflag:s14], $0x3000  }
0x6c: {  	[sflag:s14] =	ssyncset.done $0x0  }
0x6d: {  	s21 =	sadd.s32 $0xFFFFFFA0, s21;
	[sflag:s14] =	ssyncadd.s32 $0xFFFFD000  }
0x6e: {  	s3 =	sadd.s32 $0x1, s3  }
0x6f: {  	s20 =	sshll.u32 s2, $0x6;
	[bflag:$0x0] =	sbarrier.arrive $0xFFFF;
	p0 =	sne.s32 s3, s11  }
.Ltmp4:
0x70: {  	s21 =	sshrl.u32 s8, $0x3;
	s20 =	sor.u32 $0x1C02, s20;
	(pc) =	sbr.rel @p0 .LBB2_1-.Ltmp4, $4  }
0x71: {  	[hbm:s10], [sflag:s20] =	dma.local [spmem:s21], $0x2780  }
0x72: {  	_ =	swait.ge [sflag:s14], $0x2780  }
0x73: {  	[sflag:s14] =	ssyncset.done $0x0  }
0x74: {  	[sflag:s14] =	ssyncadd.s32 $0xFFFFD880  }
0x75: {  	_ =	sfence.sel $0x180000  }
0x76: {  	[bflag:$0x0] =	sbarrier.arrive $0xFFFF  }
0x77: {  	p0 =	sne.s32 s2, $0x0;
	_ =	strace $0x9000004A  }
0x78: {  	s0 =	sadd.s32 @!p0 $0x100000, s0;
	[bflag:$0x2] =	sbarrier.arrive $0xFFFF  }
0x79: {  	[sflag:s0] =	ssyncadd.tile.s32 @!p0 $0x1;
	_ =	shalt  }
.Lfunc_end2:
_tile_overlayer_lowered:
.L_overlay_start_2:
0x7a: {  	(tag) =	ssettag $0x2  }
0x7b: {  	s0 =	rddreg [dreg:$0x0];
	s2 =	stileid.u32  }
0x7c: {  	s1 =	rddreg [dreg:$0x1];
	p0 =	sne.s32 s2, $0x0  }
0x7d: {  	s3 =	rddreg [dreg:$0x2];
	[bflag:$0x3] =	sbarrier.arrive $0xFFFF;
	s2 =	simm.s32 @!p0 $0x1C02  }
0x7e: {  	[timem:s3], [sflag:s2] =	dma.local @!p0 [hbm:s0], s1  }
0x7f: {  	s0 =	simm.s32 @!p0 $0x2  }
0x80: {  	_ =	swait.ge @!p0 [sflag:s0], s1  }
0x81: {  	s1 =	ssub.s32 @!p0 $0x0, s1;
	[sflag:s0] =	ssyncset.done @!p0 $0x0  }
0x82: {  	[sflag:s0] =	ssyncadd.s32 @!p0 s1  }
0x83: {  	[bflag:$0x3] =	sbarrier.arrive $0xFFFF  }
0x84: {  	_ =	shalt  }

// kernel: kernel.20.cloned.1.call-start
scs
__scs_entry_jumppad:
0x0: {  	(pc) =	sbr.rel $0x88, $3  }
0x1: {  	(tag) =	ssettag $0x0;
	lr =	simm.s32 $0x1  }
0x2: {  	[smem:$0x3F8F] =	sst lr;
	_ =	strace $0xD0000000  }
0x3: {  	_ = 	snop  }
0x4: {  	_ = 	snop  }
0x5: {  	_ = 	snop  }
0x6: {  	_ = 	snop  }
0x7: {  	_ = 	snop  }
__scs_overlays_trampoline_lowered:
0x8: {  	[smem:$0x3F9E] =	sst s0  }
0x9: {  	[smem:$0x3F9F] =	sst s1  }
0xa: {  	[smem:$0x3FA0] =	sst s2  }
0xb: {  	[smem:$0x3FA1] =	sst s3  }
0xc: {  	[smem:$0x3FA2] =	sst s4  }
0xd: {  	[smem:$0x3FA3] =	sst s5  }
0xe: {  	[smem:$0x3FA4] =	sst s6  }
0xf: {  	[smem:$0x3FA5] =	sst s7  }
0x10: {  	[smem:$0x3FA6] =	sst s8  }
0x11: {  	[smem:$0x3FA7] =	sst s9;
	s0 =	simm.s32 @!p0 $0x0  }
0x12: {  	s1 =	sld [smem:$0x3F8D];
	s0 =	simm.s32 @p0 $0x1  }
0x13: {  	[smem:$0x3FA8] =	sst s0;
	s0 =	simm.s32 @!p1 $0x0  }
0x14: {  	s2 =	sld [smem:$0x3F8C];
	s0 =	simm.s32 @p1 $0x1  }
0x15: {  	[smem:$0x3FA9] =	sst s0;
	s0 =	simm.s32 @!p2 $0x0  }
0x16: {  	s3 =	sld [smem:$0x3FDB];
	s0 =	simm.s32 @p2 $0x1  }
0x17: {  	s4 =	simm.s32 $0x1BF5;
	[smem:$0x3FAB] =	sst s0  }
0x18: {  	s0 =	sld [smem:$0x3F8E];
	_ =	swait.ge [sflag:s4], $0x0  }
0x19: {  	s7 =	sld [smem:$0x3F8F]  }
0x1a: {  	s8 =	sadd.s32 $0xFFFFE003, lr  }
0x1b: {  	s9 =	sadd.s32 $0xFFFFFEF7, lr;
	s5 =	simm.s32 $0xFFFFFFFF;
	p2 =	slt.u32 s8, $0xFFFFF086  }
0x1c: {  	p1 =	slt.u32 s9, $0xF7A;
	s5 =	simm.s32 @!p2 $0x0  }
0x1d: {  	s5 =	simm.s32 @p1 $0x1;
	p0 =	seq.s32 s7, s2  }
0x1e: {  	s7 =	smul.u32 @!p0 $0xF7A, s2;
	p2 =	seq.s32 @!p0 s5, $0x0  }
0x1f: {  	s9 =	smul.u32 $0xF7A, s1;
	s8 =	simm.s32 @!p0 $0x1BF5;
	p2 =	por !p2, p0  }
0x20: {  	[sflag:s8] =	ssyncset.s32 @!p0 $0xFFFFF086;
	s6 =	sadd.s32 @!p0 s3, s7;
	s7 =	simm.s32 @!p0 $0x108  }
0x21: {  	s3 =	sadd.s32 s3, s9;
	s6 =	sadd.s32 @!p0 $0x88, s6;
	s7 =	simm.s32 @p2 $0x1082  }
0x22: {  	[simem:s7], [sflag:s8] =	dma.local @!p0 [hbm:s6], $0xF7A  }
0x23: {  	s9 =	sor.u32 $0xD0000000, s2;
	s6 =	simm.s32 $0x108;
	_ =	swait.ge @!p0 [sflag:s8], $0x0  }
0x24: {  	s3 =	sadd.s32 $0x88, s3;
	s6 =	simm.s32 @!p1 $0x1082;
	[sflag:s4] =	ssyncset.s32 $0xFFFFF086  }
0x25: {  	[simem:s6], [sflag:s4] =	dma.local [hbm:s3], $0xF7A  }
0x26: {  	[smem:$0x3F8F] =	sst s1;
	(tag) =	ssettag s2;
	_ =	strace s9  }
0x27: {  	s1 =	sld [smem:$0x3F9F]  }
0x28: {  	s2 =	sld [smem:$0x3FA0]  }
0x29: {  	s4 =	sld [smem:$0x3FA2]  }
0x2a: {  	p0 =	seq.s32 s5, $0x0;
	s5 =	sld [smem:$0x3FA3]  }
0x2b: {  	s6 =	sld [smem:$0x3FA4]  }
0x2c: {  	s7 =	sld [smem:$0x3FA5]  }
0x2d: {  	s3 =	simm.s32 $0x108;
	s8 =	sld [smem:$0x3FA6]  }
0x2e: {  	s3 =	simm.s32 @!p0 $0x1082;
	s9 =	sld [smem:$0x3FA7]  }
0x2f: {  	lr =	sadd.s32 s0, s3;
	s0 =	sld [smem:$0x3F9E]  }
0x30: {  	s3 =	sld [smem:$0x3FA1]  }
0x31: {  	[smem:$0x3FAA] =	sst s10  }
0x32: {  	s10 =	sld [smem:$0x3FA8];
	_ =	sdelay $0x3  }
0x33: {  	p0 =	seq.s32 s10, $0x1;
	s10 =	sld [smem:$0x3FAA];
	_ =	sdelay $0x3  }
0x34: {  	[smem:$0x3FAA] =	sst s10  }
0x35: {  	s10 =	sld [smem:$0x3FA9];
	_ =	sdelay $0x3  }
0x36: {  	p1 =	seq.s32 s10, $0x1;
	s10 =	sld [smem:$0x3FAA];
	_ =	sdelay $0x3  }
0x37: {  	[smem:$0x3FAA] =	sst s10  }
0x38: {  	s10 =	sld [smem:$0x3FAB]  }
0x39: {  	_ = 	snop;
	(pc) =	sbr.ind lr, $3  }
0x3a: {  	_ = 	snop  }
0x3b: {  	_ = 	snop  }
0x3c: {  	p2 =	seq.s32 s10, $0x1;
	s10 =	sld [smem:$0x3FAA]  }
0x3d: {  	_ =	shalt  }
0x3e: {  	_ =	shalt  }
0x3f: {  	_ =	shalt  }
0x40: {  	_ =	shalt  }
0x41: {  	_ =	shalt  }
0x42: {  	_ =	shalt  }
0x43: {  	_ =	shalt  }
0x44: {  	_ =	shalt  }
0x45: {  	_ =	shalt  }
0x46: {  	_ =	shalt  }
0x47: {  	_ =	shalt  }
0x48: {  	_ =	shalt  }
0x49: {  	_ =	shalt  }
0x4a: {  	_ =	shalt  }
0x4b: {  	_ =	shalt  }
0x4c: {  	_ =	shalt  }
0x4d: {  	_ =	shalt  }
0x4e: {  	_ =	shalt  }
0x4f: {  	_ =	shalt  }
0x50: {  	_ =	shalt  }
0x51: {  	_ =	shalt  }
0x52: {  	_ =	shalt  }
0x53: {  	_ =	shalt  }
0x54: {  	_ =	shalt  }
0x55: {  	_ =	shalt  }
0x56: {  	_ =	shalt  }
0x57: {  	_ =	shalt  }
0x58: {  	_ =	shalt  }
0x59: {  	_ =	shalt  }
0x5a: {  	_ =	shalt  }
0x5b: {  	_ =	shalt  }
0x5c: {  	_ =	shalt  }
0x5d: {  	_ =	shalt  }
0x5e: {  	_ =	shalt  }
0x5f: {  	_ =	shalt  }
0x60: {  	_ =	shalt  }
0x61: {  	_ =	shalt  }
0x62: {  	_ =	shalt  }
0x63: {  	_ =	shalt  }
0x64: {  	_ =	shalt  }
0x65: {  	_ =	shalt  }
0x66: {  	_ =	shalt  }
0x67: {  	_ =	shalt  }
0x68: {  	_ =	shalt  }
0x69: {  	_ =	shalt  }
0x6a: {  	_ =	shalt  }
0x6b: {  	_ =	shalt  }
0x6c: {  	_ =	shalt  }
0x6d: {  	_ =	shalt  }
0x6e: {  	_ =	shalt  }
0x6f: {  	_ =	shalt  }
0x70: {  	_ =	shalt  }
0x71: {  	_ =	shalt  }
0x72: {  	_ =	shalt  }
0x73: {  	_ =	shalt  }
0x74: {  	_ =	shalt  }
0x75: {  	_ =	shalt  }
0x76: {  	_ =	shalt  }
0x77: {  	_ =	shalt  }
0x78: {  	_ =	shalt  }
0x79: {  	_ =	shalt  }
0x7a: {  	_ =	shalt  }
0x7b: {  	_ =	shalt  }
0x7c: {  	_ =	shalt  }
0x7d: {  	_ =	shalt  }
0x7e: {  	_ =	shalt  }
0x7f: {  	_ =	shalt  }
0x80: {  	_ =	shalt  }
0x81: {  	_ =	shalt  }
0x82: {  	_ =	shalt  }
0x83: {  	_ =	shalt  }
0x84: {  	_ =	shalt  }
0x85: {  	_ =	shalt  }
0x86: {  	_ =	shalt  }
0x87: {  	_ =	shalt  }
.Lfunc_end0:
.L_simem_size_0:
called_computation.3_lowered:
.L_overlay_start_0:
0x88: {  	s2 =	sld [smem:$0x3FD9]  }
0x89: {  	s3 =	sld [smem:$0x3FFE];
	_ =	sdelay $0x1  }
0x8a: {  	s1 =	srdreg.scid  }
0x8b: {  	s0 =	sand.u32 $0x1, s1  }
0x8c: {  	s17 =	sshll.u32 s0, $0xA;
	s2 =	sadd.s32 s3, s2  }
0x8d: {  	s2 =	sadd.s32 s2, s17  }
0x8e: {  	[smem:$0x3FB6] =	sst s2  }
0x8f: {  	_ = 	snop  }
0x90: {  	s2 =	sld [smem:$0x3FD0];
	(tm) =	ssettm $0x1  }
0x91: {  	s18 =	sld [smem:$0x3FFB];
	_ =	sdelay $0x3  }
0x92: {  	_ =	strace s18  }
0x93: {  	s3 =	sld [smem:$0x3FFC];
	_ =	sdelay $0x3  }
0x94: {  	_ =	strace s3  }
0x95: {  	s3 =	sld [smem:$0x3FFD];
	_ =	sdelay $0x3  }
0x96: {  	_ =	strace s3  }
0x97: {  	_ =	strace $0x8FFFFFFF  }
0x98: {  	s19 =	sld [smem:$0x3FDB];
	_ =	sdelay $0x1  }
0x99: {  	s4 =	simm.s32 $_scs_section_size  }
0x9a: {  	s5 =	simm.s32 $_size__tile_overlayer_lowered;
	s6 =	simm.s32 $_tile_overlayer_lowered  }
0x9b: {  	s22 =	simm.s32 $0x1BFF;
	s21 =	sshll.u32 s6, $0x1;
	s3 =	sadd.s32 s4, s19  }
0x9c: {  	s7 =	simm.s32 $0x0;
	s20 =	sshll.u32 s5, $0x1;
	s5 =	sadd.s32 s21, s3  }
0x9d: {  	[timem:s7], [sflag:s22] =	dma.local [hbm:s5], s20  }
0x9e: {  	_ =	swait.ge [sflag:s22], s20  }
0x9f: {  	s4 =	ssub.s32 $0x0, s20;
	[sflag:s22] =	ssyncset.done $0x0  }
0xa0: {  	[sflag:s22] =	ssyncadd.s32 s4;
	_ =	sdelay $0x1  }
0xa1: {  	s23 =	simm.s32 $0x1B8B  }
0xa2: {  	_ =	swait.ge [sflag:s23], $0x1  }
0xa3: {  	[sflag:s23] =	ssyncset.done $0x0  }
0xa4: {  	s25 =	simm.s32 $0x1B8E;
	s24 =	sld [smem:$0x3FFE];
	[sflag:s23] =	ssyncadd.s32 $0xFFFFFFFF  }
0xa5: {  	s26 =	simm.s32 $execute0_lowered;
	[smem:$0x3FD2] =	sst s25  }
0xa6: {  	s5 =	sshll.u32 s26, $0x1;
	_ =	strace $0x8000004C;
	[dreg:$0x1] =	wrdreg $0xFFFFFFFF  }
0xa7: {  	s28 =	simm.s32 $_size_execute0_lowered;
	s3 =	sadd.s32 s3, s5;
	[dreg:$0x0] =	wrdreg $0x0  }
0xa8: {  	s5 =	sshll.u32 s28, $0x1;
	[dreg:$0x2] =	wrdreg s3  }
0xa9: {  	[dreg:$0x3] =	wrdreg s5  }
0xaa: {  	[dreg:$0x4] =	wrdreg $0xC0  }
0xab: {  	_ =	task [dreg:s7], $0x5FFFF  }
0xac: {  	[dreg:$0x1] =	wrdreg $0xFFFFFFFF  }
0xad: {  	[dreg:$0x0] =	wrdreg $0x60  }
0xae: {  	[dreg:$0x2] =	wrdreg s24  }
0xaf: {  	[dreg:$0x3] =	wrdreg s2  }
0xb0: {  	[dreg:$0x4] =	wrdreg $0xB5800  }
0xb1: {  	[dreg:$0x5] =	wrdreg $0x9  }
0xb2: {  	_ =	task.clear_ibuf [dreg:s7], $0x6FFFF;
	_ =	strace $0x9000004C  }
0xb3: {  	s29 =	simm.s32 $0x9;
	_ =	strace $0x8000004E  }
0xb4: {  	_ =	swait.ge [sflag:s29], $0x1  }
0xb5: {  	[sflag:s29] =	ssyncadd.s32 $0xFFFFFFFF  }
0xb6: {  	_ =	strace $0x9000004E  }
0xb7: {  	_ =	sfence  }
0xb8: {  	s30 =	sld [smem:$0x0];
	_ =	sdelay $0x2  }
0xb9: {  	s31 =	sshll.u32 s1, $0xD;
	s1 =	sshrl.u32 s1, $0x2  }
0xba: {  	s3 =	sand.u32 $0x4000, s31;
	s1 =	sadd.s32 s1, s30  }
0xbb: {  	s0 =	sor.u32 s3, s0;
	s1 =	sshll.u32 s1, $0x11  }
0xbc: {  	s0 =	sor.u32 s1, s0  }
0xbd: {  	s0 =	sadd.s32 $0x8F2B, s0  }
0xbe: {  	[sflag:s0] =	ssyncadd.remote.s32 $0x1  }
0xbf: {  	_ =	sfence.sel $0xFFFF  }
0xc0: {  	[dreg:$0x0] =	wrdreg $0xFFFFFFFF;
	(pc) =	sbr.abs _section_cstart, $3  }
0xc1: {  	[dreg:$0x1] =	wrdreg $0xFFFFFFFF  }
0xc2: {  	_ =	task.clear_ibuf [dreg:s7], $0x2FFFF;
	_ =	strace $0x9FFFFFFF  }
0xc3: {  	(tm) =	ssettm $0x7FFFFFFF  }
tec
execute0_lowered:
.L_overlay_start_1:
0x0: {  	(tag) =	ssettag $0x1  }
0x1: {  	s0 =	rddreg [dreg:$0x0]  }
0x2: {  	s1 =	rddreg [dreg:$0x1]  }
0x3: {  	s10 =	rddreg [dreg:$0x2];
	s14 =	simm.s32 $0x0;
	s2 =	srdreg.scid  }
0x4: {  	s11 =	stileid.u32;
	s17 =	simm.s32 $0xB100;
	s18 =	simm.s32 $0x2  }
0x5: {  	s19 =	simm.s32 $0x80;
	s20 =	simm.s32 $0x8500;
	s21 =	simm.s32 $0x8D00  }
0x6: {  	s22 =	simm.s32 $0x1;
	s23 =	simm.s32 $0x20;
	s28 =	simm.s32 $0x0  }
0x7: {  	[smem:$0x7FF] =	sst s14;
	s2 =	sand.u32 $0x1, s2;
	s4 =	smul.u32 $0x2780, s11  }
0x8: {  	s5 =	sadd.s32 $0x6400, s0;
	s6 =	sadd.s32 $0x10600, s0;
	s9 =	smul.u32 $0x4F000, s11  }
0x9: {  	s7 =	sadd.s32 $0x1A800, s0;
	s8 =	sshll.u32 s11, $0x1;
	s29 =	smul.u32 $0x5100, s11  }
0xa: {  	s11 =	sadd.s32 $0x200, s1;
	s12 =	sadd.s32 $0x300, s1;
	s3 =	smul.u32 $0x28000, s2  }
0xb: {  	s24 =	sor.u32 s2, s8;
	s25 =	ssub.s32 $0x2, s2;
	s2 =	smul.u32 $0x2880, s2  }
0xc: {  	s13 =	sadd.s32 $0x400, s1;
	_ =	strace $0x8000004D;
	s8 =	smul.u32 $0x2880, s24  }
0xd: {  	v3 =	vlaneseq.u32;
	v0 =	vimm.f32 $0.0e+00;
	s26 =	sshrl.u32 s25, $0x1;
	s9 =	sshrl.u32 s9, $0x2;
	s3 =	sadd.s32 s4, s3  }
0xe: {  	vm0 =	vmmov $0xffff;
	vm1 =	vmmov $0xff;
	v4 =	vimm.s32 $0x0;
	s24 =	simm.s32 $0x9100;
	s9 =	sadd.s32 s9, s10;
	s0 =	sadd.s32 s3, s0  }
0xf: {  	v5 =	vimm.s32 $0x8;
	v6 =	vimm.s32 $0x9;
	v7 =	vimm.s32 $0xA;
	s10 =	sadd.s32 $0x100, s1;
	s3 =	ssub.s32 s25, s26;
	s0 =	sadd.s32 $0x42800, s0  }
0x10: {  	v8 =	vimm.s32 $0xB;
	v9 =	vimm.s32 $0xC;
	v10 =	vimm.s32 $0xD;
	s30 =	sadd.s32 s29, s2;
	s31 =	smax.u32 s3, $0x1;
	[dreg:$0x5] =	wrdreg s0  }
0x11: {  	v11 =	vimm.s32 $0xE;
	v12 =	vimm.s32 $0xF;
	v2 =	vshrl.u32 v3, $0x3;
	s2 =	simm.s32 $0x7D00;
	[dreg:$0x6] =	wrdreg s31;
	s0 =	ssub.s32 $0x50910, s30  }
0x12: {  	v1 =	vand.u32 $0x7, v3;
	v3 =	vor.u32 $0x8, v3;
	v2 =	vmul.u32 $0x8, v2;
	s25 =	simm.s32 $0xB500;
	s26 =	simm.s32 $0xA100;
	[dreg:$0x7] =	wrdreg s0  }
.LBB2_1:
0x13: {  	[tilespmem:$0xB100] =	vst v0  }
0x14: {  	[tilespmem:$0xB110] =	vst v0  }
0x15: {  	[tilespmem:$0xB120] =	vst v0  }
0x16: {  	[tilespmem:$0xB130] =	vst v0  }
0x17: {  	[tilespmem:$0xB140] =	vst v0  }
0x18: {  	[tilespmem:$0xB150] =	vst v0  }
0x19: {  	[tilespmem:$0xB160] =	vst v0  }
0x1a: {  	[tilespmem:$0xB170] =	vst v0  }
0x1b: {  	[tilespmem:$0xB180] =	vst v0  }
0x1c: {  	[tilespmem:$0xB190] =	vst v0  }
0x1d: {  	[tilespmem:$0xB1A0] =	vst v0  }
0x1e: {  	[tilespmem:$0xB1B0] =	vst v0  }
0x1f: {  	[tilespmem:$0xB1C0] =	vst v0  }
0x20: {  	[tilespmem:$0xB1D0] =	vst v0  }
0x21: {  	[tilespmem:$0xB1E0] =	vst v0  }
0x22: {  	[tilespmem:$0xB1F0] =	vst v0  }
0x23: {  	[tilespmem:$0xB200] =	vst v0  }
0x24: {  	[tilespmem:$0xB210] =	vst v0  }
0x25: {  	[tilespmem:$0xB220] =	vst v0  }
0x26: {  	[tilespmem:$0xB230] =	vst v0  }
0x27: {  	[tilespmem:$0xB240] =	vst v0  }
0x28: {  	[tilespmem:$0xB250] =	vst v0  }
0x29: {  	[tilespmem:$0xB260] =	vst v0  }
0x2a: {  	[tilespmem:$0xB270] =	vst v0  }
0x2b: {  	[tilespmem:$0xB280] =	vst v0  }
0x2c: {  	[tilespmem:$0xB290] =	vst v0  }
0x2d: {  	[tilespmem:$0xB2A0] =	vst v0  }
0x2e: {  	[tilespmem:$0xB2B0] =	vst v0  }
0x2f: {  	[tilespmem:$0xB2C0] =	vst v0  }
0x30: {  	[tilespmem:$0xB2D0] =	vst v0  }
0x31: {  	[tilespmem:$0xB2E0] =	vst v0  }
0x32: {  	[tilespmem:$0xB2F0] =	vst v0  }
0x33: {  	[tilespmem:$0xB300] =	vst v0  }
0x34: {  	[tilespmem:$0xB310] =	vst v0  }
0x35: {  	[tilespmem:$0xB320] =	vst v0  }
0x36: {  	[tilespmem:$0xB330] =	vst v0  }
0x37: {  	[tilespmem:$0xB340] =	vst v0  }
0x38: {  	[tilespmem:$0xB350] =	vst v0  }
0x39: {  	[tilespmem:$0xB360] =	vst v0  }
0x3a: {  	[tilespmem:$0xB370] =	vst v0  }
0x3b: {  	[tilespmem:$0xB380] =	vst v0  }
0x3c: {  	[tilespmem:$0xB390] =	vst v0  }
0x3d: {  	[tilespmem:$0xB3A0] =	vst v0  }
0x3e: {  	[tilespmem:$0xB3B0] =	vst v0  }
0x3f: {  	[tilespmem:$0xB3C0] =	vst v0  }
0x40: {  	[tilespmem:$0xB3D0] =	vst v0  }
0x41: {  	[tilespmem:$0xB3E0] =	vst v0  }
0x42: {  	[tilespmem:$0xB3F0] =	vst v0  }
0x43: {  	[tilespmem:$0xB400] =	vst v0  }
0x44: {  	[tilespmem:$0xB410] =	vst v0  }
0x45: {  	[tilespmem:$0xB420] =	vst v0  }
0x46: {  	[tilespmem:$0xB430] =	vst v0  }
0x47: {  	[tilespmem:$0xB440] =	vst v0  }
0x48: {  	[tilespmem:$0xB450] =	vst v0  }
0x49: {  	[tilespmem:$0xB460] =	vst v0  }
0x4a: {  	[tilespmem:$0xB470] =	vst v0  }
0x4b: {  	[tilespmem:$0xB480] =	vst v0  }
0x4c: {  	[tilespmem:$0xB490] =	vst v0  }
0x4d: {  	[tilespmem:$0xB4A0] =	vst v0  }
0x4e: {  	[tilespmem:$0xB4B0] =	vst v0  }
0x4f: {  	[tilespmem:$0xB4C0] =	vst v0  }
0x50: {  	[tilespmem:$0xB4D0] =	vst v0  }
0x51: {  	[tilespmem:$0xB4E0] =	vst v0  }
0x52: {  	[dreg:$0x4] =	wrdreg s14;
	[tilespmem:$0xB4F0] =	vst v0;
	s0 =	sadd.s32 $0x0, s9  }
0x53: {  	[spmem:s0] =	stream.linear.scatter [tilespmem:s17], [sflag:$0x2], $0x400, $0x38;
	[tilespmem:$0x1F180] =	vst v63  }
0x54: {  	s0 =	simm.s32 $0x1000;
	_ =	swait.ge [sflag:s18], $0x400  }
.LBB2_2:
0x55: {  	s3 =	sshra.s32 s0, $0x2;
	[sflag:s18] =	ssyncset.done $0x0;
	p0 =	sne.s32 s0, $0x4E000  }
.Ltmp0:
0x56: {  	s3 =	sadd.s32 s3, s9;
	[sflag:s18] =	ssyncadd.s32 $0xFFFFFC00;
	(pc) =	sbr.rel @p0 .LBB2_2-.Ltmp0, $3  }
0x57: {  	[spmem:s3] =	stream.linear.scatter [tilespmem:s17], [sflag:$0x2], $0x400, $0x38;
	[tilespmem:$0x1F180] =	vst v63  }
0x58: {  	s0 =	sadd.s32 $0x1000, s0;
	_ =	sdelay $0x1  }
0x59: {  	_ =	swait.ge [sflag:s18], $0x400  }
0x5a: {  	[sflag:s18] =	ssyncset.done $0x0  }
0x5b: {  	[sflag:s18] =	ssyncadd.s32 $0xFFFFFC00  }
0x5c: {  	[bflag:$0x0] =	sbarrier.arrive $0xFFFF  }
0x5d: {  	s30 =	simm.s32 $0x0;
	s14 =	rddreg [dreg:$0x7]  }
.LBB2_4:
0x5e: {  	s0 =	sshll.u32 s30, $0x5  }
0x5f: {  	s0 =	sadd.s32 s8, s0  }
0x60: {  	s0 =	sshrl.u32 s0, $0x3  }
0x61: {  	s3 =	sadd.s32 s5, s0  }
0x62: {  	[tilespmem:s28], [sflag:$0x2] =	stream.linear.gather [hbm4b:s3+s28], $0x20, $0x38;
	[tilespmem:$0x1F180] =	vst v63  }
0x63: {  	_ =	swait.ge [sflag:s18], $0x20  }
0x64: {  	[sflag:s18] =	ssyncset.done $0x0  }
0x65: {  	s0 =	sadd.s32 s6, s0;
	[sflag:s18] =	ssyncadd.s32 $0xFFFFFFE0  }
0x66: {  	[tilespmem:s19], [sflag:$0x2] =	stream.linear.gather [hbm4b:s0+s28], $0x20, $0x38;
	[tilespmem:$0x1F180] =	vst v63  }
0x67: {  	_ =	swait.ge [sflag:s18], $0x20  }
0x68: {  	[sflag:s18] =	ssyncset.done $0x0  }
0x69: {  	[sflag:s18] =	ssyncadd.s32 $0xFFFFFFE0  }
0x6a: {  	v13 =	vld [tilespmem:$0x0];
	_ =	sdelay $0x4  }
0x6b: {  	v14 =	vshrl.u32 v13, $0x3  }
0x6c: {  	v14 =	vmul.u32 $0x48, v14  }
0x6d: {  	v13 =	vand.u32 $0x7, v13  }
0x6e: {  	v13 =	vor.u32 v13, v14  }
0x6f: {  	v14 =	vperm.xlane v13, v1;
	_ =	sdelay $0x1  }
0x70: {  	v14 =	vadd.s32 v2, v14;
	_ =	sdelay $0x3  }
0x71: {  	s16 =	simm.s32 $0x100  }
0x72: {  	[tilespmem:s16], [sflag:$0x1] =	stream.indirect_vreg.gather [hbm4b:s1+s28], $0x80, v14, vm0, $0xb8;
	[tilespmem:$0x1F180] =	vst v63  }
0x73: {  	s3 =	simm.s32 $0x900  }
0x74: {  	[tilespmem:s3], [sflag:$0x1] =	stream.indirect_vreg.gather [hbm4b:s10+s28], $0x80, v14, vm0, $0xb8;
	[tilespmem:$0x1F180] =	vst v63  }
0x75: {  	s4 =	simm.s32 $0x1100;
	v13 =	vperm.xlane v13, v3  }
0x76: {  	[tilespmem:s4], [sflag:$0x1] =	stream.indirect_vreg.gather [hbm4b:s11+s28], $0x80, v14, vm0, $0xb8;
	[tilespmem:$0x1F180] =	vst v63  }
0x77: {  	s15 =	simm.s32 $0x1900;
	v13 =	vadd.s32 v2, v13  }
0x78: {  	[tilespmem:s15], [sflag:$0x1] =	stream.indirect_vreg.gather [hbm4b:s12+s28], $0x80, v14, vm0, $0xb8;
	[tilespmem:$0x1F180] =	vst v63  }
0x79: {  	s16 =	simm.s32 $0x2100  }
0x7a: {  	[tilespmem:s16], [sflag:$0x1] =	stream.indirect_vreg.gather [hbm4b:s13+s28], $0x80, v14, vm1, $0xb8;
	[tilespmem:$0x1F180] =	vst v63  }
0x7b: {  	s3 =	simm.s32 $0x2500  }
0x7c: {  	[tilespmem:s3], [sflag:$0x1] =	stream.indirect_vreg.gather [hbm4b:s1+s28], $0x80, v13, vm0, $0xb8;
	[tilespmem:$0x1F180] =	vst v63  }
0x7d: {  	s4 =	simm.s32 $0x2D00  }
0x7e: {  	[tilespmem:s4], [sflag:$0x1] =	stream.indirect_vreg.gather [hbm4b:s10+s28], $0x80, v13, vm0, $0xb8;
	[tilespmem:$0x1F180] =	vst v63  }
0x7f: {  	s15 =	simm.s32 $0x3500  }
0x80: {  	[tilespmem:s15], [sflag:$0x1] =	stream.indirect_vreg.gather [hbm4b:s11+s28], $0x80, v13, vm0, $0xb8;
	[tilespmem:$0x1F180] =	vst v63  }
0x81: {  	s16 =	simm.s32 $0x3D00  }
0x82: {  	[tilespmem:s16], [sflag:$0x1] =	stream.indirect_vreg.gather [hbm4b:s12+s28], $0x80, v13, vm0, $0xb8;
	[tilespmem:$0x1F180] =	vst v63  }
0x83: {  	s3 =	simm.s32 $0x4500  }
0x84: {  	[tilespmem:s3], [sflag:$0x1] =	stream.indirect_vreg.gather [hbm4b:s13+s28], $0x80, v13, vm1, $0xb8;
	[tilespmem:$0x1F180] =	vst v63  }
0x85: {  	v13 =	vld [tilespmem:$0x10];
	_ =	sdelay $0x4  }
0x86: {  	v14 =	vshrl.u32 v13, $0x3  }
0x87: {  	v14 =	vmul.u32 $0x48, v14  }
0x88: {  	v13 =	vand.u32 $0x7, v13  }
0x89: {  	v13 =	vor.u32 v13, v14  }
0x8a: {  	v14 =	vperm.xlane v13, v1;
	_ =	sdelay $0x1  }
0x8b: {  	v14 =	vadd.s32 v2, v14;
	_ =	sdelay $0x3  }
0x8c: {  	s4 =	simm.s32 $0x4900  }
0x8d: {  	[tilespmem:s4], [sflag:$0x1] =	stream.indirect_vreg.gather [hbm4b:s1+s28], $0x80, v14, vm0, $0xb8;
	[tilespmem:$0x1F180] =	vst v63  }
0x8e: {  	s15 =	simm.s32 $0x5100  }
0x8f: {  	[tilespmem:s15], [sflag:$0x1] =	stream.indirect_vreg.gather [hbm4b:s10+s28], $0x80, v14, vm0, $0xb8;
	[tilespmem:$0x1F180] =	vst v63  }
0x90: {  	s16 =	simm.s32 $0x5900;
	v13 =	vperm.xlane v13, v3  }
0x91: {  	[tilespmem:s16], [sflag:$0x1] =	stream.indirect_vreg.gather [hbm4b:s11+s28], $0x80, v14, vm0, $0xb8;
	[tilespmem:$0x1F180] =	vst v63  }
0x92: {  	s3 =	simm.s32 $0x6100;
	v13 =	vadd.s32 v2, v13  }
0x93: {  	[tilespmem:s3], [sflag:$0x1] =	stream.indirect_vreg.gather [hbm4b:s12+s28], $0x80, v14, vm0, $0xb8;
	[tilespmem:$0x1F180] =	vst v63  }
0x94: {  	s4 =	simm.s32 $0x6900  }
0x95: {  	[tilespmem:s4], [sflag:$0x1] =	stream.indirect_vreg.gather [hbm4b:s13+s28], $0x80, v14, vm1, $0xb8;
	[tilespmem:$0x1F180] =	vst v63  }
0x96: {  	s15 =	simm.s32 $0x6D00  }
0x97: {  	[tilespmem:s15], [sflag:$0x1] =	stream.indirect_vreg.gather [hbm4b:s1+s28], $0x80, v13, vm0, $0xb8;
	[tilespmem:$0x1F180] =	vst v63  }
0x98: {  	s16 =	simm.s32 $0x7500  }
0x99: {  	[tilespmem:s16], [sflag:$0x1] =	stream.indirect_vreg.gather [hbm4b:s10+s28], $0x80, v13, vm0, $0xb8;
	[tilespmem:$0x1F180] =	vst v63  }
0x9a: {  	_ = 	snop  }
0x9b: {  	[tilespmem:s2], [sflag:$0x1] =	stream.indirect_vreg.gather [hbm4b:s11+s28], $0x80, v13, vm0, $0xb8;
	[tilespmem:$0x1F180] =	vst v63  }
0x9c: {  	_ = 	snop  }
0x9d: {  	[tilespmem:s20], [sflag:$0x1] =	stream.indirect_vreg.gather [hbm4b:s12+s28], $0x80, v13, vm0, $0xb8;
	[tilespmem:$0x1F180] =	vst v63  }
0x9e: {  	_ = 	snop  }
0x9f: {  	[tilespmem:s21], [sflag:$0x1] =	stream.indirect_vreg.gather [hbm4b:s13+s28], $0x80, v13, vm1, $0xb8;
	[tilespmem:$0x1F180] =	vst v63  }
0xa0: {  	_ =	swait.ge [sflag:s22], $0x9000  }
0xa1: {  	[sflag:s22] =	ssyncset.done $0x0  }
0xa2: {  	[sflag:s22] =	ssyncadd.s32 $0xFFFF7000  }
0xa3: {  	[tilespmem:s24], [sflag:$0x1] =	stream.indirect.gather [hbm4b:s7+s23], $0x80, s19, s23, $0xb8;
	[tilespmem:$0x1F180] =	vst v63  }
0xa4: {  	s31 =	simm.s32 $0x9110;
	_ =	swait.ge [sflag:s22], $0x1000  }
0xa5: {  	s29 =	smov.u32 s14;
	s0 =	simm.s32 $0xA140;
	[sflag:s22] =	ssyncset.done $0x0  }
0xa6: {  	s3 =	simm.s32 $0x0;
	s15 =	simm.s32 $0x0;
	[sflag:s22] =	ssyncadd.s32 $0xFFFFF000  }
.LBB2_5:
0xa7: {  	s16 =	sshrl.u32 s15, $0x3  }
0xa8: {  	s16 =	smul.u32 $0x9000, s16;
	_ =	sdelay $0x1  }
0xa9: {  	s4 =	sand.u32 $0x380, s3;
	s16 =	sshra.s32 s16, $0x2  }
0xaa: {  	v14 =	vld [tilespmem:s31+$0xFFFFFFF0];
	s16 =	sor.u32 s4, s16  }
0xab: {  	v13 =	vld [tilespmem:s16+$0x2100];
	_ =	sdelay $0x4  }
0xac: {  	v13 =	vadd.f32 v14, v13;
	_ =	sdelay $0x1  }
0xad: {  	v14 =	vmul.f32 $2.000000030e-01, v13;
	_ =	sdelay $0x1  }
0xae: {  	v13 =	vmax.f32 v13, v14  }
0xaf: {  	v13 =	vmul.f32 $1.442695020e+00, v13;
	_ =	sdelay $0x1  }
0xb0: {  	(erf) = vpow2.f32 v13;
	_ =	sdelay $0x4  }
0xb1: {  	v13 =	vmov s29  }
0xb2: {  	vm2 =	vgt.s32 v13, $0x0  }
0xb3: {  	v14 =	vld [tilespmem:s31+$0x0];
	v13 =	vsel vm2, $0x3F800000, v4  }
0xb4: {  	v13 =	vbroadcast v13, $0x0  }
0xb5: {  	v15 =	vpop (erf)  }
0xb6: {  	v13 =	vmul.f32 v15, v13;
	_ =	sdelay $0x1  }
0xb7: {  	v13 =	vmul.f32 v13, v14;
	_ =	sdelay $0x1  }
0xb8: {  	[tilespmem:$0xB500] =	vst v13  }
0xb9: {  	v13 =	vld.idx.msk [tilespmem:v5+s25+$0x0], $0xffff  }
0xba: {  	v14 =	vld [tilespmem:s16+$0x100];
	_ =	sdelay $0x4  }
0xbb: {  	v14 =	vmul.f32 v14, v13;
	_ =	sdelay $0x1  }
0xbc: {  	[tilespmem:s0+$0xFFFFFFC0] =	vst v14  }
0xbd: {  	v15 =	vld [tilespmem:s16+$0x110];
	_ =	sdelay $0x4  }
0xbe: {  	v15 =	vmul.f32 v15, v13;
	_ =	sdelay $0x1  }
0xbf: {  	[tilespmem:s0+$0xFFFFFFD0] =	vst v15  }
0xc0: {  	v16 =	vld [tilespmem:s16+$0x120];
	_ =	sdelay $0x4  }
0xc1: {  	v16 =	vmul.f32 v16, v13;
	_ =	sdelay $0x1  }
0xc2: {  	[tilespmem:s0+$0xFFFFFFE0] =	vst v16  }
0xc3: {  	v17 =	vld [tilespmem:s16+$0x130];
	_ =	sdelay $0x4  }
0xc4: {  	v17 =	vmul.f32 v17, v13;
	_ =	sdelay $0x1  }
0xc5: {  	[tilespmem:s0+$0xFFFFFFF0] =	vst v17  }
0xc6: {  	v18 =	vld [tilespmem:s16+$0x140];
	_ =	sdelay $0x4  }
0xc7: {  	v18 =	vmul.f32 v18, v13;
	_ =	sdelay $0x1  }
0xc8: {  	[tilespmem:s0+$0x0] =	vst v18  }
0xc9: {  	v19 =	vld [tilespmem:s16+$0x150];
	_ =	sdelay $0x4  }
0xca: {  	v19 =	vmul.f32 v19, v13;
	_ =	sdelay $0x1  }
0xcb: {  	[tilespmem:s0+$0x10] =	vst v19  }
0xcc: {  	v20 =	vld [tilespmem:s16+$0x160];
	_ =	sdelay $0x4  }
0xcd: {  	v20 =	vmul.f32 v20, v13;
	_ =	sdelay $0x1  }
0xce: {  	[tilespmem:s0+$0x20] =	vst v20  }
0xcf: {  	v21 =	vld [tilespmem:s16+$0x170];
	_ =	sdelay $0x4  }
0xd0: {  	v13 =	vmul.f32 v21, v13;
	_ =	sdelay $0x1  }
0xd1: {  	[tilespmem:s0+$0x30] =	vst v13  }
0xd2: {  	v49 =	vld.idx.msk [tilespmem:v6+s25+$0x0], $0xffff  }
0xd3: {  	v22 =	vld [tilespmem:s16+$0x500];
	_ =	sdelay $0x4  }
0xd4: {  	v22 =	vmul.f32 v22, v49;
	_ =	sdelay $0x1  }
0xd5: {  	v14 =	vadd.f32 v22, v14;
	_ =	sdelay $0x1  }
0xd6: {  	[tilespmem:s0+$0xFFFFFFC0] =	vst v14  }
0xd7: {  	v50 =	vld [tilespmem:s16+$0x510];
	_ =	sdelay $0x4  }
0xd8: {  	v22 =	vmul.f32 v50, v49;
	_ =	sdelay $0x1  }
0xd9: {  	v15 =	vadd.f32 v22, v15;
	_ =	sdelay $0x1  }
0xda: {  	[tilespmem:s0+$0xFFFFFFD0] =	vst v15  }
0xdb: {  	v51 =	vld [tilespmem:s16+$0x520];
	_ =	sdelay $0x4  }
0xdc: {  	v22 =	vmul.f32 v51, v49;
	_ =	sdelay $0x1  }
0xdd: {  	v16 =	vadd.f32 v22, v16;
	_ =	sdelay $0x1  }
0xde: {  	[tilespmem:s0+$0xFFFFFFE0] =	vst v16  }
0xdf: {  	v52 =	vld [tilespmem:s16+$0x530];
	_ =	sdelay $0x4  }
0xe0: {  	v22 =	vmul.f32 v52, v49;
	_ =	sdelay $0x1  }
0xe1: {  	v17 =	vadd.f32 v22, v17;
	_ =	sdelay $0x1  }
0xe2: {  	[tilespmem:s0+$0xFFFFFFF0] =	vst v17  }
0xe3: {  	v53 =	vld [tilespmem:s16+$0x540];
	_ =	sdelay $0x4  }
0xe4: {  	v22 =	vmul.f32 v53, v49;
	_ =	sdelay $0x1  }
0xe5: {  	v18 =	vadd.f32 v22, v18;
	_ =	sdelay $0x1  }
0xe6: {  	[tilespmem:s0+$0x0] =	vst v18  }
0xe7: {  	v54 =	vld [tilespmem:s16+$0x550];
	_ =	sdelay $0x4  }
0xe8: {  	v22 =	vmul.f32 v54, v49;
	_ =	sdelay $0x1  }
0xe9: {  	v19 =	vadd.f32 v22, v19;
	_ =	sdelay $0x1  }
0xea: {  	[tilespmem:s0+$0x10] =	vst v19  }
0xeb: {  	v55 =	vld [tilespmem:s16+$0x560];
	_ =	sdelay $0x4  }
0xec: {  	v22 =	vmul.f32 v55, v49;
	_ =	sdelay $0x1  }
0xed: {  	v20 =	vadd.f32 v22, v20;
	_ =	sdelay $0x1  }
0xee: {  	[tilespmem:s0+$0x20] =	vst v20  }
0xef: {  	v56 =	vld [tilespmem:s16+$0x570];
	_ =	sdelay $0x4  }
0xf0: {  	v21 =	vmul.f32 v56, v49;
	_ =	sdelay $0x1  }
0xf1: {  	v13 =	vadd.f32 v21, v13;
	_ =	sdelay $0x1  }
0xf2: {  	[tilespmem:s0+$0x30] =	vst v13  }
0xf3: {  	v57 =	vld.idx.msk [tilespmem:v7+s25+$0x0], $0xffff  }
0xf4: {  	v58 =	vld [tilespmem:s16+$0x900];
	_ =	sdelay $0x4  }
0xf5: {  	v22 =	vmul.f32 v58, v57;
	_ =	sdelay $0x1  }
0xf6: {  	v14 =	vadd.f32 v22, v14;
	_ =	sdelay $0x1  }
0xf7: {  	[tilespmem:s0+$0xFFFFFFC0] =	vst v14  }
0xf8: {  	v59 =	vld [tilespmem:s16+$0x910];
	_ =	sdelay $0x4  }
0xf9: {  	v22 =	vmul.f32 v59, v57;
	_ =	sdelay $0x1  }
0xfa: {  	v15 =	vadd.f32 v22, v15;
	_ =	sdelay $0x1  }
0xfb: {  	[tilespmem:s0+$0xFFFFFFD0] =	vst v15  }
0xfc: {  	v60 =	vld [tilespmem:s16+$0x920];
	_ =	sdelay $0x4  }
0xfd: {  	v22 =	vmul.f32 v60, v57;
	_ =	sdelay $0x1  }
0xfe: {  	v16 =	vadd.f32 v22, v16;
	_ =	sdelay $0x1  }
0xff: {  	[tilespmem:s0+$0xFFFFFFE0] =	vst v16  }
0x100: {  	v61 =	vld [tilespmem:s16+$0x930];
	_ =	sdelay $0x4  }
0x101: {  	v22 =	vmul.f32 v61, v57;
	_ =	sdelay $0x1  }
0x102: {  	v17 =	vadd.f32 v22, v17;
	_ =	sdelay $0x1  }
0x103: {  	[tilespmem:s0+$0xFFFFFFF0] =	vst v17  }
0x104: {  	v62 =	vld [tilespmem:s16+$0x940];
	_ =	sdelay $0x4  }
0x105: {  	v22 =	vmul.f32 v62, v57;
	_ =	sdelay $0x1  }
0x106: {  	v18 =	vadd.f32 v22, v18;
	_ =	sdelay $0x1  }
0x107: {  	[tilespmem:s0+$0x0] =	vst v18  }
0x108: {  	v63 =	vld [tilespmem:s16+$0x950];
	_ =	sdelay $0x4  }
0x109: {  	v22 =	vmul.f32 v63, v57;
	_ =	sdelay $0x1  }
0x10a: {  	v19 =	vadd.f32 v22, v19;
	_ =	sdelay $0x1  }
0x10b: {  	[tilespmem:s0+$0x10] =	vst v19  }
0x10c: {  	v24 =	vld [tilespmem:s16+$0x960];
	_ =	sdelay $0x4  }
0x10d: {  	v22 =	vmul.f32 v24, v57;
	_ =	sdelay $0x1  }
0x10e: {  	v20 =	vadd.f32 v22, v20;
	_ =	sdelay $0x1  }
0x10f: {  	[tilespmem:s0+$0x20] =	vst v20  }
0x110: {  	v25 =	vld [tilespmem:s16+$0x970];
	_ =	sdelay $0x4  }
0x111: {  	v21 =	vmul.f32 v25, v57;
	_ =	sdelay $0x1  }
0x112: {  	v13 =	vadd.f32 v21, v13;
	_ =	sdelay $0x1  }
0x113: {  	[tilespmem:s0+$0x30] =	vst v13  }
0x114: {  	v26 =	vld.idx.msk [tilespmem:v8+s25+$0x0], $0xffff  }
0x115: {  	v27 =	vld [tilespmem:s16+$0xD00];
	_ =	sdelay $0x4  }
0x116: {  	v22 =	vmul.f32 v27, v26;
	_ =	sdelay $0x1  }
0x117: {  	v14 =	vadd.f32 v22, v14;
	_ =	sdelay $0x1  }
0x118: {  	[tilespmem:s0+$0xFFFFFFC0] =	vst v14  }
0x119: {  	v28 =	vld [tilespmem:s16+$0xD10];
	_ =	sdelay $0x4  }
0x11a: {  	v22 =	vmul.f32 v28, v26;
	_ =	sdelay $0x1  }
0x11b: {  	v15 =	vadd.f32 v22, v15;
	_ =	sdelay $0x1  }
0x11c: {  	[tilespmem:s0+$0xFFFFFFD0] =	vst v15  }
0x11d: {  	v29 =	vld [tilespmem:s16+$0xD20];
	_ =	sdelay $0x4  }
0x11e: {  	v22 =	vmul.f32 v29, v26;
	_ =	sdelay $0x1  }
0x11f: {  	v16 =	vadd.f32 v22, v16;
	_ =	sdelay $0x1  }
0x120: {  	[tilespmem:s0+$0xFFFFFFE0] =	vst v16  }
0x121: {  	v30 =	vld [tilespmem:s16+$0xD30];
	_ =	sdelay $0x4  }
0x122: {  	v22 =	vmul.f32 v30, v26;
	_ =	sdelay $0x1  }
0x123: {  	v17 =	vadd.f32 v22, v17;
	_ =	sdelay $0x1  }
0x124: {  	[tilespmem:s0+$0xFFFFFFF0] =	vst v17  }
0x125: {  	v31 =	vld [tilespmem:s16+$0xD40];
	_ =	sdelay $0x4  }
0x126: {  	v22 =	vmul.f32 v31, v26;
	_ =	sdelay $0x1  }
0x127: {  	v18 =	vadd.f32 v22, v18;
	_ =	sdelay $0x1  }
0x128: {  	[tilespmem:s0+$0x0] =	vst v18  }
0x129: {  	v32 =	vld [tilespmem:s16+$0xD50];
	_ =	sdelay $0x4  }
0x12a: {  	v22 =	vmul.f32 v32, v26;
	_ =	sdelay $0x1  }
0x12b: {  	v19 =	vadd.f32 v22, v19;
	_ =	sdelay $0x1  }
0x12c: {  	[tilespmem:s0+$0x10] =	vst v19  }
0x12d: {  	v33 =	vld [tilespmem:s16+$0xD60];
	_ =	sdelay $0x4  }
0x12e: {  	v22 =	vmul.f32 v33, v26;
	_ =	sdelay $0x1  }
0x12f: {  	v20 =	vadd.f32 v22, v20;
	_ =	sdelay $0x1  }
0x130: {  	[tilespmem:s0+$0x20] =	vst v20  }
0x131: {  	v34 =	vld [tilespmem:s16+$0xD70];
	_ =	sdelay $0x4  }
0x132: {  	v21 =	vmul.f32 v34, v26;
	_ =	sdelay $0x1  }
0x133: {  	v13 =	vadd.f32 v21, v13;
	_ =	sdelay $0x1  }
0x134: {  	[tilespmem:s0+$0x30] =	vst v13  }
0x135: {  	v35 =	vld.idx.msk [tilespmem:v9+s25+$0x0], $0xffff  }
0x136: {  	v36 =	vld [tilespmem:s16+$0x1100];
	_ =	sdelay $0x4  }
0x137: {  	v22 =	vmul.f32 v36, v35;
	_ =	sdelay $0x1  }
0x138: {  	v14 =	vadd.f32 v22, v14;
	_ =	sdelay $0x1  }
0x139: {  	[tilespmem:s0+$0xFFFFFFC0] =	vst v14  }
0x13a: {  	v37 =	vld [tilespmem:s16+$0x1110];
	_ =	sdelay $0x4  }
0x13b: {  	v22 =	vmul.f32 v37, v35;
	_ =	sdelay $0x1  }
0x13c: {  	v15 =	vadd.f32 v22, v15;
	_ =	sdelay $0x1  }
0x13d: {  	[tilespmem:s0+$0xFFFFFFD0] =	vst v15  }
0x13e: {  	v38 =	vld [tilespmem:s16+$0x1120];
	_ =	sdelay $0x4  }
0x13f: {  	v22 =	vmul.f32 v38, v35;
	_ =	sdelay $0x1  }
0x140: {  	v16 =	vadd.f32 v22, v16;
	_ =	sdelay $0x1  }
0x141: {  	[tilespmem:s0+$0xFFFFFFE0] =	vst v16  }
0x142: {  	v39 =	vld [tilespmem:s16+$0x1130];
	_ =	sdelay $0x4  }
0x143: {  	v22 =	vmul.f32 v39, v35;
	_ =	sdelay $0x1  }
0x144: {  	v17 =	vadd.f32 v22, v17;
	_ =	sdelay $0x1  }
0x145: {  	[tilespmem:s0+$0xFFFFFFF0] =	vst v17  }
0x146: {  	v40 =	vld [tilespmem:s16+$0x1140];
	_ =	sdelay $0x4  }
0x147: {  	v22 =	vmul.f32 v40, v35;
	_ =	sdelay $0x1  }
0x148: {  	v18 =	vadd.f32 v22, v18;
	_ =	sdelay $0x1  }
0x149: {  	[tilespmem:s0+$0x0] =	vst v18  }
0x14a: {  	v41 =	vld [tilespmem:s16+$0x1150];
	_ =	sdelay $0x4  }
0x14b: {  	v22 =	vmul.f32 v41, v35;
	_ =	sdelay $0x1  }
0x14c: {  	v19 =	vadd.f32 v22, v19;
	_ =	sdelay $0x1  }
0x14d: {  	[tilespmem:s0+$0x10] =	vst v19  }
0x14e: {  	v42 =	vld [tilespmem:s16+$0x1160];
	_ =	sdelay $0x4  }
0x14f: {  	v22 =	vmul.f32 v42, v35;
	_ =	sdelay $0x1  }
0x150: {  	v20 =	vadd.f32 v22, v20;
	_ =	sdelay $0x1  }
0x151: {  	[tilespmem:s0+$0x20] =	vst v20  }
0x152: {  	v43 =	vld [tilespmem:s16+$0x1170];
	_ =	sdelay $0x4  }
0x153: {  	v21 =	vmul.f32 v43, v35;
	_ =	sdelay $0x1  }
0x154: {  	v13 =	vadd.f32 v21, v13;
	_ =	sdelay $0x1  }
0x155: {  	[tilespmem:s0+$0x30] =	vst v13  }
0x156: {  	v44 =	vld.idx.msk [tilespmem:v10+s25+$0x0], $0xffff  }
0x157: {  	v45 =	vld [tilespmem:s16+$0x1500];
	_ =	sdelay $0x4  }
0x158: {  	v22 =	vmul.f32 v45, v44;
	_ =	sdelay $0x1  }
0x159: {  	v14 =	vadd.f32 v22, v14;
	_ =	sdelay $0x1  }
0x15a: {  	[tilespmem:s0+$0xFFFFFFC0] =	vst v14  }
0x15b: {  	v46 =	vld [tilespmem:s16+$0x1510];
	_ =	sdelay $0x4  }
0x15c: {  	v22 =	vmul.f32 v46, v44;
	_ =	sdelay $0x1  }
0x15d: {  	v15 =	vadd.f32 v22, v15;
	_ =	sdelay $0x1  }
0x15e: {  	[tilespmem:s0+$0xFFFFFFD0] =	vst v15  }
0x15f: {  	v47 =	vld [tilespmem:s16+$0x1520];
	_ =	sdelay $0x4  }
0x160: {  	v22 =	vmul.f32 v47, v44;
	_ =	sdelay $0x1  }
0x161: {  	v16 =	vadd.f32 v22, v16;
	_ =	sdelay $0x1  }
0x162: {  	[tilespmem:s0+$0xFFFFFFE0] =	vst v16  }
0x163: {  	v48 =	vld [tilespmem:s16+$0x1530];
	_ =	sdelay $0x4  }
0x164: {  	v22 =	vmul.f32 v48, v44;
	_ =	sdelay $0x1  }
0x165: {  	v17 =	vadd.f32 v22, v17;
	_ =	sdelay $0x1  }
0x166: {  	[tilespmem:s0+$0xFFFFFFF0] =	vst v17  }
0x167: {  	v49 =	vld [tilespmem:s16+$0x1540];
	_ =	sdelay $0x4  }
0x168: {  	v22 =	vmul.f32 v49, v44;
	_ =	sdelay $0x1  }
0x169: {  	v18 =	vadd.f32 v22, v18;
	_ =	sdelay $0x1  }
0x16a: {  	[tilespmem:s0+$0x0] =	vst v18  }
0x16b: {  	v50 =	vld [tilespmem:s16+$0x1550];
	_ =	sdelay $0x4  }
0x16c: {  	v22 =	vmul.f32 v50, v44;
	_ =	sdelay $0x1  }
0x16d: {  	v19 =	vadd.f32 v22, v19;
	_ =	sdelay $0x1  }
0x16e: {  	[tilespmem:s0+$0x10] =	vst v19  }
0x16f: {  	v51 =	vld [tilespmem:s16+$0x1560];
	_ =	sdelay $0x4  }
0x170: {  	v22 =	vmul.f32 v51, v44;
	_ =	sdelay $0x1  }
0x171: {  	v20 =	vadd.f32 v22, v20;
	_ =	sdelay $0x1  }
0x172: {  	[tilespmem:s0+$0x20] =	vst v20  }
0x173: {  	v52 =	vld [tilespmem:s16+$0x1570];
	_ =	sdelay $0x4  }
0x174: {  	v21 =	vmul.f32 v52, v44;
	_ =	sdelay $0x1  }
0x175: {  	v13 =	vadd.f32 v21, v13;
	_ =	sdelay $0x1  }
0x176: {  	[tilespmem:s0+$0x30] =	vst v13  }
0x177: {  	v53 =	vld.idx.msk [tilespmem:v11+s25+$0x0], $0xffff  }
0x178: {  	v54 =	vld [tilespmem:s16+$0x1900];
	_ =	sdelay $0x4  }
0x179: {  	v22 =	vmul.f32 v54, v53;
	_ =	sdelay $0x1  }
0x17a: {  	v14 =	vadd.f32 v22, v14;
	_ =	sdelay $0x1  }
0x17b: {  	[tilespmem:s0+$0xFFFFFFC0] =	vst v14  }
0x17c: {  	v55 =	vld [tilespmem:s16+$0x1910];
	_ =	sdelay $0x4  }
0x17d: {  	v22 =	vmul.f32 v55, v53;
	_ =	sdelay $0x1  }
0x17e: {  	v15 =	vadd.f32 v22, v15;
	_ =	sdelay $0x1  }
0x17f: {  	[tilespmem:s0+$0xFFFFFFD0] =	vst v15  }
0x180: {  	v56 =	vld [tilespmem:s16+$0x1920];
	_ =	sdelay $0x4  }
0x181: {  	v22 =	vmul.f32 v56, v53;
	_ =	sdelay $0x1  }
0x182: {  	v16 =	vadd.f32 v22, v16;
	_ =	sdelay $0x1  }
0x183: {  	[tilespmem:s0+$0xFFFFFFE0] =	vst v16  }
0x184: {  	v57 =	vld [tilespmem:s16+$0x1930];
	_ =	sdelay $0x4  }
0x185: {  	v22 =	vmul.f32 v57, v53;
	_ =	sdelay $0x1  }
0x186: {  	v17 =	vadd.f32 v22, v17;
	_ =	sdelay $0x1  }
0x187: {  	[tilespmem:s0+$0xFFFFFFF0] =	vst v17  }
0x188: {  	v58 =	vld [tilespmem:s16+$0x1940];
	_ =	sdelay $0x4  }
0x189: {  	v22 =	vmul.f32 v58, v53;
	_ =	sdelay $0x1  }
0x18a: {  	v18 =	vadd.f32 v22, v18;
	_ =	sdelay $0x1  }
0x18b: {  	[tilespmem:s0+$0x0] =	vst v18  }
0x18c: {  	v59 =	vld [tilespmem:s16+$0x1950];
	_ =	sdelay $0x4  }
0x18d: {  	v22 =	vmul.f32 v59, v53;
	_ =	sdelay $0x1  }
0x18e: {  	v19 =	vadd.f32 v22, v19;
	_ =	sdelay $0x1  }
0x18f: {  	[tilespmem:s0+$0x10] =	vst v19  }
0x190: {  	v60 =	vld [tilespmem:s16+$0x1960];
	_ =	sdelay $0x4  }
0x191: {  	v22 =	vmul.f32 v60, v53;
	_ =	sdelay $0x1  }
0x192: {  	v20 =	vadd.f32 v22, v20;
	_ =	sdelay $0x1  }
0x193: {  	[tilespmem:s0+$0x20] =	vst v20  }
0x194: {  	v61 =	vld [tilespmem:s16+$0x1970];
	_ =	sdelay $0x4  }
0x195: {  	v21 =	vmul.f32 v61, v53;
	_ =	sdelay $0x1  }
0x196: {  	v13 =	vadd.f32 v21, v13;
	_ =	sdelay $0x1  }
0x197: {  	[tilespmem:s0+$0x30] =	vst v13  }
0x198: {  	v62 =	vld.idx.msk [tilespmem:v12+s25+$0x0], $0xffff  }
0x199: {  	v63 =	vld [tilespmem:s16+$0x1D00];
	_ =	sdelay $0x4  }
0x19a: {  	v22 =	vmul.f32 v63, v62;
	_ =	sdelay $0x1  }
0x19b: {  	v14 =	vadd.f32 v22, v14;
	_ =	sdelay $0x1  }
0x19c: {  	[tilespmem:s0+$0xFFFFFFC0] =	vst v14  }
0x19d: {  	v14 =	vld [tilespmem:s16+$0x1D10];
	_ =	sdelay $0x4  }
0x19e: {  	v14 =	vmul.f32 v14, v62;
	_ =	sdelay $0x1  }
0x19f: {  	v14 =	vadd.f32 v14, v15;
	_ =	sdelay $0x1  }
0x1a0: {  	[tilespmem:s0+$0xFFFFFFD0] =	vst v14  }
0x1a1: {  	v14 =	vld [tilespmem:s16+$0x1D20];
	_ =	sdelay $0x4  }
0x1a2: {  	v14 =	vmul.f32 v14, v62;
	_ =	sdelay $0x1  }
0x1a3: {  	v14 =	vadd.f32 v14, v16;
	_ =	sdelay $0x1  }
0x1a4: {  	[tilespmem:s0+$0xFFFFFFE0] =	vst v14  }
0x1a5: {  	v14 =	vld [tilespmem:s16+$0x1D30];
	_ =	sdelay $0x4  }
0x1a6: {  	v14 =	vmul.f32 v14, v62;
	_ =	sdelay $0x1  }
0x1a7: {  	v14 =	vadd.f32 v14, v17;
	_ =	sdelay $0x1  }
0x1a8: {  	[tilespmem:s0+$0xFFFFFFF0] =	vst v14  }
0x1a9: {  	v14 =	vld [tilespmem:s16+$0x1D40];
	_ =	sdelay $0x4  }
0x1aa: {  	v14 =	vmul.f32 v14, v62;
	_ =	sdelay $0x1  }
0x1ab: {  	v14 =	vadd.f32 v14, v18;
	_ =	sdelay $0x1  }
0x1ac: {  	[tilespmem:s0+$0x0] =	vst v14  }
0x1ad: {  	v14 =	vld [tilespmem:s16+$0x1D50];
	_ =	sdelay $0x4  }
0x1ae: {  	v14 =	vmul.f32 v14, v62;
	_ =	sdelay $0x1  }
0x1af: {  	v14 =	vadd.f32 v14, v19;
	_ =	sdelay $0x1  }
0x1b0: {  	[tilespmem:s0+$0x10] =	vst v14  }
0x1b1: {  	v14 =	vld [tilespmem:s16+$0x1D60];
	_ =	sdelay $0x4  }
0x1b2: {  	v14 =	vmul.f32 v14, v62;
	_ =	sdelay $0x1  }
0x1b3: {  	v14 =	vadd.f32 v14, v20;
	_ =	sdelay $0x1  }
0x1b4: {  	[tilespmem:s0+$0x20] =	vst v14  }
0x1b5: {  	v14 =	vld [tilespmem:s16+$0x1D70];
	_ =	sdelay $0x3  }
0x1b6: {  	p0 =	sne.s32 s15, $0x1F  }
.Ltmp1:
0x1b7: {  	v14 =	vmul.f32 v14, v62;
	(pc) =	sbr.rel @p0 .LBB2_5-.Ltmp1, $4  }
0x1b8: {  	_ = 	snop  }
0x1b9: {  	v13 =	vadd.f32 v14, v13  }
0x1ba: {  	s3 =	sadd.s32 $0x80, s3;
	s15 =	sadd.s32 $0x1, s15  }
0x1bb: {  	s31 =	sadd.s32 $0x80, s31;
	s29 =	sadd.s32 $0xFFFFFFFF, s29;
	[tilespmem:s0+$0x30] =	vst v13;
	s0 =	sadd.s32 $0x80, s0  }
0x1bc: {  	s30 =	sadd.s32 $0x1, s30  }
0x1bd: {  	p0 =	sne.s32 s30, $0x144  }
.Ltmp2:
0x1be: {  	s0 =	rddreg [dreg:$0x2];
	(pc) =	sbr.rel @p0 .LBB2_4-.Ltmp2, $4  }
0x1bf: {  	[spmem:s0] =	stream.indirect.scatter.add.f32 [tilespmem:s26], [sflag:$0x2], $0x80, s19, s23, $0xb8;
	[tilespmem:$0x1F180] =	vst v63  }
0x1c0: {  	_ =	swait.ge [sflag:s18], $0x1000  }
0x1c1: {  	[sflag:s18] =	ssyncset.done $0x0  }
0x1c2: {  	s14 =	sadd.s32 $0xFFFFFFE0, s14;
	[sflag:s18] =	ssyncadd.s32 $0xFFFFF000  }
0x1c3: {  	s0 =	stileid.u32  }
0x1c4: {  	[bflag:$0x0] =	sbarrier.arrive $0xFFFF;
	s0 =	sshll.u32 s0, $0x6  }
0x1c5: {  	s3 =	sshrl.u32 s9, $0x3;
	s4 =	rddreg [dreg:$0x5];
	s0 =	sor.u32 $0x1C02, s0  }
0x1c6: {  	[hbm:s4], [sflag:s0] =	dma.local [spmem:s3], $0x2780  }
0x1c7: {  	_ =	swait.ge [sflag:s18], $0x2780  }
0x1c8: {  	s14 =	rddreg [dreg:$0x4]  }
0x1c9: {  	s31 =	rddreg [dreg:$0x6];
	s14 =	sadd.s32 $0x1, s14  }
0x1ca: {  	p0 =	sne.s32 s14, s31  }
.Ltmp3:
0x1cb: {  	_ = 	snop;
	(pc) =	sbr.rel @p0 .LBB2_1-.Ltmp3, $3  }
0x1cc: {  	_ =	sdelay $0x1  }
0x1cd: {  	[sflag:s18] =	ssyncset.done $0x0  }
0x1ce: {  	[sflag:s18] =	ssyncadd.s32 $0xFFFFD880  }
0x1cf: {  	_ =	sfence.sel $0x180000  }
0x1d0: {  	[bflag:$0x0] =	sbarrier.arrive $0xFFFF  }
0x1d1: {  	_ =	strace $0x9000004D  }
0x1d2: {  	s0 =	stileid.u32;
	[bflag:$0x2] =	sbarrier.arrive $0xFFFF  }
0x1d3: {  	p0 =	sne.s32 s0, $0x0;
	s0 =	rddreg [dreg:$0x3]  }
0x1d4: {  	s0 =	sadd.s32 @!p0 $0x100000, s0  }
0x1d5: {  	[sflag:s0] =	ssyncadd.tile.s32 @!p0 $0x1;
	_ =	shalt  }
.Lfunc_end2:
_tile_overlayer_lowered:
.L_overlay_start_2:
0x1d6: {  	(tag) =	ssettag $0x2  }
0x1d7: {  	s0 =	rddreg [dreg:$0x0];
	s2 =	stileid.u32  }
0x1d8: {  	s1 =	rddreg [dreg:$0x1];
	p0 =	sne.s32 s2, $0x0  }
0x1d9: {  	s3 =	rddreg [dreg:$0x2];
	[bflag:$0x3] =	sbarrier.arrive $0xFFFF;
	s2 =	simm.s32 @!p0 $0x1C02  }
0x1da: {  	[timem:s3], [sflag:s2] =	dma.local @!p0 [hbm:s0], s1  }
0x1db: {  	s0 =	simm.s32 @!p0 $0x2  }
0x1dc: {  	_ =	swait.ge @!p0 [sflag:s0], s1  }
0x1dd: {  	s1 =	ssub.s32 @!p0 $0x0, s1;
	[sflag:s0] =	ssyncset.done @!p0 $0x0  }
0x1de: {  	[sflag:s0] =	ssyncadd.s32 @!p0 s1  }
0x1df: {  	[bflag:$0x3] =	sbarrier.arrive $0xFFFF  }
0x1e0: {  	_ =	shalt  }

// kernel: kernel.23.cloned.1.call-start
scs
__scs_entry_jumppad:
0x0: {  	(pc) =	sbr.rel $0x88, $3  }
0x1: {  	(tag) =	ssettag $0x0;
	lr =	simm.s32 $0x1  }
0x2: {  	[smem:$0x3F8F] =	sst lr;
	_ =	strace $0xD0000000  }
0x3: {  	_ = 	snop  }
0x4: {  	_ = 	snop  }
0x5: {  	_ = 	snop  }
0x6: {  	_ = 	snop  }
0x7: {  	_ = 	snop  }
__scs_overlays_trampoline_lowered:
0x8: {  	[smem:$0x3F9E] =	sst s0  }
0x9: {  	[smem:$0x3F9F] =	sst s1  }
0xa: {  	[smem:$0x3FA0] =	sst s2  }
0xb: {  	[smem:$0x3FA1] =	sst s3  }
0xc: {  	[smem:$0x3FA2] =	sst s4  }
0xd: {  	[smem:$0x3FA3] =	sst s5  }
0xe: {  	[smem:$0x3FA4] =	sst s6  }
0xf: {  	[smem:$0x3FA5] =	sst s7  }
0x10: {  	[smem:$0x3FA6] =	sst s8  }
0x11: {  	[smem:$0x3FA7] =	sst s9;
	s0 =	simm.s32 @!p0 $0x0  }
0x12: {  	s1 =	sld [smem:$0x3F8D];
	s0 =	simm.s32 @p0 $0x1  }
0x13: {  	[smem:$0x3FA8] =	sst s0;
	s0 =	simm.s32 @!p1 $0x0  }
0x14: {  	s2 =	sld [smem:$0x3F8C];
	s0 =	simm.s32 @p1 $0x1  }
0x15: {  	[smem:$0x3FA9] =	sst s0;
	s0 =	simm.s32 @!p2 $0x0  }
0x16: {  	s3 =	sld [smem:$0x3FDB];
	s0 =	simm.s32 @p2 $0x1  }
0x17: {  	s4 =	simm.s32 $0x1BF5;
	[smem:$0x3FAB] =	sst s0  }
0x18: {  	s0 =	sld [smem:$0x3F8E];
	_ =	swait.ge [sflag:s4], $0x0  }
0x19: {  	s7 =	sld [smem:$0x3F8F]  }
0x1a: {  	s8 =	sadd.s32 $0xFFFFE003, lr  }
0x1b: {  	s9 =	sadd.s32 $0xFFFFFEF7, lr;
	s5 =	simm.s32 $0xFFFFFFFF;
	p2 =	slt.u32 s8, $0xFFFFF086  }
0x1c: {  	p1 =	slt.u32 s9, $0xF7A;
	s5 =	simm.s32 @!p2 $0x0  }
0x1d: {  	s5 =	simm.s32 @p1 $0x1;
	p0 =	seq.s32 s7, s2  }
0x1e: {  	s7 =	smul.u32 @!p0 $0xF7A, s2;
	p2 =	seq.s32 @!p0 s5, $0x0  }
0x1f: {  	s9 =	smul.u32 $0xF7A, s1;
	s8 =	simm.s32 @!p0 $0x1BF5;
	p2 =	por !p2, p0  }
0x20: {  	[sflag:s8] =	ssyncset.s32 @!p0 $0xFFFFF086;
	s6 =	sadd.s32 @!p0 s3, s7;
	s7 =	simm.s32 @!p0 $0x108  }
0x21: {  	s3 =	sadd.s32 s3, s9;
	s6 =	sadd.s32 @!p0 $0x88, s6;
	s7 =	simm.s32 @p2 $0x1082  }
0x22: {  	[simem:s7], [sflag:s8] =	dma.local @!p0 [hbm:s6], $0xF7A  }
0x23: {  	s9 =	sor.u32 $0xD0000000, s2;
	s6 =	simm.s32 $0x108;
	_ =	swait.ge @!p0 [sflag:s8], $0x0  }
0x24: {  	s3 =	sadd.s32 $0x88, s3;
	s6 =	simm.s32 @!p1 $0x1082;
	[sflag:s4] =	ssyncset.s32 $0xFFFFF086  }
0x25: {  	[simem:s6], [sflag:s4] =	dma.local [hbm:s3], $0xF7A  }
0x26: {  	[smem:$0x3F8F] =	sst s1;
	(tag) =	ssettag s2;
	_ =	strace s9  }
0x27: {  	s1 =	sld [smem:$0x3F9F]  }
0x28: {  	s2 =	sld [smem:$0x3FA0]  }
0x29: {  	s4 =	sld [smem:$0x3FA2]  }
0x2a: {  	p0 =	seq.s32 s5, $0x0;
	s5 =	sld [smem:$0x3FA3]  }
0x2b: {  	s6 =	sld [smem:$0x3FA4]  }
0x2c: {  	s7 =	sld [smem:$0x3FA5]  }
0x2d: {  	s3 =	simm.s32 $0x108;
	s8 =	sld [smem:$0x3FA6]  }
0x2e: {  	s3 =	simm.s32 @!p0 $0x1082;
	s9 =	sld [smem:$0x3FA7]  }
0x2f: {  	lr =	sadd.s32 s0, s3;
	s0 =	sld [smem:$0x3F9E]  }
0x30: {  	s3 =	sld [smem:$0x3FA1]  }
0x31: {  	[smem:$0x3FAA] =	sst s10  }
0x32: {  	s10 =	sld [smem:$0x3FA8];
	_ =	sdelay $0x3  }
0x33: {  	p0 =	seq.s32 s10, $0x1;
	s10 =	sld [smem:$0x3FAA];
	_ =	sdelay $0x3  }
0x34: {  	[smem:$0x3FAA] =	sst s10  }
0x35: {  	s10 =	sld [smem:$0x3FA9];
	_ =	sdelay $0x3  }
0x36: {  	p1 =	seq.s32 s10, $0x1;
	s10 =	sld [smem:$0x3FAA];
	_ =	sdelay $0x3  }
0x37: {  	[smem:$0x3FAA] =	sst s10  }
0x38: {  	s10 =	sld [smem:$0x3FAB]  }
0x39: {  	_ = 	snop;
	(pc) =	sbr.ind lr, $3  }
0x3a: {  	_ = 	snop  }
0x3b: {  	_ = 	snop  }
0x3c: {  	p2 =	seq.s32 s10, $0x1;
	s10 =	sld [smem:$0x3FAA]  }
0x3d: {  	_ =	shalt  }
0x3e: {  	_ =	shalt  }
0x3f: {  	_ =	shalt  }
0x40: {  	_ =	shalt  }
0x41: {  	_ =	shalt  }
0x42: {  	_ =	shalt  }
0x43: {  	_ =	shalt  }
0x44: {  	_ =	shalt  }
0x45: {  	_ =	shalt  }
0x46: {  	_ =	shalt  }
0x47: {  	_ =	shalt  }
0x48: {  	_ =	shalt  }
0x49: {  	_ =	shalt  }
0x4a: {  	_ =	shalt  }
0x4b: {  	_ =	shalt  }
0x4c: {  	_ =	shalt  }
0x4d: {  	_ =	shalt  }
0x4e: {  	_ =	shalt  }
0x4f: {  	_ =	shalt  }
0x50: {  	_ =	shalt  }
0x51: {  	_ =	shalt  }
0x52: {  	_ =	shalt  }
0x53: {  	_ =	shalt  }
0x54: {  	_ =	shalt  }
0x55: {  	_ =	shalt  }
0x56: {  	_ =	shalt  }
0x57: {  	_ =	shalt  }
0x58: {  	_ =	shalt  }
0x59: {  	_ =	shalt  }
0x5a: {  	_ =	shalt  }
0x5b: {  	_ =	shalt  }
0x5c: {  	_ =	shalt  }
0x5d: {  	_ =	shalt  }
0x5e: {  	_ =	shalt  }
0x5f: {  	_ =	shalt  }
0x60: {  	_ =	shalt  }
0x61: {  	_ =	shalt  }
0x62: {  	_ =	shalt  }
0x63: {  	_ =	shalt  }
0x64: {  	_ =	shalt  }
0x65: {  	_ =	shalt  }
0x66: {  	_ =	shalt  }
0x67: {  	_ =	shalt  }
0x68: {  	_ =	shalt  }
0x69: {  	_ =	shalt  }
0x6a: {  	_ =	shalt  }
0x6b: {  	_ =	shalt  }
0x6c: {  	_ =	shalt  }
0x6d: {  	_ =	shalt  }
0x6e: {  	_ =	shalt  }
0x6f: {  	_ =	shalt  }
0x70: {  	_ =	shalt  }
0x71: {  	_ =	shalt  }
0x72: {  	_ =	shalt  }
0x73: {  	_ =	shalt  }
0x74: {  	_ =	shalt  }
0x75: {  	_ =	shalt  }
0x76: {  	_ =	shalt  }
0x77: {  	_ =	shalt  }
0x78: {  	_ =	shalt  }
0x79: {  	_ =	shalt  }
0x7a: {  	_ =	shalt  }
0x7b: {  	_ =	shalt  }
0x7c: {  	_ =	shalt  }
0x7d: {  	_ =	shalt  }
0x7e: {  	_ =	shalt  }
0x7f: {  	_ =	shalt  }
0x80: {  	_ =	shalt  }
0x81: {  	_ =	shalt  }
0x82: {  	_ =	shalt  }
0x83: {  	_ =	shalt  }
0x84: {  	_ =	shalt  }
0x85: {  	_ =	shalt  }
0x86: {  	_ =	shalt  }
0x87: {  	_ =	shalt  }
.Lfunc_end0:
.L_simem_size_0:
called_computation.4_lowered:
.L_overlay_start_0:
0x88: {  	s2 =	sld [smem:$0x3FD9]  }
0x89: {  	s3 =	sld [smem:$0x3FFE];
	_ =	sdelay $0x1  }
0x8a: {  	s1 =	srdreg.scid  }
0x8b: {  	s0 =	sand.u32 $0x1, s1  }
0x8c: {  	s16 =	sshll.u32 s0, $0xA;
	s2 =	sadd.s32 s3, s2  }
0x8d: {  	s2 =	sadd.s32 s2, s16  }
0x8e: {  	[smem:$0x3FB6] =	sst s2  }
0x8f: {  	_ = 	snop  }
0x90: {  	(tm) =	ssettm $0x1  }
0x91: {  	s17 =	sld [smem:$0x3FFB];
	_ =	sdelay $0x3  }
0x92: {  	_ =	strace s17  }
0x93: {  	s2 =	sld [smem:$0x3FFC];
	_ =	sdelay $0x3  }
0x94: {  	_ =	strace s2  }
0x95: {  	s2 =	sld [smem:$0x3FFD];
	_ =	sdelay $0x3  }
0x96: {  	_ =	strace s2  }
0x97: {  	_ =	strace $0x8FFFFFFF  }
0x98: {  	s18 =	sld [smem:$0x3FDB];
	_ =	sdelay $0x1  }
0x99: {  	s19 =	simm.s32 $_scs_section_size  }
0x9a: {  	s4 =	simm.s32 $_size__tile_overlayer_lowered;
	s5 =	simm.s32 $_tile_overlayer_lowered  }
0x9b: {  	s22 =	simm.s32 $0x1BFF;
	s21 =	sshll.u32 s5, $0x1;
	s2 =	sadd.s32 s19, s18  }
0x9c: {  	s6 =	simm.s32 $0x0;
	s20 =	sshll.u32 s4, $0x1;
	s4 =	sadd.s32 s21, s2  }
0x9d: {  	[timem:s6], [sflag:s22] =	dma.local [hbm:s4], s20  }
0x9e: {  	_ =	swait.ge [sflag:s22], s20  }
0x9f: {  	s3 =	ssub.s32 $0x0, s20;
	[sflag:s22] =	ssyncset.done $0x0  }
0xa0: {  	[sflag:s22] =	ssyncadd.s32 s3;
	_ =	sdelay $0x1  }
0xa1: {  	s23 =	simm.s32 $0x1B8B  }
0xa2: {  	_ =	swait.ge [sflag:s23], $0x1  }
0xa3: {  	[sflag:s23] =	ssyncset.done $0x0  }
0xa4: {  	s25 =	simm.s32 $0x1B8E;
	s24 =	sld [smem:$0x3FFE];
	[sflag:s23] =	ssyncadd.s32 $0xFFFFFFFF  }
0xa5: {  	s26 =	simm.s32 $execute0_lowered;
	[smem:$0x3FD2] =	sst s25  }
0xa6: {  	s4 =	sshll.u32 s26, $0x1;
	_ =	strace $0x8000004F;
	[dreg:$0x1] =	wrdreg $0xFFFFFFFF  }
0xa7: {  	s28 =	simm.s32 $_size_execute0_lowered;
	s2 =	sadd.s32 s2, s4;
	[dreg:$0x0] =	wrdreg $0x0  }
0xa8: {  	s4 =	sshll.u32 s28, $0x1;
	[dreg:$0x2] =	wrdreg s2  }
0xa9: {  	[dreg:$0x3] =	wrdreg s4  }
0xaa: {  	[dreg:$0x4] =	wrdreg $0xC0  }
0xab: {  	_ =	task [dreg:s6], $0x5FFFF  }
0xac: {  	[dreg:$0x1] =	wrdreg $0xFFFFFFFF  }
0xad: {  	[dreg:$0x0] =	wrdreg $0x60  }
0xae: {  	[dreg:$0x2] =	wrdreg s24  }
0xaf: {  	[dreg:$0x3] =	wrdreg $0x91000  }
0xb0: {  	[dreg:$0x4] =	wrdreg $0x9  }
0xb1: {  	_ =	task.clear_ibuf [dreg:s6], $0x5FFFF;
	_ =	strace $0x9000004F  }
0xb2: {  	s29 =	simm.s32 $0x9;
	_ =	strace $0x80000051  }
0xb3: {  	_ =	swait.ge [sflag:s29], $0x1  }
0xb4: {  	[sflag:s29] =	ssyncadd.s32 $0xFFFFFFFF  }
0xb5: {  	_ =	strace $0x90000051  }
0xb6: {  	_ =	sfence  }
0xb7: {  	s30 =	sld [smem:$0x0];
	_ =	sdelay $0x2  }
0xb8: {  	s31 =	sshll.u32 s1, $0xD;
	s1 =	sshrl.u32 s1, $0x2  }
0xb9: {  	s3 =	sand.u32 $0x4000, s31;
	s1 =	sadd.s32 s1, s30  }
0xba: {  	s0 =	sor.u32 s3, s0;
	s1 =	sshll.u32 s1, $0x11  }
0xbb: {  	s0 =	sor.u32 s1, s0  }
0xbc: {  	s0 =	sadd.s32 $0x8F2B, s0  }
0xbd: {  	[sflag:s0] =	ssyncadd.remote.s32 $0x1  }
0xbe: {  	_ =	sfence.sel $0xFFFF  }
0xbf: {  	[dreg:$0x0] =	wrdreg $0xFFFFFFFF;
	(pc) =	sbr.abs _section_cstart, $3  }
0xc0: {  	[dreg:$0x1] =	wrdreg $0xFFFFFFFF  }
0xc1: {  	_ =	task.clear_ibuf [dreg:s6], $0x2FFFF;
	_ =	strace $0x9FFFFFFF  }
0xc2: {  	(tm) =	ssettm $0x7FFFFFFF  }
0xc3: {  	_ =	shalt  }
tec
execute0_lowered:
.L_overlay_start_1:
0x0: {  	(tag) =	ssettag $0x1  }
0x1: {  	s8 =	rddreg [dreg:$0x0]  }
0x2: {  	s1 =	rddreg [dreg:$0x1]  }
0x3: {  	s0 =	rddreg [dreg:$0x2]  }
0x4: {  	s3 =	simm.s32 $0x0;
	s2 =	srdreg.scid;
	s16 =	simm.s32 $0x60  }
0x5: {  	s17 =	simm.s32 $0x100;
	s18 =	simm.s32 $0x1;
	s9 =	sand.u32 $0x1, s2  }
0x6: {  	s19 =	simm.s32 $0x3100;
	s2 =	stileid.u32;
	s10 =	smul.u32 $0x28000, s9  }
0x7: {  	[smem:$0x7FF] =	sst s3;
	s4 =	sadd.s32 $0x6400, s8;
	s11 =	smul.u32 $0x2780, s2  }
0x8: {  	s5 =	sadd.s32 $0x10600, s8;
	s6 =	sadd.s32 $0x42800, s8;
	s12 =	smul.u32 $0x4F000, s2  }
0x9: {  	s7 =	sadd.s32 $0x1A800, s8;
	_ =	strace $0x80000050;
	s13 =	smul.u32 $0x2880, s9  }
0xa: {  	s29 =	ssub.s32 $0x2, s9;
	s14 =	sshll.u32 s2, $0x1;
	s15 =	smul.u32 $0x5100, s2  }
0xb: {  	s30 =	sshrl.u32 s29, $0x1;
	s9 =	sor.u32 s9, s14;
	s14 =	simm.s32 $0x2  }
0xc: {  	s10 =	sadd.s32 s11, s10;
	s12 =	sshrl.u32 s12, $0x2;
	s11 =	ssub.s32 s29, s30  }
0xd: {  	s9 =	smul.u32 $0x2880, s9;
	s31 =	sadd.s32 s15, s13;
	s13 =	simm.s32 $0x6100  }
0xe: {  	s15 =	simm.s32 $0x80;
	s10 =	sadd.s32 s10, s8;
	s8 =	sadd.s32 s12, s1  }
0xf: {  	v0 =	vimm.f32 $0.0e+00;
	v1 =	vimm.s32 $0x0;
	s11 =	smax.u32 s11, $0x1;
	s12 =	ssub.s32 $0x50910, s31;
	s10 =	sadd.s32 $0x6A800, s10  }
.LBB2_1:
0x10: {  	s20 =	simm.s32 $0x0;
	s21 =	simm.s32 $0x200  }
.LBB2_2:
0x11: {  	p0 =	sne.s32 s21, $0xBE00;
	[tilespmem:s20+$0x6170] =	vst v0  }
0x12: {  	[tilespmem:s20+$0x6100] =	vst v0  }
0x13: {  	[tilespmem:s20+$0x6110] =	vst v0  }
.Ltmp0:
0x14: {  	[tilespmem:s20+$0x6120] =	vst v0;
	(pc) =	sbr.rel @p0 .LBB2_2-.Ltmp0, $4  }
0x15: {  	[tilespmem:s20+$0x6130] =	vst v0  }
0x16: {  	[tilespmem:s20+$0x6140] =	vst v0  }
0x17: {  	[tilespmem:s20+$0x6150] =	vst v0  }
0x18: {  	[tilespmem:s20+$0x6160] =	vst v0;
	s20 =	sshra.s32 s21, $0x2;
	s21 =	sadd.s32 $0x200, s21  }
0x19: {  	[tilespmem:s20+$0x6170] =	vst v0  }
0x1a: {  	[tilespmem:s20+$0x6100] =	vst v0  }
0x1b: {  	[tilespmem:s20+$0x6110] =	vst v0  }
0x1c: {  	[tilespmem:s20+$0x6120] =	vst v0  }
0x1d: {  	[tilespmem:s20+$0x6130] =	vst v0  }
0x1e: {  	[tilespmem:s20+$0x6140] =	vst v0  }
0x1f: {  	[tilespmem:s20+$0x6150] =	vst v0  }
0x20: {  	[tilespmem:s20+$0x6160] =	vst v0;
	s31 =	sadd.s32 $0x0, s8  }
0x21: {  	[spmem:s31] =	stream.linear.scatter [tilespmem:s13], [sflag:$0x2], $0x400, $0x38;
	[tilespmem:$0x1CD00] =	vst v63  }
0x22: {  	s20 =	simm.s32 $0x1000;
	_ =	swait.ge [sflag:s14], $0x400  }
.LBB2_4:
0x23: {  	s21 =	sshra.s32 s20, $0x2;
	[sflag:s14] =	ssyncset.done $0x0;
	p0 =	sne.s32 s20, $0x4E000  }
.Ltmp1:
0x24: {  	s21 =	sadd.s32 s21, s8;
	[sflag:s14] =	ssyncadd.s32 $0xFFFFFC00;
	(pc) =	sbr.rel @p0 .LBB2_4-.Ltmp1, $3  }
0x25: {  	[spmem:s21] =	stream.linear.scatter [tilespmem:s13], [sflag:$0x2], $0x400, $0x38;
	[tilespmem:$0x1CD00] =	vst v63  }
0x26: {  	s20 =	sadd.s32 $0x1000, s20;
	_ =	sdelay $0x1  }
0x27: {  	_ =	swait.ge [sflag:s14], $0x400  }
0x28: {  	[sflag:s14] =	ssyncset.done $0x0  }
0x29: {  	s20 =	simm.s32 $0x0;
	[sflag:s14] =	ssyncadd.s32 $0xFFFFFC00  }
0x2a: {  	s21 =	smov.u32 s12;
	s22 =	simm.s32 $0x0;
	[bflag:$0x0] =	sbarrier.arrive $0xFFFF  }
.LBB2_6:
0x2b: {  	s23 =	smul.u32 $0x60, s22;
	_ =	sdelay $0x1  }
0x2c: {  	s23 =	sadd.s32 s9, s23  }
0x2d: {  	s23 =	sshrl.u32 s23, $0x3  }
0x2e: {  	s24 =	sadd.s32 s4, s23  }
0x2f: {  	[tilespmem:s20], [sflag:$0x2] =	stream.linear.gather [hbm4b:s24+s20], $0x60, $0x38;
	[tilespmem:$0x1CD00] =	vst v63  }
0x30: {  	_ =	swait.ge [sflag:s14], $0x60  }
0x31: {  	[sflag:s14] =	ssyncset.done $0x0  }
0x32: {  	s23 =	sadd.s32 s5, s23;
	[sflag:s14] =	ssyncadd.s32 $0xFFFFFFA0  }
0x33: {  	[tilespmem:s15], [sflag:$0x2] =	stream.linear.gather [hbm4b:s23+s20], $0x60, $0x38;
	[tilespmem:$0x1CD00] =	vst v63  }
0x34: {  	_ =	swait.ge [sflag:s14], $0x60  }
0x35: {  	[sflag:s14] =	ssyncset.done $0x0  }
0x36: {  	[sflag:s14] =	ssyncadd.s32 $0xFFFFFFA0  }
0x37: {  	[tilespmem:s17], [sflag:$0x1] =	stream.indirect.gather [hbm4b:s6+s16], $0x80, s20, s16, $0xb8;
	[tilespmem:$0x1CD00] =	vst v63  }
0x38: {  	_ =	swait.ge [sflag:s18], $0x3000  }
0x39: {  	[sflag:s18] =	ssyncset.done $0x0  }
0x3a: {  	[sflag:s18] =	ssyncadd.s32 $0xFFFFD000  }
0x3b: {  	[tilespmem:s19], [sflag:$0x1] =	stream.indirect.gather [hbm4b:s7+s16], $0x80, s15, s16, $0xb8;
	[tilespmem:$0x1CD00] =	vst v63  }
0x3c: {  	_ =	swait.ge [sflag:s18], $0x3000  }
0x3d: {  	[sflag:s18] =	ssyncset.done $0x0  }
0x3e: {  	s23 =	simm.s32 $0x0;
	[sflag:s18] =	ssyncadd.s32 $0xFFFFD000  }
0x3f: {  	v2 =	vld [tilespmem:s23+$0x100]  }
0x40: {  	v3 =	vld [tilespmem:s23+$0x3100];
	_ =	sdelay $0x4  }
0x41: {  	s24 =	simm.s32 $0x80;
	v2 =	vadd.f32 v3, v2  }
0x42: {  	v4 =	vld [tilespmem:s24+$0x100]  }
0x43: {  	v5 =	vld [tilespmem:s24+$0x3100];
	v3 =	vmul.f32 $2.000000030e-01, v2;
	_ =	sdelay $0x1  }
0x44: {  	v2 =	vmax.f32 v2, v3  }
0x45: {  	v2 =	vmul.f32 $1.442695020e+00, v2  }
0x46: {  	s25 =	simm.s32 $0x100  }
0x47: {  	v6 =	vld [tilespmem:s25+$0x3100];
	(erf) = vpow2.f32 v2;
	v2 =	vadd.f32 v5, v4  }
0x48: {  	v3 =	vld [tilespmem:s25+$0x100]  }
0x49: {  	v4 =	vmul.f32 $2.000000030e-01, v2;
	_ =	sdelay $0x1  }
0x4a: {  	v2 =	vmax.f32 v2, v4  }
0x4b: {  	s26 =	simm.s32 $0x180;
	v4 =	vmul.f32 $1.442695020e+00, v2  }
0x4c: {  	v5 =	vadd.f32 v6, v3;
	v3 =	vmov s21;
	v2 =	vld [tilespmem:s26+$0x100]  }
0x4d: {  	vm0 =	vgt.s32 v3, $0x0;
	(erf) = vpow2.f32 v4;
	v4 =	vld [tilespmem:s26+$0x3100]  }
0x4e: {  	v6 =	vmul.f32 $2.000000030e-01, v5;
	v3 =	vsel vm0, $0x3F800000, v1  }
0x4f: {  	v3 =	vbroadcast v3, $0x0  }
0x50: {  	s29 =	simm.s32 $0x800;
	s28 =	smov.u32 s21;
	v6 =	vmax.f32 v5, v6;
	v5 =	vpop (erf)  }
.LBB2_7:
0x51: {  	s30 =	sshra.s32 s29, $0x2;
	v6 =	vmul.f32 $1.442695020e+00, v6;
	v3 =	vmul.f32 v5, v3;
	s28 =	sadd.s32 $0xFFFFFFFF, s28;
	p0 =	sne.s32 s29, $0xBE00  }
.Ltmp2:
0x52: {  	s29 =	sadd.s32 $0x200, s29;
	v5 =	vadd.f32 v4, v2;
	v2 =	vld [tilespmem:s30+$0x100];
	v7 =	vmov s28;
	(pc) =	sbr.rel @p0 .LBB2_7-.Ltmp2, $4  }
0x53: {  	v4 =	vld [tilespmem:s30+$0x3100];
	(erf) = vpow2.f32 v6;
	vm0 =	vgt.s32 v7, $0x0;
	[tilespmem:s23+$0x6100] =	vst v3;
	s23 =	smov.u32 s24;
	s24 =	smov.u32 s25;
	s25 =	smov.u32 s26  }
0x54: {  	s26 =	smov.u32 s30;
	v6 =	vmul.f32 $2.000000030e-01, v5;
	v3 =	vsel vm0, $0x3F800000, v1  }
0x55: {  	v3 =	vbroadcast v3, $0x0  }
0x56: {  	v6 =	vmax.f32 v5, v6;
	v5 =	vpop (erf)  }
0x57: {  	_ = 	snop  }
0x58: {  	v2 =	vadd.f32 v4, v2;
	_ =	sdelay $0x1  }
0x59: {  	v4 =	vmul.f32 $2.000000030e-01, v2;
	_ =	sdelay $0x1  }
0x5a: {  	v6 =	vmul.f32 $1.442695020e+00, v6;
	v2 =	vmax.f32 v2, v4  }
0x5b: {  	v2 =	vmul.f32 $1.442695020e+00, v2  }
0x5c: {  	(erf) = vpow2.f32 v6  }
0x5d: {  	(erf) = vpow2.f32 v2  }
0x5e: {  	s28 =	sadd.s32 $0xFFFFFFFF, s28  }
0x5f: {  	v2 =	vmov s28;
	s28 =	sadd.s32 $0xFFFFFFFF, s28  }
0x60: {  	vm0 =	vgt.s32 v2, $0x0;
	v2 =	vmov s28;
	s28 =	sadd.s32 $0xFFFFFFFF, s28  }
0x61: {  	vm14 =	vgt.s32 v2, $0x0;
	v2 =	vmov s28  }
0x62: {  	v58 =	vsel vm0, $0x3F800000, v1  }
0x63: {  	v4 =	vbroadcast v58, $0x0;
	v59 =	vsel vm14, $0x3F800000, v1;
	vm15 =	vgt.s32 v2, $0x0  }
0x64: {  	v3 =	vmul.f32 v5, v3;
	v60 =	vbroadcast v59, $0x0;
	v61 =	vsel vm15, $0x3F800000, v1;
	v2 =	vpop (erf)  }
0x65: {  	v6 =	vbroadcast v61, $0x0;
	v2 =	vmul.f32 v2, v4;
	v62 =	vpop (erf)  }
0x66: {  	[tilespmem:s23+$0x6100] =	vst v3;
	v3 =	vmul.f32 v62, v60;
	v63 =	vpop (erf)  }
0x67: {  	s22 =	sadd.s32 $0x1, s22;
	[tilespmem:s24+$0x6100] =	vst v2;
	v2 =	vmul.f32 v63, v6  }
0x68: {  	p0 =	sne.s32 s22, $0x6C;
	[tilespmem:s25+$0x6100] =	vst v3  }
.Ltmp3:
0x69: {  	[tilespmem:s26+$0x6100] =	vst v2;
	(pc) =	sbr.rel @p0 .LBB2_6-.Ltmp3, $4  }
0x6a: {  	[spmem:s1] =	stream.indirect.scatter.add.f32 [tilespmem:s13], [sflag:$0x2], $0x80, s15, s16, $0xb8;
	[tilespmem:$0x1CD00] =	vst v63  }
0x6b: {  	_ =	swait.ge [sflag:s14], $0x3000  }
0x6c: {  	[sflag:s14] =	ssyncset.done $0x0  }
0x6d: {  	s21 =	sadd.s32 $0xFFFFFFA0, s21;
	[sflag:s14] =	ssyncadd.s32 $0xFFFFD000  }
0x6e: {  	s3 =	sadd.s32 $0x1, s3  }
0x6f: {  	s20 =	sshll.u32 s2, $0x6;
	[bflag:$0x0] =	sbarrier.arrive $0xFFFF;
	p0 =	sne.s32 s3, s11  }
.Ltmp4:
0x70: {  	s21 =	sshrl.u32 s8, $0x3;
	s20 =	sor.u32 $0x1C02, s20;
	(pc) =	sbr.rel @p0 .LBB2_1-.Ltmp4, $4  }
0x71: {  	[hbm:s10], [sflag:s20] =	dma.local [spmem:s21], $0x2780  }
0x72: {  	_ =	swait.ge [sflag:s14], $0x2780  }
0x73: {  	[sflag:s14] =	ssyncset.done $0x0  }
0x74: {  	[sflag:s14] =	ssyncadd.s32 $0xFFFFD880  }
0x75: {  	_ =	sfence.sel $0x180000  }
0x76: {  	[bflag:$0x0] =	sbarrier.arrive $0xFFFF  }
0x77: {  	p0 =	sne.s32 s2, $0x0;
	_ =	strace $0x90000050  }
0x78: {  	s0 =	sadd.s32 @!p0 $0x100000, s0;
	[bflag:$0x2] =	sbarrier.arrive $0xFFFF  }
0x79: {  	[sflag:s0] =	ssyncadd.tile.s32 @!p0 $0x1;
	_ =	shalt  }
.Lfunc_end2:
_tile_overlayer_lowered:
.L_overlay_start_2:
0x7a: {  	(tag) =	ssettag $0x2  }
0x7b: {  	s0 =	rddreg [dreg:$0x0];
	s2 =	stileid.u32  }
0x7c: {  	s1 =	rddreg [dreg:$0x1];
	p0 =	sne.s32 s2, $0x0  }
0x7d: {  	s3 =	rddreg [dreg:$0x2];
	[bflag:$0x3] =	sbarrier.arrive $0xFFFF;
	s2 =	simm.s32 @!p0 $0x1C02  }
0x7e: {  	[timem:s3], [sflag:s2] =	dma.local @!p0 [hbm:s0], s1  }
0x7f: {  	s0 =	simm.s32 @!p0 $0x2  }
0x80: {  	_ =	swait.ge @!p0 [sflag:s0], s1  }
0x81: {  	s1 =	ssub.s32 @!p0 $0x0, s1;
	[sflag:s0] =	ssyncset.done @!p0 $0x0  }
0x82: {  	[sflag:s0] =	ssyncadd.s32 @!p0 s1  }
0x83: {  	[bflag:$0x3] =	sbarrier.arrive $0xFFFF  }
0x84: {  	_ =	shalt  }

// kernel: kernel.26.cloned.1.call-start
scs
__scs_entry_jumppad:
0x0: {  	(pc) =	sbr.rel $0x88, $3  }
0x1: {  	(tag) =	ssettag $0x0;
	lr =	simm.s32 $0x1  }
0x2: {  	[smem:$0x3F8F] =	sst lr;
	_ =	strace $0xD0000000  }
0x3: {  	_ = 	snop  }
0x4: {  	_ = 	snop  }
0x5: {  	_ = 	snop  }
0x6: {  	_ = 	snop  }
0x7: {  	_ = 	snop  }
__scs_overlays_trampoline_lowered:
0x8: {  	[smem:$0x3F9E] =	sst s0  }
0x9: {  	[smem:$0x3F9F] =	sst s1  }
0xa: {  	[smem:$0x3FA0] =	sst s2  }
0xb: {  	[smem:$0x3FA1] =	sst s3  }
0xc: {  	[smem:$0x3FA2] =	sst s4  }
0xd: {  	[smem:$0x3FA3] =	sst s5  }
0xe: {  	[smem:$0x3FA4] =	sst s6  }
0xf: {  	[smem:$0x3FA5] =	sst s7  }
0x10: {  	[smem:$0x3FA6] =	sst s8  }
0x11: {  	[smem:$0x3FA7] =	sst s9;
	s0 =	simm.s32 @!p0 $0x0  }
0x12: {  	s1 =	sld [smem:$0x3F8D];
	s0 =	simm.s32 @p0 $0x1  }
0x13: {  	[smem:$0x3FA8] =	sst s0;
	s0 =	simm.s32 @!p1 $0x0  }
0x14: {  	s2 =	sld [smem:$0x3F8C];
	s0 =	simm.s32 @p1 $0x1  }
0x15: {  	[smem:$0x3FA9] =	sst s0;
	s0 =	simm.s32 @!p2 $0x0  }
0x16: {  	s3 =	sld [smem:$0x3FDB];
	s0 =	simm.s32 @p2 $0x1  }
0x17: {  	s4 =	simm.s32 $0x1BF5;
	[smem:$0x3FAB] =	sst s0  }
0x18: {  	s0 =	sld [smem:$0x3F8E];
	_ =	swait.ge [sflag:s4], $0x0  }
0x19: {  	s7 =	sld [smem:$0x3F8F]  }
0x1a: {  	s8 =	sadd.s32 $0xFFFFE003, lr  }
0x1b: {  	s9 =	sadd.s32 $0xFFFFFEF7, lr;
	s5 =	simm.s32 $0xFFFFFFFF;
	p2 =	slt.u32 s8, $0xFFFFF086  }
0x1c: {  	p1 =	slt.u32 s9, $0xF7A;
	s5 =	simm.s32 @!p2 $0x0  }
0x1d: {  	s5 =	simm.s32 @p1 $0x1;
	p0 =	seq.s32 s7, s2  }
0x1e: {  	s7 =	smul.u32 @!p0 $0xF7A, s2;
	p2 =	seq.s32 @!p0 s5, $0x0  }
0x1f: {  	s9 =	smul.u32 $0xF7A, s1;
	s8 =	simm.s32 @!p0 $0x1BF5;
	p2 =	por !p2, p0  }
0x20: {  	[sflag:s8] =	ssyncset.s32 @!p0 $0xFFFFF086;
	s6 =	sadd.s32 @!p0 s3, s7;
	s7 =	simm.s32 @!p0 $0x108  }
0x21: {  	s3 =	sadd.s32 s3, s9;
	s6 =	sadd.s32 @!p0 $0x88, s6;
	s7 =	simm.s32 @p2 $0x1082  }
0x22: {  	[simem:s7], [sflag:s8] =	dma.local @!p0 [hbm:s6], $0xF7A  }
0x23: {  	s9 =	sor.u32 $0xD0000000, s2;
	s6 =	simm.s32 $0x108;
	_ =	swait.ge @!p0 [sflag:s8], $0x0  }
0x24: {  	s3 =	sadd.s32 $0x88, s3;
	s6 =	simm.s32 @!p1 $0x1082;
	[sflag:s4] =	ssyncset.s32 $0xFFFFF086  }
0x25: {  	[simem:s6], [sflag:s4] =	dma.local [hbm:s3], $0xF7A  }
0x26: {  	[smem:$0x3F8F] =	sst s1;
	(tag) =	ssettag s2;
	_ =	strace s9  }
0x27: {  	s1 =	sld [smem:$0x3F9F]  }
0x28: {  	s2 =	sld [smem:$0x3FA0]  }
0x29: {  	s4 =	sld [smem:$0x3FA2]  }
0x2a: {  	p0 =	seq.s32 s5, $0x0;
	s5 =	sld [smem:$0x3FA3]  }
0x2b: {  	s6 =	sld [smem:$0x3FA4]  }
0x2c: {  	s7 =	sld [smem:$0x3FA5]  }
0x2d: {  	s3 =	simm.s32 $0x108;
	s8 =	sld [smem:$0x3FA6]  }
0x2e: {  	s3 =	simm.s32 @!p0 $0x1082;
	s9 =	sld [smem:$0x3FA7]  }
0x2f: {  	lr =	sadd.s32 s0, s3;
	s0 =	sld [smem:$0x3F9E]  }
0x30: {  	s3 =	sld [smem:$0x3FA1]  }
0x31: {  	[smem:$0x3FAA] =	sst s10  }
0x32: {  	s10 =	sld [smem:$0x3FA8];
	_ =	sdelay $0x3  }
0x33: {  	p0 =	seq.s32 s10, $0x1;
	s10 =	sld [smem:$0x3FAA];
	_ =	sdelay $0x3  }
0x34: {  	[smem:$0x3FAA] =	sst s10  }
0x35: {  	s10 =	sld [smem:$0x3FA9];
	_ =	sdelay $0x3  }
0x36: {  	p1 =	seq.s32 s10, $0x1;
	s10 =	sld [smem:$0x3FAA];
	_ =	sdelay $0x3  }
0x37: {  	[smem:$0x3FAA] =	sst s10  }
0x38: {  	s10 =	sld [smem:$0x3FAB]  }
0x39: {  	_ = 	snop;
	(pc) =	sbr.ind lr, $3  }
0x3a: {  	_ = 	snop  }
0x3b: {  	_ = 	snop  }
0x3c: {  	p2 =	seq.s32 s10, $0x1;
	s10 =	sld [smem:$0x3FAA]  }
0x3d: {  	_ =	shalt  }
0x3e: {  	_ =	shalt  }
0x3f: {  	_ =	shalt  }
0x40: {  	_ =	shalt  }
0x41: {  	_ =	shalt  }
0x42: {  	_ =	shalt  }
0x43: {  	_ =	shalt  }
0x44: {  	_ =	shalt  }
0x45: {  	_ =	shalt  }
0x46: {  	_ =	shalt  }
0x47: {  	_ =	shalt  }
0x48: {  	_ =	shalt  }
0x49: {  	_ =	shalt  }
0x4a: {  	_ =	shalt  }
0x4b: {  	_ =	shalt  }
0x4c: {  	_ =	shalt  }
0x4d: {  	_ =	shalt  }
0x4e: {  	_ =	shalt  }
0x4f: {  	_ =	shalt  }
0x50: {  	_ =	shalt  }
0x51: {  	_ =	shalt  }
0x52: {  	_ =	shalt  }
0x53: {  	_ =	shalt  }
0x54: {  	_ =	shalt  }
0x55: {  	_ =	shalt  }
0x56: {  	_ =	shalt  }
0x57: {  	_ =	shalt  }
0x58: {  	_ =	shalt  }
0x59: {  	_ =	shalt  }
0x5a: {  	_ =	shalt  }
0x5b: {  	_ =	shalt  }
0x5c: {  	_ =	shalt  }
0x5d: {  	_ =	shalt  }
0x5e: {  	_ =	shalt  }
0x5f: {  	_ =	shalt  }
0x60: {  	_ =	shalt  }
0x61: {  	_ =	shalt  }
0x62: {  	_ =	shalt  }
0x63: {  	_ =	shalt  }
0x64: {  	_ =	shalt  }
0x65: {  	_ =	shalt  }
0x66: {  	_ =	shalt  }
0x67: {  	_ =	shalt  }
0x68: {  	_ =	shalt  }
0x69: {  	_ =	shalt  }
0x6a: {  	_ =	shalt  }
0x6b: {  	_ =	shalt  }
0x6c: {  	_ =	shalt  }
0x6d: {  	_ =	shalt  }
0x6e: {  	_ =	shalt  }
0x6f: {  	_ =	shalt  }
0x70: {  	_ =	shalt  }
0x71: {  	_ =	shalt  }
0x72: {  	_ =	shalt  }
0x73: {  	_ =	shalt  }
0x74: {  	_ =	shalt  }
0x75: {  	_ =	shalt  }
0x76: {  	_ =	shalt  }
0x77: {  	_ =	shalt  }
0x78: {  	_ =	shalt  }
0x79: {  	_ =	shalt  }
0x7a: {  	_ =	shalt  }
0x7b: {  	_ =	shalt  }
0x7c: {  	_ =	shalt  }
0x7d: {  	_ =	shalt  }
0x7e: {  	_ =	shalt  }
0x7f: {  	_ =	shalt  }
0x80: {  	_ =	shalt  }
0x81: {  	_ =	shalt  }
0x82: {  	_ =	shalt  }
0x83: {  	_ =	shalt  }
0x84: {  	_ =	shalt  }
0x85: {  	_ =	shalt  }
0x86: {  	_ =	shalt  }
0x87: {  	_ =	shalt  }
.Lfunc_end0:
.L_simem_size_0:
called_computation.5_lowered:
.L_overlay_start_0:
0x88: {  	s2 =	sld [smem:$0x3FD9]  }
0x89: {  	s3 =	sld [smem:$0x3FFE];
	_ =	sdelay $0x1  }
0x8a: {  	s1 =	srdreg.scid  }
0x8b: {  	s0 =	sand.u32 $0x1, s1  }
0x8c: {  	s17 =	sshll.u32 s0, $0xA;
	s2 =	sadd.s32 s3, s2  }
0x8d: {  	s2 =	sadd.s32 s2, s17  }
0x8e: {  	[smem:$0x3FB6] =	sst s2  }
0x8f: {  	_ = 	snop  }
0x90: {  	s2 =	sld [smem:$0x3FD0];
	(tm) =	ssettm $0x1  }
0x91: {  	s18 =	sld [smem:$0x3FFB];
	_ =	sdelay $0x3  }
0x92: {  	_ =	strace s18  }
0x93: {  	s3 =	sld [smem:$0x3FFC];
	_ =	sdelay $0x3  }
0x94: {  	_ =	strace s3  }
0x95: {  	s3 =	sld [smem:$0x3FFD];
	_ =	sdelay $0x3  }
0x96: {  	_ =	strace s3  }
0x97: {  	_ =	strace $0x8FFFFFFF  }
0x98: {  	s19 =	sld [smem:$0x3FDB];
	_ =	sdelay $0x1  }
0x99: {  	s4 =	simm.s32 $_scs_section_size  }
0x9a: {  	s5 =	simm.s32 $_size__tile_overlayer_lowered;
	s6 =	simm.s32 $_tile_overlayer_lowered  }
0x9b: {  	s22 =	simm.s32 $0x1BFF;
	s21 =	sshll.u32 s6, $0x1;
	s3 =	sadd.s32 s4, s19  }
0x9c: {  	s7 =	simm.s32 $0x0;
	s20 =	sshll.u32 s5, $0x1;
	s5 =	sadd.s32 s21, s3  }
0x9d: {  	[timem:s7], [sflag:s22] =	dma.local [hbm:s5], s20  }
0x9e: {  	_ =	swait.ge [sflag:s22], s20  }
0x9f: {  	s4 =	ssub.s32 $0x0, s20;
	[sflag:s22] =	ssyncset.done $0x0  }
0xa0: {  	[sflag:s22] =	ssyncadd.s32 s4;
	_ =	sdelay $0x1  }
0xa1: {  	s23 =	simm.s32 $0x1B8B  }
0xa2: {  	_ =	swait.ge [sflag:s23], $0x1  }
0xa3: {  	[sflag:s23] =	ssyncset.done $0x0  }
0xa4: {  	s25 =	simm.s32 $0x1B8E;
	s24 =	sld [smem:$0x3FFE];
	[sflag:s23] =	ssyncadd.s32 $0xFFFFFFFF  }
0xa5: {  	s26 =	simm.s32 $execute0_lowered;
	[smem:$0x3FD2] =	sst s25  }
0xa6: {  	s5 =	sshll.u32 s26, $0x1;
	_ =	strace $0x80000052;
	[dreg:$0x1] =	wrdreg $0xFFFFFFFF  }
0xa7: {  	s28 =	simm.s32 $_size_execute0_lowered;
	s3 =	sadd.s32 s3, s5;
	[dreg:$0x0] =	wrdreg $0x0  }
0xa8: {  	s5 =	sshll.u32 s28, $0x1;
	[dreg:$0x2] =	wrdreg s3  }
0xa9: {  	[dreg:$0x3] =	wrdreg s5  }
0xaa: {  	[dreg:$0x4] =	wrdreg $0xC0  }
0xab: {  	_ =	task [dreg:s7], $0x5FFFF  }
0xac: {  	[dreg:$0x1] =	wrdreg $0xFFFFFFFF  }
0xad: {  	[dreg:$0x0] =	wrdreg $0x60  }
0xae: {  	[dreg:$0x2] =	wrdreg s24  }
0xaf: {  	[dreg:$0x3] =	wrdreg s2  }
0xb0: {  	[dreg:$0x4] =	wrdreg $0xB5800  }
0xb1: {  	[dreg:$0x5] =	wrdreg $0x9  }
0xb2: {  	_ =	task.clear_ibuf [dreg:s7], $0x6FFFF;
	_ =	strace $0x90000052  }
0xb3: {  	s29 =	simm.s32 $0x9;
	_ =	strace $0x80000054  }
0xb4: {  	_ =	swait.ge [sflag:s29], $0x1  }
0xb5: {  	[sflag:s29] =	ssyncadd.s32 $0xFFFFFFFF  }
0xb6: {  	_ =	strace $0x90000054  }
0xb7: {  	_ =	sfence  }
0xb8: {  	s30 =	sld [smem:$0x0];
	_ =	sdelay $0x2  }
0xb9: {  	s31 =	sshll.u32 s1, $0xD;
	s1 =	sshrl.u32 s1, $0x2  }
0xba: {  	s3 =	sand.u32 $0x4000, s31;
	s1 =	sadd.s32 s1, s30  }
0xbb: {  	s0 =	sor.u32 s3, s0;
	s1 =	sshll.u32 s1, $0x11  }
0xbc: {  	s0 =	sor.u32 s1, s0  }
0xbd: {  	s0 =	sadd.s32 $0x8F2B, s0  }
0xbe: {  	[sflag:s0] =	ssyncadd.remote.s32 $0x1  }
0xbf: {  	_ =	sfence.sel $0xFFFF  }
0xc0: {  	[dreg:$0x0] =	wrdreg $0xFFFFFFFF;
	(pc) =	sbr.abs _section_cstart, $3  }
0xc1: {  	[dreg:$0x1] =	wrdreg $0xFFFFFFFF  }
0xc2: {  	_ =	task.clear_ibuf [dreg:s7], $0x2FFFF;
	_ =	strace $0x9FFFFFFF  }
0xc3: {  	(tm) =	ssettm $0x7FFFFFFF  }
tec
execute0_lowered:
.L_overlay_start_1:
0x0: {  	(tag) =	ssettag $0x1  }
0x1: {  	s0 =	rddreg [dreg:$0x0]  }
0x2: {  	s1 =	rddreg [dreg:$0x1]  }
0x3: {  	s10 =	rddreg [dreg:$0x2];
	s14 =	simm.s32 $0x0;
	s2 =	srdreg.scid  }
0x4: {  	s11 =	stileid.u32;
	s17 =	simm.s32 $0xB100;
	s18 =	simm.s32 $0x2  }
0x5: {  	s19 =	simm.s32 $0x80;
	s20 =	simm.s32 $0x8500;
	s21 =	simm.s32 $0x8D00  }
0x6: {  	s22 =	simm.s32 $0x1;
	s23 =	simm.s32 $0x20;
	s28 =	simm.s32 $0x0  }
0x7: {  	[smem:$0x7FF] =	sst s14;
	s2 =	sand.u32 $0x1, s2;
	s4 =	smul.u32 $0x2780, s11  }
0x8: {  	s5 =	sadd.s32 $0x6400, s0;
	s6 =	sadd.s32 $0x10600, s0;
	s9 =	smul.u32 $0x4F000, s11  }
0x9: {  	s7 =	sadd.s32 $0x1A800, s0;
	s8 =	sshll.u32 s11, $0x1;
	s29 =	smul.u32 $0x5100, s11  }
0xa: {  	s11 =	sadd.s32 $0x200, s1;
	s12 =	sadd.s32 $0x300, s1;
	s3 =	smul.u32 $0x28000, s2  }
0xb: {  	s24 =	sor.u32 s2, s8;
	s25 =	ssub.s32 $0x2, s2;
	s2 =	smul.u32 $0x2880, s2  }
0xc: {  	s13 =	sadd.s32 $0x400, s1;
	_ =	strace $0x80000053;
	s8 =	smul.u32 $0x2880, s24  }
0xd: {  	v3 =	vlaneseq.u32;
	v0 =	vimm.f32 $0.0e+00;
	s26 =	sshrl.u32 s25, $0x1;
	s9 =	sshrl.u32 s9, $0x2;
	s3 =	sadd.s32 s4, s3  }
0xe: {  	vm0 =	vmmov $0xffff;
	vm1 =	vmmov $0xff;
	v4 =	vimm.s32 $0x0;
	s24 =	simm.s32 $0x9100;
	s9 =	sadd.s32 s9, s10;
	s0 =	sadd.s32 s3, s0  }
0xf: {  	v5 =	vimm.s32 $0x8;
	v6 =	vimm.s32 $0x9;
	v7 =	vimm.s32 $0xA;
	s10 =	sadd.s32 $0x100, s1;
	s3 =	ssub.s32 s25, s26;
	s0 =	sadd.s32 $0x42800, s0  }
0x10: {  	v8 =	vimm.s32 $0xB;
	v9 =	vimm.s32 $0xC;
	v10 =	vimm.s32 $0xD;
	s30 =	sadd.s32 s29, s2;
	s31 =	smax.u32 s3, $0x1;
	[dreg:$0x5] =	wrdreg s0  }
0x11: {  	v11 =	vimm.s32 $0xE;
	v12 =	vimm.s32 $0xF;
	v2 =	vshrl.u32 v3, $0x3;
	s2 =	simm.s32 $0x7D00;
	[dreg:$0x6] =	wrdreg s31;
	s0 =	ssub.s32 $0x50910, s30  }
0x12: {  	v1 =	vand.u32 $0x7, v3;
	v3 =	vor.u32 $0x8, v3;
	v2 =	vmul.u32 $0x8, v2;
	s25 =	simm.s32 $0xB500;
	s26 =	simm.s32 $0xA100;
	[dreg:$0x7] =	wrdreg s0  }
.LBB2_1:
0x13: {  	[tilespmem:$0xB100] =	vst v0  }
0x14: {  	[tilespmem:$0xB110] =	vst v0  }
0x15: {  	[tilespmem:$0xB120] =	vst v0  }
0x16: {  	[tilespmem:$0xB130] =	vst v0  }
0x17: {  	[tilespmem:$0xB140] =	vst v0  }
0x18: {  	[tilespmem:$0xB150] =	vst v0  }
0x19: {  	[tilespmem:$0xB160] =	vst v0  }
0x1a: {  	[tilespmem:$0xB170] =	vst v0  }
0x1b: {  	[tilespmem:$0xB180] =	vst v0  }
0x1c: {  	[tilespmem:$0xB190] =	vst v0  }
0x1d: {  	[tilespmem:$0xB1A0] =	vst v0  }
0x1e: {  	[tilespmem:$0xB1B0] =	vst v0  }
0x1f: {  	[tilespmem:$0xB1C0] =	vst v0  }
0x20: {  	[tilespmem:$0xB1D0] =	vst v0  }
0x21: {  	[tilespmem:$0xB1E0] =	vst v0  }
0x22: {  	[tilespmem:$0xB1F0] =	vst v0  }
0x23: {  	[tilespmem:$0xB200] =	vst v0  }
0x24: {  	[tilespmem:$0xB210] =	vst v0  }
0x25: {  	[tilespmem:$0xB220] =	vst v0  }
0x26: {  	[tilespmem:$0xB230] =	vst v0  }
0x27: {  	[tilespmem:$0xB240] =	vst v0  }
0x28: {  	[tilespmem:$0xB250] =	vst v0  }
0x29: {  	[tilespmem:$0xB260] =	vst v0  }
0x2a: {  	[tilespmem:$0xB270] =	vst v0  }
0x2b: {  	[tilespmem:$0xB280] =	vst v0  }
0x2c: {  	[tilespmem:$0xB290] =	vst v0  }
0x2d: {  	[tilespmem:$0xB2A0] =	vst v0  }
0x2e: {  	[tilespmem:$0xB2B0] =	vst v0  }
0x2f: {  	[tilespmem:$0xB2C0] =	vst v0  }
0x30: {  	[tilespmem:$0xB2D0] =	vst v0  }
0x31: {  	[tilespmem:$0xB2E0] =	vst v0  }
0x32: {  	[tilespmem:$0xB2F0] =	vst v0  }
0x33: {  	[tilespmem:$0xB300] =	vst v0  }
0x34: {  	[tilespmem:$0xB310] =	vst v0  }
0x35: {  	[tilespmem:$0xB320] =	vst v0  }
0x36: {  	[tilespmem:$0xB330] =	vst v0  }
0x37: {  	[tilespmem:$0xB340] =	vst v0  }
0x38: {  	[tilespmem:$0xB350] =	vst v0  }
0x39: {  	[tilespmem:$0xB360] =	vst v0  }
0x3a: {  	[tilespmem:$0xB370] =	vst v0  }
0x3b: {  	[tilespmem:$0xB380] =	vst v0  }
0x3c: {  	[tilespmem:$0xB390] =	vst v0  }
0x3d: {  	[tilespmem:$0xB3A0] =	vst v0  }
0x3e: {  	[tilespmem:$0xB3B0] =	vst v0  }
0x3f: {  	[tilespmem:$0xB3C0] =	vst v0  }
0x40: {  	[tilespmem:$0xB3D0] =	vst v0  }
0x41: {  	[tilespmem:$0xB3E0] =	vst v0  }
0x42: {  	[tilespmem:$0xB3F0] =	vst v0  }
0x43: {  	[tilespmem:$0xB400] =	vst v0  }
0x44: {  	[tilespmem:$0xB410] =	vst v0  }
0x45: {  	[tilespmem:$0xB420] =	vst v0  }
0x46: {  	[tilespmem:$0xB430] =	vst v0  }
0x47: {  	[tilespmem:$0xB440] =	vst v0  }
0x48: {  	[tilespmem:$0xB450] =	vst v0  }
0x49: {  	[tilespmem:$0xB460] =	vst v0  }
0x4a: {  	[tilespmem:$0xB470] =	vst v0  }
0x4b: {  	[tilespmem:$0xB480] =	vst v0  }
0x4c: {  	[tilespmem:$0xB490] =	vst v0  }
0x4d: {  	[tilespmem:$0xB4A0] =	vst v0  }
0x4e: {  	[tilespmem:$0xB4B0] =	vst v0  }
0x4f: {  	[tilespmem:$0xB4C0] =	vst v0  }
0x50: {  	[tilespmem:$0xB4D0] =	vst v0  }
0x51: {  	[tilespmem:$0xB4E0] =	vst v0  }
0x52: {  	[dreg:$0x4] =	wrdreg s14;
	[tilespmem:$0xB4F0] =	vst v0;
	s0 =	sadd.s32 $0x0, s9  }
0x53: {  	[spmem:s0] =	stream.linear.scatter [tilespmem:s17], [sflag:$0x2], $0x400, $0x38;
	[tilespmem:$0x1F180] =	vst v63  }
0x54: {  	s0 =	simm.s32 $0x1000;
	_ =	swait.ge [sflag:s18], $0x400  }
.LBB2_2:
0x55: {  	s3 =	sshra.s32 s0, $0x2;
	[sflag:s18] =	ssyncset.done $0x0;
	p0 =	sne.s32 s0, $0x4E000  }
.Ltmp0:
0x56: {  	s3 =	sadd.s32 s3, s9;
	[sflag:s18] =	ssyncadd.s32 $0xFFFFFC00;
	(pc) =	sbr.rel @p0 .LBB2_2-.Ltmp0, $3  }
0x57: {  	[spmem:s3] =	stream.linear.scatter [tilespmem:s17], [sflag:$0x2], $0x400, $0x38;
	[tilespmem:$0x1F180] =	vst v63  }
0x58: {  	s0 =	sadd.s32 $0x1000, s0;
	_ =	sdelay $0x1  }
0x59: {  	_ =	swait.ge [sflag:s18], $0x400  }
0x5a: {  	[sflag:s18] =	ssyncset.done $0x0  }
0x5b: {  	[sflag:s18] =	ssyncadd.s32 $0xFFFFFC00  }
0x5c: {  	[bflag:$0x0] =	sbarrier.arrive $0xFFFF  }
0x5d: {  	s30 =	simm.s32 $0x0;
	s14 =	rddreg [dreg:$0x7]  }
.LBB2_4:
0x5e: {  	s0 =	sshll.u32 s30, $0x5  }
0x5f: {  	s0 =	sadd.s32 s8, s0  }
0x60: {  	s0 =	sshrl.u32 s0, $0x3  }
0x61: {  	s3 =	sadd.s32 s5, s0  }
0x62: {  	[tilespmem:s28], [sflag:$0x2] =	stream.linear.gather [hbm4b:s3+s28], $0x20, $0x38;
	[tilespmem:$0x1F180] =	vst v63  }
0x63: {  	_ =	swait.ge [sflag:s18], $0x20  }
0x64: {  	[sflag:s18] =	ssyncset.done $0x0  }
0x65: {  	s0 =	sadd.s32 s6, s0;
	[sflag:s18] =	ssyncadd.s32 $0xFFFFFFE0  }
0x66: {  	[tilespmem:s19], [sflag:$0x2] =	stream.linear.gather [hbm4b:s0+s28], $0x20, $0x38;
	[tilespmem:$0x1F180] =	vst v63  }
0x67: {  	_ =	swait.ge [sflag:s18], $0x20  }
0x68: {  	[sflag:s18] =	ssyncset.done $0x0  }
0x69: {  	[sflag:s18] =	ssyncadd.s32 $0xFFFFFFE0  }
0x6a: {  	v13 =	vld [tilespmem:$0x0];
	_ =	sdelay $0x4  }
0x6b: {  	v14 =	vshrl.u32 v13, $0x3  }
0x6c: {  	v14 =	vmul.u32 $0x48, v14  }
0x6d: {  	v13 =	vand.u32 $0x7, v13  }
0x6e: {  	v13 =	vor.u32 v13, v14  }
0x6f: {  	v14 =	vperm.xlane v13, v1;
	_ =	sdelay $0x1  }
0x70: {  	v14 =	vadd.s32 v2, v14;
	_ =	sdelay $0x3  }
0x71: {  	s16 =	simm.s32 $0x100  }
0x72: {  	[tilespmem:s16], [sflag:$0x1] =	stream.indirect_vreg.gather [hbm4b:s1+s28], $0x80, v14, vm0, $0xb8;
	[tilespmem:$0x1F180] =	vst v63  }
0x73: {  	s3 =	simm.s32 $0x900  }
0x74: {  	[tilespmem:s3], [sflag:$0x1] =	stream.indirect_vreg.gather [hbm4b:s10+s28], $0x80, v14, vm0, $0xb8;
	[tilespmem:$0x1F180] =	vst v63  }
0x75: {  	s4 =	simm.s32 $0x1100;
	v13 =	vperm.xlane v13, v3  }
0x76: {  	[tilespmem:s4], [sflag:$0x1] =	stream.indirect_vreg.gather [hbm4b:s11+s28], $0x80, v14, vm0, $0xb8;
	[tilespmem:$0x1F180] =	vst v63  }
0x77: {  	s15 =	simm.s32 $0x1900;
	v13 =	vadd.s32 v2, v13  }
0x78: {  	[tilespmem:s15], [sflag:$0x1] =	stream.indirect_vreg.gather [hbm4b:s12+s28], $0x80, v14, vm0, $0xb8;
	[tilespmem:$0x1F180] =	vst v63  }
0x79: {  	s16 =	simm.s32 $0x2100  }
0x7a: {  	[tilespmem:s16], [sflag:$0x1] =	stream.indirect_vreg.gather [hbm4b:s13+s28], $0x80, v14, vm1, $0xb8;
	[tilespmem:$0x1F180] =	vst v63  }
0x7b: {  	s3 =	simm.s32 $0x2500  }
0x7c: {  	[tilespmem:s3], [sflag:$0x1] =	stream.indirect_vreg.gather [hbm4b:s1+s28], $0x80, v13, vm0, $0xb8;
	[tilespmem:$0x1F180] =	vst v63  }
0x7d: {  	s4 =	simm.s32 $0x2D00  }
0x7e: {  	[tilespmem:s4], [sflag:$0x1] =	stream.indirect_vreg.gather [hbm4b:s10+s28], $0x80, v13, vm0, $0xb8;
	[tilespmem:$0x1F180] =	vst v63  }
0x7f: {  	s15 =	simm.s32 $0x3500  }
0x80: {  	[tilespmem:s15], [sflag:$0x1] =	stream.indirect_vreg.gather [hbm4b:s11+s28], $0x80, v13, vm0, $0xb8;
	[tilespmem:$0x1F180] =	vst v63  }
0x81: {  	s16 =	simm.s32 $0x3D00  }
0x82: {  	[tilespmem:s16], [sflag:$0x1] =	stream.indirect_vreg.gather [hbm4b:s12+s28], $0x80, v13, vm0, $0xb8;
	[tilespmem:$0x1F180] =	vst v63  }
0x83: {  	s3 =	simm.s32 $0x4500  }
0x84: {  	[tilespmem:s3], [sflag:$0x1] =	stream.indirect_vreg.gather [hbm4b:s13+s28], $0x80, v13, vm1, $0xb8;
	[tilespmem:$0x1F180] =	vst v63  }
0x85: {  	v13 =	vld [tilespmem:$0x10];
	_ =	sdelay $0x4  }
0x86: {  	v14 =	vshrl.u32 v13, $0x3  }
0x87: {  	v14 =	vmul.u32 $0x48, v14  }
0x88: {  	v13 =	vand.u32 $0x7, v13  }
0x89: {  	v13 =	vor.u32 v13, v14  }
0x8a: {  	v14 =	vperm.xlane v13, v1;
	_ =	sdelay $0x1  }
0x8b: {  	v14 =	vadd.s32 v2, v14;
	_ =	sdelay $0x3  }
0x8c: {  	s4 =	simm.s32 $0x4900  }
0x8d: {  	[tilespmem:s4], [sflag:$0x1] =	stream.indirect_vreg.gather [hbm4b:s1+s28], $0x80, v14, vm0, $0xb8;
	[tilespmem:$0x1F180] =	vst v63  }
0x8e: {  	s15 =	simm.s32 $0x5100  }
0x8f: {  	[tilespmem:s15], [sflag:$0x1] =	stream.indirect_vreg.gather [hbm4b:s10+s28], $0x80, v14, vm0, $0xb8;
	[tilespmem:$0x1F180] =	vst v63  }
0x90: {  	s16 =	simm.s32 $0x5900;
	v13 =	vperm.xlane v13, v3  }
0x91: {  	[tilespmem:s16], [sflag:$0x1] =	stream.indirect_vreg.gather [hbm4b:s11+s28], $0x80, v14, vm0, $0xb8;
	[tilespmem:$0x1F180] =	vst v63  }
0x92: {  	s3 =	simm.s32 $0x6100;
	v13 =	vadd.s32 v2, v13  }
0x93: {  	[tilespmem:s3], [sflag:$0x1] =	stream.indirect_vreg.gather [hbm4b:s12+s28], $0x80, v14, vm0, $0xb8;
	[tilespmem:$0x1F180] =	vst v63  }
0x94: {  	s4 =	simm.s32 $0x6900  }
0x95: {  	[tilespmem:s4], [sflag:$0x1] =	stream.indirect_vreg.gather [hbm4b:s13+s28], $0x80, v14, vm1, $0xb8;
	[tilespmem:$0x1F180] =	vst v63  }
0x96: {  	s15 =	simm.s32 $0x6D00  }
0x97: {  	[tilespmem:s15], [sflag:$0x1] =	stream.indirect_vreg.gather [hbm4b:s1+s28], $0x80, v13, vm0, $0xb8;
	[tilespmem:$0x1F180] =	vst v63  }
0x98: {  	s16 =	simm.s32 $0x7500  }
0x99: {  	[tilespmem:s16], [sflag:$0x1] =	stream.indirect_vreg.gather [hbm4b:s10+s28], $0x80, v13, vm0, $0xb8;
	[tilespmem:$0x1F180] =	vst v63  }
0x9a: {  	_ = 	snop  }
0x9b: {  	[tilespmem:s2], [sflag:$0x1] =	stream.indirect_vreg.gather [hbm4b:s11+s28], $0x80, v13, vm0, $0xb8;
	[tilespmem:$0x1F180] =	vst v63  }
0x9c: {  	_ = 	snop  }
0x9d: {  	[tilespmem:s20], [sflag:$0x1] =	stream.indirect_vreg.gather [hbm4b:s12+s28], $0x80, v13, vm0, $0xb8;
	[tilespmem:$0x1F180] =	vst v63  }
0x9e: {  	_ = 	snop  }
0x9f: {  	[tilespmem:s21], [sflag:$0x1] =	stream.indirect_vreg.gather [hbm4b:s13+s28], $0x80, v13, vm1, $0xb8;
	[tilespmem:$0x1F180] =	vst v63  }
0xa0: {  	_ =	swait.ge [sflag:s22], $0x9000  }
0xa1: {  	[sflag:s22] =	ssyncset.done $0x0  }
0xa2: {  	[sflag:s22] =	ssyncadd.s32 $0xFFFF7000  }
0xa3: {  	[tilespmem:s24], [sflag:$0x1] =	stream.indirect.gather [hbm4b:s7+s23], $0x80, s19, s23, $0xb8;
	[tilespmem:$0x1F180] =	vst v63  }
0xa4: {  	s31 =	simm.s32 $0x9110;
	_ =	swait.ge [sflag:s22], $0x1000  }
0xa5: {  	s29 =	smov.u32 s14;
	s0 =	simm.s32 $0xA140;
	[sflag:s22] =	ssyncset.done $0x0  }
0xa6: {  	s3 =	simm.s32 $0x0;
	s15 =	simm.s32 $0x0;
	[sflag:s22] =	ssyncadd.s32 $0xFFFFF000  }
.LBB2_5:
0xa7: {  	s16 =	sshrl.u32 s15, $0x3  }
0xa8: {  	s16 =	smul.u32 $0x9000, s16;
	_ =	sdelay $0x1  }
0xa9: {  	s4 =	sand.u32 $0x380, s3;
	s16 =	sshra.s32 s16, $0x2  }
0xaa: {  	v14 =	vld [tilespmem:s31+$0xFFFFFFF0];
	s16 =	sor.u32 s4, s16  }
0xab: {  	v13 =	vld [tilespmem:s16+$0x2100];
	_ =	sdelay $0x4  }
0xac: {  	v13 =	vadd.f32 v14, v13;
	_ =	sdelay $0x1  }
0xad: {  	v14 =	vmul.f32 $2.000000030e-01, v13;
	_ =	sdelay $0x1  }
0xae: {  	v13 =	vmax.f32 v13, v14  }
0xaf: {  	v13 =	vmul.f32 $1.442695020e+00, v13;
	_ =	sdelay $0x1  }
0xb0: {  	(erf) = vpow2.f32 v13;
	_ =	sdelay $0x4  }
0xb1: {  	v13 =	vmov s29  }
0xb2: {  	vm2 =	vgt.s32 v13, $0x0  }
0xb3: {  	v14 =	vld [tilespmem:s31+$0x0];
	v13 =	vsel vm2, $0x3F800000, v4  }
0xb4: {  	v13 =	vbroadcast v13, $0x0  }
0xb5: {  	v15 =	vpop (erf)  }
0xb6: {  	v13 =	vmul.f32 v15, v13;
	_ =	sdelay $0x1  }
0xb7: {  	v13 =	vmul.f32 v13, v14;
	_ =	sdelay $0x1  }
0xb8: {  	[tilespmem:$0xB500] =	vst v13  }
0xb9: {  	v13 =	vld.idx.msk [tilespmem:v5+s25+$0x0], $0xffff  }
0xba: {  	v14 =	vld [tilespmem:s16+$0x100];
	_ =	sdelay $0x4  }
0xbb: {  	v14 =	vmul.f32 v14, v13;
	_ =	sdelay $0x1  }
0xbc: {  	[tilespmem:s0+$0xFFFFFFC0] =	vst v14  }
0xbd: {  	v15 =	vld [tilespmem:s16+$0x110];
	_ =	sdelay $0x4  }
0xbe: {  	v15 =	vmul.f32 v15, v13;
	_ =	sdelay $0x1  }
0xbf: {  	[tilespmem:s0+$0xFFFFFFD0] =	vst v15  }
0xc0: {  	v16 =	vld [tilespmem:s16+$0x120];
	_ =	sdelay $0x4  }
0xc1: {  	v16 =	vmul.f32 v16, v13;
	_ =	sdelay $0x1  }
0xc2: {  	[tilespmem:s0+$0xFFFFFFE0] =	vst v16  }
0xc3: {  	v17 =	vld [tilespmem:s16+$0x130];
	_ =	sdelay $0x4  }
0xc4: {  	v17 =	vmul.f32 v17, v13;
	_ =	sdelay $0x1  }
0xc5: {  	[tilespmem:s0+$0xFFFFFFF0] =	vst v17  }
0xc6: {  	v18 =	vld [tilespmem:s16+$0x140];
	_ =	sdelay $0x4  }
0xc7: {  	v18 =	vmul.f32 v18, v13;
	_ =	sdelay $0x1  }
0xc8: {  	[tilespmem:s0+$0x0] =	vst v18  }
0xc9: {  	v19 =	vld [tilespmem:s16+$0x150];
	_ =	sdelay $0x4  }
0xca: {  	v19 =	vmul.f32 v19, v13;
	_ =	sdelay $0x1  }
0xcb: {  	[tilespmem:s0+$0x10] =	vst v19  }
0xcc: {  	v20 =	vld [tilespmem:s16+$0x160];
	_ =	sdelay $0x4  }
0xcd: {  	v20 =	vmul.f32 v20, v13;
	_ =	sdelay $0x1  }
0xce: {  	[tilespmem:s0+$0x20] =	vst v20  }
0xcf: {  	v21 =	vld [tilespmem:s16+$0x170];
	_ =	sdelay $0x4  }
0xd0: {  	v13 =	vmul.f32 v21, v13;
	_ =	sdelay $0x1  }
0xd1: {  	[tilespmem:s0+$0x30] =	vst v13  }
0xd2: {  	v49 =	vld.idx.msk [tilespmem:v6+s25+$0x0], $0xffff  }
0xd3: {  	v22 =	vld [tilespmem:s16+$0x500];
	_ =	sdelay $0x4  }
0xd4: {  	v22 =	vmul.f32 v22, v49;
	_ =	sdelay $0x1  }
0xd5: {  	v14 =	vadd.f32 v22, v14;
	_ =	sdelay $0x1  }
0xd6: {  	[tilespmem:s0+$0xFFFFFFC0] =	vst v14  }
0xd7: {  	v50 =	vld [tilespmem:s16+$0x510];
	_ =	sdelay $0x4  }
0xd8: {  	v22 =	vmul.f32 v50, v49;
	_ =	sdelay $0x1  }
0xd9: {  	v15 =	vadd.f32 v22, v15;
	_ =	sdelay $0x1  }
0xda: {  	[tilespmem:s0+$0xFFFFFFD0] =	vst v15  }
0xdb: {  	v51 =	vld [tilespmem:s16+$0x520];
	_ =	sdelay $0x4  }
0xdc: {  	v22 =	vmul.f32 v51, v49;
	_ =	sdelay $0x1  }
0xdd: {  	v16 =	vadd.f32 v22, v16;
	_ =	sdelay $0x1  }
0xde: {  	[tilespmem:s0+$0xFFFFFFE0] =	vst v16  }
0xdf: {  	v52 =	vld [tilespmem:s16+$0x530];
	_ =	sdelay $0x4  }
0xe0: {  	v22 =	vmul.f32 v52, v49;
	_ =	sdelay $0x1  }
0xe1: {  	v17 =	vadd.f32 v22, v17;
	_ =	sdelay $0x1  }
0xe2: {  	[tilespmem:s0+$0xFFFFFFF0] =	vst v17  }
0xe3: {  	v53 =	vld [tilespmem:s16+$0x540];
	_ =	sdelay $0x4  }
0xe4: {  	v22 =	vmul.f32 v53, v49;
	_ =	sdelay $0x1  }
0xe5: {  	v18 =	vadd.f32 v22, v18;
	_ =	sdelay $0x1  }
0xe6: {  	[tilespmem:s0+$0x0] =	vst v18  }
0xe7: {  	v54 =	vld [tilespmem:s16+$0x550];
	_ =	sdelay $0x4  }
0xe8: {  	v22 =	vmul.f32 v54, v49;
	_ =	sdelay $0x1  }
0xe9: {  	v19 =	vadd.f32 v22, v19;
	_ =	sdelay $0x1  }
0xea: {  	[tilespmem:s0+$0x10] =	vst v19  }
0xeb: {  	v55 =	vld [tilespmem:s16+$0x560];
	_ =	sdelay $0x4  }
0xec: {  	v22 =	vmul.f32 v55, v49;
	_ =	sdelay $0x1  }
0xed: {  	v20 =	vadd.f32 v22, v20;
	_ =	sdelay $0x1  }
0xee: {  	[tilespmem:s0+$0x20] =	vst v20  }
0xef: {  	v56 =	vld [tilespmem:s16+$0x570];
	_ =	sdelay $0x4  }
0xf0: {  	v21 =	vmul.f32 v56, v49;
	_ =	sdelay $0x1  }
0xf1: {  	v13 =	vadd.f32 v21, v13;
	_ =	sdelay $0x1  }
0xf2: {  	[tilespmem:s0+$0x30] =	vst v13  }
0xf3: {  	v57 =	vld.idx.msk [tilespmem:v7+s25+$0x0], $0xffff  }
0xf4: {  	v58 =	vld [tilespmem:s16+$0x900];
	_ =	sdelay $0x4  }
0xf5: {  	v22 =	vmul.f32 v58, v57;
	_ =	sdelay $0x1  }
0xf6: {  	v14 =	vadd.f32 v22, v14;
	_ =	sdelay $0x1  }
0xf7: {  	[tilespmem:s0+$0xFFFFFFC0] =	vst v14  }
0xf8: {  	v59 =	vld [tilespmem:s16+$0x910];
	_ =	sdelay $0x4  }
0xf9: {  	v22 =	vmul.f32 v59, v57;
	_ =	sdelay $0x1  }
0xfa: {  	v15 =	vadd.f32 v22, v15;
	_ =	sdelay $0x1  }
0xfb: {  	[tilespmem:s0+$0xFFFFFFD0] =	vst v15  }
0xfc: {  	v60 =	vld [tilespmem:s16+$0x920];
	_ =	sdelay $0x4  }
0xfd: {  	v22 =	vmul.f32 v60, v57;
	_ =	sdelay $0x1  }
0xfe: {  	v16 =	vadd.f32 v22, v16;
	_ =	sdelay $0x1  }
0xff: {  	[tilespmem:s0+$0xFFFFFFE0] =	vst v16  }
0x100: {  	v61 =	vld [tilespmem:s16+$0x930];
	_ =	sdelay $0x4  }
0x101: {  	v22 =	vmul.f32 v61, v57;
	_ =	sdelay $0x1  }
0x102: {  	v17 =	vadd.f32 v22, v17;
	_ =	sdelay $0x1  }
0x103: {  	[tilespmem:s0+$0xFFFFFFF0] =	vst v17  }
0x104: {  	v62 =	vld [tilespmem:s16+$0x940];
	_ =	sdelay $0x4  }
0x105: {  	v22 =	vmul.f32 v62, v57;
	_ =	sdelay $0x1  }
0x106: {  	v18 =	vadd.f32 v22, v18;
	_ =	sdelay $0x1  }
0x107: {  	[tilespmem:s0+$0x0] =	vst v18  }
0x108: {  	v63 =	vld [tilespmem:s16+$0x950];
	_ =	sdelay $0x4  }
0x109: {  	v22 =	vmul.f32 v63, v57;
	_ =	sdelay $0x1  }
0x10a: {  	v19 =	vadd.f32 v22, v19;
	_ =	sdelay $0x1  }
0x10b: {  	[tilespmem:s0+$0x10] =	vst v19  }
0x10c: {  	v24 =	vld [tilespmem:s16+$0x960];
	_ =	sdelay $0x4  }
0x10d: {  	v22 =	vmul.f32 v24, v57;
	_ =	sdelay $0x1  }
0x10e: {  	v20 =	vadd.f32 v22, v20;
	_ =	sdelay $0x1  }
0x10f: {  	[tilespmem:s0+$0x20] =	vst v20  }
0x110: {  	v25 =	vld [tilespmem:s16+$0x970];
	_ =	sdelay $0x4  }
0x111: {  	v21 =	vmul.f32 v25, v57;
	_ =	sdelay $0x1  }
0x112: {  	v13 =	vadd.f32 v21, v13;
	_ =	sdelay $0x1  }
0x113: {  	[tilespmem:s0+$0x30] =	vst v13  }
0x114: {  	v26 =	vld.idx.msk [tilespmem:v8+s25+$0x0], $0xffff  }
0x115: {  	v27 =	vld [tilespmem:s16+$0xD00];
	_ =	sdelay $0x4  }
0x116: {  	v22 =	vmul.f32 v27, v26;
	_ =	sdelay $0x1  }
0x117: {  	v14 =	vadd.f32 v22, v14;
	_ =	sdelay $0x1  }
0x118: {  	[tilespmem:s0+$0xFFFFFFC0] =	vst v14  }
0x119: {  	v28 =	vld [tilespmem:s16+$0xD10];
	_ =	sdelay $0x4  }
0x11a: {  	v22 =	vmul.f32 v28, v26;
	_ =	sdelay $0x1  }
0x11b: {  	v15 =	vadd.f32 v22, v15;
	_ =	sdelay $0x1  }
0x11c: {  	[tilespmem:s0+$0xFFFFFFD0] =	vst v15  }
0x11d: {  	v29 =	vld [tilespmem:s16+$0xD20];
	_ =	sdelay $0x4  }
0x11e: {  	v22 =	vmul.f32 v29, v26;
	_ =	sdelay $0x1  }
0x11f: {  	v16 =	vadd.f32 v22, v16;
	_ =	sdelay $0x1  }
0x120: {  	[tilespmem:s0+$0xFFFFFFE0] =	vst v16  }
0x121: {  	v30 =	vld [tilespmem:s16+$0xD30];
	_ =	sdelay $0x4  }
0x122: {  	v22 =	vmul.f32 v30, v26;
	_ =	sdelay $0x1  }
0x123: {  	v17 =	vadd.f32 v22, v17;
	_ =	sdelay $0x1  }
0x124: {  	[tilespmem:s0+$0xFFFFFFF0] =	vst v17  }
0x125: {  	v31 =	vld [tilespmem:s16+$0xD40];
	_ =	sdelay $0x4  }
0x126: {  	v22 =	vmul.f32 v31, v26;
	_ =	sdelay $0x1  }
0x127: {  	v18 =	vadd.f32 v22, v18;
	_ =	sdelay $0x1  }
0x128: {  	[tilespmem:s0+$0x0] =	vst v18  }
0x129: {  	v32 =	vld [tilespmem:s16+$0xD50];
	_ =	sdelay $0x4  }
0x12a: {  	v22 =	vmul.f32 v32, v26;
	_ =	sdelay $0x1  }
0x12b: {  	v19 =	vadd.f32 v22, v19;
	_ =	sdelay $0x1  }
0x12c: {  	[tilespmem:s0+$0x10] =	vst v19  }
0x12d: {  	v33 =	vld [tilespmem:s16+$0xD60];
	_ =	sdelay $0x4  }
0x12e: {  	v22 =	vmul.f32 v33, v26;
	_ =	sdelay $0x1  }
0x12f: {  	v20 =	vadd.f32 v22, v20;
	_ =	sdelay $0x1  }
0x130: {  	[tilespmem:s0+$0x20] =	vst v20  }
0x131: {  	v34 =	vld [tilespmem:s16+$0xD70];
	_ =	sdelay $0x4  }
0x132: {  	v21 =	vmul.f32 v34, v26;
	_ =	sdelay $0x1  }
0x133: {  	v13 =	vadd.f32 v21, v13;
	_ =	sdelay $0x1  }
0x134: {  	[tilespmem:s0+$0x30] =	vst v13  }
0x135: {  	v35 =	vld.idx.msk [tilespmem:v9+s25+$0x0], $0xffff  }
0x136: {  	v36 =	vld [tilespmem:s16+$0x1100];
	_ =	sdelay $0x4  }
0x137: {  	v22 =	vmul.f32 v36, v35;
	_ =	sdelay $0x1  }
0x138: {  	v14 =	vadd.f32 v22, v14;
	_ =	sdelay $0x1  }
0x139: {  	[tilespmem:s0+$0xFFFFFFC0] =	vst v14  }
0x13a: {  	v37 =	vld [tilespmem:s16+$0x1110];
	_ =	sdelay $0x4  }
0x13b: {  	v22 =	vmul.f32 v37, v35;
	_ =	sdelay $0x1  }
0x13c: {  	v15 =	vadd.f32 v22, v15;
	_ =	sdelay $0x1  }
0x13d: {  	[tilespmem:s0+$0xFFFFFFD0] =	vst v15  }
0x13e: {  	v38 =	vld [tilespmem:s16+$0x1120];
	_ =	sdelay $0x4  }
0x13f: {  	v22 =	vmul.f32 v38, v35;
	_ =	sdelay $0x1  }
0x140: {  	v16 =	vadd.f32 v22, v16;
	_ =	sdelay $0x1  }
0x141: {  	[tilespmem:s0+$0xFFFFFFE0] =	vst v16  }
0x142: {  	v39 =	vld [tilespmem:s16+$0x1130];
	_ =	sdelay $0x4  }
0x143: {  	v22 =	vmul.f32 v39, v35;
	_ =	sdelay $0x1  }
0x144: {  	v17 =	vadd.f32 v22, v17;
	_ =	sdelay $0x1  }
0x145: {  	[tilespmem:s0+$0xFFFFFFF0] =	vst v17  }
0x146: {  	v40 =	vld [tilespmem:s16+$0x1140];
	_ =	sdelay $0x4  }
0x147: {  	v22 =	vmul.f32 v40, v35;
	_ =	sdelay $0x1  }
0x148: {  	v18 =	vadd.f32 v22, v18;
	_ =	sdelay $0x1  }
0x149: {  	[tilespmem:s0+$0x0] =	vst v18  }
0x14a: {  	v41 =	vld [tilespmem:s16+$0x1150];
	_ =	sdelay $0x4  }
0x14b: {  	v22 =	vmul.f32 v41, v35;
	_ =	sdelay $0x1  }
0x14c: {  	v19 =	vadd.f32 v22, v19;
	_ =	sdelay $0x1  }
0x14d: {  	[tilespmem:s0+$0x10] =	vst v19  }
0x14e: {  	v42 =	vld [tilespmem:s16+$0x1160];
	_ =	sdelay $0x4  }
0x14f: {  	v22 =	vmul.f32 v42, v35;
	_ =	sdelay $0x1  }
0x150: {  	v20 =	vadd.f32 v22, v20;
	_ =	sdelay $0x1  }
0x151: {  	[tilespmem:s0+$0x20] =	vst v20  }
0x152: {  	v43 =	vld [tilespmem:s16+$0x1170];
	_ =	sdelay $0x4  }
0x153: {  	v21 =	vmul.f32 v43, v35;
	_ =	sdelay $0x1  }
0x154: {  	v13 =	vadd.f32 v21, v13;
	_ =	sdelay $0x1  }
0x155: {  	[tilespmem:s0+$0x30] =	vst v13  }
0x156: {  	v44 =	vld.idx.msk [tilespmem:v10+s25+$0x0], $0xffff  }
0x157: {  	v45 =	vld [tilespmem:s16+$0x1500];
	_ =	sdelay $0x4  }
0x158: {  	v22 =	vmul.f32 v45, v44;
	_ =	sdelay $0x1  }
0x159: {  	v14 =	vadd.f32 v22, v14;
	_ =	sdelay $0x1  }
0x15a: {  	[tilespmem:s0+$0xFFFFFFC0] =	vst v14  }
0x15b: {  	v46 =	vld [tilespmem:s16+$0x1510];
	_ =	sdelay $0x4  }
0x15c: {  	v22 =	vmul.f32 v46, v44;
	_ =	sdelay $0x1  }
0x15d: {  	v15 =	vadd.f32 v22, v15;
	_ =	sdelay $0x1  }
0x15e: {  	[tilespmem:s0+$0xFFFFFFD0] =	vst v15  }
0x15f: {  	v47 =	vld [tilespmem:s16+$0x1520];
	_ =	sdelay $0x4  }
0x160: {  	v22 =	vmul.f32 v47, v44;
	_ =	sdelay $0x1  }
0x161: {  	v16 =	vadd.f32 v22, v16;
	_ =	sdelay $0x1  }
0x162: {  	[tilespmem:s0+$0xFFFFFFE0] =	vst v16  }
0x163: {  	v48 =	vld [tilespmem:s16+$0x1530];
	_ =	sdelay $0x4  }
0x164: {  	v22 =	vmul.f32 v48, v44;
	_ =	sdelay $0x1  }
0x165: {  	v17 =	vadd.f32 v22, v17;
	_ =	sdelay $0x1  }
0x166: {  	[tilespmem:s0+$0xFFFFFFF0] =	vst v17  }
0x167: {  	v49 =	vld [tilespmem:s16+$0x1540];
	_ =	sdelay $0x4  }
0x168: {  	v22 =	vmul.f32 v49, v44;
	_ =	sdelay $0x1  }
0x169: {  	v18 =	vadd.f32 v22, v18;
	_ =	sdelay $0x1  }
0x16a: {  	[tilespmem:s0+$0x0] =	vst v18  }
0x16b: {  	v50 =	vld [tilespmem:s16+$0x1550];
	_ =	sdelay $0x4  }
0x16c: {  	v22 =	vmul.f32 v50, v44;
	_ =	sdelay $0x1  }
0x16d: {  	v19 =	vadd.f32 v22, v19;
	_ =	sdelay $0x1  }
0x16e: {  	[tilespmem:s0+$0x10] =	vst v19  }
0x16f: {  	v51 =	vld [tilespmem:s16+$0x1560];
	_ =	sdelay $0x4  }
0x170: {  	v22 =	vmul.f32 v51, v44;
	_ =	sdelay $0x1  }
0x171: {  	v20 =	vadd.f32 v22, v20;
	_ =	sdelay $0x1  }
0x172: {  	[tilespmem:s0+$0x20] =	vst v20  }
0x173: {  	v52 =	vld [tilespmem:s16+$0x1570];
	_ =	sdelay $0x4  }
0x174: {  	v21 =	vmul.f32 v52, v44;
	_ =	sdelay $0x1  }
0x175: {  	v13 =	vadd.f32 v21, v13;
	_ =	sdelay $0x1  }
0x176: {  	[tilespmem:s0+$0x30] =	vst v13  }
0x177: {  	v53 =	vld.idx.msk [tilespmem:v11+s25+$0x0], $0xffff  }
0x178: {  	v54 =	vld [tilespmem:s16+$0x1900];
	_ =	sdelay $0x4  }
0x179: {  	v22 =	vmul.f32 v54, v53;
	_ =	sdelay $0x1  }
0x17a: {  	v14 =	vadd.f32 v22, v14;
	_ =	sdelay $0x1  }
0x17b: {  	[tilespmem:s0+$0xFFFFFFC0] =	vst v14  }
0x17c: {  	v55 =	vld [tilespmem:s16+$0x1910];
	_ =	sdelay $0x4  }
0x17d: {  	v22 =	vmul.f32 v55, v53;
	_ =	sdelay $0x1  }
0x17e: {  	v15 =	vadd.f32 v22, v15;
	_ =	sdelay $0x1  }
0x17f: {  	[tilespmem:s0+$0xFFFFFFD0] =	vst v15  }
0x180: {  	v56 =	vld [tilespmem:s16+$0x1920];
	_ =	sdelay $0x4  }
0x181: {  	v22 =	vmul.f32 v56, v53;
	_ =	sdelay $0x1  }
0x182: {  	v16 =	vadd.f32 v22, v16;
	_ =	sdelay $0x1  }
0x183: {  	[tilespmem:s0+$0xFFFFFFE0] =	vst v16  }
0x184: {  	v57 =	vld [tilespmem:s16+$0x1930];
	_ =	sdelay $0x4  }
0x185: {  	v22 =	vmul.f32 v57, v53;
	_ =	sdelay $0x1  }
0x186: {  	v17 =	vadd.f32 v22, v17;
	_ =	sdelay $0x1  }
0x187: {  	[tilespmem:s0+$0xFFFFFFF0] =	vst v17  }
0x188: {  	v58 =	vld [tilespmem:s16+$0x1940];
	_ =	sdelay $0x4  }
0x189: {  	v22 =	vmul.f32 v58, v53;
	_ =	sdelay $0x1  }
0x18a: {  	v18 =	vadd.f32 v22, v18;
	_ =	sdelay $0x1  }
0x18b: {  	[tilespmem:s0+$0x0] =	vst v18  }
0x18c: {  	v59 =	vld [tilespmem:s16+$0x1950];
	_ =	sdelay $0x4  }
0x18d: {  	v22 =	vmul.f32 v59, v53;
	_ =	sdelay $0x1  }
0x18e: {  	v19 =	vadd.f32 v22, v19;
	_ =	sdelay $0x1  }
0x18f: {  	[tilespmem:s0+$0x10] =	vst v19  }
0x190: {  	v60 =	vld [tilespmem:s16+$0x1960];
	_ =	sdelay $0x4  }
0x191: {  	v22 =	vmul.f32 v60, v53;
	_ =	sdelay $0x1  }
0x192: {  	v20 =	vadd.f32 v22, v20;
	_ =	sdelay $0x1  }
0x193: {  	[tilespmem:s0+$0x20] =	vst v20  }
0x194: {  	v61 =	vld [tilespmem:s16+$0x1970];
	_ =	sdelay $0x4  }
0x195: {  	v21 =	vmul.f32 v61, v53;
	_ =	sdelay $0x1  }
0x196: {  	v13 =	vadd.f32 v21, v13;
	_ =	sdelay $0x1  }
0x197: {  	[tilespmem:s0+$0x30] =	vst v13  }
0x198: {  	v62 =	vld.idx.msk [tilespmem:v12+s25+$0x0], $0xffff  }
0x199: {  	v63 =	vld [tilespmem:s16+$0x1D00];
	_ =	sdelay $0x4  }
0x19a: {  	v22 =	vmul.f32 v63, v62;
	_ =	sdelay $0x1  }
0x19b: {  	v14 =	vadd.f32 v22, v14;
	_ =	sdelay $0x1  }
0x19c: {  	[tilespmem:s0+$0xFFFFFFC0] =	vst v14  }
0x19d: {  	v14 =	vld [tilespmem:s16+$0x1D10];
	_ =	sdelay $0x4  }
0x19e: {  	v14 =	vmul.f32 v14, v62;
	_ =	sdelay $0x1  }
0x19f: {  	v14 =	vadd.f32 v14, v15;
	_ =	sdelay $0x1  }
0x1a0: {  	[tilespmem:s0+$0xFFFFFFD0] =	vst v14  }
0x1a1: {  	v14 =	vld [tilespmem:s16+$0x1D20];
	_ =	sdelay $0x4  }
0x1a2: {  	v14 =	vmul.f32 v14, v62;
	_ =	sdelay $0x1  }
0x1a3: {  	v14 =	vadd.f32 v14, v16;
	_ =	sdelay $0x1  }
0x1a4: {  	[tilespmem:s0+$0xFFFFFFE0] =	vst v14  }
0x1a5: {  	v14 =	vld [tilespmem:s16+$0x1D30];
	_ =	sdelay $0x4  }
0x1a6: {  	v14 =	vmul.f32 v14, v62;
	_ =	sdelay $0x1  }
0x1a7: {  	v14 =	vadd.f32 v14, v17;
	_ =	sdelay $0x1  }
0x1a8: {  	[tilespmem:s0+$0xFFFFFFF0] =	vst v14  }
0x1a9: {  	v14 =	vld [tilespmem:s16+$0x1D40];
	_ =	sdelay $0x4  }
0x1aa: {  	v14 =	vmul.f32 v14, v62;
	_ =	sdelay $0x1  }
0x1ab: {  	v14 =	vadd.f32 v14, v18;
	_ =	sdelay $0x1  }
0x1ac: {  	[tilespmem:s0+$0x0] =	vst v14  }
0x1ad: {  	v14 =	vld [tilespmem:s16+$0x1D50];
	_ =	sdelay $0x4  }
0x1ae: {  	v14 =	vmul.f32 v14, v62;
	_ =	sdelay $0x1  }
0x1af: {  	v14 =	vadd.f32 v14, v19;
	_ =	sdelay $0x1  }
0x1b0: {  	[tilespmem:s0+$0x10] =	vst v14  }
0x1b1: {  	v14 =	vld [tilespmem:s16+$0x1D60];
	_ =	sdelay $0x4  }
0x1b2: {  	v14 =	vmul.f32 v14, v62;
	_ =	sdelay $0x1  }
0x1b3: {  	v14 =	vadd.f32 v14, v20;
	_ =	sdelay $0x1  }
0x1b4: {  	[tilespmem:s0+$0x20] =	vst v14  }
0x1b5: {  	v14 =	vld [tilespmem:s16+$0x1D70];
	_ =	sdelay $0x3  }
0x1b6: {  	p0 =	sne.s32 s15, $0x1F  }
.Ltmp1:
0x1b7: {  	v14 =	vmul.f32 v14, v62;
	(pc) =	sbr.rel @p0 .LBB2_5-.Ltmp1, $4  }
0x1b8: {  	_ = 	snop  }
0x1b9: {  	v13 =	vadd.f32 v14, v13  }
0x1ba: {  	s3 =	sadd.s32 $0x80, s3;
	s15 =	sadd.s32 $0x1, s15  }
0x1bb: {  	s31 =	sadd.s32 $0x80, s31;
	s29 =	sadd.s32 $0xFFFFFFFF, s29;
	[tilespmem:s0+$0x30] =	vst v13;
	s0 =	sadd.s32 $0x80, s0  }
0x1bc: {  	s30 =	sadd.s32 $0x1, s30  }
0x1bd: {  	p0 =	sne.s32 s30, $0x144  }
.Ltmp2:
0x1be: {  	s0 =	rddreg [dreg:$0x2];
	(pc) =	sbr.rel @p0 .LBB2_4-.Ltmp2, $4  }
0x1bf: {  	[spmem:s0] =	stream.indirect.scatter.add.f32 [tilespmem:s26], [sflag:$0x2], $0x80, s19, s23, $0xb8;
	[tilespmem:$0x1F180] =	vst v63  }
0x1c0: {  	_ =	swait.ge [sflag:s18], $0x1000  }
0x1c1: {  	[sflag:s18] =	ssyncset.done $0x0  }
0x1c2: {  	s14 =	sadd.s32 $0xFFFFFFE0, s14;
	[sflag:s18] =	ssyncadd.s32 $0xFFFFF000  }
0x1c3: {  	s0 =	stileid.u32  }
0x1c4: {  	[bflag:$0x0] =	sbarrier.arrive $0xFFFF;
	s0 =	sshll.u32 s0, $0x6  }
0x1c5: {  	s3 =	sshrl.u32 s9, $0x3;
	s4 =	rddreg [dreg:$0x5];
	s0 =	sor.u32 $0x1C02, s0  }
0x1c6: {  	[hbm:s4], [sflag:s0] =	dma.local [spmem:s3], $0x2780  }
0x1c7: {  	_ =	swait.ge [sflag:s18], $0x2780  }
0x1c8: {  	s14 =	rddreg [dreg:$0x4]  }
0x1c9: {  	s31 =	rddreg [dreg:$0x6];
	s14 =	sadd.s32 $0x1, s14  }
0x1ca: {  	p0 =	sne.s32 s14, s31  }
.Ltmp3:
0x1cb: {  	_ = 	snop;
	(pc) =	sbr.rel @p0 .LBB2_1-.Ltmp3, $3  }
0x1cc: {  	_ =	sdelay $0x1  }
0x1cd: {  	[sflag:s18] =	ssyncset.done $0x0  }
0x1ce: {  	[sflag:s18] =	ssyncadd.s32 $0xFFFFD880  }
0x1cf: {  	_ =	sfence.sel $0x180000  }
0x1d0: {  	[bflag:$0x0] =	sbarrier.arrive $0xFFFF  }
0x1d1: {  	_ =	strace $0x90000053  }
0x1d2: {  	s0 =	stileid.u32;
	[bflag:$0x2] =	sbarrier.arrive $0xFFFF  }
0x1d3: {  	p0 =	sne.s32 s0, $0x0;
	s0 =	rddreg [dreg:$0x3]  }
0x1d4: {  	s0 =	sadd.s32 @!p0 $0x100000, s0  }
0x1d5: {  	[sflag:s0] =	ssyncadd.tile.s32 @!p0 $0x1;
	_ =	shalt  }
.Lfunc_end2:
_tile_overlayer_lowered:
.L_overlay_start_2:
0x1d6: {  	(tag) =	ssettag $0x2  }
0x1d7: {  	s0 =	rddreg [dreg:$0x0];
	s2 =	stileid.u32  }
0x1d8: {  	s1 =	rddreg [dreg:$0x1];
	p0 =	sne.s32 s2, $0x0  }
0x1d9: {  	s3 =	rddreg [dreg:$0x2];
	[bflag:$0x3] =	sbarrier.arrive $0xFFFF;
	s2 =	simm.s32 @!p0 $0x1C02  }
0x1da: {  	[timem:s3], [sflag:s2] =	dma.local @!p0 [hbm:s0], s1  }
0x1db: {  	s0 =	simm.s32 @!p0 $0x2  }
0x1dc: {  	_ =	swait.ge @!p0 [sflag:s0], s1  }
0x1dd: {  	s1 =	ssub.s32 @!p0 $0x0, s1;
	[sflag:s0] =	ssyncset.done @!p0 $0x0  }
0x1de: {  	[sflag:s0] =	ssyncadd.s32 @!p0 s1  }
0x1df: {  	[bflag:$0x3] =	sbarrier.arrive $0xFFFF  }
0x1e0: {  	_ =	shalt  }

// kernel: kernel.29.cloned.1.call-start
scs
__scs_entry_jumppad:
0x0: {  	(pc) =	sbr.rel $0x88, $3  }
0x1: {  	(tag) =	ssettag $0x0;
	lr =	simm.s32 $0x1  }
0x2: {  	[smem:$0x3F8F] =	sst lr;
	_ =	strace $0xD0000000  }
0x3: {  	_ = 	snop  }
0x4: {  	_ = 	snop  }
0x5: {  	_ = 	snop  }
0x6: {  	_ = 	snop  }
0x7: {  	_ = 	snop  }
__scs_overlays_trampoline_lowered:
0x8: {  	[smem:$0x3F9E] =	sst s0  }
0x9: {  	[smem:$0x3F9F] =	sst s1  }
0xa: {  	[smem:$0x3FA0] =	sst s2  }
0xb: {  	[smem:$0x3FA1] =	sst s3  }
0xc: {  	[smem:$0x3FA2] =	sst s4  }
0xd: {  	[smem:$0x3FA3] =	sst s5  }
0xe: {  	[smem:$0x3FA4] =	sst s6  }
0xf: {  	[smem:$0x3FA5] =	sst s7  }
0x10: {  	[smem:$0x3FA6] =	sst s8  }
0x11: {  	[smem:$0x3FA7] =	sst s9;
	s0 =	simm.s32 @!p0 $0x0  }
0x12: {  	s1 =	sld [smem:$0x3F8D];
	s0 =	simm.s32 @p0 $0x1  }
0x13: {  	[smem:$0x3FA8] =	sst s0;
	s0 =	simm.s32 @!p1 $0x0  }
0x14: {  	s2 =	sld [smem:$0x3F8C];
	s0 =	simm.s32 @p1 $0x1  }
0x15: {  	[smem:$0x3FA9] =	sst s0;
	s0 =	simm.s32 @!p2 $0x0  }
0x16: {  	s3 =	sld [smem:$0x3FDB];
	s0 =	simm.s32 @p2 $0x1  }
0x17: {  	s4 =	simm.s32 $0x1BF5;
	[smem:$0x3FAB] =	sst s0  }
0x18: {  	s0 =	sld [smem:$0x3F8E];
	_ =	swait.ge [sflag:s4], $0x0  }
0x19: {  	s7 =	sld [smem:$0x3F8F]  }
0x1a: {  	s8 =	sadd.s32 $0xFFFFE003, lr  }
0x1b: {  	s9 =	sadd.s32 $0xFFFFFEF7, lr;
	s5 =	simm.s32 $0xFFFFFFFF;
	p2 =	slt.u32 s8, $0xFFFFF086  }
0x1c: {  	p1 =	slt.u32 s9, $0xF7A;
	s5 =	simm.s32 @!p2 $0x0  }
0x1d: {  	s5 =	simm.s32 @p1 $0x1;
	p0 =	seq.s32 s7, s2  }
0x1e: {  	s7 =	smul.u32 @!p0 $0xF7A, s2;
	p2 =	seq.s32 @!p0 s5, $0x0  }
0x1f: {  	s9 =	smul.u32 $0xF7A, s1;
	s8 =	simm.s32 @!p0 $0x1BF5;
	p2 =	por !p2, p0  }
0x20: {  	[sflag:s8] =	ssyncset.s32 @!p0 $0xFFFFF086;
	s6 =	sadd.s32 @!p0 s3, s7;
	s7 =	simm.s32 @!p0 $0x108  }
0x21: {  	s3 =	sadd.s32 s3, s9;
	s6 =	sadd.s32 @!p0 $0x88, s6;
	s7 =	simm.s32 @p2 $0x1082  }
0x22: {  	[simem:s7], [sflag:s8] =	dma.local @!p0 [hbm:s6], $0xF7A  }
0x23: {  	s9 =	sor.u32 $0xD0000000, s2;
	s6 =	simm.s32 $0x108;
	_ =	swait.ge @!p0 [sflag:s8], $0x0  }
0x24: {  	s3 =	sadd.s32 $0x88, s3;
	s6 =	simm.s32 @!p1 $0x1082;
	[sflag:s4] =	ssyncset.s32 $0xFFFFF086  }
0x25: {  	[simem:s6], [sflag:s4] =	dma.local [hbm:s3], $0xF7A  }
0x26: {  	[smem:$0x3F8F] =	sst s1;
	(tag) =	ssettag s2;
	_ =	strace s9  }
0x27: {  	s1 =	sld [smem:$0x3F9F]  }
0x28: {  	s2 =	sld [smem:$0x3FA0]  }
0x29: {  	s4 =	sld [smem:$0x3FA2]  }
0x2a: {  	p0 =	seq.s32 s5, $0x0;
	s5 =	sld [smem:$0x3FA3]  }
0x2b: {  	s6 =	sld [smem:$0x3FA4]  }
0x2c: {  	s7 =	sld [smem:$0x3FA5]  }
0x2d: {  	s3 =	simm.s32 $0x108;
	s8 =	sld [smem:$0x3FA6]  }
0x2e: {  	s3 =	simm.s32 @!p0 $0x1082;
	s9 =	sld [smem:$0x3FA7]  }
0x2f: {  	lr =	sadd.s32 s0, s3;
	s0 =	sld [smem:$0x3F9E]  }
0x30: {  	s3 =	sld [smem:$0x3FA1]  }
0x31: {  	[smem:$0x3FAA] =	sst s10  }
0x32: {  	s10 =	sld [smem:$0x3FA8];
	_ =	sdelay $0x3  }
0x33: {  	p0 =	seq.s32 s10, $0x1;
	s10 =	sld [smem:$0x3FAA];
	_ =	sdelay $0x3  }
0x34: {  	[smem:$0x3FAA] =	sst s10  }
0x35: {  	s10 =	sld [smem:$0x3FA9];
	_ =	sdelay $0x3  }
0x36: {  	p1 =	seq.s32 s10, $0x1;
	s10 =	sld [smem:$0x3FAA];
	_ =	sdelay $0x3  }
0x37: {  	[smem:$0x3FAA] =	sst s10  }
0x38: {  	s10 =	sld [smem:$0x3FAB]  }
0x39: {  	_ = 	snop;
	(pc) =	sbr.ind lr, $3  }
0x3a: {  	_ = 	snop  }
0x3b: {  	_ = 	snop  }
0x3c: {  	p2 =	seq.s32 s10, $0x1;
	s10 =	sld [smem:$0x3FAA]  }
0x3d: {  	_ =	shalt  }
0x3e: {  	_ =	shalt  }
0x3f: {  	_ =	shalt  }
0x40: {  	_ =	shalt  }
0x41: {  	_ =	shalt  }
0x42: {  	_ =	shalt  }
0x43: {  	_ =	shalt  }
0x44: {  	_ =	shalt  }
0x45: {  	_ =	shalt  }
0x46: {  	_ =	shalt  }
0x47: {  	_ =	shalt  }
0x48: {  	_ =	shalt  }
0x49: {  	_ =	shalt  }
0x4a: {  	_ =	shalt  }
0x4b: {  	_ =	shalt  }
0x4c: {  	_ =	shalt  }
0x4d: {  	_ =	shalt  }
0x4e: {  	_ =	shalt  }
0x4f: {  	_ =	shalt  }
0x50: {  	_ =	shalt  }
0x51: {  	_ =	shalt  }
0x52: {  	_ =	shalt  }
0x53: {  	_ =	shalt  }
0x54: {  	_ =	shalt  }
0x55: {  	_ =	shalt  }
0x56: {  	_ =	shalt  }
0x57: {  	_ =	shalt  }
0x58: {  	_ =	shalt  }
0x59: {  	_ =	shalt  }
0x5a: {  	_ =	shalt  }
0x5b: {  	_ =	shalt  }
0x5c: {  	_ =	shalt  }
0x5d: {  	_ =	shalt  }
0x5e: {  	_ =	shalt  }
0x5f: {  	_ =	shalt  }
0x60: {  	_ =	shalt  }
0x61: {  	_ =	shalt  }
0x62: {  	_ =	shalt  }
0x63: {  	_ =	shalt  }
0x64: {  	_ =	shalt  }
0x65: {  	_ =	shalt  }
0x66: {  	_ =	shalt  }
0x67: {  	_ =	shalt  }
0x68: {  	_ =	shalt  }
0x69: {  	_ =	shalt  }
0x6a: {  	_ =	shalt  }
0x6b: {  	_ =	shalt  }
0x6c: {  	_ =	shalt  }
0x6d: {  	_ =	shalt  }
0x6e: {  	_ =	shalt  }
0x6f: {  	_ =	shalt  }
0x70: {  	_ =	shalt  }
0x71: {  	_ =	shalt  }
0x72: {  	_ =	shalt  }
0x73: {  	_ =	shalt  }
0x74: {  	_ =	shalt  }
0x75: {  	_ =	shalt  }
0x76: {  	_ =	shalt  }
0x77: {  	_ =	shalt  }
0x78: {  	_ =	shalt  }
0x79: {  	_ =	shalt  }
0x7a: {  	_ =	shalt  }
0x7b: {  	_ =	shalt  }
0x7c: {  	_ =	shalt  }
0x7d: {  	_ =	shalt  }
0x7e: {  	_ =	shalt  }
0x7f: {  	_ =	shalt  }
0x80: {  	_ =	shalt  }
0x81: {  	_ =	shalt  }
0x82: {  	_ =	shalt  }
0x83: {  	_ =	shalt  }
0x84: {  	_ =	shalt  }
0x85: {  	_ =	shalt  }
0x86: {  	_ =	shalt  }
0x87: {  	_ =	shalt  }
.Lfunc_end0:
.L_simem_size_0:
called_computation.6_lowered:
.L_overlay_start_0:
0x88: {  	s2 =	sld [smem:$0x3FD9]  }
0x89: {  	s3 =	sld [smem:$0x3FFE];
	_ =	sdelay $0x1  }
0x8a: {  	s1 =	srdreg.scid  }
0x8b: {  	s0 =	sand.u32 $0x1, s1  }
0x8c: {  	s17 =	sshll.u32 s0, $0xA;
	s2 =	sadd.s32 s3, s2  }
0x8d: {  	s2 =	sadd.s32 s2, s17  }
0x8e: {  	[smem:$0x3FB6] =	sst s2  }
0x8f: {  	_ = 	snop  }
0x90: {  	s2 =	sld [smem:$0x3FC8];
	(tm) =	ssettm $0x1  }
0x91: {  	s18 =	sld [smem:$0x3FFB];
	_ =	sdelay $0x3  }
0x92: {  	_ =	strace s18  }
0x93: {  	s3 =	sld [smem:$0x3FFC];
	_ =	sdelay $0x3  }
0x94: {  	_ =	strace s3  }
0x95: {  	s3 =	sld [smem:$0x3FFD];
	_ =	sdelay $0x3  }
0x96: {  	_ =	strace s3  }
0x97: {  	_ =	strace $0x8FFFFFFF  }
0x98: {  	s19 =	sld [smem:$0x3FDB];
	_ =	sdelay $0x1  }
0x99: {  	s4 =	simm.s32 $_scs_section_size  }
0x9a: {  	s5 =	simm.s32 $_size__tile_overlayer_lowered;
	s6 =	simm.s32 $_tile_overlayer_lowered  }
0x9b: {  	s22 =	simm.s32 $0x1BFF;
	s21 =	sshll.u32 s6, $0x1;
	s3 =	sadd.s32 s4, s19  }
0x9c: {  	s7 =	simm.s32 $0x0;
	s20 =	sshll.u32 s5, $0x1;
	s5 =	sadd.s32 s21, s3  }
0x9d: {  	[timem:s7], [sflag:s22] =	dma.local [hbm:s5], s20  }
0x9e: {  	_ =	swait.ge [sflag:s22], s20  }
0x9f: {  	s4 =	ssub.s32 $0x0, s20;
	[sflag:s22] =	ssyncset.done $0x0  }
0xa0: {  	[sflag:s22] =	ssyncadd.s32 s4;
	_ =	sdelay $0x1  }
0xa1: {  	s23 =	simm.s32 $0x1B8B  }
0xa2: {  	_ =	swait.ge [sflag:s23], $0x1  }
0xa3: {  	[sflag:s23] =	ssyncset.done $0x0  }
0xa4: {  	s25 =	simm.s32 $0x1B8E;
	s24 =	sld [smem:$0x3FFE];
	[sflag:s23] =	ssyncadd.s32 $0xFFFFFFFF  }
0xa5: {  	s26 =	simm.s32 $execute0_lowered;
	[smem:$0x3FD2] =	sst s25  }
0xa6: {  	s5 =	sshll.u32 s26, $0x1;
	_ =	strace $0x80000055;
	[dreg:$0x1] =	wrdreg $0xFFFFFFFF  }
0xa7: {  	s28 =	simm.s32 $_size_execute0_lowered;
	s3 =	sadd.s32 s3, s5;
	[dreg:$0x0] =	wrdreg $0x0  }
0xa8: {  	s5 =	sshll.u32 s28, $0x1;
	[dreg:$0x2] =	wrdreg s3  }
0xa9: {  	[dreg:$0x3] =	wrdreg s5  }
0xaa: {  	[dreg:$0x4] =	wrdreg $0xC0  }
0xab: {  	_ =	task [dreg:s7], $0x5FFFF  }
0xac: {  	[dreg:$0x1] =	wrdreg $0xFFFFFFFF  }
0xad: {  	[dreg:$0x0] =	wrdreg $0x60  }
0xae: {  	[dreg:$0x2] =	wrdreg s24  }
0xaf: {  	[dreg:$0x3] =	wrdreg s2  }
0xb0: {  	[dreg:$0x4] =	wrdreg $0x9  }
0xb1: {  	_ =	task.clear_ibuf [dreg:s7], $0x5FFFF;
	_ =	strace $0x90000055  }
0xb2: {  	s29 =	simm.s32 $0x9;
	_ =	strace $0x80000057  }
0xb3: {  	_ =	swait.ge [sflag:s29], $0x1  }
0xb4: {  	[sflag:s29] =	ssyncadd.s32 $0xFFFFFFFF  }
0xb5: {  	_ =	strace $0x90000057  }
0xb6: {  	_ =	sfence  }
0xb7: {  	s30 =	sld [smem:$0x0];
	_ =	sdelay $0x2  }
0xb8: {  	s31 =	sshll.u32 s1, $0xD;
	s1 =	sshrl.u32 s1, $0x2  }
0xb9: {  	s3 =	sand.u32 $0x4000, s31;
	s1 =	sadd.s32 s1, s30  }
0xba: {  	s0 =	sor.u32 s3, s0;
	s1 =	sshll.u32 s1, $0x11  }
0xbb: {  	s0 =	sor.u32 s1, s0  }
0xbc: {  	s0 =	sadd.s32 $0x8F2B, s0  }
0xbd: {  	[sflag:s0] =	ssyncadd.remote.s32 $0x1  }
0xbe: {  	_ =	sfence.sel $0xFFFF  }
0xbf: {  	[dreg:$0x0] =	wrdreg $0xFFFFFFFF;
	(pc) =	sbr.abs _section_cstart, $3  }
0xc0: {  	[dreg:$0x1] =	wrdreg $0xFFFFFFFF  }
0xc1: {  	_ =	task.clear_ibuf [dreg:s7], $0x2FFFF;
	_ =	strace $0x9FFFFFFF  }
0xc2: {  	(tm) =	ssettm $0x7FFFFFFF  }
0xc3: {  	_ =	shalt  }
tec
execute0_lowered:
.L_overlay_start_1:
0x0: {  	(tag) =	ssettag $0x1  }
0x1: {  	s1 =	srdreg.scid;
	s9 =	rddreg [dreg:$0x0]  }
0x2: {  	s0 =	stileid.u32;
	s3 =	rddreg [dreg:$0x1]  }
0x3: {  	s2 =	simm.s32 $0x0;
	s7 =	simm.s32 $0x80;
	s6 =	sand.u32 $0x1, s1  }
0x4: {  	s4 =	sshll.u32 s0, $0x4;
	s1 =	rddreg [dreg:$0x2];
	s5 =	sshll.u32 s6, $0x3  }
0x5: {  	s8 =	simm.s32 $0x1;
	[smem:$0x7FF] =	sst s2;
	s10 =	sor.u32 s5, s4  }
0x6: {  	_ =	strace $0x80000056;
	s11 =	ssub.s32 $0x2, s6;
	s4 =	sshrl.u32 s10, $0x3  }
0x7: {  	s6 =	simm.s32 $0x8;
	s4 =	sadd.s32 s3, s4;
	s3 =	simm.s32 $0x2  }
0x8: {  	[tilespmem:s2], [sflag:$0x2] =	stream.linear.gather [hbm4b:s4+s2], $0x8, $0x38;
	[tilespmem:$0x480] =	vst v63  }
0x9: {  	s5 =	sadd.s32 $0x5E00, s9;
	s12 =	sshrl.u32 s11, $0x1;
	_ =	swait.ge [sflag:s3], $0x8  }
0xa: {  	s10 =	sshll.u32 s10, $0x4;
	s31 =	ssub.s32 s11, s12;
	[sflag:s3] =	ssyncset.done $0x0  }
0xb: {  	s9 =	sadd.s32 s10, s9;
	s10 =	smax.u32 s31, $0x1;
	[sflag:s3] =	ssyncadd.s32 $0xFFFFFFF8  }
0xc: {  	[tilespmem:s7], [sflag:$0x1] =	stream.indirect.gather [hbm4b:s5+s6], $0x80, s2, s6, $0xb8;
	[tilespmem:$0x480] =	vst v63  }
0xd: {  	p0 =	sne.s32 s10, $0x1;
	_ =	swait.ge [sflag:s8], $0x400  }
.Ltmp0:
0xe: {  	[sflag:s8] =	ssyncset.done $0x0;
	(pc) =	sbr.rel @!p0 .LBB2_2-.Ltmp0, $4  }
0xf: {  	s9 =	sadd.s32 $0x2DE00, s9;
	[sflag:s8] =	ssyncadd.s32 $0xFFFFFC00  }
0x10: {  	[hbm4b:s9+s2] =	stream.linear.scatter [tilespmem:s7], [sflag:$0x2], $0x400, $0x38;
	[tilespmem:$0x480] =	vst v63  }
0x11: {  	_ =	swait.ge [sflag:s3], $0x400  }
0x12: {  	s10 =	sadd.s32 $0xFFFFFFFF, s10;
	[sflag:s3] =	ssyncset.done $0x0  }
.LBB2_1:
0x13: {  	p0 =	sne.s32 s10, $0x1;
	s10 =	sadd.s32 $0xFFFFFFFF, s10;
	[sflag:s3] =	ssyncadd.s32 $0xFFFFFC00  }
0x14: {  	[tilespmem:s2], [sflag:$0x2] =	stream.linear.gather [hbm4b:s4+s2], $0x8, $0x38;
	[tilespmem:$0x480] =	vst v63  }
0x15: {  	_ =	swait.ge [sflag:s3], $0x8  }
0x16: {  	[sflag:s3] =	ssyncset.done $0x0  }
0x17: {  	[sflag:s3] =	ssyncadd.s32 $0xFFFFFFF8  }
0x18: {  	[tilespmem:s7], [sflag:$0x1] =	stream.indirect.gather [hbm4b:s5+s6], $0x80, s2, s6, $0xb8;
	[tilespmem:$0x480] =	vst v63  }
0x19: {  	_ =	swait.ge [sflag:s8], $0x400  }
.Ltmp1:
0x1a: {  	[sflag:s8] =	ssyncset.done $0x0;
	(pc) =	sbr.rel @p0 .LBB2_1-.Ltmp1, $4  }
0x1b: {  	[sflag:s8] =	ssyncadd.s32 $0xFFFFFC00  }
0x1c: {  	[hbm4b:s9+s2] =	stream.linear.scatter [tilespmem:s7], [sflag:$0x2], $0x400, $0x38;
	[tilespmem:$0x480] =	vst v63  }
0x1d: {  	_ =	swait.ge [sflag:s3], $0x400  }
0x1e: {  	[sflag:s3] =	ssyncset.done $0x0  }
.LBB2_2:
0x1f: {  	[sflag:s3] =	ssyncadd.s32 $0xFFFFFC00  }
0x20: {  	_ =	sfence.sel $0x180000  }
0x21: {  	[bflag:$0x0] =	sbarrier.arrive $0xFFFF  }
0x22: {  	p0 =	sne.s32 s0, $0x0;
	_ =	strace $0x90000056  }
0x23: {  	s0 =	sadd.s32 @!p0 $0x100000, s1;
	[bflag:$0x2] =	sbarrier.arrive $0xFFFF  }
0x24: {  	[sflag:s0] =	ssyncadd.tile.s32 @!p0 $0x1;
	_ =	shalt  }
.Lfunc_end2:
_tile_overlayer_lowered:
.L_overlay_start_2:
0x25: {  	(tag) =	ssettag $0x2  }
0x26: {  	s0 =	rddreg [dreg:$0x0];
	s2 =	stileid.u32  }
0x27: {  	s1 =	rddreg [dreg:$0x1];
	p0 =	sne.s32 s2, $0x0  }
0x28: {  	s3 =	rddreg [dreg:$0x2];
	[bflag:$0x3] =	sbarrier.arrive $0xFFFF;
	s2 =	simm.s32 @!p0 $0x1C02  }
0x29: {  	[timem:s3], [sflag:s2] =	dma.local @!p0 [hbm:s0], s1  }
0x2a: {  	s0 =	simm.s32 @!p0 $0x2  }
0x2b: {  	_ =	swait.ge @!p0 [sflag:s0], s1  }
0x2c: {  	s1 =	ssub.s32 @!p0 $0x0, s1;
	[sflag:s0] =	ssyncset.done @!p0 $0x0  }
0x2d: {  	[sflag:s0] =	ssyncadd.s32 @!p0 s1  }
0x2e: {  	[bflag:$0x3] =	sbarrier.arrive $0xFFFF  }
0x2f: {  	_ =	shalt  }

// kernel: sparse-core-data-format-call.cloned.1.call-start
scs
called_computation_lowered:
.L_overlay_start_0:
0x0: {  	s2 =	sld [smem:$0x3FD9]  }
0x1: {  	s3 =	sld [smem:$0x3FFE];
	_ =	sdelay $0x1  }
0x2: {  	s1 =	srdreg.scid  }
0x3: {  	s0 =	sand.u32 $0x1, s1  }
0x4: {  	s18 =	sshll.u32 s0, $0xA;
	s2 =	sadd.s32 s3, s2  }
0x5: {  	s2 =	sadd.s32 s2, s18  }
0x6: {  	[smem:$0x3FB6] =	sst s2  }
0x7: {  	_ = 	snop  }
0x8: {  	s2 =	sld [smem:$0x3FD0];
	(tm) =	ssettm $0x1  }
0x9: {  	s19 =	sld [smem:$0x3FFB];
	_ =	sdelay $0x3  }
0xa: {  	_ =	strace s19  }
0xb: {  	s3 =	sld [smem:$0x3FFC];
	_ =	sdelay $0x3  }
0xc: {  	_ =	strace s3  }
0xd: {  	s3 =	sld [smem:$0x3FFD];
	_ =	sdelay $0x3  }
0xe: {  	_ =	strace s3  }
0xf: {  	_ =	strace $0x8FFFFFFF  }
0x10: {  	s20 =	sld [smem:$0x3FDB];
	_ =	sdelay $0x1  }
0x11: {  	s4 =	simm.s32 $_scs_section_size  }
0x12: {  	s5 =	simm.s32 $_size__tile_overlayer_lowered;
	s6 =	simm.s32 $_tile_overlayer_lowered  }
0x13: {  	s23 =	simm.s32 $0x1BFF;
	s22 =	sshll.u32 s6, $0x1;
	s3 =	sadd.s32 s4, s20  }
0x14: {  	s7 =	simm.s32 $0x0;
	s21 =	sshll.u32 s5, $0x1;
	s5 =	sadd.s32 s22, s3  }
0x15: {  	[timem:s7], [sflag:s23] =	dma.local [hbm:s5], s21  }
0x16: {  	_ =	swait.ge [sflag:s23], s21  }
0x17: {  	s4 =	ssub.s32 $0x0, s21;
	[sflag:s23] =	ssyncset.done $0x0  }
0x18: {  	[sflag:s23] =	ssyncadd.s32 s4;
	_ =	sdelay $0x1  }
0x19: {  	s24 =	simm.s32 $0x1B8B  }
0x1a: {  	_ =	swait.ge [sflag:s24], $0x1  }
0x1b: {  	[sflag:s24] =	ssyncset.done $0x0  }
0x1c: {  	s26 =	simm.s32 $0x1B8E;
	s25 =	sld [smem:$0x3FFE];
	[sflag:s24] =	ssyncadd.s32 $0xFFFFFFFF  }
0x1d: {  	s27 =	simm.s32 $execute0_lowered;
	[smem:$0x3FD2] =	sst s26  }
0x1e: {  	s5 =	sshll.u32 s27, $0x1;
	_ =	strace $0x80000058;
	[dreg:$0x1] =	wrdreg $0xFFFFFFFF  }
0x1f: {  	s28 =	simm.s32 $_size_execute0_lowered;
	s3 =	sadd.s32 s3, s5;
	[dreg:$0x0] =	wrdreg $0x0  }
0x20: {  	s5 =	sshll.u32 s28, $0x1;
	[dreg:$0x2] =	wrdreg s3  }
0x21: {  	[dreg:$0x3] =	wrdreg s5  }
0x22: {  	[dreg:$0x4] =	wrdreg $0xC0  }
0x23: {  	_ =	task [dreg:s7], $0x5FFFF  }
0x24: {  	[dreg:$0x1] =	wrdreg $0xFFFFFFFF  }
0x25: {  	[dreg:$0x0] =	wrdreg $0x60  }
0x26: {  	[dreg:$0x2] =	wrdreg s25  }
0x27: {  	[dreg:$0x3] =	wrdreg s2  }
0x28: {  	[dreg:$0x4] =	wrdreg $0x9  }
0x29: {  	_ =	task.clear_ibuf [dreg:s7], $0x5FFFF;
	_ =	strace $0x90000058  }
0x2a: {  	s29 =	simm.s32 $0x9;
	_ =	strace $0x8000005A  }
0x2b: {  	_ =	swait.ge [sflag:s29], $0x1  }
0x2c: {  	[sflag:s29] =	ssyncadd.s32 $0xFFFFFFFF  }
0x2d: {  	_ =	strace $0x9000005A  }
0x2e: {  	_ =	sfence  }
0x2f: {  	s30 =	sld [smem:$0x0];
	_ =	sdelay $0x2  }
0x30: {  	s31 =	sshll.u32 s1, $0xD;
	s1 =	sshrl.u32 s1, $0x2  }
0x31: {  	s3 =	sand.u32 $0x4000, s31;
	s1 =	sadd.s32 s1, s30  }
0x32: {  	s0 =	sor.u32 s3, s0;
	s1 =	sshll.u32 s1, $0x11  }
0x33: {  	s0 =	sor.u32 s1, s0  }
0x34: {  	s0 =	sadd.s32 $0x8F2B, s0  }
0x35: {  	[sflag:s0] =	ssyncadd.remote.s32 $0x1  }
0x36: {  	_ =	sfence.sel $0xFFFF  }
0x37: {  	[dreg:$0x0] =	wrdreg $0xFFFFFFFF;
	(pc) =	sbr.abs _section_cstart, $3  }
0x38: {  	[dreg:$0x1] =	wrdreg $0xFFFFFFFF  }
0x39: {  	_ =	task.clear_ibuf [dreg:s7], $0x2FFFF;
	_ =	strace $0x9FFFFFFF  }
0x3a: {  	(tm) =	ssettm $0x7FFFFFFF  }
0x3b: {  	_ =	shalt  }
tec
execute0_lowered:
.L_overlay_start_1:
0x0: {  	(tag) =	ssettag $0x1  }
0x1: {  	s0 =	stileid.u32  }
0x2: {  	s1 =	srdreg.scid;
	s7 =	rddreg [dreg:$0x0];
	s31 =	simm.s32 $0x2  }
0x3: {  	s16 =	simm.s32 $0x0;
	p0 =	por $0x0, $0x0;
	s9 =	simm.s32 $0x800  }
0x4: {  	s15 =	simm.s32 $0x0;
	s10 =	simm.s32 $0x0;
	s11 =	simm.s32 $0x0  }
0x5: {  	s2 =	sshll.u32 s0, $0x7;
	s3 =	sshll.u32 s0, $0x6;
	s4 =	sshll.u32 s1, $0xA  }
0x6: {  	s14 =	simm.s32 $0x0;
	s1 =	sand.u32 $0x80, s2;
	s29 =	sor.u32 s3, s4  }
0x7: {  	s4 =	rddreg [dreg:$0x1];
	s3 =	sand.u32 $0x780, s29;
	s30 =	ssub.s32 $0x100, s1  }
0x8: {  	s5 =	sshrl.u32 s30, $0x7;
	s6 =	ssub.s32 $0xC300, s3;
	s8 =	sshrl.u32 s30, $0x8  }
.Ltmp0:
0x9: {  	s5 =	sand.u32 $0x1, s5;
	s6 =	sshrl.u32 s6, $0xB;
	(pc) =	sbr.rel .LBB1_1-.Ltmp0, $4  }
0xa: {  	s2 =	rddreg [dreg:$0x2];
	s8 =	sadd.s32 s8, s5;
	s6 =	sadd.s32 $0x1, s6  }
0xb: {  	_ =	strace $0x80000059;
	s5 =	simm.s32 $0x1;
	s6 =	smul.u32 s8, s6  }
0xc: {  	s7 =	sadd.s32 $0x18DE00, s7;
	s13 =	smov.u32 s1;
	[sflag:s5] =	ssyncpa.u1 $0x0  }
0xd: {  	s12 =	smov.u32 s3;
	[sflag:s31] =	ssyncpa.u1 $0x0;
	s8 =	sadd.s32 $0x1, s6  }
.LBB1_4:
0xe: {  	s21 =	sshra.s32 s21, $0x2;
	s22 =	sshll.u32 s10, $0x8  }
0xf: {  	s23 =	sshll.u32 s11, $0x3;
	s24 =	sshll.u32 s10, $0x7;
	s27 =	sand.u32 $0x78, s11  }
0x10: {  	p1 =	sgt.s32 s10, $0xC2D0;
	s22 =	sand.u32 $0xFFFFF800, s22;
	s23 =	sand.u32 $0xFFFFFC00, s23  }
0x11: {  	s20 =	sadd.s32 s21, s20;
	s26 =	sand.u32 $0x300, s24;
	s28 =	sand.u32 $0x80, s24  }
0x12: {  	v5 =	vld [tilespmem:s18+$0xFFFFFFD0];
	[tilespmem:s19+$0x2040 ss:$0x81] =	vst.msk $0xffff, v4;
	s25 =	sadd.s32 s23, s22;
	s22 =	sor.u32 s27, s28;
	s23 =	smov.u32 s10  }
0x13: {  	v58 =	vld [tilespmem:s18+$0xFFFFFFE0];
	[tilespmem:s19+$0x2850 ss:$0x81] =	vst.msk $0xffff, v3;
	s21 =	sor.u32 s26, s25;
	s23 =	simm.s32 @!p1 $0xC2D0;
	s25 =	sshra.s32 s10, $0x1F  }
0x14: {  	v59 =	vld [tilespmem:s18+$0xFFFFFFF0];
	[tilespmem:s19+$0x3060 ss:$0x81] =	vst.msk $0xffff, v2;
	p1 =	sgt.s32 s11, $0x80;
	s26 =	sshra.s32 s11, $0x1F;
	s21 =	sshrl.u32 s21, $0x8  }
0x15: {  	v60 =	vld [tilespmem:s18+$0x0];
	[tilespmem:s19+$0x0 ss:$0x81] =	vst.msk $0xffff, v1;
	s30 =	sand.u32 s25, s10;
	s25 =	smov.u32 s11;
	s31 =	sand.u32 s26, s11  }
0x16: {  	v61 =	vld [tilespmem:s18+$0x10];
	[tilespmem:s20+$0x3870 ss:$0x81] =	vst.msk $0xffff, v0;
	s29 =	smulhi.u32 $0x14F8B59, s21;
	s19 =	ssub.s32 s23, s30;
	s25 =	simm.s32 @!p1 $0x80  }
0x17: {  	v62 =	vld [tilespmem:s18+$0x20];
	[tilespmem:s20+$0x810 ss:$0x81] =	vst.msk $0xffff, v5;
	s23 =	ssub.s32 s25, s31;
	s26 =	sadd.s32 $0xFFFF3D30, s19;
	s19 =	ssub.s32 $0xC350, s19  }
0x18: {  	v63 =	vld [tilespmem:s18+$0xFFFFFFC0];
	[tilespmem:s20+$0x1020 ss:$0x81] =	vst.msk $0xffff, v58;
	s24 =	sshrl.u32 s29, $0x8;
	p1 =	sgt.s32 s26, $0x7F;
	s28 =	sadd.s32 $0xFFFFFF80, s23  }
0x19: {  	[tilespmem:s20+$0x1830 ss:$0x81] =	vst.msk $0xffff, v59;
	s23 =	ssub.s32 $0x100, s23;
	s27 =	smul.u32 $0xC350, s24;
	p2 =	sgt.s32 s28, $0x7F  }
0x1a: {  	[tilespmem:s20+$0x2040 ss:$0x81] =	vst.msk $0xffff, v60;
	s30 =	sand.u32 $0x7, s11;
	s19 =	simm.s32 @p1 $0x0;
	s23 =	simm.s32 @p2 $0x0  }
0x1b: {  	[tilespmem:s20+$0x2850 ss:$0x81] =	vst.msk $0xffff, v61;
	s29 =	sshrl.u32 s22, $0x3;
	s18 =	ssub.s32 s21, s27;
	s19 =	smul.u32 s23, s19  }
0x1c: {  	[tilespmem:s20+$0x3060 ss:$0x81] =	vst.msk $0xffff, v62;
	s22 =	sshll.u32 s30, $0x12;
	s21 =	sadd.s32 s4, s29;
	s18 =	sshll.u32 s18, $0x5  }
0x1d: {  	[tilespmem:s20+$0x0 ss:$0x81] =	vst.msk $0xffff, v63;
	s31 =	sor.u32 $0x400, s22;
	s19 =	sand.u32 $0x3FFFFFFF, s19;
	s18 =	sadd.s32 s18, s21  }
0x1e: {  	[hbm4b:s18+s31] =	stream.strided.scatter [tilespmem:s17], [sflag:$0x2], s19, s9, s31, $0x20;
	[tilespmem:$0x10100] =	vst v63  }
.LBB1_5:
0x1f: {  	p1 =	slt.u32 s14, $0x2  }
0x20: {  	s18 =	smov.u32 s16;
	p2 =	sgt.s32 @!p1 s16, $0xC2D0;
	s17 =	sshra.s32 @!p1 s16, $0x1F  }
0x21: {  	p3 =	sgt.s32 @!p1 s15, $0x80;
	s19 =	sshra.s32 @!p1 s15, $0x1F;
	p2 =	por !p2, p1  }
0x22: {  	s16 =	sand.u32 @!p1 s17, s16;
	p3 =	por !p3, p1;
	s17 =	smov.u32 s15  }
0x23: {  	s15 =	sand.u32 @!p1 s19, s15;
	s18 =	simm.s32 @p2 $0xC2D0;
	s17 =	simm.s32 @p3 $0x80  }
0x24: {  	s16 =	ssub.s32 @!p1 s18, s16;
	s15 =	ssub.s32 @!p1 s17, s15  }
0x25: {  	s19 =	smov.u32 s13;
	s17 =	sadd.s32 @!p1 $0xFFFF3D30, s16;
	s18 =	sadd.s32 @!p1 $0xFFFFFF80, s15  }
0x26: {  	s16 =	ssub.s32 @!p1 $0xC350, s16;
	p2 =	sgt.s32 @!p1 s17, $0x7F;
	p3 =	sgt.s32 @!p1 s18, $0x7F  }
0x27: {  	s15 =	ssub.s32 @!p1 $0x100, s15;
	p2 =	por !p2, p1;
	p3 =	por !p3, p1  }
0x28: {  	s17 =	sadd.s32 $0x800, s12;
	s16 =	simm.s32 @!p2 $0x0;
	s15 =	simm.s32 @!p3 $0x0  }
0x29: {  	p2 =	sgt.s32 s17, $0xC34F;
	s15 =	smul.u32 @!p1 s15, s16;
	s16 =	sadd.s32 $0x100, s13  }
0x2a: {  	s19 =	smov.u32 @p2 s16  }
0x2b: {  	s17 =	smov.u32 @p2 s3;
	p2 =	sgt.s32 s19, $0xFF  }
0x2c: {  	s19 =	smov.u32 @p2 s1;
	p2 =	sne.s32 s14, s8  }
.Ltmp1:
0x2d: {  	p0 =	por !p0, !p0;
	s18 =	simm.s32 @!p1 $0x2;
	(pc) =	sbr.rel @!p2 .LBB1_6-.Ltmp1, $4  }
0x2e: {  	s16 =	smov.u32 s10;
	s10 =	smov.u32 s12;
	s15 =	sand.u32 @!p1 $0x3FFFFFFF, s15  }
0x2f: {  	s12 =	smov.u32 s17;
	_ =	swait.ge @!p1 [sflag:s18], s15;
	s20 =	ssub.s32 @!p1 $0x0, s15  }
0x30: {  	s15 =	smov.u32 s11;
	s14 =	sadd.s32 $0x1, s14;
	[sflag:s18] =	ssyncset.done @!p1 $0x0  }
0x31: {  	s11 =	smov.u32 s13;
	s13 =	smov.u32 s19;
	[sflag:s18] =	ssyncadd.s32 @!p1 s20  }
.LBB1_1:
0x32: {  	p1 =	sge.u32 s14, s6  }
0x33: {  	s17 =	sshrl.u32 @!p1 s13, $0x3  }
0x34: {  	s18 =	sshll.u32 @!p1 s12, $0x3;
	s17 =	smul.u32 @!p1 $0x61C00, s17  }
0x35: {  	s19 =	sshll.u32 @!p1 s13, $0x7;
	s18 =	sand.u32 @!p1 $0xFFFFFC00, s18  }
0x36: {  	s17 =	sadd.s32 @!p1 s17, s18;
	s18 =	sand.u32 @!p1 $0x380, s19  }
0x37: {  	s19 =	sand.u32 @!p1 $0x7F, s12;
	s17 =	sor.u32 @!p1 s18, s17  }
0x38: {  	s18 =	sor.u32 @!p1 s19, s17  }
0x39: {  	s19 =	smulhi.u32 @!p1 $0xA79C7B17, s18;
	_ =	sdelay $0x1  }
0x3a: {  	s17 =	smulhi.u32 @!p1 $0xA79C7B17, s17;
	s19 =	sshrl.u32 @!p1 s19, $0xF  }
0x3b: {  	s19 =	smul.u32 @!p1 $0xC380, s19  }
0x3c: {  	s31 =	sadd.s32 $0xFFFFFFFF, s14;
	s20 =	sxor.u32 @!p1 $0xFFFFFFFF, s14;
	s17 =	sshrl.u32 @!p1 s17, $0xF  }
0x3d: {  	s20 =	sshll.u32 @!p1 s20, $0xE;
	s17 =	sand.u32 @!p1 $0xFF, s17;
	s18 =	ssub.s32 @!p1 s18, s19  }
0x3e: {  	s17 =	smul.u32 @!p1 $0x1870, s17;
	s19 =	sshrl.u32 @!p1 s18, $0x3;
	s18 =	sand.u32 @!p1 $0x7, s18  }
0x3f: {  	s20 =	sand.u32 @!p1 $0x4000, s20;
	s19 =	sadd.s32 @!p1 s7, s19;
	s18 =	sshll.u32 @!p1 s18, $0x12  }
0x40: {  	s17 =	sadd.s32 @!p1 s17, s19;
	s18 =	sor.u32 @!p1 $0x400, s18;
	s19 =	simm.s32 @!p1 $0x61C00  }
0x41: {  	[tilespmem:s20], [sflag:$0x1] =	stream.strided.gather @!p1 [hbm4b:s17+s18], $0x4000, s19, s18, $0x38;
	[tilespmem:$0x10100] =	vst v63  }
0x42: {  	p1 =	sge.u32 s31, s6  }
.Ltmp2:
0x43: {  	_ = 	snop;
	(pc) =	sbr.rel @p1 .LBB1_5-.Ltmp2, $1  }
0x44: {  	_ =	sdelay $0x3  }
0x45: {  	s17 =	simm.s32 $0x1  }
0x46: {  	_ =	swait.ge [sflag:s5], $0x4000;
	s17 =	simm.s32 @!p0 $0x0  }
0x47: {  	[sflag:s5] =	ssyncset.done $0x0;
	s18 =	sshll.u32 s17, $0xE  }
0x48: {  	[sflag:s5] =	ssyncadd.s32 $0xFFFFC000;
	s18 =	sor.u32 $0x40, s18  }
0x49: {  	s17 =	smul.u32 $0x10200, s17;
	v0 =	vld [tilespmem:s18+$0x30]  }
0x4a: {  	v1 =	vld [tilespmem:s18+$0xFFFFFFD0]  }
0x4b: {  	s17 =	sshrl.u32 s17, $0x2;
	v5 =	vld [tilespmem:s18+$0xFFFFFFE0]  }
0x4c: {  	v6 =	vld [tilespmem:s18+$0xFFFFFFF0];
	s20 =	sor.u32 $0x8000, s17  }
0x4d: {  	s31 =	sand.u32 $0x1, s14;
	v4 =	vld [tilespmem:s18+$0x0];
	s19 =	sadd.s32 $0x0, s20  }
0x4e: {  	v3 =	vld [tilespmem:s18+$0x10];
	s17 =	smul.u32 $0x10200, s31;
	[tilespmem:s19+$0x3870 ss:$0x81] =	vst.msk $0xffff, v0  }
0x4f: {  	v2 =	vld [tilespmem:s18+$0x20];
	[tilespmem:s19+$0x810 ss:$0x81] =	vst.msk $0xffff, v1  }
0x50: {  	s17 =	sshrl.u32 s17, $0x2;
	v1 =	vld [tilespmem:s18+$0xFFFFFFC0];
	[tilespmem:s19+$0x1020 ss:$0x81] =	vst.msk $0xffff, v5;
	s18 =	sadd.s32 $0x80, s18  }
0x51: {  	s21 =	simm.s32 $0x4;
	s22 =	simm.s32 $0x8;
	s17 =	sor.u32 $0x8000, s17;
	[tilespmem:s19+$0x1830 ss:$0x81] =	vst.msk $0xffff, v6;
	v0 =	vld [tilespmem:s18+$0x30]  }
.LBB1_3:
0x52: {  	p1 =	sne.s32 s22, $0x1FC;
	v5 =	vld [tilespmem:s18+$0xFFFFFFD0];
	[tilespmem:s19+$0x2040 ss:$0x81] =	vst.msk $0xffff, v4  }
0x53: {  	v6 =	vld [tilespmem:s18+$0xFFFFFFE0];
	[tilespmem:s19+$0x2850 ss:$0x81] =	vst.msk $0xffff, v3  }
0x54: {  	s23 =	sshra.s32 s21, $0x2;
	s21 =	smov.u32 s22;
	v7 =	vld [tilespmem:s18+$0xFFFFFFF0];
	[tilespmem:s19+$0x3060 ss:$0x81] =	vst.msk $0xffff, v2  }
.Ltmp3:
0x55: {  	v4 =	vld [tilespmem:s18+$0x0];
	[tilespmem:s19+$0x0 ss:$0x81] =	vst.msk $0xffff, v1;
	s19 =	sadd.s32 s23, s20;
	(pc) =	sbr.rel @p1 .LBB1_3-.Ltmp3, $4  }
0x56: {  	v3 =	vld [tilespmem:s18+$0x10];
	[tilespmem:s19+$0x3870 ss:$0x81] =	vst.msk $0xffff, v0  }
0x57: {  	[tilespmem:s19+$0x810 ss:$0x81] =	vst.msk $0xffff, v5;
	v2 =	vld [tilespmem:s18+$0x20]  }
0x58: {  	v1 =	vld [tilespmem:s18+$0xFFFFFFC0];
	[tilespmem:s19+$0x1020 ss:$0x81] =	vst.msk $0xffff, v6;
	s18 =	sadd.s32 $0x80, s18  }
0x59: {  	s22 =	sadd.s32 $0x4, s22;
	v0 =	vld [tilespmem:s18+$0x30];
	[tilespmem:s19+$0x1830 ss:$0x81] =	vst.msk $0xffff, v7  }
.Ltmp4:
0x5a: {  	_ = 	snop;
	(pc) =	sbr.rel .LBB1_4-.Ltmp4, $1  }
0x5b: {  	_ =	sdelay $0x3  }
.LBB1_6:
0x5c: {  	_ =	sfence.sel $0x180000  }
0x5d: {  	s1 =	simm.s32 $0x1;
	[bflag:$0x0] =	sbarrier.arrive $0xFFFF  }
0x5e: {  	s31 =	simm.s32 $0x2;
	[sflag:s1] =	ssyncpa.u1 $0x1  }
0x5f: {  	[sflag:s31] =	ssyncpa.u1 $0x1  }
0x60: {  	p0 =	sne.s32 s0, $0x0;
	_ =	strace $0x90000059  }
0x61: {  	s0 =	sadd.s32 @!p0 $0x100000, s2;
	[bflag:$0x2] =	sbarrier.arrive $0xFFFF  }
0x62: {  	[sflag:s0] =	ssyncadd.tile.s32 @!p0 $0x1;
	_ =	shalt  }
.Lfunc_end1:
_tile_overlayer_lowered:
.L_overlay_start_2:
0x63: {  	(tag) =	ssettag $0x2  }
0x64: {  	s0 =	rddreg [dreg:$0x0];
	s2 =	stileid.u32  }
0x65: {  	s1 =	rddreg [dreg:$0x1];
	p0 =	sne.s32 s2, $0x0  }
0x66: {  	s3 =	rddreg [dreg:$0x2];
	[bflag:$0x3] =	sbarrier.arrive $0xFFFF;
	s2 =	simm.s32 @!p0 $0x1C01  }
0x67: {  	[timem:s3], [sflag:s2] =	dma.local @!p0 [hbm:s0], s1  }
0x68: {  	s0 =	simm.s32 @!p0 $0x1  }
0x69: {  	_ =	swait.ge @!p0 [sflag:s0], s1  }
0x6a: {  	s1 =	ssub.s32 @!p0 $0x0, s1;
	[sflag:s0] =	ssyncset.done @!p0 $0x0  }
0x6b: {  	[sflag:s0] =	ssyncadd.s32 @!p0 s1  }
0x6c: {  	[bflag:$0x3] =	sbarrier.arrive $0xFFFF  }
0x6d: {  	_ =	shalt  }

</sc_bundles>
